<compile_context>
chip_gen: v7x
topology: tpu7x:2x2x1
jax: 0.10.2.dev20260603
libtpu: 0.0.44.dev20260713+nightly
codegen_flags: <defaults>
</compile_context>

<pallas_src>
import functools

import jax
import jax.numpy as jnp
from jax import lax
from jax.experimental import pallas as pl
from jax.experimental.pallas import tpu as pltpu
from jax.experimental.pallas import tpu_sc as plsc

D_MODEL = 2048
SEQ_LEN = 2048
BATCH = 4

NC = 2
NS = 16
NW = NC * NS
LANES = 16

ROWS = BATCH * SEQ_LEN
ROWS_PER_W = ROWS // NW
S_PER_W = SEQ_LEN // NW
CH = 8
NCHUNK = S_PER_W // CH
NSTEP = NCHUNK * BATCH
OUTER = NCHUNK // 2
GROUPS = D_MODEL // LANES


def _body(ids2_hbm, ids1_hbm, tok_hbm, pos_hbm, out_hbm,
          idx2_v, idx1_v, tok0, tok1, pos0, pos1, ob0, ob1,
          gsem0, gsem1, psem0, psem1, ssem0, ssem1, isem):
    wid = lax.axis_index("s") * NC + lax.axis_index("c")
    base = wid * ROWS_PER_W
    wof = wid * S_PER_W

    tok = (tok0, tok1)
    pos = (pos0, pos1)
    ob = (ob0, ob1)
    gsem = (gsem0, gsem1)
    psem = (psem0, psem1)
    ssem = (ssem0, ssem1)

    pltpu.sync_copy(ids2_hbm.at[wid], idx2_v)
    idx1_copy = pltpu.async_copy(ids1_hbm.at[pl.ds(base, ROWS_PER_W)],
                                 idx1_v.at[pl.ds(0, ROWS_PER_W)], isem)

    zeros_i = jnp.zeros((LANES,), jnp.int32)
    ones_f = jnp.ones((LANES,), jnp.float32)
    zeros_f = jnp.zeros((LANES,), jnp.float32)

    def fire_gather(step, buf):
        pltpu.async_copy(tok_hbm.at[idx2_v.at[step]], tok[buf], gsem[buf])

    def fire_pos(c, buf):
        pltpu.async_copy(pos_hbm.at[pl.ds(wof + c * CH, CH)], pos[buf], psem[buf])

    fire_gather(0, 0)
    fire_gather(1, 1)
    fire_pos(0, 0)
    fire_pos(1, 1)
    idx1_copy.wait()

    @pl.loop(0, OUTER)
    def _(cc):
        for cpar in range(2):
            c = cc * 2 + cpar
            coff = c * (BATCH * CH)
            idlo = idx1_v[pl.ds(coff, LANES)]
            idhi = idx1_v[pl.ds(coff + LANES, LANES)]

            pltpu.make_async_copy(
                pos_hbm.at[pl.ds(wof, CH)], pos[cpar], psem[cpar]
            ).wait()

            for b in range(BATCH):
                buf = b % 2
                step = c * BATCH + b

                pltpu.make_async_copy(
                    tok_hbm.at[idx2_v.at[step]], tok[buf], gsem[buf]
                ).wait()

                def drain():
                    pltpu.make_async_copy(
                        ob[buf], out_hbm.at[pl.ds(base, CH)], ssem[buf]
                    ).wait()

                if cpar == 0 and b < 2:
                    pl.when(cc > 0)(drain)
                else:
                    drain()

                idvec = idlo if b < 2 else idhi
                masks = [
                    jnp.where(
                        jnp.broadcast_to(idvec[(b % 2) * CH + r], (LANES,))
                        != zeros_i,
                        ones_f, zeros_f)
                    for r in range(CH)
                ]

                @plsc.parallel_loop(0, GROUPS, unroll=2)
                def _(j):
                    col = j * LANES
                    for r in range(CH):
                        t = tok[buf][r, pl.ds(col, LANES)]
                        pv = pos[cpar][r, pl.ds(col, LANES)]
                        ob[buf][r, pl.ds(col, LANES)] = (t + pv) * masks[r]

                pltpu.async_copy(
                    ob[buf],
                    out_hbm.at[pl.ds(b * SEQ_LEN + wof + c * CH, CH)],
                    ssem[buf],
                )

                if b < 2:
                    fire_gather(step + 2, buf)
                elif cpar == 0:
                    fire_gather(step + 2, buf)
                else:
                    pl.when(cc < OUTER - 1)(lambda: fire_gather(step + 2, buf))

            pl.when(cc < OUTER - 1)(lambda: fire_pos(c + 2, cpar))

    for buf in range(2):
        pltpu.make_async_copy(
            ob[buf], out_hbm.at[pl.ds(base, CH)], ssem[buf]
        ).wait()


@jax.jit
def _run(ids2, ids1, token_table, pos_table):
    mesh = plsc.VectorSubcoreMesh(core_axis_name="c", subcore_axis_name="s")
    f = functools.partial(
        pl.kernel,
        mesh=mesh,
        out_type=jax.ShapeDtypeStruct((ROWS, D_MODEL), jnp.float32),
        scratch_types=[
            pltpu.VMEM((NSTEP, CH), jnp.int32),
            pltpu.VMEM((ROWS_PER_W + LANES,), jnp.int32),
            pltpu.VMEM((CH, D_MODEL), jnp.float32),
            pltpu.VMEM((CH, D_MODEL), jnp.float32),
            pltpu.VMEM((CH, D_MODEL), jnp.float32),
            pltpu.VMEM((CH, D_MODEL), jnp.float32),
            pltpu.VMEM((CH, D_MODEL), jnp.float32),
            pltpu.VMEM((CH, D_MODEL), jnp.float32),
            pltpu.SemaphoreType.DMA,
            pltpu.SemaphoreType.DMA,
            pltpu.SemaphoreType.DMA,
            pltpu.SemaphoreType.DMA,
            pltpu.SemaphoreType.DMA,
            pltpu.SemaphoreType.DMA,
            pltpu.SemaphoreType.DMA,
        ],
    )(_body)
    return f(ids2, ids1, token_table, pos_table)


def kernel(input_ids, token_table, pos_table):
    ids_r = (
        input_ids.astype(jnp.int32)
        .reshape(BATCH, NW, NCHUNK, CH)
        .transpose(1, 2, 0, 3)
    )
    ids1 = ids_r.reshape(-1)
    ids2 = ids_r.reshape(NW, NSTEP, CH)
    out = _run(ids2, ids1, token_table, pos_table)
    return out.reshape(BATCH, SEQ_LEN, D_MODEL)

# --- scband reference (transcript-rebuilt; emitter-appended) ---
"""Pipeline reference for scband-gptembeddings-40707700031928 (READ-ONLY COPY).

The authoritative reference and input builder live on the scoring server;
editing this copy changes nothing except your own understanding.
"""

import jax, jax.numpy as jnp
import numpy as np

VOCAB = 100000
D_MODEL = 2048
SEQ_LEN = 2048
PAD_IDX = 0
BATCH = 4


def setup_inputs(seed: int = 0) -> dict:
    key = jax.random.key(seed)
    k1, k2, k3 = jax.random.split(key, 3)
    input_ids = jax.random.randint(k1, (BATCH, SEQ_LEN), 0, VOCAB, dtype=jnp.int64 if jax.config.jax_enable_x64 else jnp.int32)
    token_table = jax.random.normal(k2, (VOCAB, D_MODEL), dtype=jnp.float32) * 0.02
    # padding_idx row is zero-initialized (matches nn.Embedding padding_idx semantics)
    token_table = token_table.at[PAD_IDX].set(0.0)
    pos_table = jax.random.normal(k3, (SEQ_LEN, D_MODEL), dtype=jnp.float32) * 0.02
    return {"input_ids": input_ids, "token_table": token_table, "pos_table": pos_table}


def reference(input_ids, token_table, pos_table):
    # Token embedding lookup (gather)
    tok = jnp.take(token_table, input_ids, axis=0)  # [B, S, D]
    seq_len = input_ids.shape[-1]
    pos_ids = jnp.arange(seq_len)
    pos = jnp.take(pos_table, pos_ids, axis=0)[None, :, :]  # [1, S, D]
    x = tok + pos
    # dropout p=0.0 (eval) -> identity
    attention_mask = (input_ids != PAD_IDX).astype(x.dtype)
    mask = attention_mask[..., None]
    x = x * mask
    return x

if __name__ == "__main__":
    import jax
    _d = setup_inputs()
    print(jax.jit(kernel)(*tuple(_d.values())))

</pallas_src>

<mosaic_0001>
#map = affine_map<(d0, d1) -> (0, 0, 0)>
#map1 = affine_map<(d0, d1) -> (0)>
#map2 = affine_map<(d0, d1) -> (0, 0)>
module attributes {stable_mosaic.version = 14 : i64} {
  func.func @_body(%arg0: i32, %arg1: i32, %arg2: memref<32x32x8xi32, #tpu.memory_space<hbm>>, %arg3: memref<8192xi32, #tpu.memory_space<hbm>>, %arg4: memref<100000x2048xf32, #tpu.memory_space<hbm>>, %arg5: memref<2048x2048xf32, #tpu.memory_space<hbm>>, %arg6: memref<8192x2048xf32, #tpu.memory_space<hbm>>, %arg7: memref<32x8xi32, #tpu.memory_space<vmem>>, %arg8: memref<272xi32, #tpu.memory_space<vmem>>, %arg9: memref<8x2048xf32, #tpu.memory_space<vmem>>, %arg10: memref<8x2048xf32, #tpu.memory_space<vmem>>, %arg11: memref<8x2048xf32, #tpu.memory_space<vmem>>, %arg12: memref<8x2048xf32, #tpu.memory_space<vmem>>, %arg13: memref<8x2048xf32, #tpu.memory_space<vmem>>, %arg14: memref<8x2048xf32, #tpu.memory_space<vmem>>, %arg15: memref<!tpu.dma_semaphore, #tpu.memory_space<semaphore_mem>>, %arg16: memref<!tpu.dma_semaphore, #tpu.memory_space<semaphore_mem>>, %arg17: memref<!tpu.dma_semaphore, #tpu.memory_space<semaphore_mem>>, %arg18: memref<!tpu.dma_semaphore, #tpu.memory_space<semaphore_mem>>, %arg19: memref<!tpu.dma_semaphore, #tpu.memory_space<semaphore_mem>>, %arg20: memref<!tpu.dma_semaphore, #tpu.memory_space<semaphore_mem>>, %arg21: memref<!tpu.dma_semaphore, #tpu.memory_space<semaphore_mem>>) attributes {dimension_semantics = [#tpu.dimension_semantics<core_parallel>, #tpu.dimension_semantics<subcore_parallel>], iteration_bounds = array<i64: 2, 16>, scalar_prefetch = 0 : i64, scratch_operands = 15 : i64, tpu.core_type = #tpu.core_type<sc_vector_subcore>, window_params = [{transform_indices = #map}, {transform_indices = #map1}, {transform_indices = #map2}, {transform_indices = #map2}, {transform_indices = #map2}]} {
    %mul3A = arith.constant 2 : i32
    %mul3A_0 = arith.muli %arg1, %mul3A : i32
    %add3A = arith.addi %mul3A_0, %arg0 : i32
    %mul3A_1 = arith.constant 256 : i32
    %mul3A_2 = arith.muli %add3A, %mul3A_1 : i32
    %mul3A_3 = arith.constant 64 : i32
    %mul3A_4 = arith.muli %add3A, %mul3A_3 : i32
    "tpu.region"() ({
      %run_scoped3A = tpu.sem_alloc : memref<!tpu.dma_semaphore, #tpu.memory_space<semaphore_mem>>
      %dma_start3A_58 = arith.constant 0 : i32
      %dma_start3A_59 = arith.constant 0 : i32
      %dma_start3A_60 = tpu.memref_slice %arg2[%add3A, %dma_start3A_58, %dma_start3A_59] : memref<32x32x8xi32, #tpu.memory_space<hbm>> -> memref<1x32x8xi32, #tpu.memory_space<hbm>>
      %dma_start3A_61 = tpu.memref_squeeze %dma_start3A_60 : memref<1x32x8xi32, #tpu.memory_space<hbm>> -> memref<32x8xi32, #tpu.memory_space<hbm>>
      %dma_start3A_62 = arith.constant 0 : i32
      %dma_start3A_63 = arith.constant 0 : i32
      %dma_start3A_64 = tpu.memref_slice %arg2[%add3A, %dma_start3A_62, %dma_start3A_63] : memref<32x32x8xi32, #tpu.memory_space<hbm>> -> memref<1x32x8xi32, #tpu.memory_space<hbm>>
      %dma_start3A_65 = tpu.memref_squeeze %dma_start3A_64 : memref<1x32x8xi32, #tpu.memory_space<hbm>> -> memref<32x8xi32, #tpu.memory_space<hbm>>
      tpu.enqueue_dma source(%dma_start3A_65 : memref<32x8xi32, #tpu.memory_space<hbm>>) target(%arg7 : memref<32x8xi32, #tpu.memory_space<vmem>>) target_semaphore(%run_scoped3A : memref<!tpu.dma_semaphore, #tpu.memory_space<semaphore_mem>>)
      %dma_wait3A_66 = arith.constant 0 : i32
      %dma_wait3A_67 = arith.constant 0 : i32
      %dma_wait3A_68 = tpu.memref_slice %arg2[%add3A, %dma_wait3A_66, %dma_wait3A_67] : memref<32x32x8xi32, #tpu.memory_space<hbm>> -> memref<1x32x8xi32, #tpu.memory_space<hbm>>
      %dma_wait3A_69 = tpu.memref_squeeze %dma_wait3A_68 : memref<1x32x8xi32, #tpu.memory_space<hbm>> -> memref<32x8xi32, #tpu.memory_space<hbm>>
      %dma_wait3A_70 = arith.constant 0 : i32
      %dma_wait3A_71 = arith.constant 0 : i32
      %dma_wait3A_72 = tpu.memref_slice %arg2[%add3A, %dma_wait3A_70, %dma_wait3A_71] : memref<32x32x8xi32, #tpu.memory_space<hbm>> -> memref<1x32x8xi32, #tpu.memory_space<hbm>>
      %dma_wait3A_73 = tpu.memref_squeeze %dma_wait3A_72 : memref<1x32x8xi32, #tpu.memory_space<hbm>> -> memref<32x8xi32, #tpu.memory_space<hbm>>
      tpu.wait_dma2 semaphore(%run_scoped3A : memref<!tpu.dma_semaphore, #tpu.memory_space<semaphore_mem>>) src(%dma_wait3A_73 : memref<32x8xi32, #tpu.memory_space<hbm>>) dst(%arg7 : memref<32x8xi32, #tpu.memory_space<vmem>>)
      tpu.yield
    }) : () -> ()
    %dma_start3A = arith.constant 0 : i32
    %dma_start3A_5 = tpu.memref_slice %arg8[%dma_start3A] : memref<272xi32, #tpu.memory_space<vmem>> -> memref<256xi32, #tpu.memory_space<vmem>>
    %dma_start3A_6 = tpu.memref_slice %arg3[%mul3A_2] : memref<8192xi32, #tpu.memory_space<hbm>> -> memref<256xi32, #tpu.memory_space<hbm>>
    %dma_start3A_7 = arith.constant 0 : i32
    %dma_start3A_8 = tpu.memref_slice %arg8[%dma_start3A_7] : memref<272xi32, #tpu.memory_space<vmem>> -> memref<256xi32, #tpu.memory_space<vmem>>
    %dma_start3A_9 = tpu.memref_slice %arg3[%mul3A_2] : memref<8192xi32, #tpu.memory_space<hbm>> -> memref<256xi32, #tpu.memory_space<hbm>>
    tpu.enqueue_dma source(%dma_start3A_9 : memref<256xi32, #tpu.memory_space<hbm>>) target(%dma_start3A_8 : memref<256xi32, #tpu.memory_space<vmem>>) target_semaphore(%arg21 : memref<!tpu.dma_semaphore, #tpu.memory_space<semaphore_mem>>)
    %broadcast_in_dim3A = arith.constant 0 : i32
    %broadcast_in_dim3A_10 = vector.broadcast %broadcast_in_dim3A : i32 to vector<16xi32>
    %broadcast_in_dim3A_11 = arith.constant 1.000000e+00 : f32
    %broadcast_in_dim3A_12 = vector.broadcast %broadcast_in_dim3A_11 : f32 to vector<16xf32>
    %broadcast_in_dim3A_13 = arith.constant 0.000000e+00 : f32
    %broadcast_in_dim3A_14 = vector.broadcast %broadcast_in_dim3A_13 : f32 to vector<16xf32>
    %dma_start3A_15 = arith.constant 0 : i32
    %dma_start3A_16 = arith.constant 0 : i32
    %dma_start3A_17 = tpu.memref_slice %arg7[%dma_start3A_15, %dma_start3A_16] : memref<32x8xi32, #tpu.memory_space<vmem>> -> memref<1x8xi32, #tpu.memory_space<vmem>>
    %dma_start3A_18 = tpu.memref_squeeze %dma_start3A_17 : memref<1x8xi32, #tpu.memory_space<vmem>> -> memref<8xi32, #tpu.memory_space<vmem>>
    %dma_start3A_19 = arith.constant 0 : i32
    %dma_start3A_20 = arith.constant 0 : i32
    %dma_start3A_21 = tpu.memref_slice %arg4[%dma_start3A_19, %dma_start3A_20] : memref<100000x2048xf32, #tpu.memory_space<hbm>> -> memref<100000x2048xf32, #tpu.memory_space<hbm>>
    tpu.enqueue_indirect_dma source(%dma_start3A_21 : memref<100000x2048xf32, #tpu.memory_space<hbm>>) target(%arg9 : memref<8x2048xf32, #tpu.memory_space<vmem>>) offsets(%dma_start3A_18 : memref<8xi32, #tpu.memory_space<vmem>>) semaphore(%arg15 : memref<!tpu.dma_semaphore, #tpu.memory_space<semaphore_mem>>)
    %dma_start3A_22 = arith.constant 1 : i32
    %dma_start3A_23 = arith.constant 0 : i32
    %dma_start3A_24 = tpu.memref_slice %arg7[%dma_start3A_22, %dma_start3A_23] : memref<32x8xi32, #tpu.memory_space<vmem>> -> memref<1x8xi32, #tpu.memory_space<vmem>>
    %dma_start3A_25 = tpu.memref_squeeze %dma_start3A_24 : memref<1x8xi32, #tpu.memory_space<vmem>> -> memref<8xi32, #tpu.memory_space<vmem>>
    %dma_start3A_26 = arith.constant 0 : i32
    %dma_start3A_27 = arith.constant 0 : i32
    %dma_start3A_28 = tpu.memref_slice %arg4[%dma_start3A_26, %dma_start3A_27] : memref<100000x2048xf32, #tpu.memory_space<hbm>> -> memref<100000x2048xf32, #tpu.memory_space<hbm>>
    tpu.enqueue_indirect_dma source(%dma_start3A_28 : memref<100000x2048xf32, #tpu.memory_space<hbm>>) target(%arg10 : memref<8x2048xf32, #tpu.memory_space<vmem>>) offsets(%dma_start3A_25 : memref<8xi32, #tpu.memory_space<vmem>>) semaphore(%arg16 : memref<!tpu.dma_semaphore, #tpu.memory_space<semaphore_mem>>)
    %add3A_29 = arith.constant 0 : i32
    %add3A_30 = arith.addi %mul3A_4, %add3A_29 : i32
    %dma_start3A_31 = arith.constant 0 : i32
    %dma_start3A_32 = tpu.memref_slice %arg5[%add3A_30, %dma_start3A_31] : memref<2048x2048xf32, #tpu.memory_space<hbm>> -> memref<8x2048xf32, #tpu.memory_space<hbm>>
    %dma_start3A_33 = arith.constant 0 : i32
    %dma_start3A_34 = tpu.memref_slice %arg5[%add3A_30, %dma_start3A_33] : memref<2048x2048xf32, #tpu.memory_space<hbm>> -> memref<8x2048xf32, #tpu.memory_space<hbm>>
    tpu.enqueue_dma source(%dma_start3A_34 : memref<8x2048xf32, #tpu.memory_space<hbm>>) target(%arg11 : memref<8x2048xf32, #tpu.memory_space<vmem>>) target_semaphore(%arg17 : memref<!tpu.dma_semaphore, #tpu.memory_space<semaphore_mem>>)
    %add3A_35 = arith.constant 8 : i32
    %add3A_36 = arith.addi %mul3A_4, %add3A_35 : i32
    %dma_start3A_37 = arith.constant 0 : i32
    %dma_start3A_38 = tpu.memref_slice %arg5[%add3A_36, %dma_start3A_37] : memref<2048x2048xf32, #tpu.memory_space<hbm>> -> memref<8x2048xf32, #tpu.memory_space<hbm>>
    %dma_start3A_39 = arith.constant 0 : i32
    %dma_start3A_40 = tpu.memref_slice %arg5[%add3A_36, %dma_start3A_39] : memref<2048x2048xf32, #tpu.memory_space<hbm>> -> memref<8x2048xf32, #tpu.memory_space<hbm>>
    tpu.enqueue_dma source(%dma_start3A_40 : memref<8x2048xf32, #tpu.memory_space<hbm>>) target(%arg12 : memref<8x2048xf32, #tpu.memory_space<vmem>>) target_semaphore(%arg18 : memref<!tpu.dma_semaphore, #tpu.memory_space<semaphore_mem>>)
    %dma_wait3A = arith.constant 0 : i32
    %dma_wait3A_41 = tpu.memref_slice %arg8[%dma_wait3A] : memref<272xi32, #tpu.memory_space<vmem>> -> memref<256xi32, #tpu.memory_space<vmem>>
    %dma_wait3A_42 = tpu.memref_slice %arg3[%mul3A_2] : memref<8192xi32, #tpu.memory_space<hbm>> -> memref<256xi32, #tpu.memory_space<hbm>>
    %dma_wait3A_43 = arith.constant 0 : i32
    %dma_wait3A_44 = tpu.memref_slice %arg8[%dma_wait3A_43] : memref<272xi32, #tpu.memory_space<vmem>> -> memref<256xi32, #tpu.memory_space<vmem>>
    %dma_wait3A_45 = tpu.memref_slice %arg3[%mul3A_2] : memref<8192xi32, #tpu.memory_space<hbm>> -> memref<256xi32, #tpu.memory_space<hbm>>
    tpu.wait_dma2 semaphore(%arg21 : memref<!tpu.dma_semaphore, #tpu.memory_space<semaphore_mem>>) src(%dma_wait3A_45 : memref<256xi32, #tpu.memory_space<hbm>>) dst(%dma_wait3A_44 : memref<256xi32, #tpu.memory_space<vmem>>)
    %scan3A = arith.constant 0 : i32
    %scan3A_46 = arith.constant 4 : i32
    %scan3A_47 = arith.addi %scan3A, %scan3A_46 : i32
    %scan3A_48 = arith.constant 1 : i32
    scf.for %scan3A_58 = %scan3A to %scan3A_47 step %scan3A_48  : i32 {
      %mul3A_59 = arith.constant 1 : i32
      %mul3A_60 = arith.muli %scan3A_58, %mul3A_59 : i32
      %add3A_61 = arith.constant 0 : i32
      %add3A_62 = arith.addi %add3A_61, %mul3A_60 : i32
      %mul3A_63 = arith.constant 2 : i32
      %mul3A_64 = arith.muli %add3A_62, %mul3A_63 : i32
      %add3A_65 = arith.constant 0 : i32
      %add3A_66 = arith.addi %mul3A_64, %add3A_65 : i32
      %mul3A_67 = arith.constant 32 : i32
      %mul3A_68 = arith.muli %add3A_66, %mul3A_67 : i32
      %get3A = arith.index_cast %mul3A_68 : i32 to index
      %get3A_69 = tpu.vector_load %arg8[%get3A] {strides = array<i32>} : memref<272xi32, #tpu.memory_space<vmem>>, vector<16xi32>,
      %get3A_70 = vector.shape_cast %get3A_69 : vector<16xi32> to vector<16xi32>
      %add3A_71 = arith.constant 16 : i32
      %add3A_72 = arith.addi %mul3A_68, %add3A_71 : i32
      %get3A_73 = arith.index_cast %add3A_72 : i32 to index
      %get3A_74 = tpu.vector_load %arg8[%get3A_73] {strides = array<i32>} : memref<272xi32, #tpu.memory_space<vmem>>, vector<16xi32>,
      %get3A_75 = vector.shape_cast %get3A_74 : vector<16xi32> to vector<16xi32>
      %dma_wait3A_76 = arith.constant 0 : i32
      %dma_wait3A_77 = tpu.memref_slice %arg5[%mul3A_4, %dma_wait3A_76] : memref<2048x2048xf32, #tpu.memory_space<hbm>> -> memref<8x2048xf32, #tpu.memory_space<hbm>>
      %dma_wait3A_78 = arith.constant 0 : i32
      %dma_wait3A_79 = tpu.memref_slice %arg5[%mul3A_4, %dma_wait3A_78] : memref<2048x2048xf32, #tpu.memory_space<hbm>> -> memref<8x2048xf32, #tpu.memory_space<hbm>>
      tpu.wait_dma2 semaphore(%arg17 : memref<!tpu.dma_semaphore, #tpu.memory_space<semaphore_mem>>) src(%dma_wait3A_79 : memref<8x2048xf32, #tpu.memory_space<hbm>>) dst(%arg11 : memref<8x2048xf32, #tpu.memory_space<vmem>>)
      %mul3A_80 = arith.constant 4 : i32
      %mul3A_81 = arith.muli %add3A_66, %mul3A_80 : i32
      %add3A_82 = arith.constant 0 : i32
      %add3A_83 = arith.addi %mul3A_81, %add3A_82 : i32
      %dma_wait3A_84 = arith.constant 0 : i32
      %dma_wait3A_85 = tpu.memref_slice %arg7[%add3A_83, %dma_wait3A_84] : memref<32x8xi32, #tpu.memory_space<vmem>> -> memref<1x8xi32, #tpu.memory_space<vmem>>
      %dma_wait3A_86 = tpu.memref_squeeze %dma_wait3A_85 : memref<1x8xi32, #tpu.memory_space<vmem>> -> memref<8xi32, #tpu.memory_space<vmem>>
      %dma_wait3A_87 = arith.constant 0 : i32
      %dma_wait3A_88 = arith.constant 0 : i32
      %dma_wait3A_89 = tpu.memref_slice %arg4[%dma_wait3A_87, %dma_wait3A_88] : memref<100000x2048xf32, #tpu.memory_space<hbm>> -> memref<100000x2048xf32, #tpu.memory_space<hbm>>
      tpu.wait_indirect_dma semaphore(%arg15 : memref<!tpu.dma_semaphore, #tpu.memory_space<semaphore_mem>>) src(%dma_wait3A_89 : memref<100000x2048xf32, #tpu.memory_space<hbm>>) dst(%arg9 : memref<8x2048xf32, #tpu.memory_space<vmem>>)
      %gt3A = arith.constant 0 : i32
      %gt3A_90 = arith.cmpi sgt, %add3A_62, %gt3A : i32
      %convert_element_type3A = arith.extui %gt3A_90 : i1 to i32
      %cond3A = arith.constant 0 : i32
      %cond3A_91 = arith.cmpi ne, %convert_element_type3A, %cond3A : i32
      scf.if %cond3A_91 {
        %dma_wait3A_687 = arith.constant 0 : i32
        %dma_wait3A_688 = tpu.memref_slice %arg6[%mul3A_2, %dma_wait3A_687] : memref<8192x2048xf32, #tpu.memory_space<hbm>> -> memref<8x2048xf32, #tpu.memory_space<hbm>>
        %dma_wait3A_689 = arith.constant 0 : i32
        %dma_wait3A_690 = tpu.memref_slice %arg6[%mul3A_2, %dma_wait3A_689] : memref<8192x2048xf32, #tpu.memory_space<hbm>> -> memref<8x2048xf32, #tpu.memory_space<hbm>>
        tpu.wait_dma2 semaphore(%arg19 : memref<!tpu.dma_semaphore, #tpu.memory_space<semaphore_mem>>) src(%arg13 : memref<8x2048xf32, #tpu.memory_space<vmem>>) dst(%dma_wait3A_690 : memref<8x2048xf32, #tpu.memory_space<hbm>>)
      } else {
      }
      %slice3A = vector.extract_strided_slice %get3A_70 {offsets = [0], sizes = [1], strides = [1]} : vector<16xi32> to vector<1xi32>
      %squeeze3A = vector.extract %slice3A[0] : i32 from vector<1xi32>
      %broadcast_in_dim3A_92 = vector.broadcast %squeeze3A : i32 to vector<16xi32>
      %ne3A = arith.cmpi ne, %broadcast_in_dim3A_92, %broadcast_in_dim3A_10 : vector<16xi32>
      %select_n3A = arith.select %ne3A, %broadcast_in_dim3A_12, %broadcast_in_dim3A_14 : vector<16xi1>, vector<16xf32>
      %slice3A_93 = vector.extract_strided_slice %get3A_70 {offsets = [1], sizes = [1], strides = [1]} : vector<16xi32> to vector<1xi32>
      %squeeze3A_94 = vector.extract %slice3A_93[0] : i32 from vector<1xi32>
      %broadcast_in_dim3A_95 = vector.broadcast %squeeze3A_94 : i32 to vector<16xi32>
      %ne3A_96 = arith.cmpi ne, %broadcast_in_dim3A_95, %broadcast_in_dim3A_10 : vector<16xi32>
      %select_n3A_97 = arith.select %ne3A_96, %broadcast_in_dim3A_12, %broadcast_in_dim3A_14 : vector<16xi1>, vector<16xf32>
      %slice3A_98 = vector.extract_strided_slice %get3A_70 {offsets = [2], sizes = [1], strides = [1]} : vector<16xi32> to vector<1xi32>
      %squeeze3A_99 = vector.extract %slice3A_98[0] : i32 from vector<1xi32>
      %broadcast_in_dim3A_100 = vector.broadcast %squeeze3A_99 : i32 to vector<16xi32>
      %ne3A_101 = arith.cmpi ne, %broadcast_in_dim3A_100, %broadcast_in_dim3A_10 : vector<16xi32>
      %select_n3A_102 = arith.select %ne3A_101, %broadcast_in_dim3A_12, %broadcast_in_dim3A_14 : vector<16xi1>, vector<16xf32>
      %slice3A_103 = vector.extract_strided_slice %get3A_70 {offsets = [3], sizes = [1], strides = [1]} : vector<16xi32> to vector<1xi32>
      %squeeze3A_104 = vector.extract %slice3A_103[0] : i32 from vector<1xi32>
      %broadcast_in_dim3A_105 = vector.broadcast %squeeze3A_104 : i32 to vector<16xi32>
      %ne3A_106 = arith.cmpi ne, %broadcast_in_dim3A_105, %broadcast_in_dim3A_10 : vector<16xi32>
      %select_n3A_107 = arith.select %ne3A_106, %broadcast_in_dim3A_12, %broadcast_in_dim3A_14 : vector<16xi1>, vector<16xf32>
      %slice3A_108 = vector.extract_strided_slice %get3A_70 {offsets = [4], sizes = [1], strides = [1]} : vector<16xi32> to vector<1xi32>
      %squeeze3A_109 = vector.extract %slice3A_108[0] : i32 from vector<1xi32>
      %broadcast_in_dim3A_110 = vector.broadcast %squeeze3A_109 : i32 to vector<16xi32>
      %ne3A_111 = arith.cmpi ne, %broadcast_in_dim3A_110, %broadcast_in_dim3A_10 : vector<16xi32>
      %select_n3A_112 = arith.select %ne3A_111, %broadcast_in_dim3A_12, %broadcast_in_dim3A_14 : vector<16xi1>, vector<16xf32>
      %slice3A_113 = vector.extract_strided_slice %get3A_70 {offsets = [5], sizes = [1], strides = [1]} : vector<16xi32> to vector<1xi32>
      %squeeze3A_114 = vector.extract %slice3A_113[0] : i32 from vector<1xi32>
      %broadcast_in_dim3A_115 = vector.broadcast %squeeze3A_114 : i32 to vector<16xi32>
      %ne3A_116 = arith.cmpi ne, %broadcast_in_dim3A_115, %broadcast_in_dim3A_10 : vector<16xi32>
      %select_n3A_117 = arith.select %ne3A_116, %broadcast_in_dim3A_12, %broadcast_in_dim3A_14 : vector<16xi1>, vector<16xf32>
      %slice3A_118 = vector.extract_strided_slice %get3A_70 {offsets = [6], sizes = [1], strides = [1]} : vector<16xi32> to vector<1xi32>
      %squeeze3A_119 = vector.extract %slice3A_118[0] : i32 from vector<1xi32>
      %broadcast_in_dim3A_120 = vector.broadcast %squeeze3A_119 : i32 to vector<16xi32>
      %ne3A_121 = arith.cmpi ne, %broadcast_in_dim3A_120, %broadcast_in_dim3A_10 : vector<16xi32>
      %select_n3A_122 = arith.select %ne3A_121, %broadcast_in_dim3A_12, %broadcast_in_dim3A_14 : vector<16xi1>, vector<16xf32>
      %slice3A_123 = vector.extract_strided_slice %get3A_70 {offsets = [7], sizes = [1], strides = [1]} : vector<16xi32> to vector<1xi32>
      %squeeze3A_124 = vector.extract %slice3A_123[0] : i32 from vector<1xi32>
      %broadcast_in_dim3A_125 = vector.broadcast %squeeze3A_124 : i32 to vector<16xi32>
      %ne3A_126 = arith.cmpi ne, %broadcast_in_dim3A_125, %broadcast_in_dim3A_10 : vector<16xi32>
      %select_n3A_127 = arith.select %ne3A_126, %broadcast_in_dim3A_12, %broadcast_in_dim3A_14 : vector<16xi1>, vector<16xf32>
      %parallel_loop3A = arith.constant 0 : i32
      %parallel_loop3A_128 = arith.constant 128 : i32
      %parallel_loop3A_129 = arith.constant 1 : i32
      scf.for %parallel_loop3A_687 = %parallel_loop3A to %parallel_loop3A_128 step %parallel_loop3A_129  : i32 {
        %parallel_loop3A_688 = arith.constant 16 : i32
        %parallel_loop3A_689 = arith.muli %parallel_loop3A_687, %parallel_loop3A_688 : i32
        %parallel_loop3A_690 = arith.constant 0 : i32
        %parallel_loop3A_691 = arith.index_cast %parallel_loop3A_690 : i32 to index
        %parallel_loop3A_692 = arith.index_cast %parallel_loop3A_689 : i32 to index
        %parallel_loop3A_693 = tpu.vector_load %arg9[%parallel_loop3A_691, %parallel_loop3A_692] {strides = array<i32>} : memref<8x2048xf32, #tpu.memory_space<vmem>>, vector<1x16xf32>,
        %parallel_loop3A_694 = vector.shape_cast %parallel_loop3A_693 : vector<1x16xf32> to vector<16xf32>
        %parallel_loop3A_695 = arith.constant 0 : i32
        %parallel_loop3A_696 = arith.index_cast %parallel_loop3A_695 : i32 to index
        %parallel_loop3A_697 = arith.index_cast %parallel_loop3A_689 : i32 to index
        %parallel_loop3A_698 = tpu.vector_load %arg11[%parallel_loop3A_696, %parallel_loop3A_697] {strides = array<i32>} : memref<8x2048xf32, #tpu.memory_space<vmem>>, vector<1x16xf32>,
        %parallel_loop3A_699 = vector.shape_cast %parallel_loop3A_698 : vector<1x16xf32> to vector<16xf32>
        %parallel_loop3A_700 = arith.addf %parallel_loop3A_694, %parallel_loop3A_699 : vector<16xf32>
        %parallel_loop3A_701 = arith.mulf %parallel_loop3A_700, %select_n3A : vector<16xf32>
        %parallel_loop3A_702 = arith.constant 0 : i32
        %parallel_loop3A_703 = arith.index_cast %parallel_loop3A_702 : i32 to index
        %parallel_loop3A_704 = arith.index_cast %parallel_loop3A_689 : i32 to index
        %parallel_loop3A_705 = tpu.vector_load %arg13[%parallel_loop3A_703, %parallel_loop3A_704] {strides = array<i32>} : memref<8x2048xf32, #tpu.memory_space<vmem>>, vector<1x16xf32>,
        %parallel_loop3A_706 = vector.shape_cast %parallel_loop3A_705 : vector<1x16xf32> to vector<16xf32>
        %parallel_loop3A_707 = vector.shape_cast %parallel_loop3A_701 : vector<16xf32> to vector<1x16xf32>
        tpu.vector_store %arg13[%parallel_loop3A_703, %parallel_loop3A_704], %parallel_loop3A_707 {strides = array<i32>} : memref<8x2048xf32, #tpu.memory_space<vmem>>, vector<1x16xf32>,
        %parallel_loop3A_708 = arith.constant 1 : i32
        %parallel_loop3A_709 = arith.index_cast %parallel_loop3A_708 : i32 to index
        %parallel_loop3A_710 = arith.index_cast %parallel_loop3A_689 : i32 to index
        %parallel_loop3A_711 = tpu.vector_load %arg9[%parallel_loop3A_709, %parallel_loop3A_710] {strides = array<i32>} : memref<8x2048xf32, #tpu.memory_space<vmem>>, vector<1x16xf32>,
        %parallel_loop3A_712 = vector.shape_cast %parallel_loop3A_711 : vector<1x16xf32> to vector<16xf32>
        %parallel_loop3A_713 = arith.constant 1 : i32
        %parallel_loop3A_714 = arith.index_cast %parallel_loop3A_713 : i32 to index
        %parallel_loop3A_715 = arith.index_cast %parallel_loop3A_689 : i32 to index
        %parallel_loop3A_716 = tpu.vector_load %arg11[%parallel_loop3A_714, %parallel_loop3A_715] {strides = array<i32>} : memref<8x2048xf32, #tpu.memory_space<vmem>>, vector<1x16xf32>,
        %parallel_loop3A_717 = vector.shape_cast %parallel_loop3A_716 : vector<1x16xf32> to vector<16xf32>
        %parallel_loop3A_718 = arith.addf %parallel_loop3A_712, %parallel_loop3A_717 : vector<16xf32>
        %parallel_loop3A_719 = arith.mulf %parallel_loop3A_718, %select_n3A_97 : vector<16xf32>
        %parallel_loop3A_720 = arith.constant 1 : i32
        %parallel_loop3A_721 = arith.index_cast %parallel_loop3A_720 : i32 to index
        %parallel_loop3A_722 = arith.index_cast %parallel_loop3A_689 : i32 to index
        %parallel_loop3A_723 = tpu.vector_load %arg13[%parallel_loop3A_721, %parallel_loop3A_722] {strides = array<i32>} : memref<8x2048xf32, #tpu.memory_space<vmem>>, vector<1x16xf32>,
        %parallel_loop3A_724 = vector.shape_cast %parallel_loop3A_723 : vector<1x16xf32> to vector<16xf32>
        %parallel_loop3A_725 = vector.shape_cast %parallel_loop3A_719 : vector<16xf32> to vector<1x16xf32>
        tpu.vector_store %arg13[%parallel_loop3A_721, %parallel_loop3A_722], %parallel_loop3A_725 {strides = array<i32>} : memref<8x2048xf32, #tpu.memory_space<vmem>>, vector<1x16xf32>,
        %parallel_loop3A_726 = arith.constant 2 : i32
        %parallel_loop3A_727 = arith.index_cast %parallel_loop3A_726 : i32 to index
        %parallel_loop3A_728 = arith.index_cast %parallel_loop3A_689 : i32 to index
        %parallel_loop3A_729 = tpu.vector_load %arg9[%parallel_loop3A_727, %parallel_loop3A_728] {strides = array<i32>} : memref<8x2048xf32, #tpu.memory_space<vmem>>, vector<1x16xf32>,
        %parallel_loop3A_730 = vector.shape_cast %parallel_loop3A_729 : vector<1x16xf32> to vector<16xf32>
        %parallel_loop3A_731 = arith.constant 2 : i32
        %parallel_loop3A_732 = arith.index_cast %parallel_loop3A_731 : i32 to index
        %parallel_loop3A_733 = arith.index_cast %parallel_loop3A_689 : i32 to index
        %parallel_loop3A_734 = tpu.vector_load %arg11[%parallel_loop3A_732, %parallel_loop3A_733] {strides = array<i32>} : memref<8x2048xf32, #tpu.memory_space<vmem>>, vector<1x16xf32>,
        %parallel_loop3A_735 = vector.shape_cast %parallel_loop3A_734 : vector<1x16xf32> to vector<16xf32>
        %parallel_loop3A_736 = arith.addf %parallel_loop3A_730, %parallel_loop3A_735 : vector<16xf32>
        %parallel_loop3A_737 = arith.mulf %parallel_loop3A_736, %select_n3A_102 : vector<16xf32>
        %parallel_loop3A_738 = arith.constant 2 : i32
        %parallel_loop3A_739 = arith.index_cast %parallel_loop3A_738 : i32 to index
        %parallel_loop3A_740 = arith.index_cast %parallel_loop3A_689 : i32 to index
        %parallel_loop3A_741 = tpu.vector_load %arg13[%parallel_loop3A_739, %parallel_loop3A_740] {strides = array<i32>} : memref<8x2048xf32, #tpu.memory_space<vmem>>, vector<1x16xf32>,
        %parallel_loop3A_742 = vector.shape_cast %parallel_loop3A_741 : vector<1x16xf32> to vector<16xf32>
        %parallel_loop3A_743 = vector.shape_cast %parallel_loop3A_737 : vector<16xf32> to vector<1x16xf32>
        tpu.vector_store %arg13[%parallel_loop3A_739, %parallel_loop3A_740], %parallel_loop3A_743 {strides = array<i32>} : memref<8x2048xf32, #tpu.memory_space<vmem>>, vector<1x16xf32>,
        %parallel_loop3A_744 = arith.constant 3 : i32
        %parallel_loop3A_745 = arith.index_cast %parallel_loop3A_744 : i32 to index
        %parallel_loop3A_746 = arith.index_cast %parallel_loop3A_689 : i32 to index
        %parallel_loop3A_747 = tpu.vector_load %arg9[%parallel_loop3A_745, %parallel_loop3A_746] {strides = array<i32>} : memref<8x2048xf32, #tpu.memory_space<vmem>>, vector<1x16xf32>,
        %parallel_loop3A_748 = vector.shape_cast %parallel_loop3A_747 : vector<1x16xf32> to vector<16xf32>
        %parallel_loop3A_749 = arith.constant 3 : i32
        %parallel_loop3A_750 = arith.index_cast %parallel_loop3A_749 : i32 to index
        %parallel_loop3A_751 = arith.index_cast %parallel_loop3A_689 : i32 to index
        %parallel_loop3A_752 = tpu.vector_load %arg11[%parallel_loop3A_750, %parallel_loop3A_751] {strides = array<i32>} : memref<8x2048xf32, #tpu.memory_space<vmem>>, vector<1x16xf32>,
        %parallel_loop3A_753 = vector.shape_cast %parallel_loop3A_752 : vector<1x16xf32> to vector<16xf32>
        %parallel_loop3A_754 = arith.addf %parallel_loop3A_748, %parallel_loop3A_753 : vector<16xf32>
        %parallel_loop3A_755 = arith.mulf %parallel_loop3A_754, %select_n3A_107 : vector<16xf32>
        %parallel_loop3A_756 = arith.constant 3 : i32
        %parallel_loop3A_757 = arith.index_cast %parallel_loop3A_756 : i32 to index
        %parallel_loop3A_758 = arith.index_cast %parallel_loop3A_689 : i32 to index
        %parallel_loop3A_759 = tpu.vector_load %arg13[%parallel_loop3A_757, %parallel_loop3A_758] {strides = array<i32>} : memref<8x2048xf32, #tpu.memory_space<vmem>>, vector<1x16xf32>,
        %parallel_loop3A_760 = vector.shape_cast %parallel_loop3A_759 : vector<1x16xf32> to vector<16xf32>
        %parallel_loop3A_761 = vector.shape_cast %parallel_loop3A_755 : vector<16xf32> to vector<1x16xf32>
        tpu.vector_store %arg13[%parallel_loop3A_757, %parallel_loop3A_758], %parallel_loop3A_761 {strides = array<i32>} : memref<8x2048xf32, #tpu.memory_space<vmem>>, vector<1x16xf32>,
        %parallel_loop3A_762 = arith.constant 4 : i32
        %parallel_loop3A_763 = arith.index_cast %parallel_loop3A_762 : i32 to index
        %parallel_loop3A_764 = arith.index_cast %parallel_loop3A_689 : i32 to index
        %parallel_loop3A_765 = tpu.vector_load %arg9[%parallel_loop3A_763, %parallel_loop3A_764] {strides = array<i32>} : memref<8x2048xf32, #tpu.memory_space<vmem>>, vector<1x16xf32>,
        %parallel_loop3A_766 = vector.shape_cast %parallel_loop3A_765 : vector<1x16xf32> to vector<16xf32>
        %parallel_loop3A_767 = arith.constant 4 : i32
        %parallel_loop3A_768 = arith.index_cast %parallel_loop3A_767 : i32 to index
        %parallel_loop3A_769 = arith.index_cast %parallel_loop3A_689 : i32 to index
        %parallel_loop3A_770 = tpu.vector_load %arg11[%parallel_loop3A_768, %parallel_loop3A_769] {strides = array<i32>} : memref<8x2048xf32, #tpu.memory_space<vmem>>, vector<1x16xf32>,
        %parallel_loop3A_771 = vector.shape_cast %parallel_loop3A_770 : vector<1x16xf32> to vector<16xf32>
        %parallel_loop3A_772 = arith.addf %parallel_loop3A_766, %parallel_loop3A_771 : vector<16xf32>
        %parallel_loop3A_773 = arith.mulf %parallel_loop3A_772, %select_n3A_112 : vector<16xf32>
        %parallel_loop3A_774 = arith.constant 4 : i32
        %parallel_loop3A_775 = arith.index_cast %parallel_loop3A_774 : i32 to index
        %parallel_loop3A_776 = arith.index_cast %parallel_loop3A_689 : i32 to index
        %parallel_loop3A_777 = tpu.vector_load %arg13[%parallel_loop3A_775, %parallel_loop3A_776] {strides = array<i32>} : memref<8x2048xf32, #tpu.memory_space<vmem>>, vector<1x16xf32>,
        %parallel_loop3A_778 = vector.shape_cast %parallel_loop3A_777 : vector<1x16xf32> to vector<16xf32>
        %parallel_loop3A_779 = vector.shape_cast %parallel_loop3A_773 : vector<16xf32> to vector<1x16xf32>
        tpu.vector_store %arg13[%parallel_loop3A_775, %parallel_loop3A_776], %parallel_loop3A_779 {strides = array<i32>} : memref<8x2048xf32, #tpu.memory_space<vmem>>, vector<1x16xf32>,
        %parallel_loop3A_780 = arith.constant 5 : i32
        %parallel_loop3A_781 = arith.index_cast %parallel_loop3A_780 : i32 to index
        %parallel_loop3A_782 = arith.index_cast %parallel_loop3A_689 : i32 to index
        %parallel_loop3A_783 = tpu.vector_load %arg9[%parallel_loop3A_781, %parallel_loop3A_782] {strides = array<i32>} : memref<8x2048xf32, #tpu.memory_space<vmem>>, vector<1x16xf32>,
        %parallel_loop3A_784 = vector.shape_cast %parallel_loop3A_783 : vector<1x16xf32> to vector<16xf32>
        %parallel_loop3A_785 = arith.constant 5 : i32
        %parallel_loop3A_786 = arith.index_cast %parallel_loop3A_785 : i32 to index
        %parallel_loop3A_787 = arith.index_cast %parallel_loop3A_689 : i32 to index
        %parallel_loop3A_788 = tpu.vector_load %arg11[%parallel_loop3A_786, %parallel_loop3A_787] {strides = array<i32>} : memref<8x2048xf32, #tpu.memory_space<vmem>>, vector<1x16xf32>,
        %parallel_loop3A_789 = vector.shape_cast %parallel_loop3A_788 : vector<1x16xf32> to vector<16xf32>
        %parallel_loop3A_790 = arith.addf %parallel_loop3A_784, %parallel_loop3A_789 : vector<16xf32>
        %parallel_loop3A_791 = arith.mulf %parallel_loop3A_790, %select_n3A_117 : vector<16xf32>
        %parallel_loop3A_792 = arith.constant 5 : i32
        %parallel_loop3A_793 = arith.index_cast %parallel_loop3A_792 : i32 to index
        %parallel_loop3A_794 = arith.index_cast %parallel_loop3A_689 : i32 to index
        %parallel_loop3A_795 = tpu.vector_load %arg13[%parallel_loop3A_793, %parallel_loop3A_794] {strides = array<i32>} : memref<8x2048xf32, #tpu.memory_space<vmem>>, vector<1x16xf32>,
        %parallel_loop3A_796 = vector.shape_cast %parallel_loop3A_795 : vector<1x16xf32> to vector<16xf32>
        %parallel_loop3A_797 = vector.shape_cast %parallel_loop3A_791 : vector<16xf32> to vector<1x16xf32>
        tpu.vector_store %arg13[%parallel_loop3A_793, %parallel_loop3A_794], %parallel_loop3A_797 {strides = array<i32>} : memref<8x2048xf32, #tpu.memory_space<vmem>>, vector<1x16xf32>,
        %parallel_loop3A_798 = arith.constant 6 : i32
        %parallel_loop3A_799 = arith.index_cast %parallel_loop3A_798 : i32 to index
        %parallel_loop3A_800 = arith.index_cast %parallel_loop3A_689 : i32 to index
        %parallel_loop3A_801 = tpu.vector_load %arg9[%parallel_loop3A_799, %parallel_loop3A_800] {strides = array<i32>} : memref<8x2048xf32, #tpu.memory_space<vmem>>, vector<1x16xf32>,
        %parallel_loop3A_802 = vector.shape_cast %parallel_loop3A_801 : vector<1x16xf32> to vector<16xf32>
        %parallel_loop3A_803 = arith.constant 6 : i32
        %parallel_loop3A_804 = arith.index_cast %parallel_loop3A_803 : i32 to index
        %parallel_loop3A_805 = arith.index_cast %parallel_loop3A_689 : i32 to index
        %parallel_loop3A_806 = tpu.vector_load %arg11[%parallel_loop3A_804, %parallel_loop3A_805] {strides = array<i32>} : memref<8x2048xf32, #tpu.memory_space<vmem>>, vector<1x16xf32>,
        %parallel_loop3A_807 = vector.shape_cast %parallel_loop3A_806 : vector<1x16xf32> to vector<16xf32>
        %parallel_loop3A_808 = arith.addf %parallel_loop3A_802, %parallel_loop3A_807 : vector<16xf32>
        %parallel_loop3A_809 = arith.mulf %parallel_loop3A_808, %select_n3A_122 : vector<16xf32>
        %parallel_loop3A_810 = arith.constant 6 : i32
        %parallel_loop3A_811 = arith.index_cast %parallel_loop3A_810 : i32 to index
        %parallel_loop3A_812 = arith.index_cast %parallel_loop3A_689 : i32 to index
        %parallel_loop3A_813 = tpu.vector_load %arg13[%parallel_loop3A_811, %parallel_loop3A_812] {strides = array<i32>} : memref<8x2048xf32, #tpu.memory_space<vmem>>, vector<1x16xf32>,
        %parallel_loop3A_814 = vector.shape_cast %parallel_loop3A_813 : vector<1x16xf32> to vector<16xf32>
        %parallel_loop3A_815 = vector.shape_cast %parallel_loop3A_809 : vector<16xf32> to vector<1x16xf32>
        tpu.vector_store %arg13[%parallel_loop3A_811, %parallel_loop3A_812], %parallel_loop3A_815 {strides = array<i32>} : memref<8x2048xf32, #tpu.memory_space<vmem>>, vector<1x16xf32>,
        %parallel_loop3A_816 = arith.constant 7 : i32
        %parallel_loop3A_817 = arith.index_cast %parallel_loop3A_816 : i32 to index
        %parallel_loop3A_818 = arith.index_cast %parallel_loop3A_689 : i32 to index
        %parallel_loop3A_819 = tpu.vector_load %arg9[%parallel_loop3A_817, %parallel_loop3A_818] {strides = array<i32>} : memref<8x2048xf32, #tpu.memory_space<vmem>>, vector<1x16xf32>,
        %parallel_loop3A_820 = vector.shape_cast %parallel_loop3A_819 : vector<1x16xf32> to vector<16xf32>
        %parallel_loop3A_821 = arith.constant 7 : i32
        %parallel_loop3A_822 = arith.index_cast %parallel_loop3A_821 : i32 to index
        %parallel_loop3A_823 = arith.index_cast %parallel_loop3A_689 : i32 to index
        %parallel_loop3A_824 = tpu.vector_load %arg11[%parallel_loop3A_822, %parallel_loop3A_823] {strides = array<i32>} : memref<8x2048xf32, #tpu.memory_space<vmem>>, vector<1x16xf32>,
        %parallel_loop3A_825 = vector.shape_cast %parallel_loop3A_824 : vector<1x16xf32> to vector<16xf32>
        %parallel_loop3A_826 = arith.addf %parallel_loop3A_820, %parallel_loop3A_825 : vector<16xf32>
        %parallel_loop3A_827 = arith.mulf %parallel_loop3A_826, %select_n3A_127 : vector<16xf32>
        %parallel_loop3A_828 = arith.constant 7 : i32
        %parallel_loop3A_829 = arith.index_cast %parallel_loop3A_828 : i32 to index
        %parallel_loop3A_830 = arith.index_cast %parallel_loop3A_689 : i32 to index
        %parallel_loop3A_831 = tpu.vector_load %arg13[%parallel_loop3A_829, %parallel_loop3A_830] {strides = array<i32>} : memref<8x2048xf32, #tpu.memory_space<vmem>>, vector<1x16xf32>,
        %parallel_loop3A_832 = vector.shape_cast %parallel_loop3A_831 : vector<1x16xf32> to vector<16xf32>
        %parallel_loop3A_833 = vector.shape_cast %parallel_loop3A_827 : vector<16xf32> to vector<1x16xf32>
        tpu.vector_store %arg13[%parallel_loop3A_829, %parallel_loop3A_830], %parallel_loop3A_833 {strides = array<i32>} : memref<8x2048xf32, #tpu.memory_space<vmem>>, vector<1x16xf32>,
      } {sc.loop_unroll_factor = 2 : i64, sc.parallel_access}
      %add3A_130 = arith.constant 0 : i32
      %add3A_131 = arith.addi %add3A_130, %mul3A_4 : i32
      %mul3A_132 = arith.constant 8 : i32
      %mul3A_133 = arith.muli %add3A_66, %mul3A_132 : i32
      %add3A_134 = arith.addi %add3A_131, %mul3A_133 : i32
      %dma_start3A_135 = arith.constant 0 : i32
      %dma_start3A_136 = tpu.memref_slice %arg6[%add3A_134, %dma_start3A_135] : memref<8192x2048xf32, #tpu.memory_space<hbm>> -> memref<8x2048xf32, #tpu.memory_space<hbm>>
      %dma_start3A_137 = arith.constant 0 : i32
      %dma_start3A_138 = tpu.memref_slice %arg6[%add3A_134, %dma_start3A_137] : memref<8192x2048xf32, #tpu.memory_space<hbm>> -> memref<8x2048xf32, #tpu.memory_space<hbm>>
      tpu.enqueue_dma source(%arg13 : memref<8x2048xf32, #tpu.memory_space<vmem>>) target(%dma_start3A_138 : memref<8x2048xf32, #tpu.memory_space<hbm>>) target_semaphore(%arg19 : memref<!tpu.dma_semaphore, #tpu.memory_space<semaphore_mem>>)
      %add3A_139 = arith.constant 2 : i32
      %add3A_140 = arith.addi %add3A_83, %add3A_139 : i32
      %dma_start3A_141 = arith.constant 0 : i32
      %dma_start3A_142 = tpu.memref_slice %arg7[%add3A_140, %dma_start3A_141] : memref<32x8xi32, #tpu.memory_space<vmem>> -> memref<1x8xi32, #tpu.memory_space<vmem>>
      %dma_start3A_143 = tpu.memref_squeeze %dma_start3A_142 : memref<1x8xi32, #tpu.memory_space<vmem>> -> memref<8xi32, #tpu.memory_space<vmem>>
      %dma_start3A_144 = arith.constant 0 : i32
      %dma_start3A_145 = arith.constant 0 : i32
      %dma_start3A_146 = tpu.memref_slice %arg4[%dma_start3A_144, %dma_start3A_145] : memref<100000x2048xf32, #tpu.memory_space<hbm>> -> memref<100000x2048xf32, #tpu.memory_space<hbm>>
      tpu.enqueue_indirect_dma source(%dma_start3A_146 : memref<100000x2048xf32, #tpu.memory_space<hbm>>) target(%arg9 : memref<8x2048xf32, #tpu.memory_space<vmem>>) offsets(%dma_start3A_143 : memref<8xi32, #tpu.memory_space<vmem>>) semaphore(%arg15 : memref<!tpu.dma_semaphore, #tpu.memory_space<semaphore_mem>>)
      %mul3A_147 = arith.constant 4 : i32
      %mul3A_148 = arith.muli %add3A_66, %mul3A_147 : i32
      %add3A_149 = arith.constant 1 : i32
      %add3A_150 = arith.addi %mul3A_148, %add3A_149 : i32
      %dma_wait3A_151 = arith.constant 0 : i32
      %dma_wait3A_152 = tpu.memref_slice %arg7[%add3A_150, %dma_wait3A_151] : memref<32x8xi32, #tpu.memory_space<vmem>> -> memref<1x8xi32, #tpu.memory_space<vmem>>
      %dma_wait3A_153 = tpu.memref_squeeze %dma_wait3A_152 : memref<1x8xi32, #tpu.memory_space<vmem>> -> memref<8xi32, #tpu.memory_space<vmem>>
      %dma_wait3A_154 = arith.constant 0 : i32
      %dma_wait3A_155 = arith.constant 0 : i32
      %dma_wait3A_156 = tpu.memref_slice %arg4[%dma_wait3A_154, %dma_wait3A_155] : memref<100000x2048xf32, #tpu.memory_space<hbm>> -> memref<100000x2048xf32, #tpu.memory_space<hbm>>
      tpu.wait_indirect_dma semaphore(%arg16 : memref<!tpu.dma_semaphore, #tpu.memory_space<semaphore_mem>>) src(%dma_wait3A_156 : memref<100000x2048xf32, #tpu.memory_space<hbm>>) dst(%arg10 : memref<8x2048xf32, #tpu.memory_space<vmem>>)
      %gt3A_157 = arith.constant 0 : i32
      %gt3A_158 = arith.cmpi sgt, %add3A_62, %gt3A_157 : i32
      %convert_element_type3A_159 = arith.extui %gt3A_158 : i1 to i32
      %cond3A_160 = arith.constant 0 : i32
      %cond3A_161 = arith.cmpi ne, %convert_element_type3A_159, %cond3A_160 : i32
      scf.if %cond3A_161 {
        %dma_wait3A_687 = arith.constant 0 : i32
        %dma_wait3A_688 = tpu.memref_slice %arg6[%mul3A_2, %dma_wait3A_687] : memref<8192x2048xf32, #tpu.memory_space<hbm>> -> memref<8x2048xf32, #tpu.memory_space<hbm>>
        %dma_wait3A_689 = arith.constant 0 : i32
        %dma_wait3A_690 = tpu.memref_slice %arg6[%mul3A_2, %dma_wait3A_689] : memref<8192x2048xf32, #tpu.memory_space<hbm>> -> memref<8x2048xf32, #tpu.memory_space<hbm>>
        tpu.wait_dma2 semaphore(%arg20 : memref<!tpu.dma_semaphore, #tpu.memory_space<semaphore_mem>>) src(%arg14 : memref<8x2048xf32, #tpu.memory_space<vmem>>) dst(%dma_wait3A_690 : memref<8x2048xf32, #tpu.memory_space<hbm>>)
      } else {
      }
      %slice3A_162 = vector.extract_strided_slice %get3A_70 {offsets = [8], sizes = [1], strides = [1]} : vector<16xi32> to vector<1xi32>
      %squeeze3A_163 = vector.extract %slice3A_162[0] : i32 from vector<1xi32>
      %broadcast_in_dim3A_164 = vector.broadcast %squeeze3A_163 : i32 to vector<16xi32>
      %ne3A_165 = arith.cmpi ne, %broadcast_in_dim3A_164, %broadcast_in_dim3A_10 : vector<16xi32>
      %select_n3A_166 = arith.select %ne3A_165, %broadcast_in_dim3A_12, %broadcast_in_dim3A_14 : vector<16xi1>, vector<16xf32>
      %slice3A_167 = vector.extract_strided_slice %get3A_70 {offsets = [9], sizes = [1], strides = [1]} : vector<16xi32> to vector<1xi32>
      %squeeze3A_168 = vector.extract %slice3A_167[0] : i32 from vector<1xi32>
      %broadcast_in_dim3A_169 = vector.broadcast %squeeze3A_168 : i32 to vector<16xi32>
      %ne3A_170 = arith.cmpi ne, %broadcast_in_dim3A_169, %broadcast_in_dim3A_10 : vector<16xi32>
      %select_n3A_171 = arith.select %ne3A_170, %broadcast_in_dim3A_12, %broadcast_in_dim3A_14 : vector<16xi1>, vector<16xf32>
      %slice3A_172 = vector.extract_strided_slice %get3A_70 {offsets = [10], sizes = [1], strides = [1]} : vector<16xi32> to vector<1xi32>
      %squeeze3A_173 = vector.extract %slice3A_172[0] : i32 from vector<1xi32>
      %broadcast_in_dim3A_174 = vector.broadcast %squeeze3A_173 : i32 to vector<16xi32>
      %ne3A_175 = arith.cmpi ne, %broadcast_in_dim3A_174, %broadcast_in_dim3A_10 : vector<16xi32>
      %select_n3A_176 = arith.select %ne3A_175, %broadcast_in_dim3A_12, %broadcast_in_dim3A_14 : vector<16xi1>, vector<16xf32>
      %slice3A_177 = vector.extract_strided_slice %get3A_70 {offsets = [11], sizes = [1], strides = [1]} : vector<16xi32> to vector<1xi32>
      %squeeze3A_178 = vector.extract %slice3A_177[0] : i32 from vector<1xi32>
      %broadcast_in_dim3A_179 = vector.broadcast %squeeze3A_178 : i32 to vector<16xi32>
      %ne3A_180 = arith.cmpi ne, %broadcast_in_dim3A_179, %broadcast_in_dim3A_10 : vector<16xi32>
      %select_n3A_181 = arith.select %ne3A_180, %broadcast_in_dim3A_12, %broadcast_in_dim3A_14 : vector<16xi1>, vector<16xf32>
      %slice3A_182 = vector.extract_strided_slice %get3A_70 {offsets = [12], sizes = [1], strides = [1]} : vector<16xi32> to vector<1xi32>
      %squeeze3A_183 = vector.extract %slice3A_182[0] : i32 from vector<1xi32>
      %broadcast_in_dim3A_184 = vector.broadcast %squeeze3A_183 : i32 to vector<16xi32>
      %ne3A_185 = arith.cmpi ne, %broadcast_in_dim3A_184, %broadcast_in_dim3A_10 : vector<16xi32>
      %select_n3A_186 = arith.select %ne3A_185, %broadcast_in_dim3A_12, %broadcast_in_dim3A_14 : vector<16xi1>, vector<16xf32>
      %slice3A_187 = vector.extract_strided_slice %get3A_70 {offsets = [13], sizes = [1], strides = [1]} : vector<16xi32> to vector<1xi32>
      %squeeze3A_188 = vector.extract %slice3A_187[0] : i32 from vector<1xi32>
      %broadcast_in_dim3A_189 = vector.broadcast %squeeze3A_188 : i32 to vector<16xi32>
      %ne3A_190 = arith.cmpi ne, %broadcast_in_dim3A_189, %broadcast_in_dim3A_10 : vector<16xi32>
      %select_n3A_191 = arith.select %ne3A_190, %broadcast_in_dim3A_12, %broadcast_in_dim3A_14 : vector<16xi1>, vector<16xf32>
      %slice3A_192 = vector.extract_strided_slice %get3A_70 {offsets = [14], sizes = [1], strides = [1]} : vector<16xi32> to vector<1xi32>
      %squeeze3A_193 = vector.extract %slice3A_192[0] : i32 from vector<1xi32>
      %broadcast_in_dim3A_194 = vector.broadcast %squeeze3A_193 : i32 to vector<16xi32>
      %ne3A_195 = arith.cmpi ne, %broadcast_in_dim3A_194, %broadcast_in_dim3A_10 : vector<16xi32>
      %select_n3A_196 = arith.select %ne3A_195, %broadcast_in_dim3A_12, %broadcast_in_dim3A_14 : vector<16xi1>, vector<16xf32>
      %slice3A_197 = vector.extract_strided_slice %get3A_70 {offsets = [15], sizes = [1], strides = [1]} : vector<16xi32> to vector<1xi32>
      %squeeze3A_198 = vector.extract %slice3A_197[0] : i32 from vector<1xi32>
      %broadcast_in_dim3A_199 = vector.broadcast %squeeze3A_198 : i32 to vector<16xi32>
      %ne3A_200 = arith.cmpi ne, %broadcast_in_dim3A_199, %broadcast_in_dim3A_10 : vector<16xi32>
      %select_n3A_201 = arith.select %ne3A_200, %broadcast_in_dim3A_12, %broadcast_in_dim3A_14 : vector<16xi1>, vector<16xf32>
      %parallel_loop3A_202 = arith.constant 0 : i32
      %parallel_loop3A_203 = arith.constant 128 : i32
      %parallel_loop3A_204 = arith.constant 1 : i32
      scf.for %parallel_loop3A_687 = %parallel_loop3A_202 to %parallel_loop3A_203 step %parallel_loop3A_204  : i32 {
        %parallel_loop3A_688 = arith.constant 16 : i32
        %parallel_loop3A_689 = arith.muli %parallel_loop3A_687, %parallel_loop3A_688 : i32
        %parallel_loop3A_690 = arith.constant 0 : i32
        %parallel_loop3A_691 = arith.index_cast %parallel_loop3A_690 : i32 to index
        %parallel_loop3A_692 = arith.index_cast %parallel_loop3A_689 : i32 to index
        %parallel_loop3A_693 = tpu.vector_load %arg10[%parallel_loop3A_691, %parallel_loop3A_692] {strides = array<i32>} : memref<8x2048xf32, #tpu.memory_space<vmem>>, vector<1x16xf32>,
        %parallel_loop3A_694 = vector.shape_cast %parallel_loop3A_693 : vector<1x16xf32> to vector<16xf32>
        %parallel_loop3A_695 = arith.constant 0 : i32
        %parallel_loop3A_696 = arith.index_cast %parallel_loop3A_695 : i32 to index
        %parallel_loop3A_697 = arith.index_cast %parallel_loop3A_689 : i32 to index
        %parallel_loop3A_698 = tpu.vector_load %arg11[%parallel_loop3A_696, %parallel_loop3A_697] {strides = array<i32>} : memref<8x2048xf32, #tpu.memory_space<vmem>>, vector<1x16xf32>,
        %parallel_loop3A_699 = vector.shape_cast %parallel_loop3A_698 : vector<1x16xf32> to vector<16xf32>
        %parallel_loop3A_700 = arith.addf %parallel_loop3A_694, %parallel_loop3A_699 : vector<16xf32>
        %parallel_loop3A_701 = arith.mulf %parallel_loop3A_700, %select_n3A_166 : vector<16xf32>
        %parallel_loop3A_702 = arith.constant 0 : i32
        %parallel_loop3A_703 = arith.index_cast %parallel_loop3A_702 : i32 to index
        %parallel_loop3A_704 = arith.index_cast %parallel_loop3A_689 : i32 to index
        %parallel_loop3A_705 = tpu.vector_load %arg14[%parallel_loop3A_703, %parallel_loop3A_704] {strides = array<i32>} : memref<8x2048xf32, #tpu.memory_space<vmem>>, vector<1x16xf32>,
        %parallel_loop3A_706 = vector.shape_cast %parallel_loop3A_705 : vector<1x16xf32> to vector<16xf32>
        %parallel_loop3A_707 = vector.shape_cast %parallel_loop3A_701 : vector<16xf32> to vector<1x16xf32>
        tpu.vector_store %arg14[%parallel_loop3A_703, %parallel_loop3A_704], %parallel_loop3A_707 {strides = array<i32>} : memref<8x2048xf32, #tpu.memory_space<vmem>>, vector<1x16xf32>,
        %parallel_loop3A_708 = arith.constant 1 : i32
        %parallel_loop3A_709 = arith.index_cast %parallel_loop3A_708 : i32 to index
        %parallel_loop3A_710 = arith.index_cast %parallel_loop3A_689 : i32 to index
        %parallel_loop3A_711 = tpu.vector_load %arg10[%parallel_loop3A_709, %parallel_loop3A_710] {strides = array<i32>} : memref<8x2048xf32, #tpu.memory_space<vmem>>, vector<1x16xf32>,
        %parallel_loop3A_712 = vector.shape_cast %parallel_loop3A_711 : vector<1x16xf32> to vector<16xf32>
        %parallel_loop3A_713 = arith.constant 1 : i32
        %parallel_loop3A_714 = arith.index_cast %parallel_loop3A_713 : i32 to index
        %parallel_loop3A_715 = arith.index_cast %parallel_loop3A_689 : i32 to index
        %parallel_loop3A_716 = tpu.vector_load %arg11[%parallel_loop3A_714, %parallel_loop3A_715] {strides = array<i32>} : memref<8x2048xf32, #tpu.memory_space<vmem>>, vector<1x16xf32>,
        %parallel_loop3A_717 = vector.shape_cast %parallel_loop3A_716 : vector<1x16xf32> to vector<16xf32>
        %parallel_loop3A_718 = arith.addf %parallel_loop3A_712, %parallel_loop3A_717 : vector<16xf32>
        %parallel_loop3A_719 = arith.mulf %parallel_loop3A_718, %select_n3A_171 : vector<16xf32>
        %parallel_loop3A_720 = arith.constant 1 : i32
        %parallel_loop3A_721 = arith.index_cast %parallel_loop3A_720 : i32 to index
        %parallel_loop3A_722 = arith.index_cast %parallel_loop3A_689 : i32 to index
        %parallel_loop3A_723 = tpu.vector_load %arg14[%parallel_loop3A_721, %parallel_loop3A_722] {strides = array<i32>} : memref<8x2048xf32, #tpu.memory_space<vmem>>, vector<1x16xf32>,
        %parallel_loop3A_724 = vector.shape_cast %parallel_loop3A_723 : vector<1x16xf32> to vector<16xf32>
        %parallel_loop3A_725 = vector.shape_cast %parallel_loop3A_719 : vector<16xf32> to vector<1x16xf32>
        tpu.vector_store %arg14[%parallel_loop3A_721, %parallel_loop3A_722], %parallel_loop3A_725 {strides = array<i32>} : memref<8x2048xf32, #tpu.memory_space<vmem>>, vector<1x16xf32>,
        %parallel_loop3A_726 = arith.constant 2 : i32
        %parallel_loop3A_727 = arith.index_cast %parallel_loop3A_726 : i32 to index
        %parallel_loop3A_728 = arith.index_cast %parallel_loop3A_689 : i32 to index
        %parallel_loop3A_729 = tpu.vector_load %arg10[%parallel_loop3A_727, %parallel_loop3A_728] {strides = array<i32>} : memref<8x2048xf32, #tpu.memory_space<vmem>>, vector<1x16xf32>,
        %parallel_loop3A_730 = vector.shape_cast %parallel_loop3A_729 : vector<1x16xf32> to vector<16xf32>
        %parallel_loop3A_731 = arith.constant 2 : i32
        %parallel_loop3A_732 = arith.index_cast %parallel_loop3A_731 : i32 to index
        %parallel_loop3A_733 = arith.index_cast %parallel_loop3A_689 : i32 to index
        %parallel_loop3A_734 = tpu.vector_load %arg11[%parallel_loop3A_732, %parallel_loop3A_733] {strides = array<i32>} : memref<8x2048xf32, #tpu.memory_space<vmem>>, vector<1x16xf32>,
        %parallel_loop3A_735 = vector.shape_cast %parallel_loop3A_734 : vector<1x16xf32> to vector<16xf32>
        %parallel_loop3A_736 = arith.addf %parallel_loop3A_730, %parallel_loop3A_735 : vector<16xf32>
        %parallel_loop3A_737 = arith.mulf %parallel_loop3A_736, %select_n3A_176 : vector<16xf32>
        %parallel_loop3A_738 = arith.constant 2 : i32
        %parallel_loop3A_739 = arith.index_cast %parallel_loop3A_738 : i32 to index
        %parallel_loop3A_740 = arith.index_cast %parallel_loop3A_689 : i32 to index
        %parallel_loop3A_741 = tpu.vector_load %arg14[%parallel_loop3A_739, %parallel_loop3A_740] {strides = array<i32>} : memref<8x2048xf32, #tpu.memory_space<vmem>>, vector<1x16xf32>,
        %parallel_loop3A_742 = vector.shape_cast %parallel_loop3A_741 : vector<1x16xf32> to vector<16xf32>
        %parallel_loop3A_743 = vector.shape_cast %parallel_loop3A_737 : vector<16xf32> to vector<1x16xf32>
        tpu.vector_store %arg14[%parallel_loop3A_739, %parallel_loop3A_740], %parallel_loop3A_743 {strides = array<i32>} : memref<8x2048xf32, #tpu.memory_space<vmem>>, vector<1x16xf32>,
        %parallel_loop3A_744 = arith.constant 3 : i32
        %parallel_loop3A_745 = arith.index_cast %parallel_loop3A_744 : i32 to index
        %parallel_loop3A_746 = arith.index_cast %parallel_loop3A_689 : i32 to index
        %parallel_loop3A_747 = tpu.vector_load %arg10[%parallel_loop3A_745, %parallel_loop3A_746] {strides = array<i32>} : memref<8x2048xf32, #tpu.memory_space<vmem>>, vector<1x16xf32>,
        %parallel_loop3A_748 = vector.shape_cast %parallel_loop3A_747 : vector<1x16xf32> to vector<16xf32>
        %parallel_loop3A_749 = arith.constant 3 : i32
        %parallel_loop3A_750 = arith.index_cast %parallel_loop3A_749 : i32 to index
        %parallel_loop3A_751 = arith.index_cast %parallel_loop3A_689 : i32 to index
        %parallel_loop3A_752 = tpu.vector_load %arg11[%parallel_loop3A_750, %parallel_loop3A_751] {strides = array<i32>} : memref<8x2048xf32, #tpu.memory_space<vmem>>, vector<1x16xf32>,
        %parallel_loop3A_753 = vector.shape_cast %parallel_loop3A_752 : vector<1x16xf32> to vector<16xf32>
        %parallel_loop3A_754 = arith.addf %parallel_loop3A_748, %parallel_loop3A_753 : vector<16xf32>
        %parallel_loop3A_755 = arith.mulf %parallel_loop3A_754, %select_n3A_181 : vector<16xf32>
        %parallel_loop3A_756 = arith.constant 3 : i32
        %parallel_loop3A_757 = arith.index_cast %parallel_loop3A_756 : i32 to index
        %parallel_loop3A_758 = arith.index_cast %parallel_loop3A_689 : i32 to index
        %parallel_loop3A_759 = tpu.vector_load %arg14[%parallel_loop3A_757, %parallel_loop3A_758] {strides = array<i32>} : memref<8x2048xf32, #tpu.memory_space<vmem>>, vector<1x16xf32>,
        %parallel_loop3A_760 = vector.shape_cast %parallel_loop3A_759 : vector<1x16xf32> to vector<16xf32>
        %parallel_loop3A_761 = vector.shape_cast %parallel_loop3A_755 : vector<16xf32> to vector<1x16xf32>
        tpu.vector_store %arg14[%parallel_loop3A_757, %parallel_loop3A_758], %parallel_loop3A_761 {strides = array<i32>} : memref<8x2048xf32, #tpu.memory_space<vmem>>, vector<1x16xf32>,
        %parallel_loop3A_762 = arith.constant 4 : i32
        %parallel_loop3A_763 = arith.index_cast %parallel_loop3A_762 : i32 to index
        %parallel_loop3A_764 = arith.index_cast %parallel_loop3A_689 : i32 to index
        %parallel_loop3A_765 = tpu.vector_load %arg10[%parallel_loop3A_763, %parallel_loop3A_764] {strides = array<i32>} : memref<8x2048xf32, #tpu.memory_space<vmem>>, vector<1x16xf32>,
        %parallel_loop3A_766 = vector.shape_cast %parallel_loop3A_765 : vector<1x16xf32> to vector<16xf32>
        %parallel_loop3A_767 = arith.constant 4 : i32
        %parallel_loop3A_768 = arith.index_cast %parallel_loop3A_767 : i32 to index
        %parallel_loop3A_769 = arith.index_cast %parallel_loop3A_689 : i32 to index
        %parallel_loop3A_770 = tpu.vector_load %arg11[%parallel_loop3A_768, %parallel_loop3A_769] {strides = array<i32>} : memref<8x2048xf32, #tpu.memory_space<vmem>>, vector<1x16xf32>,
        %parallel_loop3A_771 = vector.shape_cast %parallel_loop3A_770 : vector<1x16xf32> to vector<16xf32>
        %parallel_loop3A_772 = arith.addf %parallel_loop3A_766, %parallel_loop3A_771 : vector<16xf32>
        %parallel_loop3A_773 = arith.mulf %parallel_loop3A_772, %select_n3A_186 : vector<16xf32>
        %parallel_loop3A_774 = arith.constant 4 : i32
        %parallel_loop3A_775 = arith.index_cast %parallel_loop3A_774 : i32 to index
        %parallel_loop3A_776 = arith.index_cast %parallel_loop3A_689 : i32 to index
        %parallel_loop3A_777 = tpu.vector_load %arg14[%parallel_loop3A_775, %parallel_loop3A_776] {strides = array<i32>} : memref<8x2048xf32, #tpu.memory_space<vmem>>, vector<1x16xf32>,
        %parallel_loop3A_778 = vector.shape_cast %parallel_loop3A_777 : vector<1x16xf32> to vector<16xf32>
        %parallel_loop3A_779 = vector.shape_cast %parallel_loop3A_773 : vector<16xf32> to vector<1x16xf32>
        tpu.vector_store %arg14[%parallel_loop3A_775, %parallel_loop3A_776], %parallel_loop3A_779 {strides = array<i32>} : memref<8x2048xf32, #tpu.memory_space<vmem>>, vector<1x16xf32>,
        %parallel_loop3A_780 = arith.constant 5 : i32
        %parallel_loop3A_781 = arith.index_cast %parallel_loop3A_780 : i32 to index
        %parallel_loop3A_782 = arith.index_cast %parallel_loop3A_689 : i32 to index
        %parallel_loop3A_783 = tpu.vector_load %arg10[%parallel_loop3A_781, %parallel_loop3A_782] {strides = array<i32>} : memref<8x2048xf32, #tpu.memory_space<vmem>>, vector<1x16xf32>,
        %parallel_loop3A_784 = vector.shape_cast %parallel_loop3A_783 : vector<1x16xf32> to vector<16xf32>
        %parallel_loop3A_785 = arith.constant 5 : i32
        %parallel_loop3A_786 = arith.index_cast %parallel_loop3A_785 : i32 to index
        %parallel_loop3A_787 = arith.index_cast %parallel_loop3A_689 : i32 to index
        %parallel_loop3A_788 = tpu.vector_load %arg11[%parallel_loop3A_786, %parallel_loop3A_787] {strides = array<i32>} : memref<8x2048xf32, #tpu.memory_space<vmem>>, vector<1x16xf32>,
        %parallel_loop3A_789 = vector.shape_cast %parallel_loop3A_788 : vector<1x16xf32> to vector<16xf32>
        %parallel_loop3A_790 = arith.addf %parallel_loop3A_784, %parallel_loop3A_789 : vector<16xf32>
        %parallel_loop3A_791 = arith.mulf %parallel_loop3A_790, %select_n3A_191 : vector<16xf32>
        %parallel_loop3A_792 = arith.constant 5 : i32
        %parallel_loop3A_793 = arith.index_cast %parallel_loop3A_792 : i32 to index
        %parallel_loop3A_794 = arith.index_cast %parallel_loop3A_689 : i32 to index
        %parallel_loop3A_795 = tpu.vector_load %arg14[%parallel_loop3A_793, %parallel_loop3A_794] {strides = array<i32>} : memref<8x2048xf32, #tpu.memory_space<vmem>>, vector<1x16xf32>,
        %parallel_loop3A_796 = vector.shape_cast %parallel_loop3A_795 : vector<1x16xf32> to vector<16xf32>
        %parallel_loop3A_797 = vector.shape_cast %parallel_loop3A_791 : vector<16xf32> to vector<1x16xf32>
        tpu.vector_store %arg14[%parallel_loop3A_793, %parallel_loop3A_794], %parallel_loop3A_797 {strides = array<i32>} : memref<8x2048xf32, #tpu.memory_space<vmem>>, vector<1x16xf32>,
        %parallel_loop3A_798 = arith.constant 6 : i32
        %parallel_loop3A_799 = arith.index_cast %parallel_loop3A_798 : i32 to index
        %parallel_loop3A_800 = arith.index_cast %parallel_loop3A_689 : i32 to index
        %parallel_loop3A_801 = tpu.vector_load %arg10[%parallel_loop3A_799, %parallel_loop3A_800] {strides = array<i32>} : memref<8x2048xf32, #tpu.memory_space<vmem>>, vector<1x16xf32>,
        %parallel_loop3A_802 = vector.shape_cast %parallel_loop3A_801 : vector<1x16xf32> to vector<16xf32>
        %parallel_loop3A_803 = arith.constant 6 : i32
        %parallel_loop3A_804 = arith.index_cast %parallel_loop3A_803 : i32 to index
        %parallel_loop3A_805 = arith.index_cast %parallel_loop3A_689 : i32 to index
        %parallel_loop3A_806 = tpu.vector_load %arg11[%parallel_loop3A_804, %parallel_loop3A_805] {strides = array<i32>} : memref<8x2048xf32, #tpu.memory_space<vmem>>, vector<1x16xf32>,
        %parallel_loop3A_807 = vector.shape_cast %parallel_loop3A_806 : vector<1x16xf32> to vector<16xf32>
        %parallel_loop3A_808 = arith.addf %parallel_loop3A_802, %parallel_loop3A_807 : vector<16xf32>
        %parallel_loop3A_809 = arith.mulf %parallel_loop3A_808, %select_n3A_196 : vector<16xf32>
        %parallel_loop3A_810 = arith.constant 6 : i32
        %parallel_loop3A_811 = arith.index_cast %parallel_loop3A_810 : i32 to index
        %parallel_loop3A_812 = arith.index_cast %parallel_loop3A_689 : i32 to index
        %parallel_loop3A_813 = tpu.vector_load %arg14[%parallel_loop3A_811, %parallel_loop3A_812] {strides = array<i32>} : memref<8x2048xf32, #tpu.memory_space<vmem>>, vector<1x16xf32>,
        %parallel_loop3A_814 = vector.shape_cast %parallel_loop3A_813 : vector<1x16xf32> to vector<16xf32>
        %parallel_loop3A_815 = vector.shape_cast %parallel_loop3A_809 : vector<16xf32> to vector<1x16xf32>
        tpu.vector_store %arg14[%parallel_loop3A_811, %parallel_loop3A_812], %parallel_loop3A_815 {strides = array<i32>} : memref<8x2048xf32, #tpu.memory_space<vmem>>, vector<1x16xf32>,
        %parallel_loop3A_816 = arith.constant 7 : i32
        %parallel_loop3A_817 = arith.index_cast %parallel_loop3A_816 : i32 to index
        %parallel_loop3A_818 = arith.index_cast %parallel_loop3A_689 : i32 to index
        %parallel_loop3A_819 = tpu.vector_load %arg10[%parallel_loop3A_817, %parallel_loop3A_818] {strides = array<i32>} : memref<8x2048xf32, #tpu.memory_space<vmem>>, vector<1x16xf32>,
        %parallel_loop3A_820 = vector.shape_cast %parallel_loop3A_819 : vector<1x16xf32> to vector<16xf32>
        %parallel_loop3A_821 = arith.constant 7 : i32
        %parallel_loop3A_822 = arith.index_cast %parallel_loop3A_821 : i32 to index
        %parallel_loop3A_823 = arith.index_cast %parallel_loop3A_689 : i32 to index
        %parallel_loop3A_824 = tpu.vector_load %arg11[%parallel_loop3A_822, %parallel_loop3A_823] {strides = array<i32>} : memref<8x2048xf32, #tpu.memory_space<vmem>>, vector<1x16xf32>,
        %parallel_loop3A_825 = vector.shape_cast %parallel_loop3A_824 : vector<1x16xf32> to vector<16xf32>
        %parallel_loop3A_826 = arith.addf %parallel_loop3A_820, %parallel_loop3A_825 : vector<16xf32>
        %parallel_loop3A_827 = arith.mulf %parallel_loop3A_826, %select_n3A_201 : vector<16xf32>
        %parallel_loop3A_828 = arith.constant 7 : i32
        %parallel_loop3A_829 = arith.index_cast %parallel_loop3A_828 : i32 to index
        %parallel_loop3A_830 = arith.index_cast %parallel_loop3A_689 : i32 to index
        %parallel_loop3A_831 = tpu.vector_load %arg14[%parallel_loop3A_829, %parallel_loop3A_830] {strides = array<i32>} : memref<8x2048xf32, #tpu.memory_space<vmem>>, vector<1x16xf32>,
        %parallel_loop3A_832 = vector.shape_cast %parallel_loop3A_831 : vector<1x16xf32> to vector<16xf32>
        %parallel_loop3A_833 = vector.shape_cast %parallel_loop3A_827 : vector<16xf32> to vector<1x16xf32>
        tpu.vector_store %arg14[%parallel_loop3A_829, %parallel_loop3A_830], %parallel_loop3A_833 {strides = array<i32>} : memref<8x2048xf32, #tpu.memory_space<vmem>>, vector<1x16xf32>,
      } {sc.loop_unroll_factor = 2 : i64, sc.parallel_access}
      %add3A_205 = arith.constant 2048 : i32
      %add3A_206 = arith.addi %add3A_205, %mul3A_4 : i32
      %mul3A_207 = arith.constant 8 : i32
      %mul3A_208 = arith.muli %add3A_66, %mul3A_207 : i32
      %add3A_209 = arith.addi %add3A_206, %mul3A_208 : i32
      %dma_start3A_210 = arith.constant 0 : i32
      %dma_start3A_211 = tpu.memref_slice %arg6[%add3A_209, %dma_start3A_210] : memref<8192x2048xf32, #tpu.memory_space<hbm>> -> memref<8x2048xf32, #tpu.memory_space<hbm>>
      %dma_start3A_212 = arith.constant 0 : i32
      %dma_start3A_213 = tpu.memref_slice %arg6[%add3A_209, %dma_start3A_212] : memref<8192x2048xf32, #tpu.memory_space<hbm>> -> memref<8x2048xf32, #tpu.memory_space<hbm>>
      tpu.enqueue_dma source(%arg14 : memref<8x2048xf32, #tpu.memory_space<vmem>>) target(%dma_start3A_213 : memref<8x2048xf32, #tpu.memory_space<hbm>>) target_semaphore(%arg20 : memref<!tpu.dma_semaphore, #tpu.memory_space<semaphore_mem>>)
      %add3A_214 = arith.constant 2 : i32
      %add3A_215 = arith.addi %add3A_150, %add3A_214 : i32
      %dma_start3A_216 = arith.constant 0 : i32
      %dma_start3A_217 = tpu.memref_slice %arg7[%add3A_215, %dma_start3A_216] : memref<32x8xi32, #tpu.memory_space<vmem>> -> memref<1x8xi32, #tpu.memory_space<vmem>>
      %dma_start3A_218 = tpu.memref_squeeze %dma_start3A_217 : memref<1x8xi32, #tpu.memory_space<vmem>> -> memref<8xi32, #tpu.memory_space<vmem>>
      %dma_start3A_219 = arith.constant 0 : i32
      %dma_start3A_220 = arith.constant 0 : i32
      %dma_start3A_221 = tpu.memref_slice %arg4[%dma_start3A_219, %dma_start3A_220] : memref<100000x2048xf32, #tpu.memory_space<hbm>> -> memref<100000x2048xf32, #tpu.memory_space<hbm>>
      tpu.enqueue_indirect_dma source(%dma_start3A_221 : memref<100000x2048xf32, #tpu.memory_space<hbm>>) target(%arg10 : memref<8x2048xf32, #tpu.memory_space<vmem>>) offsets(%dma_start3A_218 : memref<8xi32, #tpu.memory_space<vmem>>) semaphore(%arg16 : memref<!tpu.dma_semaphore, #tpu.memory_space<semaphore_mem>>)
      %mul3A_222 = arith.constant 4 : i32
      %mul3A_223 = arith.muli %add3A_66, %mul3A_222 : i32
      %add3A_224 = arith.constant 2 : i32
      %add3A_225 = arith.addi %mul3A_223, %add3A_224 : i32
      %dma_wait3A_226 = arith.constant 0 : i32
      %dma_wait3A_227 = tpu.memref_slice %arg7[%add3A_225, %dma_wait3A_226] : memref<32x8xi32, #tpu.memory_space<vmem>> -> memref<1x8xi32, #tpu.memory_space<vmem>>
      %dma_wait3A_228 = tpu.memref_squeeze %dma_wait3A_227 : memref<1x8xi32, #tpu.memory_space<vmem>> -> memref<8xi32, #tpu.memory_space<vmem>>
      %dma_wait3A_229 = arith.constant 0 : i32
      %dma_wait3A_230 = arith.constant 0 : i32
      %dma_wait3A_231 = tpu.memref_slice %arg4[%dma_wait3A_229, %dma_wait3A_230] : memref<100000x2048xf32, #tpu.memory_space<hbm>> -> memref<100000x2048xf32, #tpu.memory_space<hbm>>
      tpu.wait_indirect_dma semaphore(%arg15 : memref<!tpu.dma_semaphore, #tpu.memory_space<semaphore_mem>>) src(%dma_wait3A_231 : memref<100000x2048xf32, #tpu.memory_space<hbm>>) dst(%arg9 : memref<8x2048xf32, #tpu.memory_space<vmem>>)
      %dma_wait3A_232 = arith.constant 0 : i32
      %dma_wait3A_233 = tpu.memref_slice %arg6[%mul3A_2, %dma_wait3A_232] : memref<8192x2048xf32, #tpu.memory_space<hbm>> -> memref<8x2048xf32, #tpu.memory_space<hbm>>
      %dma_wait3A_234 = arith.constant 0 : i32
      %dma_wait3A_235 = tpu.memref_slice %arg6[%mul3A_2, %dma_wait3A_234] : memref<8192x2048xf32, #tpu.memory_space<hbm>> -> memref<8x2048xf32, #tpu.memory_space<hbm>>
      tpu.wait_dma2 semaphore(%arg19 : memref<!tpu.dma_semaphore, #tpu.memory_space<semaphore_mem>>) src(%arg13 : memref<8x2048xf32, #tpu.memory_space<vmem>>) dst(%dma_wait3A_235 : memref<8x2048xf32, #tpu.memory_space<hbm>>)
      %slice3A_236 = vector.extract_strided_slice %get3A_75 {offsets = [0], sizes = [1], strides = [1]} : vector<16xi32> to vector<1xi32>
      %squeeze3A_237 = vector.extract %slice3A_236[0] : i32 from vector<1xi32>
      %broadcast_in_dim3A_238 = vector.broadcast %squeeze3A_237 : i32 to vector<16xi32>
      %ne3A_239 = arith.cmpi ne, %broadcast_in_dim3A_238, %broadcast_in_dim3A_10 : vector<16xi32>
      %select_n3A_240 = arith.select %ne3A_239, %broadcast_in_dim3A_12, %broadcast_in_dim3A_14 : vector<16xi1>, vector<16xf32>
      %slice3A_241 = vector.extract_strided_slice %get3A_75 {offsets = [1], sizes = [1], strides = [1]} : vector<16xi32> to vector<1xi32>
      %squeeze3A_242 = vector.extract %slice3A_241[0] : i32 from vector<1xi32>
      %broadcast_in_dim3A_243 = vector.broadcast %squeeze3A_242 : i32 to vector<16xi32>
      %ne3A_244 = arith.cmpi ne, %broadcast_in_dim3A_243, %broadcast_in_dim3A_10 : vector<16xi32>
      %select_n3A_245 = arith.select %ne3A_244, %broadcast_in_dim3A_12, %broadcast_in_dim3A_14 : vector<16xi1>, vector<16xf32>
      %slice3A_246 = vector.extract_strided_slice %get3A_75 {offsets = [2], sizes = [1], strides = [1]} : vector<16xi32> to vector<1xi32>
      %squeeze3A_247 = vector.extract %slice3A_246[0] : i32 from vector<1xi32>
      %broadcast_in_dim3A_248 = vector.broadcast %squeeze3A_247 : i32 to vector<16xi32>
      %ne3A_249 = arith.cmpi ne, %broadcast_in_dim3A_248, %broadcast_in_dim3A_10 : vector<16xi32>
      %select_n3A_250 = arith.select %ne3A_249, %broadcast_in_dim3A_12, %broadcast_in_dim3A_14 : vector<16xi1>, vector<16xf32>
      %slice3A_251 = vector.extract_strided_slice %get3A_75 {offsets = [3], sizes = [1], strides = [1]} : vector<16xi32> to vector<1xi32>
      %squeeze3A_252 = vector.extract %slice3A_251[0] : i32 from vector<1xi32>
      %broadcast_in_dim3A_253 = vector.broadcast %squeeze3A_252 : i32 to vector<16xi32>
      %ne3A_254 = arith.cmpi ne, %broadcast_in_dim3A_253, %broadcast_in_dim3A_10 : vector<16xi32>
      %select_n3A_255 = arith.select %ne3A_254, %broadcast_in_dim3A_12, %broadcast_in_dim3A_14 : vector<16xi1>, vector<16xf32>
      %slice3A_256 = vector.extract_strided_slice %get3A_75 {offsets = [4], sizes = [1], strides = [1]} : vector<16xi32> to vector<1xi32>
      %squeeze3A_257 = vector.extract %slice3A_256[0] : i32 from vector<1xi32>
      %broadcast_in_dim3A_258 = vector.broadcast %squeeze3A_257 : i32 to vector<16xi32>
      %ne3A_259 = arith.cmpi ne, %broadcast_in_dim3A_258, %broadcast_in_dim3A_10 : vector<16xi32>
      %select_n3A_260 = arith.select %ne3A_259, %broadcast_in_dim3A_12, %broadcast_in_dim3A_14 : vector<16xi1>, vector<16xf32>
      %slice3A_261 = vector.extract_strided_slice %get3A_75 {offsets = [5], sizes = [1], strides = [1]} : vector<16xi32> to vector<1xi32>
      %squeeze3A_262 = vector.extract %slice3A_261[0] : i32 from vector<1xi32>
      %broadcast_in_dim3A_263 = vector.broadcast %squeeze3A_262 : i32 to vector<16xi32>
      %ne3A_264 = arith.cmpi ne, %broadcast_in_dim3A_263, %broadcast_in_dim3A_10 : vector<16xi32>
      %select_n3A_265 = arith.select %ne3A_264, %broadcast_in_dim3A_12, %broadcast_in_dim3A_14 : vector<16xi1>, vector<16xf32>
      %slice3A_266 = vector.extract_strided_slice %get3A_75 {offsets = [6], sizes = [1], strides = [1]} : vector<16xi32> to vector<1xi32>
      %squeeze3A_267 = vector.extract %slice3A_266[0] : i32 from vector<1xi32>
      %broadcast_in_dim3A_268 = vector.broadcast %squeeze3A_267 : i32 to vector<16xi32>
      %ne3A_269 = arith.cmpi ne, %broadcast_in_dim3A_268, %broadcast_in_dim3A_10 : vector<16xi32>
      %select_n3A_270 = arith.select %ne3A_269, %broadcast_in_dim3A_12, %broadcast_in_dim3A_14 : vector<16xi1>, vector<16xf32>
      %slice3A_271 = vector.extract_strided_slice %get3A_75 {offsets = [7], sizes = [1], strides = [1]} : vector<16xi32> to vector<1xi32>
      %squeeze3A_272 = vector.extract %slice3A_271[0] : i32 from vector<1xi32>
      %broadcast_in_dim3A_273 = vector.broadcast %squeeze3A_272 : i32 to vector<16xi32>
      %ne3A_274 = arith.cmpi ne, %broadcast_in_dim3A_273, %broadcast_in_dim3A_10 : vector<16xi32>
      %select_n3A_275 = arith.select %ne3A_274, %broadcast_in_dim3A_12, %broadcast_in_dim3A_14 : vector<16xi1>, vector<16xf32>
      %parallel_loop3A_276 = arith.constant 0 : i32
      %parallel_loop3A_277 = arith.constant 128 : i32
      %parallel_loop3A_278 = arith.constant 1 : i32
      scf.for %parallel_loop3A_687 = %parallel_loop3A_276 to %parallel_loop3A_277 step %parallel_loop3A_278  : i32 {
        %parallel_loop3A_688 = arith.constant 16 : i32
        %parallel_loop3A_689 = arith.muli %parallel_loop3A_687, %parallel_loop3A_688 : i32
        %parallel_loop3A_690 = arith.constant 0 : i32
        %parallel_loop3A_691 = arith.index_cast %parallel_loop3A_690 : i32 to index
        %parallel_loop3A_692 = arith.index_cast %parallel_loop3A_689 : i32 to index
        %parallel_loop3A_693 = tpu.vector_load %arg9[%parallel_loop3A_691, %parallel_loop3A_692] {strides = array<i32>} : memref<8x2048xf32, #tpu.memory_space<vmem>>, vector<1x16xf32>,
        %parallel_loop3A_694 = vector.shape_cast %parallel_loop3A_693 : vector<1x16xf32> to vector<16xf32>
        %parallel_loop3A_695 = arith.constant 0 : i32
        %parallel_loop3A_696 = arith.index_cast %parallel_loop3A_695 : i32 to index
        %parallel_loop3A_697 = arith.index_cast %parallel_loop3A_689 : i32 to index
        %parallel_loop3A_698 = tpu.vector_load %arg11[%parallel_loop3A_696, %parallel_loop3A_697] {strides = array<i32>} : memref<8x2048xf32, #tpu.memory_space<vmem>>, vector<1x16xf32>,
        %parallel_loop3A_699 = vector.shape_cast %parallel_loop3A_698 : vector<1x16xf32> to vector<16xf32>
        %parallel_loop3A_700 = arith.addf %parallel_loop3A_694, %parallel_loop3A_699 : vector<16xf32>
        %parallel_loop3A_701 = arith.mulf %parallel_loop3A_700, %select_n3A_240 : vector<16xf32>
        %parallel_loop3A_702 = arith.constant 0 : i32
        %parallel_loop3A_703 = arith.index_cast %parallel_loop3A_702 : i32 to index
        %parallel_loop3A_704 = arith.index_cast %parallel_loop3A_689 : i32 to index
        %parallel_loop3A_705 = tpu.vector_load %arg13[%parallel_loop3A_703, %parallel_loop3A_704] {strides = array<i32>} : memref<8x2048xf32, #tpu.memory_space<vmem>>, vector<1x16xf32>,
        %parallel_loop3A_706 = vector.shape_cast %parallel_loop3A_705 : vector<1x16xf32> to vector<16xf32>
        %parallel_loop3A_707 = vector.shape_cast %parallel_loop3A_701 : vector<16xf32> to vector<1x16xf32>
        tpu.vector_store %arg13[%parallel_loop3A_703, %parallel_loop3A_704], %parallel_loop3A_707 {strides = array<i32>} : memref<8x2048xf32, #tpu.memory_space<vmem>>, vector<1x16xf32>,
        %parallel_loop3A_708 = arith.constant 1 : i32
        %parallel_loop3A_709 = arith.index_cast %parallel_loop3A_708 : i32 to index
        %parallel_loop3A_710 = arith.index_cast %parallel_loop3A_689 : i32 to index
        %parallel_loop3A_711 = tpu.vector_load %arg9[%parallel_loop3A_709, %parallel_loop3A_710] {strides = array<i32>} : memref<8x2048xf32, #tpu.memory_space<vmem>>, vector<1x16xf32>,
        %parallel_loop3A_712 = vector.shape_cast %parallel_loop3A_711 : vector<1x16xf32> to vector<16xf32>
        %parallel_loop3A_713 = arith.constant 1 : i32
        %parallel_loop3A_714 = arith.index_cast %parallel_loop3A_713 : i32 to index
        %parallel_loop3A_715 = arith.index_cast %parallel_loop3A_689 : i32 to index
        %parallel_loop3A_716 = tpu.vector_load %arg11[%parallel_loop3A_714, %parallel_loop3A_715] {strides = array<i32>} : memref<8x2048xf32, #tpu.memory_space<vmem>>, vector<1x16xf32>,
        %parallel_loop3A_717 = vector.shape_cast %parallel_loop3A_716 : vector<1x16xf32> to vector<16xf32>
        %parallel_loop3A_718 = arith.addf %parallel_loop3A_712, %parallel_loop3A_717 : vector<16xf32>
        %parallel_loop3A_719 = arith.mulf %parallel_loop3A_718, %select_n3A_245 : vector<16xf32>
        %parallel_loop3A_720 = arith.constant 1 : i32
        %parallel_loop3A_721 = arith.index_cast %parallel_loop3A_720 : i32 to index
        %parallel_loop3A_722 = arith.index_cast %parallel_loop3A_689 : i32 to index
        %parallel_loop3A_723 = tpu.vector_load %arg13[%parallel_loop3A_721, %parallel_loop3A_722] {strides = array<i32>} : memref<8x2048xf32, #tpu.memory_space<vmem>>, vector<1x16xf32>,
        %parallel_loop3A_724 = vector.shape_cast %parallel_loop3A_723 : vector<1x16xf32> to vector<16xf32>
        %parallel_loop3A_725 = vector.shape_cast %parallel_loop3A_719 : vector<16xf32> to vector<1x16xf32>
        tpu.vector_store %arg13[%parallel_loop3A_721, %parallel_loop3A_722], %parallel_loop3A_725 {strides = array<i32>} : memref<8x2048xf32, #tpu.memory_space<vmem>>, vector<1x16xf32>,
        %parallel_loop3A_726 = arith.constant 2 : i32
        %parallel_loop3A_727 = arith.index_cast %parallel_loop3A_726 : i32 to index
        %parallel_loop3A_728 = arith.index_cast %parallel_loop3A_689 : i32 to index
        %parallel_loop3A_729 = tpu.vector_load %arg9[%parallel_loop3A_727, %parallel_loop3A_728] {strides = array<i32>} : memref<8x2048xf32, #tpu.memory_space<vmem>>, vector<1x16xf32>,
        %parallel_loop3A_730 = vector.shape_cast %parallel_loop3A_729 : vector<1x16xf32> to vector<16xf32>
        %parallel_loop3A_731 = arith.constant 2 : i32
        %parallel_loop3A_732 = arith.index_cast %parallel_loop3A_731 : i32 to index
        %parallel_loop3A_733 = arith.index_cast %parallel_loop3A_689 : i32 to index
        %parallel_loop3A_734 = tpu.vector_load %arg11[%parallel_loop3A_732, %parallel_loop3A_733] {strides = array<i32>} : memref<8x2048xf32, #tpu.memory_space<vmem>>, vector<1x16xf32>,
        %parallel_loop3A_735 = vector.shape_cast %parallel_loop3A_734 : vector<1x16xf32> to vector<16xf32>
        %parallel_loop3A_736 = arith.addf %parallel_loop3A_730, %parallel_loop3A_735 : vector<16xf32>
        %parallel_loop3A_737 = arith.mulf %parallel_loop3A_736, %select_n3A_250 : vector<16xf32>
        %parallel_loop3A_738 = arith.constant 2 : i32
        %parallel_loop3A_739 = arith.index_cast %parallel_loop3A_738 : i32 to index
        %parallel_loop3A_740 = arith.index_cast %parallel_loop3A_689 : i32 to index
        %parallel_loop3A_741 = tpu.vector_load %arg13[%parallel_loop3A_739, %parallel_loop3A_740] {strides = array<i32>} : memref<8x2048xf32, #tpu.memory_space<vmem>>, vector<1x16xf32>,
        %parallel_loop3A_742 = vector.shape_cast %parallel_loop3A_741 : vector<1x16xf32> to vector<16xf32>
        %parallel_loop3A_743 = vector.shape_cast %parallel_loop3A_737 : vector<16xf32> to vector<1x16xf32>
        tpu.vector_store %arg13[%parallel_loop3A_739, %parallel_loop3A_740], %parallel_loop3A_743 {strides = array<i32>} : memref<8x2048xf32, #tpu.memory_space<vmem>>, vector<1x16xf32>,
        %parallel_loop3A_744 = arith.constant 3 : i32
        %parallel_loop3A_745 = arith.index_cast %parallel_loop3A_744 : i32 to index
        %parallel_loop3A_746 = arith.index_cast %parallel_loop3A_689 : i32 to index
        %parallel_loop3A_747 = tpu.vector_load %arg9[%parallel_loop3A_745, %parallel_loop3A_746] {strides = array<i32>} : memref<8x2048xf32, #tpu.memory_space<vmem>>, vector<1x16xf32>,
        %parallel_loop3A_748 = vector.shape_cast %parallel_loop3A_747 : vector<1x16xf32> to vector<16xf32>
        %parallel_loop3A_749 = arith.constant 3 : i32
        %parallel_loop3A_750 = arith.index_cast %parallel_loop3A_749 : i32 to index
        %parallel_loop3A_751 = arith.index_cast %parallel_loop3A_689 : i32 to index
        %parallel_loop3A_752 = tpu.vector_load %arg11[%parallel_loop3A_750, %parallel_loop3A_751] {strides = array<i32>} : memref<8x2048xf32, #tpu.memory_space<vmem>>, vector<1x16xf32>,
        %parallel_loop3A_753 = vector.shape_cast %parallel_loop3A_752 : vector<1x16xf32> to vector<16xf32>
        %parallel_loop3A_754 = arith.addf %parallel_loop3A_748, %parallel_loop3A_753 : vector<16xf32>
        %parallel_loop3A_755 = arith.mulf %parallel_loop3A_754, %select_n3A_255 : vector<16xf32>
        %parallel_loop3A_756 = arith.constant 3 : i32
        %parallel_loop3A_757 = arith.index_cast %parallel_loop3A_756 : i32 to index
        %parallel_loop3A_758 = arith.index_cast %parallel_loop3A_689 : i32 to index
        %parallel_loop3A_759 = tpu.vector_load %arg13[%parallel_loop3A_757, %parallel_loop3A_758] {strides = array<i32>} : memref<8x2048xf32, #tpu.memory_space<vmem>>, vector<1x16xf32>,
        %parallel_loop3A_760 = vector.shape_cast %parallel_loop3A_759 : vector<1x16xf32> to vector<16xf32>
        %parallel_loop3A_761 = vector.shape_cast %parallel_loop3A_755 : vector<16xf32> to vector<1x16xf32>
        tpu.vector_store %arg13[%parallel_loop3A_757, %parallel_loop3A_758], %parallel_loop3A_761 {strides = array<i32>} : memref<8x2048xf32, #tpu.memory_space<vmem>>, vector<1x16xf32>,
        %parallel_loop3A_762 = arith.constant 4 : i32
        %parallel_loop3A_763 = arith.index_cast %parallel_loop3A_762 : i32 to index
        %parallel_loop3A_764 = arith.index_cast %parallel_loop3A_689 : i32 to index
        %parallel_loop3A_765 = tpu.vector_load %arg9[%parallel_loop3A_763, %parallel_loop3A_764] {strides = array<i32>} : memref<8x2048xf32, #tpu.memory_space<vmem>>, vector<1x16xf32>,
        %parallel_loop3A_766 = vector.shape_cast %parallel_loop3A_765 : vector<1x16xf32> to vector<16xf32>
        %parallel_loop3A_767 = arith.constant 4 : i32
        %parallel_loop3A_768 = arith.index_cast %parallel_loop3A_767 : i32 to index
        %parallel_loop3A_769 = arith.index_cast %parallel_loop3A_689 : i32 to index
        %parallel_loop3A_770 = tpu.vector_load %arg11[%parallel_loop3A_768, %parallel_loop3A_769] {strides = array<i32>} : memref<8x2048xf32, #tpu.memory_space<vmem>>, vector<1x16xf32>,
        %parallel_loop3A_771 = vector.shape_cast %parallel_loop3A_770 : vector<1x16xf32> to vector<16xf32>
        %parallel_loop3A_772 = arith.addf %parallel_loop3A_766, %parallel_loop3A_771 : vector<16xf32>
        %parallel_loop3A_773 = arith.mulf %parallel_loop3A_772, %select_n3A_260 : vector<16xf32>
        %parallel_loop3A_774 = arith.constant 4 : i32
        %parallel_loop3A_775 = arith.index_cast %parallel_loop3A_774 : i32 to index
        %parallel_loop3A_776 = arith.index_cast %parallel_loop3A_689 : i32 to index
        %parallel_loop3A_777 = tpu.vector_load %arg13[%parallel_loop3A_775, %parallel_loop3A_776] {strides = array<i32>} : memref<8x2048xf32, #tpu.memory_space<vmem>>, vector<1x16xf32>,
        %parallel_loop3A_778 = vector.shape_cast %parallel_loop3A_777 : vector<1x16xf32> to vector<16xf32>
        %parallel_loop3A_779 = vector.shape_cast %parallel_loop3A_773 : vector<16xf32> to vector<1x16xf32>
        tpu.vector_store %arg13[%parallel_loop3A_775, %parallel_loop3A_776], %parallel_loop3A_779 {strides = array<i32>} : memref<8x2048xf32, #tpu.memory_space<vmem>>, vector<1x16xf32>,
        %parallel_loop3A_780 = arith.constant 5 : i32
        %parallel_loop3A_781 = arith.index_cast %parallel_loop3A_780 : i32 to index
        %parallel_loop3A_782 = arith.index_cast %parallel_loop3A_689 : i32 to index
        %parallel_loop3A_783 = tpu.vector_load %arg9[%parallel_loop3A_781, %parallel_loop3A_782] {strides = array<i32>} : memref<8x2048xf32, #tpu.memory_space<vmem>>, vector<1x16xf32>,
        %parallel_loop3A_784 = vector.shape_cast %parallel_loop3A_783 : vector<1x16xf32> to vector<16xf32>
        %parallel_loop3A_785 = arith.constant 5 : i32
        %parallel_loop3A_786 = arith.index_cast %parallel_loop3A_785 : i32 to index
        %parallel_loop3A_787 = arith.index_cast %parallel_loop3A_689 : i32 to index
        %parallel_loop3A_788 = tpu.vector_load %arg11[%parallel_loop3A_786, %parallel_loop3A_787] {strides = array<i32>} : memref<8x2048xf32, #tpu.memory_space<vmem>>, vector<1x16xf32>,
        %parallel_loop3A_789 = vector.shape_cast %parallel_loop3A_788 : vector<1x16xf32> to vector<16xf32>
        %parallel_loop3A_790 = arith.addf %parallel_loop3A_784, %parallel_loop3A_789 : vector<16xf32>
        %parallel_loop3A_791 = arith.mulf %parallel_loop3A_790, %select_n3A_265 : vector<16xf32>
        %parallel_loop3A_792 = arith.constant 5 : i32
        %parallel_loop3A_793 = arith.index_cast %parallel_loop3A_792 : i32 to index
        %parallel_loop3A_794 = arith.index_cast %parallel_loop3A_689 : i32 to index
        %parallel_loop3A_795 = tpu.vector_load %arg13[%parallel_loop3A_793, %parallel_loop3A_794] {strides = array<i32>} : memref<8x2048xf32, #tpu.memory_space<vmem>>, vector<1x16xf32>,
        %parallel_loop3A_796 = vector.shape_cast %parallel_loop3A_795 : vector<1x16xf32> to vector<16xf32>
        %parallel_loop3A_797 = vector.shape_cast %parallel_loop3A_791 : vector<16xf32> to vector<1x16xf32>
        tpu.vector_store %arg13[%parallel_loop3A_793, %parallel_loop3A_794], %parallel_loop3A_797 {strides = array<i32>} : memref<8x2048xf32, #tpu.memory_space<vmem>>, vector<1x16xf32>,
        %parallel_loop3A_798 = arith.constant 6 : i32
        %parallel_loop3A_799 = arith.index_cast %parallel_loop3A_798 : i32 to index
        %parallel_loop3A_800 = arith.index_cast %parallel_loop3A_689 : i32 to index
        %parallel_loop3A_801 = tpu.vector_load %arg9[%parallel_loop3A_799, %parallel_loop3A_800] {strides = array<i32>} : memref<8x2048xf32, #tpu.memory_space<vmem>>, vector<1x16xf32>,
        %parallel_loop3A_802 = vector.shape_cast %parallel_loop3A_801 : vector<1x16xf32> to vector<16xf32>
        %parallel_loop3A_803 = arith.constant 6 : i32
        %parallel_loop3A_804 = arith.index_cast %parallel_loop3A_803 : i32 to index
        %parallel_loop3A_805 = arith.index_cast %parallel_loop3A_689 : i32 to index
        %parallel_loop3A_806 = tpu.vector_load %arg11[%parallel_loop3A_804, %parallel_loop3A_805] {strides = array<i32>} : memref<8x2048xf32, #tpu.memory_space<vmem>>, vector<1x16xf32>,
        %parallel_loop3A_807 = vector.shape_cast %parallel_loop3A_806 : vector<1x16xf32> to vector<16xf32>
        %parallel_loop3A_808 = arith.addf %parallel_loop3A_802, %parallel_loop3A_807 : vector<16xf32>
        %parallel_loop3A_809 = arith.mulf %parallel_loop3A_808, %select_n3A_270 : vector<16xf32>
        %parallel_loop3A_810 = arith.constant 6 : i32
        %parallel_loop3A_811 = arith.index_cast %parallel_loop3A_810 : i32 to index
        %parallel_loop3A_812 = arith.index_cast %parallel_loop3A_689 : i32 to index
        %parallel_loop3A_813 = tpu.vector_load %arg13[%parallel_loop3A_811, %parallel_loop3A_812] {strides = array<i32>} : memref<8x2048xf32, #tpu.memory_space<vmem>>, vector<1x16xf32>,
        %parallel_loop3A_814 = vector.shape_cast %parallel_loop3A_813 : vector<1x16xf32> to vector<16xf32>
        %parallel_loop3A_815 = vector.shape_cast %parallel_loop3A_809 : vector<16xf32> to vector<1x16xf32>
        tpu.vector_store %arg13[%parallel_loop3A_811, %parallel_loop3A_812], %parallel_loop3A_815 {strides = array<i32>} : memref<8x2048xf32, #tpu.memory_space<vmem>>, vector<1x16xf32>,
        %parallel_loop3A_816 = arith.constant 7 : i32
        %parallel_loop3A_817 = arith.index_cast %parallel_loop3A_816 : i32 to index
        %parallel_loop3A_818 = arith.index_cast %parallel_loop3A_689 : i32 to index
        %parallel_loop3A_819 = tpu.vector_load %arg9[%parallel_loop3A_817, %parallel_loop3A_818] {strides = array<i32>} : memref<8x2048xf32, #tpu.memory_space<vmem>>, vector<1x16xf32>,
        %parallel_loop3A_820 = vector.shape_cast %parallel_loop3A_819 : vector<1x16xf32> to vector<16xf32>
        %parallel_loop3A_821 = arith.constant 7 : i32
        %parallel_loop3A_822 = arith.index_cast %parallel_loop3A_821 : i32 to index
        %parallel_loop3A_823 = arith.index_cast %parallel_loop3A_689 : i32 to index
        %parallel_loop3A_824 = tpu.vector_load %arg11[%parallel_loop3A_822, %parallel_loop3A_823] {strides = array<i32>} : memref<8x2048xf32, #tpu.memory_space<vmem>>, vector<1x16xf32>,
        %parallel_loop3A_825 = vector.shape_cast %parallel_loop3A_824 : vector<1x16xf32> to vector<16xf32>
        %parallel_loop3A_826 = arith.addf %parallel_loop3A_820, %parallel_loop3A_825 : vector<16xf32>
        %parallel_loop3A_827 = arith.mulf %parallel_loop3A_826, %select_n3A_275 : vector<16xf32>
        %parallel_loop3A_828 = arith.constant 7 : i32
        %parallel_loop3A_829 = arith.index_cast %parallel_loop3A_828 : i32 to index
        %parallel_loop3A_830 = arith.index_cast %parallel_loop3A_689 : i32 to index
        %parallel_loop3A_831 = tpu.vector_load %arg13[%parallel_loop3A_829, %parallel_loop3A_830] {strides = array<i32>} : memref<8x2048xf32, #tpu.memory_space<vmem>>, vector<1x16xf32>,
        %parallel_loop3A_832 = vector.shape_cast %parallel_loop3A_831 : vector<1x16xf32> to vector<16xf32>
        %parallel_loop3A_833 = vector.shape_cast %parallel_loop3A_827 : vector<16xf32> to vector<1x16xf32>
        tpu.vector_store %arg13[%parallel_loop3A_829, %parallel_loop3A_830], %parallel_loop3A_833 {strides = array<i32>} : memref<8x2048xf32, #tpu.memory_space<vmem>>, vector<1x16xf32>,
      } {sc.loop_unroll_factor = 2 : i64, sc.parallel_access}
      %add3A_279 = arith.constant 4096 : i32
      %add3A_280 = arith.addi %add3A_279, %mul3A_4 : i32
      %mul3A_281 = arith.constant 8 : i32
      %mul3A_282 = arith.muli %add3A_66, %mul3A_281 : i32
      %add3A_283 = arith.addi %add3A_280, %mul3A_282 : i32
      %dma_start3A_284 = arith.constant 0 : i32
      %dma_start3A_285 = tpu.memref_slice %arg6[%add3A_283, %dma_start3A_284] : memref<8192x2048xf32, #tpu.memory_space<hbm>> -> memref<8x2048xf32, #tpu.memory_space<hbm>>
      %dma_start3A_286 = arith.constant 0 : i32
      %dma_start3A_287 = tpu.memref_slice %arg6[%add3A_283, %dma_start3A_286] : memref<8192x2048xf32, #tpu.memory_space<hbm>> -> memref<8x2048xf32, #tpu.memory_space<hbm>>
      tpu.enqueue_dma source(%arg13 : memref<8x2048xf32, #tpu.memory_space<vmem>>) target(%dma_start3A_287 : memref<8x2048xf32, #tpu.memory_space<hbm>>) target_semaphore(%arg19 : memref<!tpu.dma_semaphore, #tpu.memory_space<semaphore_mem>>)
      %add3A_288 = arith.constant 2 : i32
      %add3A_289 = arith.addi %add3A_225, %add3A_288 : i32
      %dma_start3A_290 = arith.constant 0 : i32
      %dma_start3A_291 = tpu.memref_slice %arg7[%add3A_289, %dma_start3A_290] : memref<32x8xi32, #tpu.memory_space<vmem>> -> memref<1x8xi32, #tpu.memory_space<vmem>>
      %dma_start3A_292 = tpu.memref_squeeze %dma_start3A_291 : memref<1x8xi32, #tpu.memory_space<vmem>> -> memref<8xi32, #tpu.memory_space<vmem>>
      %dma_start3A_293 = arith.constant 0 : i32
      %dma_start3A_294 = arith.constant 0 : i32
      %dma_start3A_295 = tpu.memref_slice %arg4[%dma_start3A_293, %dma_start3A_294] : memref<100000x2048xf32, #tpu.memory_space<hbm>> -> memref<100000x2048xf32, #tpu.memory_space<hbm>>
      tpu.enqueue_indirect_dma source(%dma_start3A_295 : memref<100000x2048xf32, #tpu.memory_space<hbm>>) target(%arg9 : memref<8x2048xf32, #tpu.memory_space<vmem>>) offsets(%dma_start3A_292 : memref<8xi32, #tpu.memory_space<vmem>>) semaphore(%arg15 : memref<!tpu.dma_semaphore, #tpu.memory_space<semaphore_mem>>)
      %mul3A_296 = arith.constant 4 : i32
      %mul3A_297 = arith.muli %add3A_66, %mul3A_296 : i32
      %add3A_298 = arith.constant 3 : i32
      %add3A_299 = arith.addi %mul3A_297, %add3A_298 : i32
      %dma_wait3A_300 = arith.constant 0 : i32
      %dma_wait3A_301 = tpu.memref_slice %arg7[%add3A_299, %dma_wait3A_300] : memref<32x8xi32, #tpu.memory_space<vmem>> -> memref<1x8xi32, #tpu.memory_space<vmem>>
      %dma_wait3A_302 = tpu.memref_squeeze %dma_wait3A_301 : memref<1x8xi32, #tpu.memory_space<vmem>> -> memref<8xi32, #tpu.memory_space<vmem>>
      %dma_wait3A_303 = arith.constant 0 : i32
      %dma_wait3A_304 = arith.constant 0 : i32
      %dma_wait3A_305 = tpu.memref_slice %arg4[%dma_wait3A_303, %dma_wait3A_304] : memref<100000x2048xf32, #tpu.memory_space<hbm>> -> memref<100000x2048xf32, #tpu.memory_space<hbm>>
      tpu.wait_indirect_dma semaphore(%arg16 : memref<!tpu.dma_semaphore, #tpu.memory_space<semaphore_mem>>) src(%dma_wait3A_305 : memref<100000x2048xf32, #tpu.memory_space<hbm>>) dst(%arg10 : memref<8x2048xf32, #tpu.memory_space<vmem>>)
      %dma_wait3A_306 = arith.constant 0 : i32
      %dma_wait3A_307 = tpu.memref_slice %arg6[%mul3A_2, %dma_wait3A_306] : memref<8192x2048xf32, #tpu.memory_space<hbm>> -> memref<8x2048xf32, #tpu.memory_space<hbm>>
      %dma_wait3A_308 = arith.constant 0 : i32
      %dma_wait3A_309 = tpu.memref_slice %arg6[%mul3A_2, %dma_wait3A_308] : memref<8192x2048xf32, #tpu.memory_space<hbm>> -> memref<8x2048xf32, #tpu.memory_space<hbm>>
      tpu.wait_dma2 semaphore(%arg20 : memref<!tpu.dma_semaphore, #tpu.memory_space<semaphore_mem>>) src(%arg14 : memref<8x2048xf32, #tpu.memory_space<vmem>>) dst(%dma_wait3A_309 : memref<8x2048xf32, #tpu.memory_space<hbm>>)
      %slice3A_310 = vector.extract_strided_slice %get3A_75 {offsets = [8], sizes = [1], strides = [1]} : vector<16xi32> to vector<1xi32>
      %squeeze3A_311 = vector.extract %slice3A_310[0] : i32 from vector<1xi32>
      %broadcast_in_dim3A_312 = vector.broadcast %squeeze3A_311 : i32 to vector<16xi32>
      %ne3A_313 = arith.cmpi ne, %broadcast_in_dim3A_312, %broadcast_in_dim3A_10 : vector<16xi32>
      %select_n3A_314 = arith.select %ne3A_313, %broadcast_in_dim3A_12, %broadcast_in_dim3A_14 : vector<16xi1>, vector<16xf32>
      %slice3A_315 = vector.extract_strided_slice %get3A_75 {offsets = [9], sizes = [1], strides = [1]} : vector<16xi32> to vector<1xi32>
      %squeeze3A_316 = vector.extract %slice3A_315[0] : i32 from vector<1xi32>
      %broadcast_in_dim3A_317 = vector.broadcast %squeeze3A_316 : i32 to vector<16xi32>
      %ne3A_318 = arith.cmpi ne, %broadcast_in_dim3A_317, %broadcast_in_dim3A_10 : vector<16xi32>
      %select_n3A_319 = arith.select %ne3A_318, %broadcast_in_dim3A_12, %broadcast_in_dim3A_14 : vector<16xi1>, vector<16xf32>
      %slice3A_320 = vector.extract_strided_slice %get3A_75 {offsets = [10], sizes = [1], strides = [1]} : vector<16xi32> to vector<1xi32>
      %squeeze3A_321 = vector.extract %slice3A_320[0] : i32 from vector<1xi32>
      %broadcast_in_dim3A_322 = vector.broadcast %squeeze3A_321 : i32 to vector<16xi32>
      %ne3A_323 = arith.cmpi ne, %broadcast_in_dim3A_322, %broadcast_in_dim3A_10 : vector<16xi32>
      %select_n3A_324 = arith.select %ne3A_323, %broadcast_in_dim3A_12, %broadcast_in_dim3A_14 : vector<16xi1>, vector<16xf32>
      %slice3A_325 = vector.extract_strided_slice %get3A_75 {offsets = [11], sizes = [1], strides = [1]} : vector<16xi32> to vector<1xi32>
      %squeeze3A_326 = vector.extract %slice3A_325[0] : i32 from vector<1xi32>
      %broadcast_in_dim3A_327 = vector.broadcast %squeeze3A_326 : i32 to vector<16xi32>
      %ne3A_328 = arith.cmpi ne, %broadcast_in_dim3A_327, %broadcast_in_dim3A_10 : vector<16xi32>
      %select_n3A_329 = arith.select %ne3A_328, %broadcast_in_dim3A_12, %broadcast_in_dim3A_14 : vector<16xi1>, vector<16xf32>
      %slice3A_330 = vector.extract_strided_slice %get3A_75 {offsets = [12], sizes = [1], strides = [1]} : vector<16xi32> to vector<1xi32>
      %squeeze3A_331 = vector.extract %slice3A_330[0] : i32 from vector<1xi32>
      %broadcast_in_dim3A_332 = vector.broadcast %squeeze3A_331 : i32 to vector<16xi32>
      %ne3A_333 = arith.cmpi ne, %broadcast_in_dim3A_332, %broadcast_in_dim3A_10 : vector<16xi32>
      %select_n3A_334 = arith.select %ne3A_333, %broadcast_in_dim3A_12, %broadcast_in_dim3A_14 : vector<16xi1>, vector<16xf32>
      %slice3A_335 = vector.extract_strided_slice %get3A_75 {offsets = [13], sizes = [1], strides = [1]} : vector<16xi32> to vector<1xi32>
      %squeeze3A_336 = vector.extract %slice3A_335[0] : i32 from vector<1xi32>
      %broadcast_in_dim3A_337 = vector.broadcast %squeeze3A_336 : i32 to vector<16xi32>
      %ne3A_338 = arith.cmpi ne, %broadcast_in_dim3A_337, %broadcast_in_dim3A_10 : vector<16xi32>
      %select_n3A_339 = arith.select %ne3A_338, %broadcast_in_dim3A_12, %broadcast_in_dim3A_14 : vector<16xi1>, vector<16xf32>
      %slice3A_340 = vector.extract_strided_slice %get3A_75 {offsets = [14], sizes = [1], strides = [1]} : vector<16xi32> to vector<1xi32>
      %squeeze3A_341 = vector.extract %slice3A_340[0] : i32 from vector<1xi32>
      %broadcast_in_dim3A_342 = vector.broadcast %squeeze3A_341 : i32 to vector<16xi32>
      %ne3A_343 = arith.cmpi ne, %broadcast_in_dim3A_342, %broadcast_in_dim3A_10 : vector<16xi32>
      %select_n3A_344 = arith.select %ne3A_343, %broadcast_in_dim3A_12, %broadcast_in_dim3A_14 : vector<16xi1>, vector<16xf32>
      %slice3A_345 = vector.extract_strided_slice %get3A_75 {offsets = [15], sizes = [1], strides = [1]} : vector<16xi32> to vector<1xi32>
      %squeeze3A_346 = vector.extract %slice3A_345[0] : i32 from vector<1xi32>
      %broadcast_in_dim3A_347 = vector.broadcast %squeeze3A_346 : i32 to vector<16xi32>
      %ne3A_348 = arith.cmpi ne, %broadcast_in_dim3A_347, %broadcast_in_dim3A_10 : vector<16xi32>
      %select_n3A_349 = arith.select %ne3A_348, %broadcast_in_dim3A_12, %broadcast_in_dim3A_14 : vector<16xi1>, vector<16xf32>
      %parallel_loop3A_350 = arith.constant 0 : i32
      %parallel_loop3A_351 = arith.constant 128 : i32
      %parallel_loop3A_352 = arith.constant 1 : i32
      scf.for %parallel_loop3A_687 = %parallel_loop3A_350 to %parallel_loop3A_351 step %parallel_loop3A_352  : i32 {
        %parallel_loop3A_688 = arith.constant 16 : i32
        %parallel_loop3A_689 = arith.muli %parallel_loop3A_687, %parallel_loop3A_688 : i32
        %parallel_loop3A_690 = arith.constant 0 : i32
        %parallel_loop3A_691 = arith.index_cast %parallel_loop3A_690 : i32 to index
        %parallel_loop3A_692 = arith.index_cast %parallel_loop3A_689 : i32 to index
        %parallel_loop3A_693 = tpu.vector_load %arg10[%parallel_loop3A_691, %parallel_loop3A_692] {strides = array<i32>} : memref<8x2048xf32, #tpu.memory_space<vmem>>, vector<1x16xf32>,
        %parallel_loop3A_694 = vector.shape_cast %parallel_loop3A_693 : vector<1x16xf32> to vector<16xf32>
        %parallel_loop3A_695 = arith.constant 0 : i32
        %parallel_loop3A_696 = arith.index_cast %parallel_loop3A_695 : i32 to index
        %parallel_loop3A_697 = arith.index_cast %parallel_loop3A_689 : i32 to index
        %parallel_loop3A_698 = tpu.vector_load %arg11[%parallel_loop3A_696, %parallel_loop3A_697] {strides = array<i32>} : memref<8x2048xf32, #tpu.memory_space<vmem>>, vector<1x16xf32>,
        %parallel_loop3A_699 = vector.shape_cast %parallel_loop3A_698 : vector<1x16xf32> to vector<16xf32>
        %parallel_loop3A_700 = arith.addf %parallel_loop3A_694, %parallel_loop3A_699 : vector<16xf32>
        %parallel_loop3A_701 = arith.mulf %parallel_loop3A_700, %select_n3A_314 : vector<16xf32>
        %parallel_loop3A_702 = arith.constant 0 : i32
        %parallel_loop3A_703 = arith.index_cast %parallel_loop3A_702 : i32 to index
        %parallel_loop3A_704 = arith.index_cast %parallel_loop3A_689 : i32 to index
        %parallel_loop3A_705 = tpu.vector_load %arg14[%parallel_loop3A_703, %parallel_loop3A_704] {strides = array<i32>} : memref<8x2048xf32, #tpu.memory_space<vmem>>, vector<1x16xf32>,
        %parallel_loop3A_706 = vector.shape_cast %parallel_loop3A_705 : vector<1x16xf32> to vector<16xf32>
        %parallel_loop3A_707 = vector.shape_cast %parallel_loop3A_701 : vector<16xf32> to vector<1x16xf32>
        tpu.vector_store %arg14[%parallel_loop3A_703, %parallel_loop3A_704], %parallel_loop3A_707 {strides = array<i32>} : memref<8x2048xf32, #tpu.memory_space<vmem>>, vector<1x16xf32>,
        %parallel_loop3A_708 = arith.constant 1 : i32
        %parallel_loop3A_709 = arith.index_cast %parallel_loop3A_708 : i32 to index
        %parallel_loop3A_710 = arith.index_cast %parallel_loop3A_689 : i32 to index
        %parallel_loop3A_711 = tpu.vector_load %arg10[%parallel_loop3A_709, %parallel_loop3A_710] {strides = array<i32>} : memref<8x2048xf32, #tpu.memory_space<vmem>>, vector<1x16xf32>,
        %parallel_loop3A_712 = vector.shape_cast %parallel_loop3A_711 : vector<1x16xf32> to vector<16xf32>
        %parallel_loop3A_713 = arith.constant 1 : i32
        %parallel_loop3A_714 = arith.index_cast %parallel_loop3A_713 : i32 to index
        %parallel_loop3A_715 = arith.index_cast %parallel_loop3A_689 : i32 to index
        %parallel_loop3A_716 = tpu.vector_load %arg11[%parallel_loop3A_714, %parallel_loop3A_715] {strides = array<i32>} : memref<8x2048xf32, #tpu.memory_space<vmem>>, vector<1x16xf32>,
        %parallel_loop3A_717 = vector.shape_cast %parallel_loop3A_716 : vector<1x16xf32> to vector<16xf32>
        %parallel_loop3A_718 = arith.addf %parallel_loop3A_712, %parallel_loop3A_717 : vector<16xf32>
        %parallel_loop3A_719 = arith.mulf %parallel_loop3A_718, %select_n3A_319 : vector<16xf32>
        %parallel_loop3A_720 = arith.constant 1 : i32
        %parallel_loop3A_721 = arith.index_cast %parallel_loop3A_720 : i32 to index
        %parallel_loop3A_722 = arith.index_cast %parallel_loop3A_689 : i32 to index
        %parallel_loop3A_723 = tpu.vector_load %arg14[%parallel_loop3A_721, %parallel_loop3A_722] {strides = array<i32>} : memref<8x2048xf32, #tpu.memory_space<vmem>>, vector<1x16xf32>,
        %parallel_loop3A_724 = vector.shape_cast %parallel_loop3A_723 : vector<1x16xf32> to vector<16xf32>
        %parallel_loop3A_725 = vector.shape_cast %parallel_loop3A_719 : vector<16xf32> to vector<1x16xf32>
        tpu.vector_store %arg14[%parallel_loop3A_721, %parallel_loop3A_722], %parallel_loop3A_725 {strides = array<i32>} : memref<8x2048xf32, #tpu.memory_space<vmem>>, vector<1x16xf32>,
        %parallel_loop3A_726 = arith.constant 2 : i32
        %parallel_loop3A_727 = arith.index_cast %parallel_loop3A_726 : i32 to index
        %parallel_loop3A_728 = arith.index_cast %parallel_loop3A_689 : i32 to index
        %parallel_loop3A_729 = tpu.vector_load %arg10[%parallel_loop3A_727, %parallel_loop3A_728] {strides = array<i32>} : memref<8x2048xf32, #tpu.memory_space<vmem>>, vector<1x16xf32>,
        %parallel_loop3A_730 = vector.shape_cast %parallel_loop3A_729 : vector<1x16xf32> to vector<16xf32>
        %parallel_loop3A_731 = arith.constant 2 : i32
        %parallel_loop3A_732 = arith.index_cast %parallel_loop3A_731 : i32 to index
        %parallel_loop3A_733 = arith.index_cast %parallel_loop3A_689 : i32 to index
        %parallel_loop3A_734 = tpu.vector_load %arg11[%parallel_loop3A_732, %parallel_loop3A_733] {strides = array<i32>} : memref<8x2048xf32, #tpu.memory_space<vmem>>, vector<1x16xf32>,
        %parallel_loop3A_735 = vector.shape_cast %parallel_loop3A_734 : vector<1x16xf32> to vector<16xf32>
        %parallel_loop3A_736 = arith.addf %parallel_loop3A_730, %parallel_loop3A_735 : vector<16xf32>
        %parallel_loop3A_737 = arith.mulf %parallel_loop3A_736, %select_n3A_324 : vector<16xf32>
        %parallel_loop3A_738 = arith.constant 2 : i32
        %parallel_loop3A_739 = arith.index_cast %parallel_loop3A_738 : i32 to index
        %parallel_loop3A_740 = arith.index_cast %parallel_loop3A_689 : i32 to index
        %parallel_loop3A_741 = tpu.vector_load %arg14[%parallel_loop3A_739, %parallel_loop3A_740] {strides = array<i32>} : memref<8x2048xf32, #tpu.memory_space<vmem>>, vector<1x16xf32>,
        %parallel_loop3A_742 = vector.shape_cast %parallel_loop3A_741 : vector<1x16xf32> to vector<16xf32>
        %parallel_loop3A_743 = vector.shape_cast %parallel_loop3A_737 : vector<16xf32> to vector<1x16xf32>
        tpu.vector_store %arg14[%parallel_loop3A_739, %parallel_loop3A_740], %parallel_loop3A_743 {strides = array<i32>} : memref<8x2048xf32, #tpu.memory_space<vmem>>, vector<1x16xf32>,
        %parallel_loop3A_744 = arith.constant 3 : i32
        %parallel_loop3A_745 = arith.index_cast %parallel_loop3A_744 : i32 to index
        %parallel_loop3A_746 = arith.index_cast %parallel_loop3A_689 : i32 to index
        %parallel_loop3A_747 = tpu.vector_load %arg10[%parallel_loop3A_745, %parallel_loop3A_746] {strides = array<i32>} : memref<8x2048xf32, #tpu.memory_space<vmem>>, vector<1x16xf32>,
        %parallel_loop3A_748 = vector.shape_cast %parallel_loop3A_747 : vector<1x16xf32> to vector<16xf32>
        %parallel_loop3A_749 = arith.constant 3 : i32
        %parallel_loop3A_750 = arith.index_cast %parallel_loop3A_749 : i32 to index
        %parallel_loop3A_751 = arith.index_cast %parallel_loop3A_689 : i32 to index
        %parallel_loop3A_752 = tpu.vector_load %arg11[%parallel_loop3A_750, %parallel_loop3A_751] {strides = array<i32>} : memref<8x2048xf32, #tpu.memory_space<vmem>>, vector<1x16xf32>,
        %parallel_loop3A_753 = vector.shape_cast %parallel_loop3A_752 : vector<1x16xf32> to vector<16xf32>
        %parallel_loop3A_754 = arith.addf %parallel_loop3A_748, %parallel_loop3A_753 : vector<16xf32>
        %parallel_loop3A_755 = arith.mulf %parallel_loop3A_754, %select_n3A_329 : vector<16xf32>
        %parallel_loop3A_756 = arith.constant 3 : i32
        %parallel_loop3A_757 = arith.index_cast %parallel_loop3A_756 : i32 to index
        %parallel_loop3A_758 = arith.index_cast %parallel_loop3A_689 : i32 to index
        %parallel_loop3A_759 = tpu.vector_load %arg14[%parallel_loop3A_757, %parallel_loop3A_758] {strides = array<i32>} : memref<8x2048xf32, #tpu.memory_space<vmem>>, vector<1x16xf32>,
        %parallel_loop3A_760 = vector.shape_cast %parallel_loop3A_759 : vector<1x16xf32> to vector<16xf32>
        %parallel_loop3A_761 = vector.shape_cast %parallel_loop3A_755 : vector<16xf32> to vector<1x16xf32>
        tpu.vector_store %arg14[%parallel_loop3A_757, %parallel_loop3A_758], %parallel_loop3A_761 {strides = array<i32>} : memref<8x2048xf32, #tpu.memory_space<vmem>>, vector<1x16xf32>,
        %parallel_loop3A_762 = arith.constant 4 : i32
        %parallel_loop3A_763 = arith.index_cast %parallel_loop3A_762 : i32 to index
        %parallel_loop3A_764 = arith.index_cast %parallel_loop3A_689 : i32 to index
        %parallel_loop3A_765 = tpu.vector_load %arg10[%parallel_loop3A_763, %parallel_loop3A_764] {strides = array<i32>} : memref<8x2048xf32, #tpu.memory_space<vmem>>, vector<1x16xf32>,
        %parallel_loop3A_766 = vector.shape_cast %parallel_loop3A_765 : vector<1x16xf32> to vector<16xf32>
        %parallel_loop3A_767 = arith.constant 4 : i32
        %parallel_loop3A_768 = arith.index_cast %parallel_loop3A_767 : i32 to index
        %parallel_loop3A_769 = arith.index_cast %parallel_loop3A_689 : i32 to index
        %parallel_loop3A_770 = tpu.vector_load %arg11[%parallel_loop3A_768, %parallel_loop3A_769] {strides = array<i32>} : memref<8x2048xf32, #tpu.memory_space<vmem>>, vector<1x16xf32>,
        %parallel_loop3A_771 = vector.shape_cast %parallel_loop3A_770 : vector<1x16xf32> to vector<16xf32>
        %parallel_loop3A_772 = arith.addf %parallel_loop3A_766, %parallel_loop3A_771 : vector<16xf32>
        %parallel_loop3A_773 = arith.mulf %parallel_loop3A_772, %select_n3A_334 : vector<16xf32>
        %parallel_loop3A_774 = arith.constant 4 : i32
        %parallel_loop3A_775 = arith.index_cast %parallel_loop3A_774 : i32 to index
        %parallel_loop3A_776 = arith.index_cast %parallel_loop3A_689 : i32 to index
        %parallel_loop3A_777 = tpu.vector_load %arg14[%parallel_loop3A_775, %parallel_loop3A_776] {strides = array<i32>} : memref<8x2048xf32, #tpu.memory_space<vmem>>, vector<1x16xf32>,
        %parallel_loop3A_778 = vector.shape_cast %parallel_loop3A_777 : vector<1x16xf32> to vector<16xf32>
        %parallel_loop3A_779 = vector.shape_cast %parallel_loop3A_773 : vector<16xf32> to vector<1x16xf32>
        tpu.vector_store %arg14[%parallel_loop3A_775, %parallel_loop3A_776], %parallel_loop3A_779 {strides = array<i32>} : memref<8x2048xf32, #tpu.memory_space<vmem>>, vector<1x16xf32>,
        %parallel_loop3A_780 = arith.constant 5 : i32
        %parallel_loop3A_781 = arith.index_cast %parallel_loop3A_780 : i32 to index
        %parallel_loop3A_782 = arith.index_cast %parallel_loop3A_689 : i32 to index
        %parallel_loop3A_783 = tpu.vector_load %arg10[%parallel_loop3A_781, %parallel_loop3A_782] {strides = array<i32>} : memref<8x2048xf32, #tpu.memory_space<vmem>>, vector<1x16xf32>,
        %parallel_loop3A_784 = vector.shape_cast %parallel_loop3A_783 : vector<1x16xf32> to vector<16xf32>
        %parallel_loop3A_785 = arith.constant 5 : i32
        %parallel_loop3A_786 = arith.index_cast %parallel_loop3A_785 : i32 to index
        %parallel_loop3A_787 = arith.index_cast %parallel_loop3A_689 : i32 to index
        %parallel_loop3A_788 = tpu.vector_load %arg11[%parallel_loop3A_786, %parallel_loop3A_787] {strides = array<i32>} : memref<8x2048xf32, #tpu.memory_space<vmem>>, vector<1x16xf32>,
        %parallel_loop3A_789 = vector.shape_cast %parallel_loop3A_788 : vector<1x16xf32> to vector<16xf32>
        %parallel_loop3A_790 = arith.addf %parallel_loop3A_784, %parallel_loop3A_789 : vector<16xf32>
        %parallel_loop3A_791 = arith.mulf %parallel_loop3A_790, %select_n3A_339 : vector<16xf32>
        %parallel_loop3A_792 = arith.constant 5 : i32
        %parallel_loop3A_793 = arith.index_cast %parallel_loop3A_792 : i32 to index
        %parallel_loop3A_794 = arith.index_cast %parallel_loop3A_689 : i32 to index
        %parallel_loop3A_795 = tpu.vector_load %arg14[%parallel_loop3A_793, %parallel_loop3A_794] {strides = array<i32>} : memref<8x2048xf32, #tpu.memory_space<vmem>>, vector<1x16xf32>,
        %parallel_loop3A_796 = vector.shape_cast %parallel_loop3A_795 : vector<1x16xf32> to vector<16xf32>
        %parallel_loop3A_797 = vector.shape_cast %parallel_loop3A_791 : vector<16xf32> to vector<1x16xf32>
        tpu.vector_store %arg14[%parallel_loop3A_793, %parallel_loop3A_794], %parallel_loop3A_797 {strides = array<i32>} : memref<8x2048xf32, #tpu.memory_space<vmem>>, vector<1x16xf32>,
        %parallel_loop3A_798 = arith.constant 6 : i32
        %parallel_loop3A_799 = arith.index_cast %parallel_loop3A_798 : i32 to index
        %parallel_loop3A_800 = arith.index_cast %parallel_loop3A_689 : i32 to index
        %parallel_loop3A_801 = tpu.vector_load %arg10[%parallel_loop3A_799, %parallel_loop3A_800] {strides = array<i32>} : memref<8x2048xf32, #tpu.memory_space<vmem>>, vector<1x16xf32>,
        %parallel_loop3A_802 = vector.shape_cast %parallel_loop3A_801 : vector<1x16xf32> to vector<16xf32>
        %parallel_loop3A_803 = arith.constant 6 : i32
        %parallel_loop3A_804 = arith.index_cast %parallel_loop3A_803 : i32 to index
        %parallel_loop3A_805 = arith.index_cast %parallel_loop3A_689 : i32 to index
        %parallel_loop3A_806 = tpu.vector_load %arg11[%parallel_loop3A_804, %parallel_loop3A_805] {strides = array<i32>} : memref<8x2048xf32, #tpu.memory_space<vmem>>, vector<1x16xf32>,
        %parallel_loop3A_807 = vector.shape_cast %parallel_loop3A_806 : vector<1x16xf32> to vector<16xf32>
        %parallel_loop3A_808 = arith.addf %parallel_loop3A_802, %parallel_loop3A_807 : vector<16xf32>
        %parallel_loop3A_809 = arith.mulf %parallel_loop3A_808, %select_n3A_344 : vector<16xf32>
        %parallel_loop3A_810 = arith.constant 6 : i32
        %parallel_loop3A_811 = arith.index_cast %parallel_loop3A_810 : i32 to index
        %parallel_loop3A_812 = arith.index_cast %parallel_loop3A_689 : i32 to index
        %parallel_loop3A_813 = tpu.vector_load %arg14[%parallel_loop3A_811, %parallel_loop3A_812] {strides = array<i32>} : memref<8x2048xf32, #tpu.memory_space<vmem>>, vector<1x16xf32>,
        %parallel_loop3A_814 = vector.shape_cast %parallel_loop3A_813 : vector<1x16xf32> to vector<16xf32>
        %parallel_loop3A_815 = vector.shape_cast %parallel_loop3A_809 : vector<16xf32> to vector<1x16xf32>
        tpu.vector_store %arg14[%parallel_loop3A_811, %parallel_loop3A_812], %parallel_loop3A_815 {strides = array<i32>} : memref<8x2048xf32, #tpu.memory_space<vmem>>, vector<1x16xf32>,
        %parallel_loop3A_816 = arith.constant 7 : i32
        %parallel_loop3A_817 = arith.index_cast %parallel_loop3A_816 : i32 to index
        %parallel_loop3A_818 = arith.index_cast %parallel_loop3A_689 : i32 to index
        %parallel_loop3A_819 = tpu.vector_load %arg10[%parallel_loop3A_817, %parallel_loop3A_818] {strides = array<i32>} : memref<8x2048xf32, #tpu.memory_space<vmem>>, vector<1x16xf32>,
        %parallel_loop3A_820 = vector.shape_cast %parallel_loop3A_819 : vector<1x16xf32> to vector<16xf32>
        %parallel_loop3A_821 = arith.constant 7 : i32
        %parallel_loop3A_822 = arith.index_cast %parallel_loop3A_821 : i32 to index
        %parallel_loop3A_823 = arith.index_cast %parallel_loop3A_689 : i32 to index
        %parallel_loop3A_824 = tpu.vector_load %arg11[%parallel_loop3A_822, %parallel_loop3A_823] {strides = array<i32>} : memref<8x2048xf32, #tpu.memory_space<vmem>>, vector<1x16xf32>,
        %parallel_loop3A_825 = vector.shape_cast %parallel_loop3A_824 : vector<1x16xf32> to vector<16xf32>
        %parallel_loop3A_826 = arith.addf %parallel_loop3A_820, %parallel_loop3A_825 : vector<16xf32>
        %parallel_loop3A_827 = arith.mulf %parallel_loop3A_826, %select_n3A_349 : vector<16xf32>
        %parallel_loop3A_828 = arith.constant 7 : i32
        %parallel_loop3A_829 = arith.index_cast %parallel_loop3A_828 : i32 to index
        %parallel_loop3A_830 = arith.index_cast %parallel_loop3A_689 : i32 to index
        %parallel_loop3A_831 = tpu.vector_load %arg14[%parallel_loop3A_829, %parallel_loop3A_830] {strides = array<i32>} : memref<8x2048xf32, #tpu.memory_space<vmem>>, vector<1x16xf32>,
        %parallel_loop3A_832 = vector.shape_cast %parallel_loop3A_831 : vector<1x16xf32> to vector<16xf32>
        %parallel_loop3A_833 = vector.shape_cast %parallel_loop3A_827 : vector<16xf32> to vector<1x16xf32>
        tpu.vector_store %arg14[%parallel_loop3A_829, %parallel_loop3A_830], %parallel_loop3A_833 {strides = array<i32>} : memref<8x2048xf32, #tpu.memory_space<vmem>>, vector<1x16xf32>,
      } {sc.loop_unroll_factor = 2 : i64, sc.parallel_access}
      %add3A_353 = arith.constant 6144 : i32
      %add3A_354 = arith.addi %add3A_353, %mul3A_4 : i32
      %mul3A_355 = arith.constant 8 : i32
      %mul3A_356 = arith.muli %add3A_66, %mul3A_355 : i32
      %add3A_357 = arith.addi %add3A_354, %mul3A_356 : i32
      %dma_start3A_358 = arith.constant 0 : i32
      %dma_start3A_359 = tpu.memref_slice %arg6[%add3A_357, %dma_start3A_358] : memref<8192x2048xf32, #tpu.memory_space<hbm>> -> memref<8x2048xf32, #tpu.memory_space<hbm>>
      %dma_start3A_360 = arith.constant 0 : i32
      %dma_start3A_361 = tpu.memref_slice %arg6[%add3A_357, %dma_start3A_360] : memref<8192x2048xf32, #tpu.memory_space<hbm>> -> memref<8x2048xf32, #tpu.memory_space<hbm>>
      tpu.enqueue_dma source(%arg14 : memref<8x2048xf32, #tpu.memory_space<vmem>>) target(%dma_start3A_361 : memref<8x2048xf32, #tpu.memory_space<hbm>>) target_semaphore(%arg20 : memref<!tpu.dma_semaphore, #tpu.memory_space<semaphore_mem>>)
      %add3A_362 = arith.constant 2 : i32
      %add3A_363 = arith.addi %add3A_299, %add3A_362 : i32
      %dma_start3A_364 = arith.constant 0 : i32
      %dma_start3A_365 = tpu.memref_slice %arg7[%add3A_363, %dma_start3A_364] : memref<32x8xi32, #tpu.memory_space<vmem>> -> memref<1x8xi32, #tpu.memory_space<vmem>>
      %dma_start3A_366 = tpu.memref_squeeze %dma_start3A_365 : memref<1x8xi32, #tpu.memory_space<vmem>> -> memref<8xi32, #tpu.memory_space<vmem>>
      %dma_start3A_367 = arith.constant 0 : i32
      %dma_start3A_368 = arith.constant 0 : i32
      %dma_start3A_369 = tpu.memref_slice %arg4[%dma_start3A_367, %dma_start3A_368] : memref<100000x2048xf32, #tpu.memory_space<hbm>> -> memref<100000x2048xf32, #tpu.memory_space<hbm>>
      tpu.enqueue_indirect_dma source(%dma_start3A_369 : memref<100000x2048xf32, #tpu.memory_space<hbm>>) target(%arg10 : memref<8x2048xf32, #tpu.memory_space<vmem>>) offsets(%dma_start3A_366 : memref<8xi32, #tpu.memory_space<vmem>>) semaphore(%arg16 : memref<!tpu.dma_semaphore, #tpu.memory_space<semaphore_mem>>)
      %lt3A = arith.constant 3 : i32
      %lt3A_370 = arith.cmpi slt, %add3A_62, %lt3A : i32
      %convert_element_type3A_371 = arith.extui %lt3A_370 : i1 to i32
      %cond3A_372 = arith.constant 0 : i32
      %cond3A_373 = arith.cmpi ne, %convert_element_type3A_371, %cond3A_372 : i32
      scf.if %cond3A_373 {
        %add3A_687 = arith.constant 2 : i32
        %add3A_688 = arith.addi %add3A_66, %add3A_687 : i32
        %mul3A_689 = arith.constant 8 : i32
        %mul3A_690 = arith.muli %add3A_688, %mul3A_689 : i32
        %add3A_691 = arith.addi %mul3A_4, %mul3A_690 : i32
        %dma_start3A_692 = arith.constant 0 : i32
        %dma_start3A_693 = tpu.memref_slice %arg5[%add3A_691, %dma_start3A_692] : memref<2048x2048xf32, #tpu.memory_space<hbm>> -> memref<8x2048xf32, #tpu.memory_space<hbm>>
        %dma_start3A_694 = arith.constant 0 : i32
        %dma_start3A_695 = tpu.memref_slice %arg5[%add3A_691, %dma_start3A_694] : memref<2048x2048xf32, #tpu.memory_space<hbm>> -> memref<8x2048xf32, #tpu.memory_space<hbm>>
        tpu.enqueue_dma source(%dma_start3A_695 : memref<8x2048xf32, #tpu.memory_space<hbm>>) target(%arg11 : memref<8x2048xf32, #tpu.memory_space<vmem>>) target_semaphore(%arg17 : memref<!tpu.dma_semaphore, #tpu.memory_space<semaphore_mem>>)
      } else {
      }
      %mul3A_374 = arith.constant 2 : i32
      %mul3A_375 = arith.muli %add3A_62, %mul3A_374 : i32
      %add3A_376 = arith.constant 1 : i32
      %add3A_377 = arith.addi %mul3A_375, %add3A_376 : i32
      %mul3A_378 = arith.constant 32 : i32
      %mul3A_379 = arith.muli %add3A_377, %mul3A_378 : i32
      %get3A_380 = arith.index_cast %mul3A_379 : i32 to index
      %get3A_381 = tpu.vector_load %arg8[%get3A_380] {strides = array<i32>} : memref<272xi32, #tpu.memory_space<vmem>>, vector<16xi32>,
      %get3A_382 = vector.shape_cast %get3A_381 : vector<16xi32> to vector<16xi32>
      %add3A_383 = arith.constant 16 : i32
      %add3A_384 = arith.addi %mul3A_379, %add3A_383 : i32
      %get3A_385 = arith.index_cast %add3A_384 : i32 to index
      %get3A_386 = tpu.vector_load %arg8[%get3A_385] {strides = array<i32>} : memref<272xi32, #tpu.memory_space<vmem>>, vector<16xi32>,
      %get3A_387 = vector.shape_cast %get3A_386 : vector<16xi32> to vector<16xi32>
      %dma_wait3A_388 = arith.constant 0 : i32
      %dma_wait3A_389 = tpu.memref_slice %arg5[%mul3A_4, %dma_wait3A_388] : memref<2048x2048xf32, #tpu.memory_space<hbm>> -> memref<8x2048xf32, #tpu.memory_space<hbm>>
      %dma_wait3A_390 = arith.constant 0 : i32
      %dma_wait3A_391 = tpu.memref_slice %arg5[%mul3A_4, %dma_wait3A_390] : memref<2048x2048xf32, #tpu.memory_space<hbm>> -> memref<8x2048xf32, #tpu.memory_space<hbm>>
      tpu.wait_dma2 semaphore(%arg18 : memref<!tpu.dma_semaphore, #tpu.memory_space<semaphore_mem>>) src(%dma_wait3A_391 : memref<8x2048xf32, #tpu.memory_space<hbm>>) dst(%arg12 : memref<8x2048xf32, #tpu.memory_space<vmem>>)
      %mul3A_392 = arith.constant 4 : i32
      %mul3A_393 = arith.muli %add3A_377, %mul3A_392 : i32
      %add3A_394 = arith.constant 0 : i32
      %add3A_395 = arith.addi %mul3A_393, %add3A_394 : i32
      %dma_wait3A_396 = arith.constant 0 : i32
      %dma_wait3A_397 = tpu.memref_slice %arg7[%add3A_395, %dma_wait3A_396] : memref<32x8xi32, #tpu.memory_space<vmem>> -> memref<1x8xi32, #tpu.memory_space<vmem>>
      %dma_wait3A_398 = tpu.memref_squeeze %dma_wait3A_397 : memref<1x8xi32, #tpu.memory_space<vmem>> -> memref<8xi32, #tpu.memory_space<vmem>>
      %dma_wait3A_399 = arith.constant 0 : i32
      %dma_wait3A_400 = arith.constant 0 : i32
      %dma_wait3A_401 = tpu.memref_slice %arg4[%dma_wait3A_399, %dma_wait3A_400] : memref<100000x2048xf32, #tpu.memory_space<hbm>> -> memref<100000x2048xf32, #tpu.memory_space<hbm>>
      tpu.wait_indirect_dma semaphore(%arg15 : memref<!tpu.dma_semaphore, #tpu.memory_space<semaphore_mem>>) src(%dma_wait3A_401 : memref<100000x2048xf32, #tpu.memory_space<hbm>>) dst(%arg9 : memref<8x2048xf32, #tpu.memory_space<vmem>>)
      %dma_wait3A_402 = arith.constant 0 : i32
      %dma_wait3A_403 = tpu.memref_slice %arg6[%mul3A_2, %dma_wait3A_402] : memref<8192x2048xf32, #tpu.memory_space<hbm>> -> memref<8x2048xf32, #tpu.memory_space<hbm>>
      %dma_wait3A_404 = arith.constant 0 : i32
      %dma_wait3A_405 = tpu.memref_slice %arg6[%mul3A_2, %dma_wait3A_404] : memref<8192x2048xf32, #tpu.memory_space<hbm>> -> memref<8x2048xf32, #tpu.memory_space<hbm>>
      tpu.wait_dma2 semaphore(%arg19 : memref<!tpu.dma_semaphore, #tpu.memory_space<semaphore_mem>>) src(%arg13 : memref<8x2048xf32, #tpu.memory_space<vmem>>) dst(%dma_wait3A_405 : memref<8x2048xf32, #tpu.memory_space<hbm>>)
      %slice3A_406 = vector.extract_strided_slice %get3A_382 {offsets = [0], sizes = [1], strides = [1]} : vector<16xi32> to vector<1xi32>
      %squeeze3A_407 = vector.extract %slice3A_406[0] : i32 from vector<1xi32>
      %broadcast_in_dim3A_408 = vector.broadcast %squeeze3A_407 : i32 to vector<16xi32>
      %ne3A_409 = arith.cmpi ne, %broadcast_in_dim3A_408, %broadcast_in_dim3A_10 : vector<16xi32>
      %select_n3A_410 = arith.select %ne3A_409, %broadcast_in_dim3A_12, %broadcast_in_dim3A_14 : vector<16xi1>, vector<16xf32>
      %slice3A_411 = vector.extract_strided_slice %get3A_382 {offsets = [1], sizes = [1], strides = [1]} : vector<16xi32> to vector<1xi32>
      %squeeze3A_412 = vector.extract %slice3A_411[0] : i32 from vector<1xi32>
      %broadcast_in_dim3A_413 = vector.broadcast %squeeze3A_412 : i32 to vector<16xi32>
      %ne3A_414 = arith.cmpi ne, %broadcast_in_dim3A_413, %broadcast_in_dim3A_10 : vector<16xi32>
      %select_n3A_415 = arith.select %ne3A_414, %broadcast_in_dim3A_12, %broadcast_in_dim3A_14 : vector<16xi1>, vector<16xf32>
      %slice3A_416 = vector.extract_strided_slice %get3A_382 {offsets = [2], sizes = [1], strides = [1]} : vector<16xi32> to vector<1xi32>
      %squeeze3A_417 = vector.extract %slice3A_416[0] : i32 from vector<1xi32>
      %broadcast_in_dim3A_418 = vector.broadcast %squeeze3A_417 : i32 to vector<16xi32>
      %ne3A_419 = arith.cmpi ne, %broadcast_in_dim3A_418, %broadcast_in_dim3A_10 : vector<16xi32>
      %select_n3A_420 = arith.select %ne3A_419, %broadcast_in_dim3A_12, %broadcast_in_dim3A_14 : vector<16xi1>, vector<16xf32>
      %slice3A_421 = vector.extract_strided_slice %get3A_382 {offsets = [3], sizes = [1], strides = [1]} : vector<16xi32> to vector<1xi32>
      %squeeze3A_422 = vector.extract %slice3A_421[0] : i32 from vector<1xi32>
      %broadcast_in_dim3A_423 = vector.broadcast %squeeze3A_422 : i32 to vector<16xi32>
      %ne3A_424 = arith.cmpi ne, %broadcast_in_dim3A_423, %broadcast_in_dim3A_10 : vector<16xi32>
      %select_n3A_425 = arith.select %ne3A_424, %broadcast_in_dim3A_12, %broadcast_in_dim3A_14 : vector<16xi1>, vector<16xf32>
      %slice3A_426 = vector.extract_strided_slice %get3A_382 {offsets = [4], sizes = [1], strides = [1]} : vector<16xi32> to vector<1xi32>
      %squeeze3A_427 = vector.extract %slice3A_426[0] : i32 from vector<1xi32>
      %broadcast_in_dim3A_428 = vector.broadcast %squeeze3A_427 : i32 to vector<16xi32>
      %ne3A_429 = arith.cmpi ne, %broadcast_in_dim3A_428, %broadcast_in_dim3A_10 : vector<16xi32>
      %select_n3A_430 = arith.select %ne3A_429, %broadcast_in_dim3A_12, %broadcast_in_dim3A_14 : vector<16xi1>, vector<16xf32>
      %slice3A_431 = vector.extract_strided_slice %get3A_382 {offsets = [5], sizes = [1], strides = [1]} : vector<16xi32> to vector<1xi32>
      %squeeze3A_432 = vector.extract %slice3A_431[0] : i32 from vector<1xi32>
      %broadcast_in_dim3A_433 = vector.broadcast %squeeze3A_432 : i32 to vector<16xi32>
      %ne3A_434 = arith.cmpi ne, %broadcast_in_dim3A_433, %broadcast_in_dim3A_10 : vector<16xi32>
      %select_n3A_435 = arith.select %ne3A_434, %broadcast_in_dim3A_12, %broadcast_in_dim3A_14 : vector<16xi1>, vector<16xf32>
      %slice3A_436 = vector.extract_strided_slice %get3A_382 {offsets = [6], sizes = [1], strides = [1]} : vector<16xi32> to vector<1xi32>
      %squeeze3A_437 = vector.extract %slice3A_436[0] : i32 from vector<1xi32>
      %broadcast_in_dim3A_438 = vector.broadcast %squeeze3A_437 : i32 to vector<16xi32>
      %ne3A_439 = arith.cmpi ne, %broadcast_in_dim3A_438, %broadcast_in_dim3A_10 : vector<16xi32>
      %select_n3A_440 = arith.select %ne3A_439, %broadcast_in_dim3A_12, %broadcast_in_dim3A_14 : vector<16xi1>, vector<16xf32>
      %slice3A_441 = vector.extract_strided_slice %get3A_382 {offsets = [7], sizes = [1], strides = [1]} : vector<16xi32> to vector<1xi32>
      %squeeze3A_442 = vector.extract %slice3A_441[0] : i32 from vector<1xi32>
      %broadcast_in_dim3A_443 = vector.broadcast %squeeze3A_442 : i32 to vector<16xi32>
      %ne3A_444 = arith.cmpi ne, %broadcast_in_dim3A_443, %broadcast_in_dim3A_10 : vector<16xi32>
      %select_n3A_445 = arith.select %ne3A_444, %broadcast_in_dim3A_12, %broadcast_in_dim3A_14 : vector<16xi1>, vector<16xf32>
      %parallel_loop3A_446 = arith.constant 0 : i32
      %parallel_loop3A_447 = arith.constant 128 : i32
      %parallel_loop3A_448 = arith.constant 1 : i32
      scf.for %parallel_loop3A_687 = %parallel_loop3A_446 to %parallel_loop3A_447 step %parallel_loop3A_448  : i32 {
        %parallel_loop3A_688 = arith.constant 16 : i32
        %parallel_loop3A_689 = arith.muli %parallel_loop3A_687, %parallel_loop3A_688 : i32
        %parallel_loop3A_690 = arith.constant 0 : i32
        %parallel_loop3A_691 = arith.index_cast %parallel_loop3A_690 : i32 to index
        %parallel_loop3A_692 = arith.index_cast %parallel_loop3A_689 : i32 to index
        %parallel_loop3A_693 = tpu.vector_load %arg9[%parallel_loop3A_691, %parallel_loop3A_692] {strides = array<i32>} : memref<8x2048xf32, #tpu.memory_space<vmem>>, vector<1x16xf32>,
        %parallel_loop3A_694 = vector.shape_cast %parallel_loop3A_693 : vector<1x16xf32> to vector<16xf32>
        %parallel_loop3A_695 = arith.constant 0 : i32
        %parallel_loop3A_696 = arith.index_cast %parallel_loop3A_695 : i32 to index
        %parallel_loop3A_697 = arith.index_cast %parallel_loop3A_689 : i32 to index
        %parallel_loop3A_698 = tpu.vector_load %arg12[%parallel_loop3A_696, %parallel_loop3A_697] {strides = array<i32>} : memref<8x2048xf32, #tpu.memory_space<vmem>>, vector<1x16xf32>,
        %parallel_loop3A_699 = vector.shape_cast %parallel_loop3A_698 : vector<1x16xf32> to vector<16xf32>
        %parallel_loop3A_700 = arith.addf %parallel_loop3A_694, %parallel_loop3A_699 : vector<16xf32>
        %parallel_loop3A_701 = arith.mulf %parallel_loop3A_700, %select_n3A_410 : vector<16xf32>
        %parallel_loop3A_702 = arith.constant 0 : i32
        %parallel_loop3A_703 = arith.index_cast %parallel_loop3A_702 : i32 to index
        %parallel_loop3A_704 = arith.index_cast %parallel_loop3A_689 : i32 to index
        %parallel_loop3A_705 = tpu.vector_load %arg13[%parallel_loop3A_703, %parallel_loop3A_704] {strides = array<i32>} : memref<8x2048xf32, #tpu.memory_space<vmem>>, vector<1x16xf32>,
        %parallel_loop3A_706 = vector.shape_cast %parallel_loop3A_705 : vector<1x16xf32> to vector<16xf32>
        %parallel_loop3A_707 = vector.shape_cast %parallel_loop3A_701 : vector<16xf32> to vector<1x16xf32>
        tpu.vector_store %arg13[%parallel_loop3A_703, %parallel_loop3A_704], %parallel_loop3A_707 {strides = array<i32>} : memref<8x2048xf32, #tpu.memory_space<vmem>>, vector<1x16xf32>,
        %parallel_loop3A_708 = arith.constant 1 : i32
        %parallel_loop3A_709 = arith.index_cast %parallel_loop3A_708 : i32 to index
        %parallel_loop3A_710 = arith.index_cast %parallel_loop3A_689 : i32 to index
        %parallel_loop3A_711 = tpu.vector_load %arg9[%parallel_loop3A_709, %parallel_loop3A_710] {strides = array<i32>} : memref<8x2048xf32, #tpu.memory_space<vmem>>, vector<1x16xf32>,
        %parallel_loop3A_712 = vector.shape_cast %parallel_loop3A_711 : vector<1x16xf32> to vector<16xf32>
        %parallel_loop3A_713 = arith.constant 1 : i32
        %parallel_loop3A_714 = arith.index_cast %parallel_loop3A_713 : i32 to index
        %parallel_loop3A_715 = arith.index_cast %parallel_loop3A_689 : i32 to index
        %parallel_loop3A_716 = tpu.vector_load %arg12[%parallel_loop3A_714, %parallel_loop3A_715] {strides = array<i32>} : memref<8x2048xf32, #tpu.memory_space<vmem>>, vector<1x16xf32>,
        %parallel_loop3A_717 = vector.shape_cast %parallel_loop3A_716 : vector<1x16xf32> to vector<16xf32>
        %parallel_loop3A_718 = arith.addf %parallel_loop3A_712, %parallel_loop3A_717 : vector<16xf32>
        %parallel_loop3A_719 = arith.mulf %parallel_loop3A_718, %select_n3A_415 : vector<16xf32>
        %parallel_loop3A_720 = arith.constant 1 : i32
        %parallel_loop3A_721 = arith.index_cast %parallel_loop3A_720 : i32 to index
        %parallel_loop3A_722 = arith.index_cast %parallel_loop3A_689 : i32 to index
        %parallel_loop3A_723 = tpu.vector_load %arg13[%parallel_loop3A_721, %parallel_loop3A_722] {strides = array<i32>} : memref<8x2048xf32, #tpu.memory_space<vmem>>, vector<1x16xf32>,
        %parallel_loop3A_724 = vector.shape_cast %parallel_loop3A_723 : vector<1x16xf32> to vector<16xf32>
        %parallel_loop3A_725 = vector.shape_cast %parallel_loop3A_719 : vector<16xf32> to vector<1x16xf32>
        tpu.vector_store %arg13[%parallel_loop3A_721, %parallel_loop3A_722], %parallel_loop3A_725 {strides = array<i32>} : memref<8x2048xf32, #tpu.memory_space<vmem>>, vector<1x16xf32>,
        %parallel_loop3A_726 = arith.constant 2 : i32
        %parallel_loop3A_727 = arith.index_cast %parallel_loop3A_726 : i32 to index
        %parallel_loop3A_728 = arith.index_cast %parallel_loop3A_689 : i32 to index
        %parallel_loop3A_729 = tpu.vector_load %arg9[%parallel_loop3A_727, %parallel_loop3A_728] {strides = array<i32>} : memref<8x2048xf32, #tpu.memory_space<vmem>>, vector<1x16xf32>,
        %parallel_loop3A_730 = vector.shape_cast %parallel_loop3A_729 : vector<1x16xf32> to vector<16xf32>
        %parallel_loop3A_731 = arith.constant 2 : i32
        %parallel_loop3A_732 = arith.index_cast %parallel_loop3A_731 : i32 to index
        %parallel_loop3A_733 = arith.index_cast %parallel_loop3A_689 : i32 to index
        %parallel_loop3A_734 = tpu.vector_load %arg12[%parallel_loop3A_732, %parallel_loop3A_733] {strides = array<i32>} : memref<8x2048xf32, #tpu.memory_space<vmem>>, vector<1x16xf32>,
        %parallel_loop3A_735 = vector.shape_cast %parallel_loop3A_734 : vector<1x16xf32> to vector<16xf32>
        %parallel_loop3A_736 = arith.addf %parallel_loop3A_730, %parallel_loop3A_735 : vector<16xf32>
        %parallel_loop3A_737 = arith.mulf %parallel_loop3A_736, %select_n3A_420 : vector<16xf32>
        %parallel_loop3A_738 = arith.constant 2 : i32
        %parallel_loop3A_739 = arith.index_cast %parallel_loop3A_738 : i32 to index
        %parallel_loop3A_740 = arith.index_cast %parallel_loop3A_689 : i32 to index
        %parallel_loop3A_741 = tpu.vector_load %arg13[%parallel_loop3A_739, %parallel_loop3A_740] {strides = array<i32>} : memref<8x2048xf32, #tpu.memory_space<vmem>>, vector<1x16xf32>,
        %parallel_loop3A_742 = vector.shape_cast %parallel_loop3A_741 : vector<1x16xf32> to vector<16xf32>
        %parallel_loop3A_743 = vector.shape_cast %parallel_loop3A_737 : vector<16xf32> to vector<1x16xf32>
        tpu.vector_store %arg13[%parallel_loop3A_739, %parallel_loop3A_740], %parallel_loop3A_743 {strides = array<i32>} : memref<8x2048xf32, #tpu.memory_space<vmem>>, vector<1x16xf32>,
        %parallel_loop3A_744 = arith.constant 3 : i32
        %parallel_loop3A_745 = arith.index_cast %parallel_loop3A_744 : i32 to index
        %parallel_loop3A_746 = arith.index_cast %parallel_loop3A_689 : i32 to index
        %parallel_loop3A_747 = tpu.vector_load %arg9[%parallel_loop3A_745, %parallel_loop3A_746] {strides = array<i32>} : memref<8x2048xf32, #tpu.memory_space<vmem>>, vector<1x16xf32>,
        %parallel_loop3A_748 = vector.shape_cast %parallel_loop3A_747 : vector<1x16xf32> to vector<16xf32>
        %parallel_loop3A_749 = arith.constant 3 : i32
        %parallel_loop3A_750 = arith.index_cast %parallel_loop3A_749 : i32 to index
        %parallel_loop3A_751 = arith.index_cast %parallel_loop3A_689 : i32 to index
        %parallel_loop3A_752 = tpu.vector_load %arg12[%parallel_loop3A_750, %parallel_loop3A_751] {strides = array<i32>} : memref<8x2048xf32, #tpu.memory_space<vmem>>, vector<1x16xf32>,
        %parallel_loop3A_753 = vector.shape_cast %parallel_loop3A_752 : vector<1x16xf32> to vector<16xf32>
        %parallel_loop3A_754 = arith.addf %parallel_loop3A_748, %parallel_loop3A_753 : vector<16xf32>
        %parallel_loop3A_755 = arith.mulf %parallel_loop3A_754, %select_n3A_425 : vector<16xf32>
        %parallel_loop3A_756 = arith.constant 3 : i32
        %parallel_loop3A_757 = arith.index_cast %parallel_loop3A_756 : i32 to index
        %parallel_loop3A_758 = arith.index_cast %parallel_loop3A_689 : i32 to index
        %parallel_loop3A_759 = tpu.vector_load %arg13[%parallel_loop3A_757, %parallel_loop3A_758] {strides = array<i32>} : memref<8x2048xf32, #tpu.memory_space<vmem>>, vector<1x16xf32>,
        %parallel_loop3A_760 = vector.shape_cast %parallel_loop3A_759 : vector<1x16xf32> to vector<16xf32>
        %parallel_loop3A_761 = vector.shape_cast %parallel_loop3A_755 : vector<16xf32> to vector<1x16xf32>
        tpu.vector_store %arg13[%parallel_loop3A_757, %parallel_loop3A_758], %parallel_loop3A_761 {strides = array<i32>} : memref<8x2048xf32, #tpu.memory_space<vmem>>, vector<1x16xf32>,
        %parallel_loop3A_762 = arith.constant 4 : i32
        %parallel_loop3A_763 = arith.index_cast %parallel_loop3A_762 : i32 to index
        %parallel_loop3A_764 = arith.index_cast %parallel_loop3A_689 : i32 to index
        %parallel_loop3A_765 = tpu.vector_load %arg9[%parallel_loop3A_763, %parallel_loop3A_764] {strides = array<i32>} : memref<8x2048xf32, #tpu.memory_space<vmem>>, vector<1x16xf32>,
        %parallel_loop3A_766 = vector.shape_cast %parallel_loop3A_765 : vector<1x16xf32> to vector<16xf32>
        %parallel_loop3A_767 = arith.constant 4 : i32
        %parallel_loop3A_768 = arith.index_cast %parallel_loop3A_767 : i32 to index
        %parallel_loop3A_769 = arith.index_cast %parallel_loop3A_689 : i32 to index
        %parallel_loop3A_770 = tpu.vector_load %arg12[%parallel_loop3A_768, %parallel_loop3A_769] {strides = array<i32>} : memref<8x2048xf32, #tpu.memory_space<vmem>>, vector<1x16xf32>,
        %parallel_loop3A_771 = vector.shape_cast %parallel_loop3A_770 : vector<1x16xf32> to vector<16xf32>
        %parallel_loop3A_772 = arith.addf %parallel_loop3A_766, %parallel_loop3A_771 : vector<16xf32>
        %parallel_loop3A_773 = arith.mulf %parallel_loop3A_772, %select_n3A_430 : vector<16xf32>
        %parallel_loop3A_774 = arith.constant 4 : i32
        %parallel_loop3A_775 = arith.index_cast %parallel_loop3A_774 : i32 to index
        %parallel_loop3A_776 = arith.index_cast %parallel_loop3A_689 : i32 to index
        %parallel_loop3A_777 = tpu.vector_load %arg13[%parallel_loop3A_775, %parallel_loop3A_776] {strides = array<i32>} : memref<8x2048xf32, #tpu.memory_space<vmem>>, vector<1x16xf32>,
        %parallel_loop3A_778 = vector.shape_cast %parallel_loop3A_777 : vector<1x16xf32> to vector<16xf32>
        %parallel_loop3A_779 = vector.shape_cast %parallel_loop3A_773 : vector<16xf32> to vector<1x16xf32>
        tpu.vector_store %arg13[%parallel_loop3A_775, %parallel_loop3A_776], %parallel_loop3A_779 {strides = array<i32>} : memref<8x2048xf32, #tpu.memory_space<vmem>>, vector<1x16xf32>,
        %parallel_loop3A_780 = arith.constant 5 : i32
        %parallel_loop3A_781 = arith.index_cast %parallel_loop3A_780 : i32 to index
        %parallel_loop3A_782 = arith.index_cast %parallel_loop3A_689 : i32 to index
        %parallel_loop3A_783 = tpu.vector_load %arg9[%parallel_loop3A_781, %parallel_loop3A_782] {strides = array<i32>} : memref<8x2048xf32, #tpu.memory_space<vmem>>, vector<1x16xf32>,
        %parallel_loop3A_784 = vector.shape_cast %parallel_loop3A_783 : vector<1x16xf32> to vector<16xf32>
        %parallel_loop3A_785 = arith.constant 5 : i32
        %parallel_loop3A_786 = arith.index_cast %parallel_loop3A_785 : i32 to index
        %parallel_loop3A_787 = arith.index_cast %parallel_loop3A_689 : i32 to index
        %parallel_loop3A_788 = tpu.vector_load %arg12[%parallel_loop3A_786, %parallel_loop3A_787] {strides = array<i32>} : memref<8x2048xf32, #tpu.memory_space<vmem>>, vector<1x16xf32>,
        %parallel_loop3A_789 = vector.shape_cast %parallel_loop3A_788 : vector<1x16xf32> to vector<16xf32>
        %parallel_loop3A_790 = arith.addf %parallel_loop3A_784, %parallel_loop3A_789 : vector<16xf32>
        %parallel_loop3A_791 = arith.mulf %parallel_loop3A_790, %select_n3A_435 : vector<16xf32>
        %parallel_loop3A_792 = arith.constant 5 : i32
        %parallel_loop3A_793 = arith.index_cast %parallel_loop3A_792 : i32 to index
        %parallel_loop3A_794 = arith.index_cast %parallel_loop3A_689 : i32 to index
        %parallel_loop3A_795 = tpu.vector_load %arg13[%parallel_loop3A_793, %parallel_loop3A_794] {strides = array<i32>} : memref<8x2048xf32, #tpu.memory_space<vmem>>, vector<1x16xf32>,
        %parallel_loop3A_796 = vector.shape_cast %parallel_loop3A_795 : vector<1x16xf32> to vector<16xf32>
        %parallel_loop3A_797 = vector.shape_cast %parallel_loop3A_791 : vector<16xf32> to vector<1x16xf32>
        tpu.vector_store %arg13[%parallel_loop3A_793, %parallel_loop3A_794], %parallel_loop3A_797 {strides = array<i32>} : memref<8x2048xf32, #tpu.memory_space<vmem>>, vector<1x16xf32>,
        %parallel_loop3A_798 = arith.constant 6 : i32
        %parallel_loop3A_799 = arith.index_cast %parallel_loop3A_798 : i32 to index
        %parallel_loop3A_800 = arith.index_cast %parallel_loop3A_689 : i32 to index
        %parallel_loop3A_801 = tpu.vector_load %arg9[%parallel_loop3A_799, %parallel_loop3A_800] {strides = array<i32>} : memref<8x2048xf32, #tpu.memory_space<vmem>>, vector<1x16xf32>,
        %parallel_loop3A_802 = vector.shape_cast %parallel_loop3A_801 : vector<1x16xf32> to vector<16xf32>
        %parallel_loop3A_803 = arith.constant 6 : i32
        %parallel_loop3A_804 = arith.index_cast %parallel_loop3A_803 : i32 to index
        %parallel_loop3A_805 = arith.index_cast %parallel_loop3A_689 : i32 to index
        %parallel_loop3A_806 = tpu.vector_load %arg12[%parallel_loop3A_804, %parallel_loop3A_805] {strides = array<i32>} : memref<8x2048xf32, #tpu.memory_space<vmem>>, vector<1x16xf32>,
        %parallel_loop3A_807 = vector.shape_cast %parallel_loop3A_806 : vector<1x16xf32> to vector<16xf32>
        %parallel_loop3A_808 = arith.addf %parallel_loop3A_802, %parallel_loop3A_807 : vector<16xf32>
        %parallel_loop3A_809 = arith.mulf %parallel_loop3A_808, %select_n3A_440 : vector<16xf32>
        %parallel_loop3A_810 = arith.constant 6 : i32
        %parallel_loop3A_811 = arith.index_cast %parallel_loop3A_810 : i32 to index
        %parallel_loop3A_812 = arith.index_cast %parallel_loop3A_689 : i32 to index
        %parallel_loop3A_813 = tpu.vector_load %arg13[%parallel_loop3A_811, %parallel_loop3A_812] {strides = array<i32>} : memref<8x2048xf32, #tpu.memory_space<vmem>>, vector<1x16xf32>,
        %parallel_loop3A_814 = vector.shape_cast %parallel_loop3A_813 : vector<1x16xf32> to vector<16xf32>
        %parallel_loop3A_815 = vector.shape_cast %parallel_loop3A_809 : vector<16xf32> to vector<1x16xf32>
        tpu.vector_store %arg13[%parallel_loop3A_811, %parallel_loop3A_812], %parallel_loop3A_815 {strides = array<i32>} : memref<8x2048xf32, #tpu.memory_space<vmem>>, vector<1x16xf32>,
        %parallel_loop3A_816 = arith.constant 7 : i32
        %parallel_loop3A_817 = arith.index_cast %parallel_loop3A_816 : i32 to index
        %parallel_loop3A_818 = arith.index_cast %parallel_loop3A_689 : i32 to index
        %parallel_loop3A_819 = tpu.vector_load %arg9[%parallel_loop3A_817, %parallel_loop3A_818] {strides = array<i32>} : memref<8x2048xf32, #tpu.memory_space<vmem>>, vector<1x16xf32>,
        %parallel_loop3A_820 = vector.shape_cast %parallel_loop3A_819 : vector<1x16xf32> to vector<16xf32>
        %parallel_loop3A_821 = arith.constant 7 : i32
        %parallel_loop3A_822 = arith.index_cast %parallel_loop3A_821 : i32 to index
        %parallel_loop3A_823 = arith.index_cast %parallel_loop3A_689 : i32 to index
        %parallel_loop3A_824 = tpu.vector_load %arg12[%parallel_loop3A_822, %parallel_loop3A_823] {strides = array<i32>} : memref<8x2048xf32, #tpu.memory_space<vmem>>, vector<1x16xf32>,
        %parallel_loop3A_825 = vector.shape_cast %parallel_loop3A_824 : vector<1x16xf32> to vector<16xf32>
        %parallel_loop3A_826 = arith.addf %parallel_loop3A_820, %parallel_loop3A_825 : vector<16xf32>
        %parallel_loop3A_827 = arith.mulf %parallel_loop3A_826, %select_n3A_445 : vector<16xf32>
        %parallel_loop3A_828 = arith.constant 7 : i32
        %parallel_loop3A_829 = arith.index_cast %parallel_loop3A_828 : i32 to index
        %parallel_loop3A_830 = arith.index_cast %parallel_loop3A_689 : i32 to index
        %parallel_loop3A_831 = tpu.vector_load %arg13[%parallel_loop3A_829, %parallel_loop3A_830] {strides = array<i32>} : memref<8x2048xf32, #tpu.memory_space<vmem>>, vector<1x16xf32>,
        %parallel_loop3A_832 = vector.shape_cast %parallel_loop3A_831 : vector<1x16xf32> to vector<16xf32>
        %parallel_loop3A_833 = vector.shape_cast %parallel_loop3A_827 : vector<16xf32> to vector<1x16xf32>
        tpu.vector_store %arg13[%parallel_loop3A_829, %parallel_loop3A_830], %parallel_loop3A_833 {strides = array<i32>} : memref<8x2048xf32, #tpu.memory_space<vmem>>, vector<1x16xf32>,
      } {sc.loop_unroll_factor = 2 : i64, sc.parallel_access}
      %add3A_449 = arith.constant 0 : i32
      %add3A_450 = arith.addi %add3A_449, %mul3A_4 : i32
      %mul3A_451 = arith.constant 8 : i32
      %mul3A_452 = arith.muli %add3A_377, %mul3A_451 : i32
      %add3A_453 = arith.addi %add3A_450, %mul3A_452 : i32
      %dma_start3A_454 = arith.constant 0 : i32
      %dma_start3A_455 = tpu.memref_slice %arg6[%add3A_453, %dma_start3A_454] : memref<8192x2048xf32, #tpu.memory_space<hbm>> -> memref<8x2048xf32, #tpu.memory_space<hbm>>
      %dma_start3A_456 = arith.constant 0 : i32
      %dma_start3A_457 = tpu.memref_slice %arg6[%add3A_453, %dma_start3A_456] : memref<8192x2048xf32, #tpu.memory_space<hbm>> -> memref<8x2048xf32, #tpu.memory_space<hbm>>
      tpu.enqueue_dma source(%arg13 : memref<8x2048xf32, #tpu.memory_space<vmem>>) target(%dma_start3A_457 : memref<8x2048xf32, #tpu.memory_space<hbm>>) target_semaphore(%arg19 : memref<!tpu.dma_semaphore, #tpu.memory_space<semaphore_mem>>)
      %add3A_458 = arith.constant 2 : i32
      %add3A_459 = arith.addi %add3A_395, %add3A_458 : i32
      %dma_start3A_460 = arith.constant 0 : i32
      %dma_start3A_461 = tpu.memref_slice %arg7[%add3A_459, %dma_start3A_460] : memref<32x8xi32, #tpu.memory_space<vmem>> -> memref<1x8xi32, #tpu.memory_space<vmem>>
      %dma_start3A_462 = tpu.memref_squeeze %dma_start3A_461 : memref<1x8xi32, #tpu.memory_space<vmem>> -> memref<8xi32, #tpu.memory_space<vmem>>
      %dma_start3A_463 = arith.constant 0 : i32
      %dma_start3A_464 = arith.constant 0 : i32
      %dma_start3A_465 = tpu.memref_slice %arg4[%dma_start3A_463, %dma_start3A_464] : memref<100000x2048xf32, #tpu.memory_space<hbm>> -> memref<100000x2048xf32, #tpu.memory_space<hbm>>
      tpu.enqueue_indirect_dma source(%dma_start3A_465 : memref<100000x2048xf32, #tpu.memory_space<hbm>>) target(%arg9 : memref<8x2048xf32, #tpu.memory_space<vmem>>) offsets(%dma_start3A_462 : memref<8xi32, #tpu.memory_space<vmem>>) semaphore(%arg15 : memref<!tpu.dma_semaphore, #tpu.memory_space<semaphore_mem>>)
      %mul3A_466 = arith.constant 4 : i32
      %mul3A_467 = arith.muli %add3A_377, %mul3A_466 : i32
      %add3A_468 = arith.constant 1 : i32
      %add3A_469 = arith.addi %mul3A_467, %add3A_468 : i32
      %dma_wait3A_470 = arith.constant 0 : i32
      %dma_wait3A_471 = tpu.memref_slice %arg7[%add3A_469, %dma_wait3A_470] : memref<32x8xi32, #tpu.memory_space<vmem>> -> memref<1x8xi32, #tpu.memory_space<vmem>>
      %dma_wait3A_472 = tpu.memref_squeeze %dma_wait3A_471 : memref<1x8xi32, #tpu.memory_space<vmem>> -> memref<8xi32, #tpu.memory_space<vmem>>
      %dma_wait3A_473 = arith.constant 0 : i32
      %dma_wait3A_474 = arith.constant 0 : i32
      %dma_wait3A_475 = tpu.memref_slice %arg4[%dma_wait3A_473, %dma_wait3A_474] : memref<100000x2048xf32, #tpu.memory_space<hbm>> -> memref<100000x2048xf32, #tpu.memory_space<hbm>>
      tpu.wait_indirect_dma semaphore(%arg16 : memref<!tpu.dma_semaphore, #tpu.memory_space<semaphore_mem>>) src(%dma_wait3A_475 : memref<100000x2048xf32, #tpu.memory_space<hbm>>) dst(%arg10 : memref<8x2048xf32, #tpu.memory_space<vmem>>)
      %dma_wait3A_476 = arith.constant 0 : i32
      %dma_wait3A_477 = tpu.memref_slice %arg6[%mul3A_2, %dma_wait3A_476] : memref<8192x2048xf32, #tpu.memory_space<hbm>> -> memref<8x2048xf32, #tpu.memory_space<hbm>>
      %dma_wait3A_478 = arith.constant 0 : i32
      %dma_wait3A_479 = tpu.memref_slice %arg6[%mul3A_2, %dma_wait3A_478] : memref<8192x2048xf32, #tpu.memory_space<hbm>> -> memref<8x2048xf32, #tpu.memory_space<hbm>>
      tpu.wait_dma2 semaphore(%arg20 : memref<!tpu.dma_semaphore, #tpu.memory_space<semaphore_mem>>) src(%arg14 : memref<8x2048xf32, #tpu.memory_space<vmem>>) dst(%dma_wait3A_479 : memref<8x2048xf32, #tpu.memory_space<hbm>>)
      %slice3A_480 = vector.extract_strided_slice %get3A_382 {offsets = [8], sizes = [1], strides = [1]} : vector<16xi32> to vector<1xi32>
      %squeeze3A_481 = vector.extract %slice3A_480[0] : i32 from vector<1xi32>
      %broadcast_in_dim3A_482 = vector.broadcast %squeeze3A_481 : i32 to vector<16xi32>
      %ne3A_483 = arith.cmpi ne, %broadcast_in_dim3A_482, %broadcast_in_dim3A_10 : vector<16xi32>
      %select_n3A_484 = arith.select %ne3A_483, %broadcast_in_dim3A_12, %broadcast_in_dim3A_14 : vector<16xi1>, vector<16xf32>
      %slice3A_485 = vector.extract_strided_slice %get3A_382 {offsets = [9], sizes = [1], strides = [1]} : vector<16xi32> to vector<1xi32>
      %squeeze3A_486 = vector.extract %slice3A_485[0] : i32 from vector<1xi32>
      %broadcast_in_dim3A_487 = vector.broadcast %squeeze3A_486 : i32 to vector<16xi32>
      %ne3A_488 = arith.cmpi ne, %broadcast_in_dim3A_487, %broadcast_in_dim3A_10 : vector<16xi32>
      %select_n3A_489 = arith.select %ne3A_488, %broadcast_in_dim3A_12, %broadcast_in_dim3A_14 : vector<16xi1>, vector<16xf32>
      %slice3A_490 = vector.extract_strided_slice %get3A_382 {offsets = [10], sizes = [1], strides = [1]} : vector<16xi32> to vector<1xi32>
      %squeeze3A_491 = vector.extract %slice3A_490[0] : i32 from vector<1xi32>
      %broadcast_in_dim3A_492 = vector.broadcast %squeeze3A_491 : i32 to vector<16xi32>
      %ne3A_493 = arith.cmpi ne, %broadcast_in_dim3A_492, %broadcast_in_dim3A_10 : vector<16xi32>
      %select_n3A_494 = arith.select %ne3A_493, %broadcast_in_dim3A_12, %broadcast_in_dim3A_14 : vector<16xi1>, vector<16xf32>
      %slice3A_495 = vector.extract_strided_slice %get3A_382 {offsets = [11], sizes = [1], strides = [1]} : vector<16xi32> to vector<1xi32>
      %squeeze3A_496 = vector.extract %slice3A_495[0] : i32 from vector<1xi32>
      %broadcast_in_dim3A_497 = vector.broadcast %squeeze3A_496 : i32 to vector<16xi32>
      %ne3A_498 = arith.cmpi ne, %broadcast_in_dim3A_497, %broadcast_in_dim3A_10 : vector<16xi32>
      %select_n3A_499 = arith.select %ne3A_498, %broadcast_in_dim3A_12, %broadcast_in_dim3A_14 : vector<16xi1>, vector<16xf32>
      %slice3A_500 = vector.extract_strided_slice %get3A_382 {offsets = [12], sizes = [1], strides = [1]} : vector<16xi32> to vector<1xi32>
      %squeeze3A_501 = vector.extract %slice3A_500[0] : i32 from vector<1xi32>
      %broadcast_in_dim3A_502 = vector.broadcast %squeeze3A_501 : i32 to vector<16xi32>
      %ne3A_503 = arith.cmpi ne, %broadcast_in_dim3A_502, %broadcast_in_dim3A_10 : vector<16xi32>
      %select_n3A_504 = arith.select %ne3A_503, %broadcast_in_dim3A_12, %broadcast_in_dim3A_14 : vector<16xi1>, vector<16xf32>
      %slice3A_505 = vector.extract_strided_slice %get3A_382 {offsets = [13], sizes = [1], strides = [1]} : vector<16xi32> to vector<1xi32>
      %squeeze3A_506 = vector.extract %slice3A_505[0] : i32 from vector<1xi32>
      %broadcast_in_dim3A_507 = vector.broadcast %squeeze3A_506 : i32 to vector<16xi32>
      %ne3A_508 = arith.cmpi ne, %broadcast_in_dim3A_507, %broadcast_in_dim3A_10 : vector<16xi32>
      %select_n3A_509 = arith.select %ne3A_508, %broadcast_in_dim3A_12, %broadcast_in_dim3A_14 : vector<16xi1>, vector<16xf32>
      %slice3A_510 = vector.extract_strided_slice %get3A_382 {offsets = [14], sizes = [1], strides = [1]} : vector<16xi32> to vector<1xi32>
      %squeeze3A_511 = vector.extract %slice3A_510[0] : i32 from vector<1xi32>
      %broadcast_in_dim3A_512 = vector.broadcast %squeeze3A_511 : i32 to vector<16xi32>
      %ne3A_513 = arith.cmpi ne, %broadcast_in_dim3A_512, %broadcast_in_dim3A_10 : vector<16xi32>
      %select_n3A_514 = arith.select %ne3A_513, %broadcast_in_dim3A_12, %broadcast_in_dim3A_14 : vector<16xi1>, vector<16xf32>
      %slice3A_515 = vector.extract_strided_slice %get3A_382 {offsets = [15], sizes = [1], strides = [1]} : vector<16xi32> to vector<1xi32>
      %squeeze3A_516 = vector.extract %slice3A_515[0] : i32 from vector<1xi32>
      %broadcast_in_dim3A_517 = vector.broadcast %squeeze3A_516 : i32 to vector<16xi32>
      %ne3A_518 = arith.cmpi ne, %broadcast_in_dim3A_517, %broadcast_in_dim3A_10 : vector<16xi32>
      %select_n3A_519 = arith.select %ne3A_518, %broadcast_in_dim3A_12, %broadcast_in_dim3A_14 : vector<16xi1>, vector<16xf32>
      %parallel_loop3A_520 = arith.constant 0 : i32
      %parallel_loop3A_521 = arith.constant 128 : i32
      %parallel_loop3A_522 = arith.constant 1 : i32
      scf.for %parallel_loop3A_687 = %parallel_loop3A_520 to %parallel_loop3A_521 step %parallel_loop3A_522  : i32 {
        %parallel_loop3A_688 = arith.constant 16 : i32
        %parallel_loop3A_689 = arith.muli %parallel_loop3A_687, %parallel_loop3A_688 : i32
        %parallel_loop3A_690 = arith.constant 0 : i32
        %parallel_loop3A_691 = arith.index_cast %parallel_loop3A_690 : i32 to index
        %parallel_loop3A_692 = arith.index_cast %parallel_loop3A_689 : i32 to index
        %parallel_loop3A_693 = tpu.vector_load %arg10[%parallel_loop3A_691, %parallel_loop3A_692] {strides = array<i32>} : memref<8x2048xf32, #tpu.memory_space<vmem>>, vector<1x16xf32>,
        %parallel_loop3A_694 = vector.shape_cast %parallel_loop3A_693 : vector<1x16xf32> to vector<16xf32>
        %parallel_loop3A_695 = arith.constant 0 : i32
        %parallel_loop3A_696 = arith.index_cast %parallel_loop3A_695 : i32 to index
        %parallel_loop3A_697 = arith.index_cast %parallel_loop3A_689 : i32 to index
        %parallel_loop3A_698 = tpu.vector_load %arg12[%parallel_loop3A_696, %parallel_loop3A_697] {strides = array<i32>} : memref<8x2048xf32, #tpu.memory_space<vmem>>, vector<1x16xf32>,
        %parallel_loop3A_699 = vector.shape_cast %parallel_loop3A_698 : vector<1x16xf32> to vector<16xf32>
        %parallel_loop3A_700 = arith.addf %parallel_loop3A_694, %parallel_loop3A_699 : vector<16xf32>
        %parallel_loop3A_701 = arith.mulf %parallel_loop3A_700, %select_n3A_484 : vector<16xf32>
        %parallel_loop3A_702 = arith.constant 0 : i32
        %parallel_loop3A_703 = arith.index_cast %parallel_loop3A_702 : i32 to index
        %parallel_loop3A_704 = arith.index_cast %parallel_loop3A_689 : i32 to index
        %parallel_loop3A_705 = tpu.vector_load %arg14[%parallel_loop3A_703, %parallel_loop3A_704] {strides = array<i32>} : memref<8x2048xf32, #tpu.memory_space<vmem>>, vector<1x16xf32>,
        %parallel_loop3A_706 = vector.shape_cast %parallel_loop3A_705 : vector<1x16xf32> to vector<16xf32>
        %parallel_loop3A_707 = vector.shape_cast %parallel_loop3A_701 : vector<16xf32> to vector<1x16xf32>
        tpu.vector_store %arg14[%parallel_loop3A_703, %parallel_loop3A_704], %parallel_loop3A_707 {strides = array<i32>} : memref<8x2048xf32, #tpu.memory_space<vmem>>, vector<1x16xf32>,
        %parallel_loop3A_708 = arith.constant 1 : i32
        %parallel_loop3A_709 = arith.index_cast %parallel_loop3A_708 : i32 to index
        %parallel_loop3A_710 = arith.index_cast %parallel_loop3A_689 : i32 to index
        %parallel_loop3A_711 = tpu.vector_load %arg10[%parallel_loop3A_709, %parallel_loop3A_710] {strides = array<i32>} : memref<8x2048xf32, #tpu.memory_space<vmem>>, vector<1x16xf32>,
        %parallel_loop3A_712 = vector.shape_cast %parallel_loop3A_711 : vector<1x16xf32> to vector<16xf32>
        %parallel_loop3A_713 = arith.constant 1 : i32
        %parallel_loop3A_714 = arith.index_cast %parallel_loop3A_713 : i32 to index
        %parallel_loop3A_715 = arith.index_cast %parallel_loop3A_689 : i32 to index
        %parallel_loop3A_716 = tpu.vector_load %arg12[%parallel_loop3A_714, %parallel_loop3A_715] {strides = array<i32>} : memref<8x2048xf32, #tpu.memory_space<vmem>>, vector<1x16xf32>,
        %parallel_loop3A_717 = vector.shape_cast %parallel_loop3A_716 : vector<1x16xf32> to vector<16xf32>
        %parallel_loop3A_718 = arith.addf %parallel_loop3A_712, %parallel_loop3A_717 : vector<16xf32>
        %parallel_loop3A_719 = arith.mulf %parallel_loop3A_718, %select_n3A_489 : vector<16xf32>
        %parallel_loop3A_720 = arith.constant 1 : i32
        %parallel_loop3A_721 = arith.index_cast %parallel_loop3A_720 : i32 to index
        %parallel_loop3A_722 = arith.index_cast %parallel_loop3A_689 : i32 to index
        %parallel_loop3A_723 = tpu.vector_load %arg14[%parallel_loop3A_721, %parallel_loop3A_722] {strides = array<i32>} : memref<8x2048xf32, #tpu.memory_space<vmem>>, vector<1x16xf32>,
        %parallel_loop3A_724 = vector.shape_cast %parallel_loop3A_723 : vector<1x16xf32> to vector<16xf32>
        %parallel_loop3A_725 = vector.shape_cast %parallel_loop3A_719 : vector<16xf32> to vector<1x16xf32>
        tpu.vector_store %arg14[%parallel_loop3A_721, %parallel_loop3A_722], %parallel_loop3A_725 {strides = array<i32>} : memref<8x2048xf32, #tpu.memory_space<vmem>>, vector<1x16xf32>,
        %parallel_loop3A_726 = arith.constant 2 : i32
        %parallel_loop3A_727 = arith.index_cast %parallel_loop3A_726 : i32 to index
        %parallel_loop3A_728 = arith.index_cast %parallel_loop3A_689 : i32 to index
        %parallel_loop3A_729 = tpu.vector_load %arg10[%parallel_loop3A_727, %parallel_loop3A_728] {strides = array<i32>} : memref<8x2048xf32, #tpu.memory_space<vmem>>, vector<1x16xf32>,
        %parallel_loop3A_730 = vector.shape_cast %parallel_loop3A_729 : vector<1x16xf32> to vector<16xf32>
        %parallel_loop3A_731 = arith.constant 2 : i32
        %parallel_loop3A_732 = arith.index_cast %parallel_loop3A_731 : i32 to index
        %parallel_loop3A_733 = arith.index_cast %parallel_loop3A_689 : i32 to index
        %parallel_loop3A_734 = tpu.vector_load %arg12[%parallel_loop3A_732, %parallel_loop3A_733] {strides = array<i32>} : memref<8x2048xf32, #tpu.memory_space<vmem>>, vector<1x16xf32>,
        %parallel_loop3A_735 = vector.shape_cast %parallel_loop3A_734 : vector<1x16xf32> to vector<16xf32>
        %parallel_loop3A_736 = arith.addf %parallel_loop3A_730, %parallel_loop3A_735 : vector<16xf32>
        %parallel_loop3A_737 = arith.mulf %parallel_loop3A_736, %select_n3A_494 : vector<16xf32>
        %parallel_loop3A_738 = arith.constant 2 : i32
        %parallel_loop3A_739 = arith.index_cast %parallel_loop3A_738 : i32 to index
        %parallel_loop3A_740 = arith.index_cast %parallel_loop3A_689 : i32 to index
        %parallel_loop3A_741 = tpu.vector_load %arg14[%parallel_loop3A_739, %parallel_loop3A_740] {strides = array<i32>} : memref<8x2048xf32, #tpu.memory_space<vmem>>, vector<1x16xf32>,
        %parallel_loop3A_742 = vector.shape_cast %parallel_loop3A_741 : vector<1x16xf32> to vector<16xf32>
        %parallel_loop3A_743 = vector.shape_cast %parallel_loop3A_737 : vector<16xf32> to vector<1x16xf32>
        tpu.vector_store %arg14[%parallel_loop3A_739, %parallel_loop3A_740], %parallel_loop3A_743 {strides = array<i32>} : memref<8x2048xf32, #tpu.memory_space<vmem>>, vector<1x16xf32>,
        %parallel_loop3A_744 = arith.constant 3 : i32
        %parallel_loop3A_745 = arith.index_cast %parallel_loop3A_744 : i32 to index
        %parallel_loop3A_746 = arith.index_cast %parallel_loop3A_689 : i32 to index
        %parallel_loop3A_747 = tpu.vector_load %arg10[%parallel_loop3A_745, %parallel_loop3A_746] {strides = array<i32>} : memref<8x2048xf32, #tpu.memory_space<vmem>>, vector<1x16xf32>,
        %parallel_loop3A_748 = vector.shape_cast %parallel_loop3A_747 : vector<1x16xf32> to vector<16xf32>
        %parallel_loop3A_749 = arith.constant 3 : i32
        %parallel_loop3A_750 = arith.index_cast %parallel_loop3A_749 : i32 to index
        %parallel_loop3A_751 = arith.index_cast %parallel_loop3A_689 : i32 to index
        %parallel_loop3A_752 = tpu.vector_load %arg12[%parallel_loop3A_750, %parallel_loop3A_751] {strides = array<i32>} : memref<8x2048xf32, #tpu.memory_space<vmem>>, vector<1x16xf32>,
        %parallel_loop3A_753 = vector.shape_cast %parallel_loop3A_752 : vector<1x16xf32> to vector<16xf32>
        %parallel_loop3A_754 = arith.addf %parallel_loop3A_748, %parallel_loop3A_753 : vector<16xf32>
        %parallel_loop3A_755 = arith.mulf %parallel_loop3A_754, %select_n3A_499 : vector<16xf32>
        %parallel_loop3A_756 = arith.constant 3 : i32
        %parallel_loop3A_757 = arith.index_cast %parallel_loop3A_756 : i32 to index
        %parallel_loop3A_758 = arith.index_cast %parallel_loop3A_689 : i32 to index
        %parallel_loop3A_759 = tpu.vector_load %arg14[%parallel_loop3A_757, %parallel_loop3A_758] {strides = array<i32>} : memref<8x2048xf32, #tpu.memory_space<vmem>>, vector<1x16xf32>,
        %parallel_loop3A_760 = vector.shape_cast %parallel_loop3A_759 : vector<1x16xf32> to vector<16xf32>
        %parallel_loop3A_761 = vector.shape_cast %parallel_loop3A_755 : vector<16xf32> to vector<1x16xf32>
        tpu.vector_store %arg14[%parallel_loop3A_757, %parallel_loop3A_758], %parallel_loop3A_761 {strides = array<i32>} : memref<8x2048xf32, #tpu.memory_space<vmem>>, vector<1x16xf32>,
        %parallel_loop3A_762 = arith.constant 4 : i32
        %parallel_loop3A_763 = arith.index_cast %parallel_loop3A_762 : i32 to index
        %parallel_loop3A_764 = arith.index_cast %parallel_loop3A_689 : i32 to index
        %parallel_loop3A_765 = tpu.vector_load %arg10[%parallel_loop3A_763, %parallel_loop3A_764] {strides = array<i32>} : memref<8x2048xf32, #tpu.memory_space<vmem>>, vector<1x16xf32>,
        %parallel_loop3A_766 = vector.shape_cast %parallel_loop3A_765 : vector<1x16xf32> to vector<16xf32>
        %parallel_loop3A_767 = arith.constant 4 : i32
        %parallel_loop3A_768 = arith.index_cast %parallel_loop3A_767 : i32 to index
        %parallel_loop3A_769 = arith.index_cast %parallel_loop3A_689 : i32 to index
        %parallel_loop3A_770 = tpu.vector_load %arg12[%parallel_loop3A_768, %parallel_loop3A_769] {strides = array<i32>} : memref<8x2048xf32, #tpu.memory_space<vmem>>, vector<1x16xf32>,
        %parallel_loop3A_771 = vector.shape_cast %parallel_loop3A_770 : vector<1x16xf32> to vector<16xf32>
        %parallel_loop3A_772 = arith.addf %parallel_loop3A_766, %parallel_loop3A_771 : vector<16xf32>
        %parallel_loop3A_773 = arith.mulf %parallel_loop3A_772, %select_n3A_504 : vector<16xf32>
        %parallel_loop3A_774 = arith.constant 4 : i32
        %parallel_loop3A_775 = arith.index_cast %parallel_loop3A_774 : i32 to index
        %parallel_loop3A_776 = arith.index_cast %parallel_loop3A_689 : i32 to index
        %parallel_loop3A_777 = tpu.vector_load %arg14[%parallel_loop3A_775, %parallel_loop3A_776] {strides = array<i32>} : memref<8x2048xf32, #tpu.memory_space<vmem>>, vector<1x16xf32>,
        %parallel_loop3A_778 = vector.shape_cast %parallel_loop3A_777 : vector<1x16xf32> to vector<16xf32>
        %parallel_loop3A_779 = vector.shape_cast %parallel_loop3A_773 : vector<16xf32> to vector<1x16xf32>
        tpu.vector_store %arg14[%parallel_loop3A_775, %parallel_loop3A_776], %parallel_loop3A_779 {strides = array<i32>} : memref<8x2048xf32, #tpu.memory_space<vmem>>, vector<1x16xf32>,
        %parallel_loop3A_780 = arith.constant 5 : i32
        %parallel_loop3A_781 = arith.index_cast %parallel_loop3A_780 : i32 to index
        %parallel_loop3A_782 = arith.index_cast %parallel_loop3A_689 : i32 to index
        %parallel_loop3A_783 = tpu.vector_load %arg10[%parallel_loop3A_781, %parallel_loop3A_782] {strides = array<i32>} : memref<8x2048xf32, #tpu.memory_space<vmem>>, vector<1x16xf32>,
        %parallel_loop3A_784 = vector.shape_cast %parallel_loop3A_783 : vector<1x16xf32> to vector<16xf32>
        %parallel_loop3A_785 = arith.constant 5 : i32
        %parallel_loop3A_786 = arith.index_cast %parallel_loop3A_785 : i32 to index
        %parallel_loop3A_787 = arith.index_cast %parallel_loop3A_689 : i32 to index
        %parallel_loop3A_788 = tpu.vector_load %arg12[%parallel_loop3A_786, %parallel_loop3A_787] {strides = array<i32>} : memref<8x2048xf32, #tpu.memory_space<vmem>>, vector<1x16xf32>,
        %parallel_loop3A_789 = vector.shape_cast %parallel_loop3A_788 : vector<1x16xf32> to vector<16xf32>
        %parallel_loop3A_790 = arith.addf %parallel_loop3A_784, %parallel_loop3A_789 : vector<16xf32>
        %parallel_loop3A_791 = arith.mulf %parallel_loop3A_790, %select_n3A_509 : vector<16xf32>
        %parallel_loop3A_792 = arith.constant 5 : i32
        %parallel_loop3A_793 = arith.index_cast %parallel_loop3A_792 : i32 to index
        %parallel_loop3A_794 = arith.index_cast %parallel_loop3A_689 : i32 to index
        %parallel_loop3A_795 = tpu.vector_load %arg14[%parallel_loop3A_793, %parallel_loop3A_794] {strides = array<i32>} : memref<8x2048xf32, #tpu.memory_space<vmem>>, vector<1x16xf32>,
        %parallel_loop3A_796 = vector.shape_cast %parallel_loop3A_795 : vector<1x16xf32> to vector<16xf32>
        %parallel_loop3A_797 = vector.shape_cast %parallel_loop3A_791 : vector<16xf32> to vector<1x16xf32>
        tpu.vector_store %arg14[%parallel_loop3A_793, %parallel_loop3A_794], %parallel_loop3A_797 {strides = array<i32>} : memref<8x2048xf32, #tpu.memory_space<vmem>>, vector<1x16xf32>,
        %parallel_loop3A_798 = arith.constant 6 : i32
        %parallel_loop3A_799 = arith.index_cast %parallel_loop3A_798 : i32 to index
        %parallel_loop3A_800 = arith.index_cast %parallel_loop3A_689 : i32 to index
        %parallel_loop3A_801 = tpu.vector_load %arg10[%parallel_loop3A_799, %parallel_loop3A_800] {strides = array<i32>} : memref<8x2048xf32, #tpu.memory_space<vmem>>, vector<1x16xf32>,
        %parallel_loop3A_802 = vector.shape_cast %parallel_loop3A_801 : vector<1x16xf32> to vector<16xf32>
        %parallel_loop3A_803 = arith.constant 6 : i32
        %parallel_loop3A_804 = arith.index_cast %parallel_loop3A_803 : i32 to index
        %parallel_loop3A_805 = arith.index_cast %parallel_loop3A_689 : i32 to index
        %parallel_loop3A_806 = tpu.vector_load %arg12[%parallel_loop3A_804, %parallel_loop3A_805] {strides = array<i32>} : memref<8x2048xf32, #tpu.memory_space<vmem>>, vector<1x16xf32>,
        %parallel_loop3A_807 = vector.shape_cast %parallel_loop3A_806 : vector<1x16xf32> to vector<16xf32>
        %parallel_loop3A_808 = arith.addf %parallel_loop3A_802, %parallel_loop3A_807 : vector<16xf32>
        %parallel_loop3A_809 = arith.mulf %parallel_loop3A_808, %select_n3A_514 : vector<16xf32>
        %parallel_loop3A_810 = arith.constant 6 : i32
        %parallel_loop3A_811 = arith.index_cast %parallel_loop3A_810 : i32 to index
        %parallel_loop3A_812 = arith.index_cast %parallel_loop3A_689 : i32 to index
        %parallel_loop3A_813 = tpu.vector_load %arg14[%parallel_loop3A_811, %parallel_loop3A_812] {strides = array<i32>} : memref<8x2048xf32, #tpu.memory_space<vmem>>, vector<1x16xf32>,
        %parallel_loop3A_814 = vector.shape_cast %parallel_loop3A_813 : vector<1x16xf32> to vector<16xf32>
        %parallel_loop3A_815 = vector.shape_cast %parallel_loop3A_809 : vector<16xf32> to vector<1x16xf32>
        tpu.vector_store %arg14[%parallel_loop3A_811, %parallel_loop3A_812], %parallel_loop3A_815 {strides = array<i32>} : memref<8x2048xf32, #tpu.memory_space<vmem>>, vector<1x16xf32>,
        %parallel_loop3A_816 = arith.constant 7 : i32
        %parallel_loop3A_817 = arith.index_cast %parallel_loop3A_816 : i32 to index
        %parallel_loop3A_818 = arith.index_cast %parallel_loop3A_689 : i32 to index
        %parallel_loop3A_819 = tpu.vector_load %arg10[%parallel_loop3A_817, %parallel_loop3A_818] {strides = array<i32>} : memref<8x2048xf32, #tpu.memory_space<vmem>>, vector<1x16xf32>,
        %parallel_loop3A_820 = vector.shape_cast %parallel_loop3A_819 : vector<1x16xf32> to vector<16xf32>
        %parallel_loop3A_821 = arith.constant 7 : i32
        %parallel_loop3A_822 = arith.index_cast %parallel_loop3A_821 : i32 to index
        %parallel_loop3A_823 = arith.index_cast %parallel_loop3A_689 : i32 to index
        %parallel_loop3A_824 = tpu.vector_load %arg12[%parallel_loop3A_822, %parallel_loop3A_823] {strides = array<i32>} : memref<8x2048xf32, #tpu.memory_space<vmem>>, vector<1x16xf32>,
        %parallel_loop3A_825 = vector.shape_cast %parallel_loop3A_824 : vector<1x16xf32> to vector<16xf32>
        %parallel_loop3A_826 = arith.addf %parallel_loop3A_820, %parallel_loop3A_825 : vector<16xf32>
        %parallel_loop3A_827 = arith.mulf %parallel_loop3A_826, %select_n3A_519 : vector<16xf32>
        %parallel_loop3A_828 = arith.constant 7 : i32
        %parallel_loop3A_829 = arith.index_cast %parallel_loop3A_828 : i32 to index
        %parallel_loop3A_830 = arith.index_cast %parallel_loop3A_689 : i32 to index
        %parallel_loop3A_831 = tpu.vector_load %arg14[%parallel_loop3A_829, %parallel_loop3A_830] {strides = array<i32>} : memref<8x2048xf32, #tpu.memory_space<vmem>>, vector<1x16xf32>,
        %parallel_loop3A_832 = vector.shape_cast %parallel_loop3A_831 : vector<1x16xf32> to vector<16xf32>
        %parallel_loop3A_833 = vector.shape_cast %parallel_loop3A_827 : vector<16xf32> to vector<1x16xf32>
        tpu.vector_store %arg14[%parallel_loop3A_829, %parallel_loop3A_830], %parallel_loop3A_833 {strides = array<i32>} : memref<8x2048xf32, #tpu.memory_space<vmem>>, vector<1x16xf32>,
      } {sc.loop_unroll_factor = 2 : i64, sc.parallel_access}
      %add3A_523 = arith.constant 2048 : i32
      %add3A_524 = arith.addi %add3A_523, %mul3A_4 : i32
      %mul3A_525 = arith.constant 8 : i32
      %mul3A_526 = arith.muli %add3A_377, %mul3A_525 : i32
      %add3A_527 = arith.addi %add3A_524, %mul3A_526 : i32
      %dma_start3A_528 = arith.constant 0 : i32
      %dma_start3A_529 = tpu.memref_slice %arg6[%add3A_527, %dma_start3A_528] : memref<8192x2048xf32, #tpu.memory_space<hbm>> -> memref<8x2048xf32, #tpu.memory_space<hbm>>
      %dma_start3A_530 = arith.constant 0 : i32
      %dma_start3A_531 = tpu.memref_slice %arg6[%add3A_527, %dma_start3A_530] : memref<8192x2048xf32, #tpu.memory_space<hbm>> -> memref<8x2048xf32, #tpu.memory_space<hbm>>
      tpu.enqueue_dma source(%arg14 : memref<8x2048xf32, #tpu.memory_space<vmem>>) target(%dma_start3A_531 : memref<8x2048xf32, #tpu.memory_space<hbm>>) target_semaphore(%arg20 : memref<!tpu.dma_semaphore, #tpu.memory_space<semaphore_mem>>)
      %add3A_532 = arith.constant 2 : i32
      %add3A_533 = arith.addi %add3A_469, %add3A_532 : i32
      %dma_start3A_534 = arith.constant 0 : i32
      %dma_start3A_535 = tpu.memref_slice %arg7[%add3A_533, %dma_start3A_534] : memref<32x8xi32, #tpu.memory_space<vmem>> -> memref<1x8xi32, #tpu.memory_space<vmem>>
      %dma_start3A_536 = tpu.memref_squeeze %dma_start3A_535 : memref<1x8xi32, #tpu.memory_space<vmem>> -> memref<8xi32, #tpu.memory_space<vmem>>
      %dma_start3A_537 = arith.constant 0 : i32
      %dma_start3A_538 = arith.constant 0 : i32
      %dma_start3A_539 = tpu.memref_slice %arg4[%dma_start3A_537, %dma_start3A_538] : memref<100000x2048xf32, #tpu.memory_space<hbm>> -> memref<100000x2048xf32, #tpu.memory_space<hbm>>
      tpu.enqueue_indirect_dma source(%dma_start3A_539 : memref<100000x2048xf32, #tpu.memory_space<hbm>>) target(%arg10 : memref<8x2048xf32, #tpu.memory_space<vmem>>) offsets(%dma_start3A_536 : memref<8xi32, #tpu.memory_space<vmem>>) semaphore(%arg16 : memref<!tpu.dma_semaphore, #tpu.memory_space<semaphore_mem>>)
      %mul3A_540 = arith.constant 4 : i32
      %mul3A_541 = arith.muli %add3A_377, %mul3A_540 : i32
      %add3A_542 = arith.constant 2 : i32
      %add3A_543 = arith.addi %mul3A_541, %add3A_542 : i32
      %dma_wait3A_544 = arith.constant 0 : i32
      %dma_wait3A_545 = tpu.memref_slice %arg7[%add3A_543, %dma_wait3A_544] : memref<32x8xi32, #tpu.memory_space<vmem>> -> memref<1x8xi32, #tpu.memory_space<vmem>>
      %dma_wait3A_546 = tpu.memref_squeeze %dma_wait3A_545 : memref<1x8xi32, #tpu.memory_space<vmem>> -> memref<8xi32, #tpu.memory_space<vmem>>
      %dma_wait3A_547 = arith.constant 0 : i32
      %dma_wait3A_548 = arith.constant 0 : i32
      %dma_wait3A_549 = tpu.memref_slice %arg4[%dma_wait3A_547, %dma_wait3A_548] : memref<100000x2048xf32, #tpu.memory_space<hbm>> -> memref<100000x2048xf32, #tpu.memory_space<hbm>>
      tpu.wait_indirect_dma semaphore(%arg15 : memref<!tpu.dma_semaphore, #tpu.memory_space<semaphore_mem>>) src(%dma_wait3A_549 : memref<100000x2048xf32, #tpu.memory_space<hbm>>) dst(%arg9 : memref<8x2048xf32, #tpu.memory_space<vmem>>)
      %dma_wait3A_550 = arith.constant 0 : i32
      %dma_wait3A_551 = tpu.memref_slice %arg6[%mul3A_2, %dma_wait3A_550] : memref<8192x2048xf32, #tpu.memory_space<hbm>> -> memref<8x2048xf32, #tpu.memory_space<hbm>>
      %dma_wait3A_552 = arith.constant 0 : i32
      %dma_wait3A_553 = tpu.memref_slice %arg6[%mul3A_2, %dma_wait3A_552] : memref<8192x2048xf32, #tpu.memory_space<hbm>> -> memref<8x2048xf32, #tpu.memory_space<hbm>>
      tpu.wait_dma2 semaphore(%arg19 : memref<!tpu.dma_semaphore, #tpu.memory_space<semaphore_mem>>) src(%arg13 : memref<8x2048xf32, #tpu.memory_space<vmem>>) dst(%dma_wait3A_553 : memref<8x2048xf32, #tpu.memory_space<hbm>>)
      %slice3A_554 = vector.extract_strided_slice %get3A_387 {offsets = [0], sizes = [1], strides = [1]} : vector<16xi32> to vector<1xi32>
      %squeeze3A_555 = vector.extract %slice3A_554[0] : i32 from vector<1xi32>
      %broadcast_in_dim3A_556 = vector.broadcast %squeeze3A_555 : i32 to vector<16xi32>
      %ne3A_557 = arith.cmpi ne, %broadcast_in_dim3A_556, %broadcast_in_dim3A_10 : vector<16xi32>
      %select_n3A_558 = arith.select %ne3A_557, %broadcast_in_dim3A_12, %broadcast_in_dim3A_14 : vector<16xi1>, vector<16xf32>
      %slice3A_559 = vector.extract_strided_slice %get3A_387 {offsets = [1], sizes = [1], strides = [1]} : vector<16xi32> to vector<1xi32>
      %squeeze3A_560 = vector.extract %slice3A_559[0] : i32 from vector<1xi32>
      %broadcast_in_dim3A_561 = vector.broadcast %squeeze3A_560 : i32 to vector<16xi32>
      %ne3A_562 = arith.cmpi ne, %broadcast_in_dim3A_561, %broadcast_in_dim3A_10 : vector<16xi32>
      %select_n3A_563 = arith.select %ne3A_562, %broadcast_in_dim3A_12, %broadcast_in_dim3A_14 : vector<16xi1>, vector<16xf32>
      %slice3A_564 = vector.extract_strided_slice %get3A_387 {offsets = [2], sizes = [1], strides = [1]} : vector<16xi32> to vector<1xi32>
      %squeeze3A_565 = vector.extract %slice3A_564[0] : i32 from vector<1xi32>
      %broadcast_in_dim3A_566 = vector.broadcast %squeeze3A_565 : i32 to vector<16xi32>
      %ne3A_567 = arith.cmpi ne, %broadcast_in_dim3A_566, %broadcast_in_dim3A_10 : vector<16xi32>
      %select_n3A_568 = arith.select %ne3A_567, %broadcast_in_dim3A_12, %broadcast_in_dim3A_14 : vector<16xi1>, vector<16xf32>
      %slice3A_569 = vector.extract_strided_slice %get3A_387 {offsets = [3], sizes = [1], strides = [1]} : vector<16xi32> to vector<1xi32>
      %squeeze3A_570 = vector.extract %slice3A_569[0] : i32 from vector<1xi32>
      %broadcast_in_dim3A_571 = vector.broadcast %squeeze3A_570 : i32 to vector<16xi32>
      %ne3A_572 = arith.cmpi ne, %broadcast_in_dim3A_571, %broadcast_in_dim3A_10 : vector<16xi32>
      %select_n3A_573 = arith.select %ne3A_572, %broadcast_in_dim3A_12, %broadcast_in_dim3A_14 : vector<16xi1>, vector<16xf32>
      %slice3A_574 = vector.extract_strided_slice %get3A_387 {offsets = [4], sizes = [1], strides = [1]} : vector<16xi32> to vector<1xi32>
      %squeeze3A_575 = vector.extract %slice3A_574[0] : i32 from vector<1xi32>
      %broadcast_in_dim3A_576 = vector.broadcast %squeeze3A_575 : i32 to vector<16xi32>
      %ne3A_577 = arith.cmpi ne, %broadcast_in_dim3A_576, %broadcast_in_dim3A_10 : vector<16xi32>
      %select_n3A_578 = arith.select %ne3A_577, %broadcast_in_dim3A_12, %broadcast_in_dim3A_14 : vector<16xi1>, vector<16xf32>
      %slice3A_579 = vector.extract_strided_slice %get3A_387 {offsets = [5], sizes = [1], strides = [1]} : vector<16xi32> to vector<1xi32>
      %squeeze3A_580 = vector.extract %slice3A_579[0] : i32 from vector<1xi32>
      %broadcast_in_dim3A_581 = vector.broadcast %squeeze3A_580 : i32 to vector<16xi32>
      %ne3A_582 = arith.cmpi ne, %broadcast_in_dim3A_581, %broadcast_in_dim3A_10 : vector<16xi32>
      %select_n3A_583 = arith.select %ne3A_582, %broadcast_in_dim3A_12, %broadcast_in_dim3A_14 : vector<16xi1>, vector<16xf32>
      %slice3A_584 = vector.extract_strided_slice %get3A_387 {offsets = [6], sizes = [1], strides = [1]} : vector<16xi32> to vector<1xi32>
      %squeeze3A_585 = vector.extract %slice3A_584[0] : i32 from vector<1xi32>
      %broadcast_in_dim3A_586 = vector.broadcast %squeeze3A_585 : i32 to vector<16xi32>
      %ne3A_587 = arith.cmpi ne, %broadcast_in_dim3A_586, %broadcast_in_dim3A_10 : vector<16xi32>
      %select_n3A_588 = arith.select %ne3A_587, %broadcast_in_dim3A_12, %broadcast_in_dim3A_14 : vector<16xi1>, vector<16xf32>
      %slice3A_589 = vector.extract_strided_slice %get3A_387 {offsets = [7], sizes = [1], strides = [1]} : vector<16xi32> to vector<1xi32>
      %squeeze3A_590 = vector.extract %slice3A_589[0] : i32 from vector<1xi32>
      %broadcast_in_dim3A_591 = vector.broadcast %squeeze3A_590 : i32 to vector<16xi32>
      %ne3A_592 = arith.cmpi ne, %broadcast_in_dim3A_591, %broadcast_in_dim3A_10 : vector<16xi32>
      %select_n3A_593 = arith.select %ne3A_592, %broadcast_in_dim3A_12, %broadcast_in_dim3A_14 : vector<16xi1>, vector<16xf32>
      %parallel_loop3A_594 = arith.constant 0 : i32
      %parallel_loop3A_595 = arith.constant 128 : i32
      %parallel_loop3A_596 = arith.constant 1 : i32
      scf.for %parallel_loop3A_687 = %parallel_loop3A_594 to %parallel_loop3A_595 step %parallel_loop3A_596  : i32 {
        %parallel_loop3A_688 = arith.constant 16 : i32
        %parallel_loop3A_689 = arith.muli %parallel_loop3A_687, %parallel_loop3A_688 : i32
        %parallel_loop3A_690 = arith.constant 0 : i32
        %parallel_loop3A_691 = arith.index_cast %parallel_loop3A_690 : i32 to index
        %parallel_loop3A_692 = arith.index_cast %parallel_loop3A_689 : i32 to index
        %parallel_loop3A_693 = tpu.vector_load %arg9[%parallel_loop3A_691, %parallel_loop3A_692] {strides = array<i32>} : memref<8x2048xf32, #tpu.memory_space<vmem>>, vector<1x16xf32>,
        %parallel_loop3A_694 = vector.shape_cast %parallel_loop3A_693 : vector<1x16xf32> to vector<16xf32>
        %parallel_loop3A_695 = arith.constant 0 : i32
        %parallel_loop3A_696 = arith.index_cast %parallel_loop3A_695 : i32 to index
        %parallel_loop3A_697 = arith.index_cast %parallel_loop3A_689 : i32 to index
        %parallel_loop3A_698 = tpu.vector_load %arg12[%parallel_loop3A_696, %parallel_loop3A_697] {strides = array<i32>} : memref<8x2048xf32, #tpu.memory_space<vmem>>, vector<1x16xf32>,
        %parallel_loop3A_699 = vector.shape_cast %parallel_loop3A_698 : vector<1x16xf32> to vector<16xf32>
        %parallel_loop3A_700 = arith.addf %parallel_loop3A_694, %parallel_loop3A_699 : vector<16xf32>
        %parallel_loop3A_701 = arith.mulf %parallel_loop3A_700, %select_n3A_558 : vector<16xf32>
        %parallel_loop3A_702 = arith.constant 0 : i32
        %parallel_loop3A_703 = arith.index_cast %parallel_loop3A_702 : i32 to index
        %parallel_loop3A_704 = arith.index_cast %parallel_loop3A_689 : i32 to index
        %parallel_loop3A_705 = tpu.vector_load %arg13[%parallel_loop3A_703, %parallel_loop3A_704] {strides = array<i32>} : memref<8x2048xf32, #tpu.memory_space<vmem>>, vector<1x16xf32>,
        %parallel_loop3A_706 = vector.shape_cast %parallel_loop3A_705 : vector<1x16xf32> to vector<16xf32>
        %parallel_loop3A_707 = vector.shape_cast %parallel_loop3A_701 : vector<16xf32> to vector<1x16xf32>
        tpu.vector_store %arg13[%parallel_loop3A_703, %parallel_loop3A_704], %parallel_loop3A_707 {strides = array<i32>} : memref<8x2048xf32, #tpu.memory_space<vmem>>, vector<1x16xf32>,
        %parallel_loop3A_708 = arith.constant 1 : i32
        %parallel_loop3A_709 = arith.index_cast %parallel_loop3A_708 : i32 to index
        %parallel_loop3A_710 = arith.index_cast %parallel_loop3A_689 : i32 to index
        %parallel_loop3A_711 = tpu.vector_load %arg9[%parallel_loop3A_709, %parallel_loop3A_710] {strides = array<i32>} : memref<8x2048xf32, #tpu.memory_space<vmem>>, vector<1x16xf32>,
        %parallel_loop3A_712 = vector.shape_cast %parallel_loop3A_711 : vector<1x16xf32> to vector<16xf32>
        %parallel_loop3A_713 = arith.constant 1 : i32
        %parallel_loop3A_714 = arith.index_cast %parallel_loop3A_713 : i32 to index
        %parallel_loop3A_715 = arith.index_cast %parallel_loop3A_689 : i32 to index
        %parallel_loop3A_716 = tpu.vector_load %arg12[%parallel_loop3A_714, %parallel_loop3A_715] {strides = array<i32>} : memref<8x2048xf32, #tpu.memory_space<vmem>>, vector<1x16xf32>,
        %parallel_loop3A_717 = vector.shape_cast %parallel_loop3A_716 : vector<1x16xf32> to vector<16xf32>
        %parallel_loop3A_718 = arith.addf %parallel_loop3A_712, %parallel_loop3A_717 : vector<16xf32>
        %parallel_loop3A_719 = arith.mulf %parallel_loop3A_718, %select_n3A_563 : vector<16xf32>
        %parallel_loop3A_720 = arith.constant 1 : i32
        %parallel_loop3A_721 = arith.index_cast %parallel_loop3A_720 : i32 to index
        %parallel_loop3A_722 = arith.index_cast %parallel_loop3A_689 : i32 to index
        %parallel_loop3A_723 = tpu.vector_load %arg13[%parallel_loop3A_721, %parallel_loop3A_722] {strides = array<i32>} : memref<8x2048xf32, #tpu.memory_space<vmem>>, vector<1x16xf32>,
        %parallel_loop3A_724 = vector.shape_cast %parallel_loop3A_723 : vector<1x16xf32> to vector<16xf32>
        %parallel_loop3A_725 = vector.shape_cast %parallel_loop3A_719 : vector<16xf32> to vector<1x16xf32>
        tpu.vector_store %arg13[%parallel_loop3A_721, %parallel_loop3A_722], %parallel_loop3A_725 {strides = array<i32>} : memref<8x2048xf32, #tpu.memory_space<vmem>>, vector<1x16xf32>,
        %parallel_loop3A_726 = arith.constant 2 : i32
        %parallel_loop3A_727 = arith.index_cast %parallel_loop3A_726 : i32 to index
        %parallel_loop3A_728 = arith.index_cast %parallel_loop3A_689 : i32 to index
        %parallel_loop3A_729 = tpu.vector_load %arg9[%parallel_loop3A_727, %parallel_loop3A_728] {strides = array<i32>} : memref<8x2048xf32, #tpu.memory_space<vmem>>, vector<1x16xf32>,
        %parallel_loop3A_730 = vector.shape_cast %parallel_loop3A_729 : vector<1x16xf32> to vector<16xf32>
        %parallel_loop3A_731 = arith.constant 2 : i32
        %parallel_loop3A_732 = arith.index_cast %parallel_loop3A_731 : i32 to index
        %parallel_loop3A_733 = arith.index_cast %parallel_loop3A_689 : i32 to index
        %parallel_loop3A_734 = tpu.vector_load %arg12[%parallel_loop3A_732, %parallel_loop3A_733] {strides = array<i32>} : memref<8x2048xf32, #tpu.memory_space<vmem>>, vector<1x16xf32>,
        %parallel_loop3A_735 = vector.shape_cast %parallel_loop3A_734 : vector<1x16xf32> to vector<16xf32>
        %parallel_loop3A_736 = arith.addf %parallel_loop3A_730, %parallel_loop3A_735 : vector<16xf32>
        %parallel_loop3A_737 = arith.mulf %parallel_loop3A_736, %select_n3A_568 : vector<16xf32>
        %parallel_loop3A_738 = arith.constant 2 : i32
        %parallel_loop3A_739 = arith.index_cast %parallel_loop3A_738 : i32 to index
        %parallel_loop3A_740 = arith.index_cast %parallel_loop3A_689 : i32 to index
        %parallel_loop3A_741 = tpu.vector_load %arg13[%parallel_loop3A_739, %parallel_loop3A_740] {strides = array<i32>} : memref<8x2048xf32, #tpu.memory_space<vmem>>, vector<1x16xf32>,
        %parallel_loop3A_742 = vector.shape_cast %parallel_loop3A_741 : vector<1x16xf32> to vector<16xf32>
        %parallel_loop3A_743 = vector.shape_cast %parallel_loop3A_737 : vector<16xf32> to vector<1x16xf32>
        tpu.vector_store %arg13[%parallel_loop3A_739, %parallel_loop3A_740], %parallel_loop3A_743 {strides = array<i32>} : memref<8x2048xf32, #tpu.memory_space<vmem>>, vector<1x16xf32>,
        %parallel_loop3A_744 = arith.constant 3 : i32
        %parallel_loop3A_745 = arith.index_cast %parallel_loop3A_744 : i32 to index
        %parallel_loop3A_746 = arith.index_cast %parallel_loop3A_689 : i32 to index
        %parallel_loop3A_747 = tpu.vector_load %arg9[%parallel_loop3A_745, %parallel_loop3A_746] {strides = array<i32>} : memref<8x2048xf32, #tpu.memory_space<vmem>>, vector<1x16xf32>,
        %parallel_loop3A_748 = vector.shape_cast %parallel_loop3A_747 : vector<1x16xf32> to vector<16xf32>
        %parallel_loop3A_749 = arith.constant 3 : i32
        %parallel_loop3A_750 = arith.index_cast %parallel_loop3A_749 : i32 to index
        %parallel_loop3A_751 = arith.index_cast %parallel_loop3A_689 : i32 to index
        %parallel_loop3A_752 = tpu.vector_load %arg12[%parallel_loop3A_750, %parallel_loop3A_751] {strides = array<i32>} : memref<8x2048xf32, #tpu.memory_space<vmem>>, vector<1x16xf32>,
        %parallel_loop3A_753 = vector.shape_cast %parallel_loop3A_752 : vector<1x16xf32> to vector<16xf32>
        %parallel_loop3A_754 = arith.addf %parallel_loop3A_748, %parallel_loop3A_753 : vector<16xf32>
        %parallel_loop3A_755 = arith.mulf %parallel_loop3A_754, %select_n3A_573 : vector<16xf32>
        %parallel_loop3A_756 = arith.constant 3 : i32
        %parallel_loop3A_757 = arith.index_cast %parallel_loop3A_756 : i32 to index
        %parallel_loop3A_758 = arith.index_cast %parallel_loop3A_689 : i32 to index
        %parallel_loop3A_759 = tpu.vector_load %arg13[%parallel_loop3A_757, %parallel_loop3A_758] {strides = array<i32>} : memref<8x2048xf32, #tpu.memory_space<vmem>>, vector<1x16xf32>,
        %parallel_loop3A_760 = vector.shape_cast %parallel_loop3A_759 : vector<1x16xf32> to vector<16xf32>
        %parallel_loop3A_761 = vector.shape_cast %parallel_loop3A_755 : vector<16xf32> to vector<1x16xf32>
        tpu.vector_store %arg13[%parallel_loop3A_757, %parallel_loop3A_758], %parallel_loop3A_761 {strides = array<i32>} : memref<8x2048xf32, #tpu.memory_space<vmem>>, vector<1x16xf32>,
        %parallel_loop3A_762 = arith.constant 4 : i32
        %parallel_loop3A_763 = arith.index_cast %parallel_loop3A_762 : i32 to index
        %parallel_loop3A_764 = arith.index_cast %parallel_loop3A_689 : i32 to index
        %parallel_loop3A_765 = tpu.vector_load %arg9[%parallel_loop3A_763, %parallel_loop3A_764] {strides = array<i32>} : memref<8x2048xf32, #tpu.memory_space<vmem>>, vector<1x16xf32>,
        %parallel_loop3A_766 = vector.shape_cast %parallel_loop3A_765 : vector<1x16xf32> to vector<16xf32>
        %parallel_loop3A_767 = arith.constant 4 : i32
        %parallel_loop3A_768 = arith.index_cast %parallel_loop3A_767 : i32 to index
        %parallel_loop3A_769 = arith.index_cast %parallel_loop3A_689 : i32 to index
        %parallel_loop3A_770 = tpu.vector_load %arg12[%parallel_loop3A_768, %parallel_loop3A_769] {strides = array<i32>} : memref<8x2048xf32, #tpu.memory_space<vmem>>, vector<1x16xf32>,
        %parallel_loop3A_771 = vector.shape_cast %parallel_loop3A_770 : vector<1x16xf32> to vector<16xf32>
        %parallel_loop3A_772 = arith.addf %parallel_loop3A_766, %parallel_loop3A_771 : vector<16xf32>
        %parallel_loop3A_773 = arith.mulf %parallel_loop3A_772, %select_n3A_578 : vector<16xf32>
        %parallel_loop3A_774 = arith.constant 4 : i32
        %parallel_loop3A_775 = arith.index_cast %parallel_loop3A_774 : i32 to index
        %parallel_loop3A_776 = arith.index_cast %parallel_loop3A_689 : i32 to index
        %parallel_loop3A_777 = tpu.vector_load %arg13[%parallel_loop3A_775, %parallel_loop3A_776] {strides = array<i32>} : memref<8x2048xf32, #tpu.memory_space<vmem>>, vector<1x16xf32>,
        %parallel_loop3A_778 = vector.shape_cast %parallel_loop3A_777 : vector<1x16xf32> to vector<16xf32>
        %parallel_loop3A_779 = vector.shape_cast %parallel_loop3A_773 : vector<16xf32> to vector<1x16xf32>
        tpu.vector_store %arg13[%parallel_loop3A_775, %parallel_loop3A_776], %parallel_loop3A_779 {strides = array<i32>} : memref<8x2048xf32, #tpu.memory_space<vmem>>, vector<1x16xf32>,
        %parallel_loop3A_780 = arith.constant 5 : i32
        %parallel_loop3A_781 = arith.index_cast %parallel_loop3A_780 : i32 to index
        %parallel_loop3A_782 = arith.index_cast %parallel_loop3A_689 : i32 to index
        %parallel_loop3A_783 = tpu.vector_load %arg9[%parallel_loop3A_781, %parallel_loop3A_782] {strides = array<i32>} : memref<8x2048xf32, #tpu.memory_space<vmem>>, vector<1x16xf32>,
        %parallel_loop3A_784 = vector.shape_cast %parallel_loop3A_783 : vector<1x16xf32> to vector<16xf32>
        %parallel_loop3A_785 = arith.constant 5 : i32
        %parallel_loop3A_786 = arith.index_cast %parallel_loop3A_785 : i32 to index
        %parallel_loop3A_787 = arith.index_cast %parallel_loop3A_689 : i32 to index
        %parallel_loop3A_788 = tpu.vector_load %arg12[%parallel_loop3A_786, %parallel_loop3A_787] {strides = array<i32>} : memref<8x2048xf32, #tpu.memory_space<vmem>>, vector<1x16xf32>,
        %parallel_loop3A_789 = vector.shape_cast %parallel_loop3A_788 : vector<1x16xf32> to vector<16xf32>
        %parallel_loop3A_790 = arith.addf %parallel_loop3A_784, %parallel_loop3A_789 : vector<16xf32>
        %parallel_loop3A_791 = arith.mulf %parallel_loop3A_790, %select_n3A_583 : vector<16xf32>
        %parallel_loop3A_792 = arith.constant 5 : i32
        %parallel_loop3A_793 = arith.index_cast %parallel_loop3A_792 : i32 to index
        %parallel_loop3A_794 = arith.index_cast %parallel_loop3A_689 : i32 to index
        %parallel_loop3A_795 = tpu.vector_load %arg13[%parallel_loop3A_793, %parallel_loop3A_794] {strides = array<i32>} : memref<8x2048xf32, #tpu.memory_space<vmem>>, vector<1x16xf32>,
        %parallel_loop3A_796 = vector.shape_cast %parallel_loop3A_795 : vector<1x16xf32> to vector<16xf32>
        %parallel_loop3A_797 = vector.shape_cast %parallel_loop3A_791 : vector<16xf32> to vector<1x16xf32>
        tpu.vector_store %arg13[%parallel_loop3A_793, %parallel_loop3A_794], %parallel_loop3A_797 {strides = array<i32>} : memref<8x2048xf32, #tpu.memory_space<vmem>>, vector<1x16xf32>,
        %parallel_loop3A_798 = arith.constant 6 : i32
        %parallel_loop3A_799 = arith.index_cast %parallel_loop3A_798 : i32 to index
        %parallel_loop3A_800 = arith.index_cast %parallel_loop3A_689 : i32 to index
        %parallel_loop3A_801 = tpu.vector_load %arg9[%parallel_loop3A_799, %parallel_loop3A_800] {strides = array<i32>} : memref<8x2048xf32, #tpu.memory_space<vmem>>, vector<1x16xf32>,
        %parallel_loop3A_802 = vector.shape_cast %parallel_loop3A_801 : vector<1x16xf32> to vector<16xf32>
        %parallel_loop3A_803 = arith.constant 6 : i32
        %parallel_loop3A_804 = arith.index_cast %parallel_loop3A_803 : i32 to index
        %parallel_loop3A_805 = arith.index_cast %parallel_loop3A_689 : i32 to index
        %parallel_loop3A_806 = tpu.vector_load %arg12[%parallel_loop3A_804, %parallel_loop3A_805] {strides = array<i32>} : memref<8x2048xf32, #tpu.memory_space<vmem>>, vector<1x16xf32>,
        %parallel_loop3A_807 = vector.shape_cast %parallel_loop3A_806 : vector<1x16xf32> to vector<16xf32>
        %parallel_loop3A_808 = arith.addf %parallel_loop3A_802, %parallel_loop3A_807 : vector<16xf32>
        %parallel_loop3A_809 = arith.mulf %parallel_loop3A_808, %select_n3A_588 : vector<16xf32>
        %parallel_loop3A_810 = arith.constant 6 : i32
        %parallel_loop3A_811 = arith.index_cast %parallel_loop3A_810 : i32 to index
        %parallel_loop3A_812 = arith.index_cast %parallel_loop3A_689 : i32 to index
        %parallel_loop3A_813 = tpu.vector_load %arg13[%parallel_loop3A_811, %parallel_loop3A_812] {strides = array<i32>} : memref<8x2048xf32, #tpu.memory_space<vmem>>, vector<1x16xf32>,
        %parallel_loop3A_814 = vector.shape_cast %parallel_loop3A_813 : vector<1x16xf32> to vector<16xf32>
        %parallel_loop3A_815 = vector.shape_cast %parallel_loop3A_809 : vector<16xf32> to vector<1x16xf32>
        tpu.vector_store %arg13[%parallel_loop3A_811, %parallel_loop3A_812], %parallel_loop3A_815 {strides = array<i32>} : memref<8x2048xf32, #tpu.memory_space<vmem>>, vector<1x16xf32>,
        %parallel_loop3A_816 = arith.constant 7 : i32
        %parallel_loop3A_817 = arith.index_cast %parallel_loop3A_816 : i32 to index
        %parallel_loop3A_818 = arith.index_cast %parallel_loop3A_689 : i32 to index
        %parallel_loop3A_819 = tpu.vector_load %arg9[%parallel_loop3A_817, %parallel_loop3A_818] {strides = array<i32>} : memref<8x2048xf32, #tpu.memory_space<vmem>>, vector<1x16xf32>,
        %parallel_loop3A_820 = vector.shape_cast %parallel_loop3A_819 : vector<1x16xf32> to vector<16xf32>
        %parallel_loop3A_821 = arith.constant 7 : i32
        %parallel_loop3A_822 = arith.index_cast %parallel_loop3A_821 : i32 to index
        %parallel_loop3A_823 = arith.index_cast %parallel_loop3A_689 : i32 to index
        %parallel_loop3A_824 = tpu.vector_load %arg12[%parallel_loop3A_822, %parallel_loop3A_823] {strides = array<i32>} : memref<8x2048xf32, #tpu.memory_space<vmem>>, vector<1x16xf32>,
        %parallel_loop3A_825 = vector.shape_cast %parallel_loop3A_824 : vector<1x16xf32> to vector<16xf32>
        %parallel_loop3A_826 = arith.addf %parallel_loop3A_820, %parallel_loop3A_825 : vector<16xf32>
        %parallel_loop3A_827 = arith.mulf %parallel_loop3A_826, %select_n3A_593 : vector<16xf32>
        %parallel_loop3A_828 = arith.constant 7 : i32
        %parallel_loop3A_829 = arith.index_cast %parallel_loop3A_828 : i32 to index
        %parallel_loop3A_830 = arith.index_cast %parallel_loop3A_689 : i32 to index
        %parallel_loop3A_831 = tpu.vector_load %arg13[%parallel_loop3A_829, %parallel_loop3A_830] {strides = array<i32>} : memref<8x2048xf32, #tpu.memory_space<vmem>>, vector<1x16xf32>,
        %parallel_loop3A_832 = vector.shape_cast %parallel_loop3A_831 : vector<1x16xf32> to vector<16xf32>
        %parallel_loop3A_833 = vector.shape_cast %parallel_loop3A_827 : vector<16xf32> to vector<1x16xf32>
        tpu.vector_store %arg13[%parallel_loop3A_829, %parallel_loop3A_830], %parallel_loop3A_833 {strides = array<i32>} : memref<8x2048xf32, #tpu.memory_space<vmem>>, vector<1x16xf32>,
      } {sc.loop_unroll_factor = 2 : i64, sc.parallel_access}
      %add3A_597 = arith.constant 4096 : i32
      %add3A_598 = arith.addi %add3A_597, %mul3A_4 : i32
      %mul3A_599 = arith.constant 8 : i32
      %mul3A_600 = arith.muli %add3A_377, %mul3A_599 : i32
      %add3A_601 = arith.addi %add3A_598, %mul3A_600 : i32
      %dma_start3A_602 = arith.constant 0 : i32
      %dma_start3A_603 = tpu.memref_slice %arg6[%add3A_601, %dma_start3A_602] : memref<8192x2048xf32, #tpu.memory_space<hbm>> -> memref<8x2048xf32, #tpu.memory_space<hbm>>
      %dma_start3A_604 = arith.constant 0 : i32
      %dma_start3A_605 = tpu.memref_slice %arg6[%add3A_601, %dma_start3A_604] : memref<8192x2048xf32, #tpu.memory_space<hbm>> -> memref<8x2048xf32, #tpu.memory_space<hbm>>
      tpu.enqueue_dma source(%arg13 : memref<8x2048xf32, #tpu.memory_space<vmem>>) target(%dma_start3A_605 : memref<8x2048xf32, #tpu.memory_space<hbm>>) target_semaphore(%arg19 : memref<!tpu.dma_semaphore, #tpu.memory_space<semaphore_mem>>)
      %lt3A_606 = arith.constant 3 : i32
      %lt3A_607 = arith.cmpi slt, %add3A_62, %lt3A_606 : i32
      %convert_element_type3A_608 = arith.extui %lt3A_607 : i1 to i32
      %cond3A_609 = arith.constant 0 : i32
      %cond3A_610 = arith.cmpi ne, %convert_element_type3A_608, %cond3A_609 : i32
      scf.if %cond3A_610 {
        %add3A_687 = arith.constant 2 : i32
        %add3A_688 = arith.addi %add3A_543, %add3A_687 : i32
        %dma_start3A_689 = arith.constant 0 : i32
        %dma_start3A_690 = tpu.memref_slice %arg7[%add3A_688, %dma_start3A_689] : memref<32x8xi32, #tpu.memory_space<vmem>> -> memref<1x8xi32, #tpu.memory_space<vmem>>
        %dma_start3A_691 = tpu.memref_squeeze %dma_start3A_690 : memref<1x8xi32, #tpu.memory_space<vmem>> -> memref<8xi32, #tpu.memory_space<vmem>>
        %dma_start3A_692 = arith.constant 0 : i32
        %dma_start3A_693 = arith.constant 0 : i32
        %dma_start3A_694 = tpu.memref_slice %arg4[%dma_start3A_692, %dma_start3A_693] : memref<100000x2048xf32, #tpu.memory_space<hbm>> -> memref<100000x2048xf32, #tpu.memory_space<hbm>>
        tpu.enqueue_indirect_dma source(%dma_start3A_694 : memref<100000x2048xf32, #tpu.memory_space<hbm>>) target(%arg9 : memref<8x2048xf32, #tpu.memory_space<vmem>>) offsets(%dma_start3A_691 : memref<8xi32, #tpu.memory_space<vmem>>) semaphore(%arg15 : memref<!tpu.dma_semaphore, #tpu.memory_space<semaphore_mem>>)
      } else {
      }
      %mul3A_611 = arith.constant 4 : i32
      %mul3A_612 = arith.muli %add3A_377, %mul3A_611 : i32
      %add3A_613 = arith.constant 3 : i32
      %add3A_614 = arith.addi %mul3A_612, %add3A_613 : i32
      %dma_wait3A_615 = arith.constant 0 : i32
      %dma_wait3A_616 = tpu.memref_slice %arg7[%add3A_614, %dma_wait3A_615] : memref<32x8xi32, #tpu.memory_space<vmem>> -> memref<1x8xi32, #tpu.memory_space<vmem>>
      %dma_wait3A_617 = tpu.memref_squeeze %dma_wait3A_616 : memref<1x8xi32, #tpu.memory_space<vmem>> -> memref<8xi32, #tpu.memory_space<vmem>>
      %dma_wait3A_618 = arith.constant 0 : i32
      %dma_wait3A_619 = arith.constant 0 : i32
      %dma_wait3A_620 = tpu.memref_slice %arg4[%dma_wait3A_618, %dma_wait3A_619] : memref<100000x2048xf32, #tpu.memory_space<hbm>> -> memref<100000x2048xf32, #tpu.memory_space<hbm>>
      tpu.wait_indirect_dma semaphore(%arg16 : memref<!tpu.dma_semaphore, #tpu.memory_space<semaphore_mem>>) src(%dma_wait3A_620 : memref<100000x2048xf32, #tpu.memory_space<hbm>>) dst(%arg10 : memref<8x2048xf32, #tpu.memory_space<vmem>>)
      %dma_wait3A_621 = arith.constant 0 : i32
      %dma_wait3A_622 = tpu.memref_slice %arg6[%mul3A_2, %dma_wait3A_621] : memref<8192x2048xf32, #tpu.memory_space<hbm>> -> memref<8x2048xf32, #tpu.memory_space<hbm>>
      %dma_wait3A_623 = arith.constant 0 : i32
      %dma_wait3A_624 = tpu.memref_slice %arg6[%mul3A_2, %dma_wait3A_623] : memref<8192x2048xf32, #tpu.memory_space<hbm>> -> memref<8x2048xf32, #tpu.memory_space<hbm>>
      tpu.wait_dma2 semaphore(%arg20 : memref<!tpu.dma_semaphore, #tpu.memory_space<semaphore_mem>>) src(%arg14 : memref<8x2048xf32, #tpu.memory_space<vmem>>) dst(%dma_wait3A_624 : memref<8x2048xf32, #tpu.memory_space<hbm>>)
      %slice3A_625 = vector.extract_strided_slice %get3A_387 {offsets = [8], sizes = [1], strides = [1]} : vector<16xi32> to vector<1xi32>
      %squeeze3A_626 = vector.extract %slice3A_625[0] : i32 from vector<1xi32>
      %broadcast_in_dim3A_627 = vector.broadcast %squeeze3A_626 : i32 to vector<16xi32>
      %ne3A_628 = arith.cmpi ne, %broadcast_in_dim3A_627, %broadcast_in_dim3A_10 : vector<16xi32>
      %select_n3A_629 = arith.select %ne3A_628, %broadcast_in_dim3A_12, %broadcast_in_dim3A_14 : vector<16xi1>, vector<16xf32>
      %slice3A_630 = vector.extract_strided_slice %get3A_387 {offsets = [9], sizes = [1], strides = [1]} : vector<16xi32> to vector<1xi32>
      %squeeze3A_631 = vector.extract %slice3A_630[0] : i32 from vector<1xi32>
      %broadcast_in_dim3A_632 = vector.broadcast %squeeze3A_631 : i32 to vector<16xi32>
      %ne3A_633 = arith.cmpi ne, %broadcast_in_dim3A_632, %broadcast_in_dim3A_10 : vector<16xi32>
      %select_n3A_634 = arith.select %ne3A_633, %broadcast_in_dim3A_12, %broadcast_in_dim3A_14 : vector<16xi1>, vector<16xf32>
      %slice3A_635 = vector.extract_strided_slice %get3A_387 {offsets = [10], sizes = [1], strides = [1]} : vector<16xi32> to vector<1xi32>
      %squeeze3A_636 = vector.extract %slice3A_635[0] : i32 from vector<1xi32>
      %broadcast_in_dim3A_637 = vector.broadcast %squeeze3A_636 : i32 to vector<16xi32>
      %ne3A_638 = arith.cmpi ne, %broadcast_in_dim3A_637, %broadcast_in_dim3A_10 : vector<16xi32>
      %select_n3A_639 = arith.select %ne3A_638, %broadcast_in_dim3A_12, %broadcast_in_dim3A_14 : vector<16xi1>, vector<16xf32>
      %slice3A_640 = vector.extract_strided_slice %get3A_387 {offsets = [11], sizes = [1], strides = [1]} : vector<16xi32> to vector<1xi32>
      %squeeze3A_641 = vector.extract %slice3A_640[0] : i32 from vector<1xi32>
      %broadcast_in_dim3A_642 = vector.broadcast %squeeze3A_641 : i32 to vector<16xi32>
      %ne3A_643 = arith.cmpi ne, %broadcast_in_dim3A_642, %broadcast_in_dim3A_10 : vector<16xi32>
      %select_n3A_644 = arith.select %ne3A_643, %broadcast_in_dim3A_12, %broadcast_in_dim3A_14 : vector<16xi1>, vector<16xf32>
      %slice3A_645 = vector.extract_strided_slice %get3A_387 {offsets = [12], sizes = [1], strides = [1]} : vector<16xi32> to vector<1xi32>
      %squeeze3A_646 = vector.extract %slice3A_645[0] : i32 from vector<1xi32>
      %broadcast_in_dim3A_647 = vector.broadcast %squeeze3A_646 : i32 to vector<16xi32>
      %ne3A_648 = arith.cmpi ne, %broadcast_in_dim3A_647, %broadcast_in_dim3A_10 : vector<16xi32>
      %select_n3A_649 = arith.select %ne3A_648, %broadcast_in_dim3A_12, %broadcast_in_dim3A_14 : vector<16xi1>, vector<16xf32>
      %slice3A_650 = vector.extract_strided_slice %get3A_387 {offsets = [13], sizes = [1], strides = [1]} : vector<16xi32> to vector<1xi32>
      %squeeze3A_651 = vector.extract %slice3A_650[0] : i32 from vector<1xi32>
      %broadcast_in_dim3A_652 = vector.broadcast %squeeze3A_651 : i32 to vector<16xi32>
      %ne3A_653 = arith.cmpi ne, %broadcast_in_dim3A_652, %broadcast_in_dim3A_10 : vector<16xi32>
      %select_n3A_654 = arith.select %ne3A_653, %broadcast_in_dim3A_12, %broadcast_in_dim3A_14 : vector<16xi1>, vector<16xf32>
      %slice3A_655 = vector.extract_strided_slice %get3A_387 {offsets = [14], sizes = [1], strides = [1]} : vector<16xi32> to vector<1xi32>
      %squeeze3A_656 = vector.extract %slice3A_655[0] : i32 from vector<1xi32>
      %broadcast_in_dim3A_657 = vector.broadcast %squeeze3A_656 : i32 to vector<16xi32>
      %ne3A_658 = arith.cmpi ne, %broadcast_in_dim3A_657, %broadcast_in_dim3A_10 : vector<16xi32>
      %select_n3A_659 = arith.select %ne3A_658, %broadcast_in_dim3A_12, %broadcast_in_dim3A_14 : vector<16xi1>, vector<16xf32>
      %slice3A_660 = vector.extract_strided_slice %get3A_387 {offsets = [15], sizes = [1], strides = [1]} : vector<16xi32> to vector<1xi32>
      %squeeze3A_661 = vector.extract %slice3A_660[0] : i32 from vector<1xi32>
      %broadcast_in_dim3A_662 = vector.broadcast %squeeze3A_661 : i32 to vector<16xi32>
      %ne3A_663 = arith.cmpi ne, %broadcast_in_dim3A_662, %broadcast_in_dim3A_10 : vector<16xi32>
      %select_n3A_664 = arith.select %ne3A_663, %broadcast_in_dim3A_12, %broadcast_in_dim3A_14 : vector<16xi1>, vector<16xf32>
      %parallel_loop3A_665 = arith.constant 0 : i32
      %parallel_loop3A_666 = arith.constant 128 : i32
      %parallel_loop3A_667 = arith.constant 1 : i32
      scf.for %parallel_loop3A_687 = %parallel_loop3A_665 to %parallel_loop3A_666 step %parallel_loop3A_667  : i32 {
        %parallel_loop3A_688 = arith.constant 16 : i32
        %parallel_loop3A_689 = arith.muli %parallel_loop3A_687, %parallel_loop3A_688 : i32
        %parallel_loop3A_690 = arith.constant 0 : i32
        %parallel_loop3A_691 = arith.index_cast %parallel_loop3A_690 : i32 to index
        %parallel_loop3A_692 = arith.index_cast %parallel_loop3A_689 : i32 to index
        %parallel_loop3A_693 = tpu.vector_load %arg10[%parallel_loop3A_691, %parallel_loop3A_692] {strides = array<i32>} : memref<8x2048xf32, #tpu.memory_space<vmem>>, vector<1x16xf32>,
        %parallel_loop3A_694 = vector.shape_cast %parallel_loop3A_693 : vector<1x16xf32> to vector<16xf32>
        %parallel_loop3A_695 = arith.constant 0 : i32
        %parallel_loop3A_696 = arith.index_cast %parallel_loop3A_695 : i32 to index
        %parallel_loop3A_697 = arith.index_cast %parallel_loop3A_689 : i32 to index
        %parallel_loop3A_698 = tpu.vector_load %arg12[%parallel_loop3A_696, %parallel_loop3A_697] {strides = array<i32>} : memref<8x2048xf32, #tpu.memory_space<vmem>>, vector<1x16xf32>,
        %parallel_loop3A_699 = vector.shape_cast %parallel_loop3A_698 : vector<1x16xf32> to vector<16xf32>
        %parallel_loop3A_700 = arith.addf %parallel_loop3A_694, %parallel_loop3A_699 : vector<16xf32>
        %parallel_loop3A_701 = arith.mulf %parallel_loop3A_700, %select_n3A_629 : vector<16xf32>
        %parallel_loop3A_702 = arith.constant 0 : i32
        %parallel_loop3A_703 = arith.index_cast %parallel_loop3A_702 : i32 to index
        %parallel_loop3A_704 = arith.index_cast %parallel_loop3A_689 : i32 to index
        %parallel_loop3A_705 = tpu.vector_load %arg14[%parallel_loop3A_703, %parallel_loop3A_704] {strides = array<i32>} : memref<8x2048xf32, #tpu.memory_space<vmem>>, vector<1x16xf32>,
        %parallel_loop3A_706 = vector.shape_cast %parallel_loop3A_705 : vector<1x16xf32> to vector<16xf32>
        %parallel_loop3A_707 = vector.shape_cast %parallel_loop3A_701 : vector<16xf32> to vector<1x16xf32>
        tpu.vector_store %arg14[%parallel_loop3A_703, %parallel_loop3A_704], %parallel_loop3A_707 {strides = array<i32>} : memref<8x2048xf32, #tpu.memory_space<vmem>>, vector<1x16xf32>,
        %parallel_loop3A_708 = arith.constant 1 : i32
        %parallel_loop3A_709 = arith.index_cast %parallel_loop3A_708 : i32 to index
        %parallel_loop3A_710 = arith.index_cast %parallel_loop3A_689 : i32 to index
        %parallel_loop3A_711 = tpu.vector_load %arg10[%parallel_loop3A_709, %parallel_loop3A_710] {strides = array<i32>} : memref<8x2048xf32, #tpu.memory_space<vmem>>, vector<1x16xf32>,
        %parallel_loop3A_712 = vector.shape_cast %parallel_loop3A_711 : vector<1x16xf32> to vector<16xf32>
        %parallel_loop3A_713 = arith.constant 1 : i32
        %parallel_loop3A_714 = arith.index_cast %parallel_loop3A_713 : i32 to index
        %parallel_loop3A_715 = arith.index_cast %parallel_loop3A_689 : i32 to index
        %parallel_loop3A_716 = tpu.vector_load %arg12[%parallel_loop3A_714, %parallel_loop3A_715] {strides = array<i32>} : memref<8x2048xf32, #tpu.memory_space<vmem>>, vector<1x16xf32>,
        %parallel_loop3A_717 = vector.shape_cast %parallel_loop3A_716 : vector<1x16xf32> to vector<16xf32>
        %parallel_loop3A_718 = arith.addf %parallel_loop3A_712, %parallel_loop3A_717 : vector<16xf32>
        %parallel_loop3A_719 = arith.mulf %parallel_loop3A_718, %select_n3A_634 : vector<16xf32>
        %parallel_loop3A_720 = arith.constant 1 : i32
        %parallel_loop3A_721 = arith.index_cast %parallel_loop3A_720 : i32 to index
        %parallel_loop3A_722 = arith.index_cast %parallel_loop3A_689 : i32 to index
        %parallel_loop3A_723 = tpu.vector_load %arg14[%parallel_loop3A_721, %parallel_loop3A_722] {strides = array<i32>} : memref<8x2048xf32, #tpu.memory_space<vmem>>, vector<1x16xf32>,
        %parallel_loop3A_724 = vector.shape_cast %parallel_loop3A_723 : vector<1x16xf32> to vector<16xf32>
        %parallel_loop3A_725 = vector.shape_cast %parallel_loop3A_719 : vector<16xf32> to vector<1x16xf32>
        tpu.vector_store %arg14[%parallel_loop3A_721, %parallel_loop3A_722], %parallel_loop3A_725 {strides = array<i32>} : memref<8x2048xf32, #tpu.memory_space<vmem>>, vector<1x16xf32>,
        %parallel_loop3A_726 = arith.constant 2 : i32
        %parallel_loop3A_727 = arith.index_cast %parallel_loop3A_726 : i32 to index
        %parallel_loop3A_728 = arith.index_cast %parallel_loop3A_689 : i32 to index
        %parallel_loop3A_729 = tpu.vector_load %arg10[%parallel_loop3A_727, %parallel_loop3A_728] {strides = array<i32>} : memref<8x2048xf32, #tpu.memory_space<vmem>>, vector<1x16xf32>,
        %parallel_loop3A_730 = vector.shape_cast %parallel_loop3A_729 : vector<1x16xf32> to vector<16xf32>
        %parallel_loop3A_731 = arith.constant 2 : i32
        %parallel_loop3A_732 = arith.index_cast %parallel_loop3A_731 : i32 to index
        %parallel_loop3A_733 = arith.index_cast %parallel_loop3A_689 : i32 to index
        %parallel_loop3A_734 = tpu.vector_load %arg12[%parallel_loop3A_732, %parallel_loop3A_733] {strides = array<i32>} : memref<8x2048xf32, #tpu.memory_space<vmem>>, vector<1x16xf32>,
        %parallel_loop3A_735 = vector.shape_cast %parallel_loop3A_734 : vector<1x16xf32> to vector<16xf32>
        %parallel_loop3A_736 = arith.addf %parallel_loop3A_730, %parallel_loop3A_735 : vector<16xf32>
        %parallel_loop3A_737 = arith.mulf %parallel_loop3A_736, %select_n3A_639 : vector<16xf32>
        %parallel_loop3A_738 = arith.constant 2 : i32
        %parallel_loop3A_739 = arith.index_cast %parallel_loop3A_738 : i32 to index
        %parallel_loop3A_740 = arith.index_cast %parallel_loop3A_689 : i32 to index
        %parallel_loop3A_741 = tpu.vector_load %arg14[%parallel_loop3A_739, %parallel_loop3A_740] {strides = array<i32>} : memref<8x2048xf32, #tpu.memory_space<vmem>>, vector<1x16xf32>,
        %parallel_loop3A_742 = vector.shape_cast %parallel_loop3A_741 : vector<1x16xf32> to vector<16xf32>
        %parallel_loop3A_743 = vector.shape_cast %parallel_loop3A_737 : vector<16xf32> to vector<1x16xf32>
        tpu.vector_store %arg14[%parallel_loop3A_739, %parallel_loop3A_740], %parallel_loop3A_743 {strides = array<i32>} : memref<8x2048xf32, #tpu.memory_space<vmem>>, vector<1x16xf32>,
        %parallel_loop3A_744 = arith.constant 3 : i32
        %parallel_loop3A_745 = arith.index_cast %parallel_loop3A_744 : i32 to index
        %parallel_loop3A_746 = arith.index_cast %parallel_loop3A_689 : i32 to index
        %parallel_loop3A_747 = tpu.vector_load %arg10[%parallel_loop3A_745, %parallel_loop3A_746] {strides = array<i32>} : memref<8x2048xf32, #tpu.memory_space<vmem>>, vector<1x16xf32>,
        %parallel_loop3A_748 = vector.shape_cast %parallel_loop3A_747 : vector<1x16xf32> to vector<16xf32>
        %parallel_loop3A_749 = arith.constant 3 : i32
        %parallel_loop3A_750 = arith.index_cast %parallel_loop3A_749 : i32 to index
        %parallel_loop3A_751 = arith.index_cast %parallel_loop3A_689 : i32 to index
        %parallel_loop3A_752 = tpu.vector_load %arg12[%parallel_loop3A_750, %parallel_loop3A_751] {strides = array<i32>} : memref<8x2048xf32, #tpu.memory_space<vmem>>, vector<1x16xf32>,
        %parallel_loop3A_753 = vector.shape_cast %parallel_loop3A_752 : vector<1x16xf32> to vector<16xf32>
        %parallel_loop3A_754 = arith.addf %parallel_loop3A_748, %parallel_loop3A_753 : vector<16xf32>
        %parallel_loop3A_755 = arith.mulf %parallel_loop3A_754, %select_n3A_644 : vector<16xf32>
        %parallel_loop3A_756 = arith.constant 3 : i32
        %parallel_loop3A_757 = arith.index_cast %parallel_loop3A_756 : i32 to index
        %parallel_loop3A_758 = arith.index_cast %parallel_loop3A_689 : i32 to index
        %parallel_loop3A_759 = tpu.vector_load %arg14[%parallel_loop3A_757, %parallel_loop3A_758] {strides = array<i32>} : memref<8x2048xf32, #tpu.memory_space<vmem>>, vector<1x16xf32>,
        %parallel_loop3A_760 = vector.shape_cast %parallel_loop3A_759 : vector<1x16xf32> to vector<16xf32>
        %parallel_loop3A_761 = vector.shape_cast %parallel_loop3A_755 : vector<16xf32> to vector<1x16xf32>
        tpu.vector_store %arg14[%parallel_loop3A_757, %parallel_loop3A_758], %parallel_loop3A_761 {strides = array<i32>} : memref<8x2048xf32, #tpu.memory_space<vmem>>, vector<1x16xf32>,
        %parallel_loop3A_762 = arith.constant 4 : i32
        %parallel_loop3A_763 = arith.index_cast %parallel_loop3A_762 : i32 to index
        %parallel_loop3A_764 = arith.index_cast %parallel_loop3A_689 : i32 to index
        %parallel_loop3A_765 = tpu.vector_load %arg10[%parallel_loop3A_763, %parallel_loop3A_764] {strides = array<i32>} : memref<8x2048xf32, #tpu.memory_space<vmem>>, vector<1x16xf32>,
        %parallel_loop3A_766 = vector.shape_cast %parallel_loop3A_765 : vector<1x16xf32> to vector<16xf32>
        %parallel_loop3A_767 = arith.constant 4 : i32
        %parallel_loop3A_768 = arith.index_cast %parallel_loop3A_767 : i32 to index
        %parallel_loop3A_769 = arith.index_cast %parallel_loop3A_689 : i32 to index
        %parallel_loop3A_770 = tpu.vector_load %arg12[%parallel_loop3A_768, %parallel_loop3A_769] {strides = array<i32>} : memref<8x2048xf32, #tpu.memory_space<vmem>>, vector<1x16xf32>,
        %parallel_loop3A_771 = vector.shape_cast %parallel_loop3A_770 : vector<1x16xf32> to vector<16xf32>
        %parallel_loop3A_772 = arith.addf %parallel_loop3A_766, %parallel_loop3A_771 : vector<16xf32>
        %parallel_loop3A_773 = arith.mulf %parallel_loop3A_772, %select_n3A_649 : vector<16xf32>
        %parallel_loop3A_774 = arith.constant 4 : i32
        %parallel_loop3A_775 = arith.index_cast %parallel_loop3A_774 : i32 to index
        %parallel_loop3A_776 = arith.index_cast %parallel_loop3A_689 : i32 to index
        %parallel_loop3A_777 = tpu.vector_load %arg14[%parallel_loop3A_775, %parallel_loop3A_776] {strides = array<i32>} : memref<8x2048xf32, #tpu.memory_space<vmem>>, vector<1x16xf32>,
        %parallel_loop3A_778 = vector.shape_cast %parallel_loop3A_777 : vector<1x16xf32> to vector<16xf32>
        %parallel_loop3A_779 = vector.shape_cast %parallel_loop3A_773 : vector<16xf32> to vector<1x16xf32>
        tpu.vector_store %arg14[%parallel_loop3A_775, %parallel_loop3A_776], %parallel_loop3A_779 {strides = array<i32>} : memref<8x2048xf32, #tpu.memory_space<vmem>>, vector<1x16xf32>,
        %parallel_loop3A_780 = arith.constant 5 : i32
        %parallel_loop3A_781 = arith.index_cast %parallel_loop3A_780 : i32 to index
        %parallel_loop3A_782 = arith.index_cast %parallel_loop3A_689 : i32 to index
        %parallel_loop3A_783 = tpu.vector_load %arg10[%parallel_loop3A_781, %parallel_loop3A_782] {strides = array<i32>} : memref<8x2048xf32, #tpu.memory_space<vmem>>, vector<1x16xf32>,
        %parallel_loop3A_784 = vector.shape_cast %parallel_loop3A_783 : vector<1x16xf32> to vector<16xf32>
        %parallel_loop3A_785 = arith.constant 5 : i32
        %parallel_loop3A_786 = arith.index_cast %parallel_loop3A_785 : i32 to index
        %parallel_loop3A_787 = arith.index_cast %parallel_loop3A_689 : i32 to index
        %parallel_loop3A_788 = tpu.vector_load %arg12[%parallel_loop3A_786, %parallel_loop3A_787] {strides = array<i32>} : memref<8x2048xf32, #tpu.memory_space<vmem>>, vector<1x16xf32>,
        %parallel_loop3A_789 = vector.shape_cast %parallel_loop3A_788 : vector<1x16xf32> to vector<16xf32>
        %parallel_loop3A_790 = arith.addf %parallel_loop3A_784, %parallel_loop3A_789 : vector<16xf32>
        %parallel_loop3A_791 = arith.mulf %parallel_loop3A_790, %select_n3A_654 : vector<16xf32>
        %parallel_loop3A_792 = arith.constant 5 : i32
        %parallel_loop3A_793 = arith.index_cast %parallel_loop3A_792 : i32 to index
        %parallel_loop3A_794 = arith.index_cast %parallel_loop3A_689 : i32 to index
        %parallel_loop3A_795 = tpu.vector_load %arg14[%parallel_loop3A_793, %parallel_loop3A_794] {strides = array<i32>} : memref<8x2048xf32, #tpu.memory_space<vmem>>, vector<1x16xf32>,
        %parallel_loop3A_796 = vector.shape_cast %parallel_loop3A_795 : vector<1x16xf32> to vector<16xf32>
        %parallel_loop3A_797 = vector.shape_cast %parallel_loop3A_791 : vector<16xf32> to vector<1x16xf32>
        tpu.vector_store %arg14[%parallel_loop3A_793, %parallel_loop3A_794], %parallel_loop3A_797 {strides = array<i32>} : memref<8x2048xf32, #tpu.memory_space<vmem>>, vector<1x16xf32>,
        %parallel_loop3A_798 = arith.constant 6 : i32
        %parallel_loop3A_799 = arith.index_cast %parallel_loop3A_798 : i32 to index
        %parallel_loop3A_800 = arith.index_cast %parallel_loop3A_689 : i32 to index
        %parallel_loop3A_801 = tpu.vector_load %arg10[%parallel_loop3A_799, %parallel_loop3A_800] {strides = array<i32>} : memref<8x2048xf32, #tpu.memory_space<vmem>>, vector<1x16xf32>,
        %parallel_loop3A_802 = vector.shape_cast %parallel_loop3A_801 : vector<1x16xf32> to vector<16xf32>
        %parallel_loop3A_803 = arith.constant 6 : i32
        %parallel_loop3A_804 = arith.index_cast %parallel_loop3A_803 : i32 to index
        %parallel_loop3A_805 = arith.index_cast %parallel_loop3A_689 : i32 to index
        %parallel_loop3A_806 = tpu.vector_load %arg12[%parallel_loop3A_804, %parallel_loop3A_805] {strides = array<i32>} : memref<8x2048xf32, #tpu.memory_space<vmem>>, vector<1x16xf32>,
        %parallel_loop3A_807 = vector.shape_cast %parallel_loop3A_806 : vector<1x16xf32> to vector<16xf32>
        %parallel_loop3A_808 = arith.addf %parallel_loop3A_802, %parallel_loop3A_807 : vector<16xf32>
        %parallel_loop3A_809 = arith.mulf %parallel_loop3A_808, %select_n3A_659 : vector<16xf32>
        %parallel_loop3A_810 = arith.constant 6 : i32
        %parallel_loop3A_811 = arith.index_cast %parallel_loop3A_810 : i32 to index
        %parallel_loop3A_812 = arith.index_cast %parallel_loop3A_689 : i32 to index
        %parallel_loop3A_813 = tpu.vector_load %arg14[%parallel_loop3A_811, %parallel_loop3A_812] {strides = array<i32>} : memref<8x2048xf32, #tpu.memory_space<vmem>>, vector<1x16xf32>,
        %parallel_loop3A_814 = vector.shape_cast %parallel_loop3A_813 : vector<1x16xf32> to vector<16xf32>
        %parallel_loop3A_815 = vector.shape_cast %parallel_loop3A_809 : vector<16xf32> to vector<1x16xf32>
        tpu.vector_store %arg14[%parallel_loop3A_811, %parallel_loop3A_812], %parallel_loop3A_815 {strides = array<i32>} : memref<8x2048xf32, #tpu.memory_space<vmem>>, vector<1x16xf32>,
        %parallel_loop3A_816 = arith.constant 7 : i32
        %parallel_loop3A_817 = arith.index_cast %parallel_loop3A_816 : i32 to index
        %parallel_loop3A_818 = arith.index_cast %parallel_loop3A_689 : i32 to index
        %parallel_loop3A_819 = tpu.vector_load %arg10[%parallel_loop3A_817, %parallel_loop3A_818] {strides = array<i32>} : memref<8x2048xf32, #tpu.memory_space<vmem>>, vector<1x16xf32>,
        %parallel_loop3A_820 = vector.shape_cast %parallel_loop3A_819 : vector<1x16xf32> to vector<16xf32>
        %parallel_loop3A_821 = arith.constant 7 : i32
        %parallel_loop3A_822 = arith.index_cast %parallel_loop3A_821 : i32 to index
        %parallel_loop3A_823 = arith.index_cast %parallel_loop3A_689 : i32 to index
        %parallel_loop3A_824 = tpu.vector_load %arg12[%parallel_loop3A_822, %parallel_loop3A_823] {strides = array<i32>} : memref<8x2048xf32, #tpu.memory_space<vmem>>, vector<1x16xf32>,
        %parallel_loop3A_825 = vector.shape_cast %parallel_loop3A_824 : vector<1x16xf32> to vector<16xf32>
        %parallel_loop3A_826 = arith.addf %parallel_loop3A_820, %parallel_loop3A_825 : vector<16xf32>
        %parallel_loop3A_827 = arith.mulf %parallel_loop3A_826, %select_n3A_664 : vector<16xf32>
        %parallel_loop3A_828 = arith.constant 7 : i32
        %parallel_loop3A_829 = arith.index_cast %parallel_loop3A_828 : i32 to index
        %parallel_loop3A_830 = arith.index_cast %parallel_loop3A_689 : i32 to index
        %parallel_loop3A_831 = tpu.vector_load %arg14[%parallel_loop3A_829, %parallel_loop3A_830] {strides = array<i32>} : memref<8x2048xf32, #tpu.memory_space<vmem>>, vector<1x16xf32>,
        %parallel_loop3A_832 = vector.shape_cast %parallel_loop3A_831 : vector<1x16xf32> to vector<16xf32>
        %parallel_loop3A_833 = vector.shape_cast %parallel_loop3A_827 : vector<16xf32> to vector<1x16xf32>
        tpu.vector_store %arg14[%parallel_loop3A_829, %parallel_loop3A_830], %parallel_loop3A_833 {strides = array<i32>} : memref<8x2048xf32, #tpu.memory_space<vmem>>, vector<1x16xf32>,
      } {sc.loop_unroll_factor = 2 : i64, sc.parallel_access}
      %add3A_668 = arith.constant 6144 : i32
      %add3A_669 = arith.addi %add3A_668, %mul3A_4 : i32
      %mul3A_670 = arith.constant 8 : i32
      %mul3A_671 = arith.muli %add3A_377, %mul3A_670 : i32
      %add3A_672 = arith.addi %add3A_669, %mul3A_671 : i32
      %dma_start3A_673 = arith.constant 0 : i32
      %dma_start3A_674 = tpu.memref_slice %arg6[%add3A_672, %dma_start3A_673] : memref<8192x2048xf32, #tpu.memory_space<hbm>> -> memref<8x2048xf32, #tpu.memory_space<hbm>>
      %dma_start3A_675 = arith.constant 0 : i32
      %dma_start3A_676 = tpu.memref_slice %arg6[%add3A_672, %dma_start3A_675] : memref<8192x2048xf32, #tpu.memory_space<hbm>> -> memref<8x2048xf32, #tpu.memory_space<hbm>>
      tpu.enqueue_dma source(%arg14 : memref<8x2048xf32, #tpu.memory_space<vmem>>) target(%dma_start3A_676 : memref<8x2048xf32, #tpu.memory_space<hbm>>) target_semaphore(%arg20 : memref<!tpu.dma_semaphore, #tpu.memory_space<semaphore_mem>>)
      %lt3A_677 = arith.constant 3 : i32
      %lt3A_678 = arith.cmpi slt, %add3A_62, %lt3A_677 : i32
      %convert_element_type3A_679 = arith.extui %lt3A_678 : i1 to i32
      %cond3A_680 = arith.constant 0 : i32
      %cond3A_681 = arith.cmpi ne, %convert_element_type3A_679, %cond3A_680 : i32
      scf.if %cond3A_681 {
        %add3A_687 = arith.constant 2 : i32
        %add3A_688 = arith.addi %add3A_614, %add3A_687 : i32
        %dma_start3A_689 = arith.constant 0 : i32
        %dma_start3A_690 = tpu.memref_slice %arg7[%add3A_688, %dma_start3A_689] : memref<32x8xi32, #tpu.memory_space<vmem>> -> memref<1x8xi32, #tpu.memory_space<vmem>>
        %dma_start3A_691 = tpu.memref_squeeze %dma_start3A_690 : memref<1x8xi32, #tpu.memory_space<vmem>> -> memref<8xi32, #tpu.memory_space<vmem>>
        %dma_start3A_692 = arith.constant 0 : i32
        %dma_start3A_693 = arith.constant 0 : i32
        %dma_start3A_694 = tpu.memref_slice %arg4[%dma_start3A_692, %dma_start3A_693] : memref<100000x2048xf32, #tpu.memory_space<hbm>> -> memref<100000x2048xf32, #tpu.memory_space<hbm>>
        tpu.enqueue_indirect_dma source(%dma_start3A_694 : memref<100000x2048xf32, #tpu.memory_space<hbm>>) target(%arg10 : memref<8x2048xf32, #tpu.memory_space<vmem>>) offsets(%dma_start3A_691 : memref<8xi32, #tpu.memory_space<vmem>>) semaphore(%arg16 : memref<!tpu.dma_semaphore, #tpu.memory_space<semaphore_mem>>)
      } else {
      }
      %lt3A_682 = arith.constant 3 : i32
      %lt3A_683 = arith.cmpi slt, %add3A_62, %lt3A_682 : i32
      %convert_element_type3A_684 = arith.extui %lt3A_683 : i1 to i32
      %cond3A_685 = arith.constant 0 : i32
      %cond3A_686 = arith.cmpi ne, %convert_element_type3A_684, %cond3A_685 : i32
      scf.if %cond3A_686 {
        %add3A_687 = arith.constant 2 : i32
        %add3A_688 = arith.addi %add3A_377, %add3A_687 : i32
        %mul3A_689 = arith.constant 8 : i32
        %mul3A_690 = arith.muli %add3A_688, %mul3A_689 : i32
        %add3A_691 = arith.addi %mul3A_4, %mul3A_690 : i32
        %dma_start3A_692 = arith.constant 0 : i32
        %dma_start3A_693 = tpu.memref_slice %arg5[%add3A_691, %dma_start3A_692] : memref<2048x2048xf32, #tpu.memory_space<hbm>> -> memref<8x2048xf32, #tpu.memory_space<hbm>>
        %dma_start3A_694 = arith.constant 0 : i32
        %dma_start3A_695 = tpu.memref_slice %arg5[%add3A_691, %dma_start3A_694] : memref<2048x2048xf32, #tpu.memory_space<hbm>> -> memref<8x2048xf32, #tpu.memory_space<hbm>>
        tpu.enqueue_dma source(%dma_start3A_695 : memref<8x2048xf32, #tpu.memory_space<hbm>>) target(%arg12 : memref<8x2048xf32, #tpu.memory_space<vmem>>) target_semaphore(%arg18 : memref<!tpu.dma_semaphore, #tpu.memory_space<semaphore_mem>>)
      } else {
      }
    }
    %scan3A_49 = arith.constant 4 : i32
    %dma_wait3A_50 = arith.constant 0 : i32
    %dma_wait3A_51 = tpu.memref_slice %arg6[%mul3A_2, %dma_wait3A_50] : memref<8192x2048xf32, #tpu.memory_space<hbm>> -> memref<8x2048xf32, #tpu.memory_space<hbm>>
    %dma_wait3A_52 = arith.constant 0 : i32
    %dma_wait3A_53 = tpu.memref_slice %arg6[%mul3A_2, %dma_wait3A_52] : memref<8192x2048xf32, #tpu.memory_space<hbm>> -> memref<8x2048xf32, #tpu.memory_space<hbm>>
    tpu.wait_dma2 semaphore(%arg19 : memref<!tpu.dma_semaphore, #tpu.memory_space<semaphore_mem>>) src(%arg13 : memref<8x2048xf32, #tpu.memory_space<vmem>>) dst(%dma_wait3A_53 : memref<8x2048xf32, #tpu.memory_space<hbm>>)
    %dma_wait3A_54 = arith.constant 0 : i32
    %dma_wait3A_55 = tpu.memref_slice %arg6[%mul3A_2, %dma_wait3A_54] : memref<8192x2048xf32, #tpu.memory_space<hbm>> -> memref<8x2048xf32, #tpu.memory_space<hbm>>
    %dma_wait3A_56 = arith.constant 0 : i32
    %dma_wait3A_57 = tpu.memref_slice %arg6[%mul3A_2, %dma_wait3A_56] : memref<8192x2048xf32, #tpu.memory_space<hbm>> -> memref<8x2048xf32, #tpu.memory_space<hbm>>
    tpu.wait_dma2 semaphore(%arg20 : memref<!tpu.dma_semaphore, #tpu.memory_space<semaphore_mem>>) src(%arg14 : memref<8x2048xf32, #tpu.memory_space<vmem>>) dst(%dma_wait3A_57 : memref<8x2048xf32, #tpu.memory_space<hbm>>)
    return
  }
}

</mosaic_0001>

<sc_bundles>
// kernel: _run.3.cloned.1.call-start
scs
__scs_entry_jumppad:
0x0: {  	(pc) =	sbr.rel $0x88, $3  }
0x1: {  	(tag) =	ssettag $0x0;
	lr =	simm.s32 $0x1  }
0x2: {  	[smem:$0x3F9D] =	sst lr;
	_ =	strace $0xD0000000  }
0x3: {  	_ = 	snop  }
0x4: {  	_ = 	snop  }
0x5: {  	_ = 	snop  }
0x6: {  	_ = 	snop  }
0x7: {  	_ = 	snop  }
__scs_overlays_trampoline_lowered:
0x8: {  	[smem:$0x3FAC] =	sst s0  }
0x9: {  	[smem:$0x3FAD] =	sst s1  }
0xa: {  	[smem:$0x3FAE] =	sst s2  }
0xb: {  	[smem:$0x3FAF] =	sst s3  }
0xc: {  	[smem:$0x3FB0] =	sst s4  }
0xd: {  	[smem:$0x3FB1] =	sst s5  }
0xe: {  	[smem:$0x3FB2] =	sst s6  }
0xf: {  	[smem:$0x3FB3] =	sst s7  }
0x10: {  	[smem:$0x3FB4] =	sst s8  }
0x11: {  	[smem:$0x3FB5] =	sst s9;
	s0 =	simm.s32 @!p0 $0x0  }
0x12: {  	s1 =	sld [smem:$0x3F9B];
	s0 =	simm.s32 @p0 $0x1  }
0x13: {  	[smem:$0x3FB6] =	sst s0;
	s0 =	simm.s32 @!p1 $0x0  }
0x14: {  	s2 =	sld [smem:$0x3F9A];
	s0 =	simm.s32 @p1 $0x1  }
0x15: {  	[smem:$0x3FB7] =	sst s0;
	s0 =	simm.s32 @!p2 $0x0  }
0x16: {  	s3 =	sld [smem:$0x3FDB];
	s0 =	simm.s32 @p2 $0x1  }
0x17: {  	s4 =	simm.s32 $0x1BF5;
	[smem:$0x3FB9] =	sst s0  }
0x18: {  	s0 =	sld [smem:$0x3F9C];
	_ =	swait.ge [sflag:s4], $0x0  }
0x19: {  	s7 =	sld [smem:$0x3F9D]  }
0x1a: {  	s8 =	sadd.s32 $0xFFFFE003, lr  }
0x1b: {  	s9 =	sadd.s32 $0xFFFFFEF7, lr;
	s5 =	simm.s32 $0xFFFFFFFF;
	p2 =	slt.u32 s8, $0xFFFFF086  }
0x1c: {  	p1 =	slt.u32 s9, $0xF7A;
	s5 =	simm.s32 @!p2 $0x0  }
0x1d: {  	s5 =	simm.s32 @p1 $0x1;
	p0 =	seq.s32 s7, s2  }
0x1e: {  	s7 =	smul.u32 @!p0 $0xF7A, s2;
	p2 =	seq.s32 @!p0 s5, $0x0  }
0x1f: {  	s9 =	smul.u32 $0xF7A, s1;
	s8 =	simm.s32 @!p0 $0x1BF5;
	p2 =	por !p2, p0  }
0x20: {  	[sflag:s8] =	ssyncset.s32 @!p0 $0xFFFFF086;
	s6 =	sadd.s32 @!p0 s3, s7;
	s7 =	simm.s32 @!p0 $0x108  }
0x21: {  	s3 =	sadd.s32 s3, s9;
	s6 =	sadd.s32 @!p0 $0x88, s6;
	s7 =	simm.s32 @p2 $0x1082  }
0x22: {  	[simem:s7], [sflag:s8] =	dma.local @!p0 [hbm:s6], $0xF7A  }
0x23: {  	s9 =	sor.u32 $0xD0000000, s2;
	s6 =	simm.s32 $0x108;
	_ =	swait.ge @!p0 [sflag:s8], $0x0  }
0x24: {  	s3 =	sadd.s32 $0x88, s3;
	s6 =	simm.s32 @!p1 $0x1082;
	[sflag:s4] =	ssyncset.s32 $0xFFFFF086  }
0x25: {  	[simem:s6], [sflag:s4] =	dma.local [hbm:s3], $0xF7A  }
0x26: {  	[smem:$0x3F9D] =	sst s1;
	(tag) =	ssettag s2;
	_ =	strace s9  }
0x27: {  	s1 =	sld [smem:$0x3FAD]  }
0x28: {  	s2 =	sld [smem:$0x3FAE]  }
0x29: {  	s4 =	sld [smem:$0x3FB0]  }
0x2a: {  	p0 =	seq.s32 s5, $0x0;
	s5 =	sld [smem:$0x3FB1]  }
0x2b: {  	s6 =	sld [smem:$0x3FB2]  }
0x2c: {  	s7 =	sld [smem:$0x3FB3]  }
0x2d: {  	s3 =	simm.s32 $0x108;
	s8 =	sld [smem:$0x3FB4]  }
0x2e: {  	s3 =	simm.s32 @!p0 $0x1082;
	s9 =	sld [smem:$0x3FB5]  }
0x2f: {  	lr =	sadd.s32 s0, s3;
	s0 =	sld [smem:$0x3FAC]  }
0x30: {  	s3 =	sld [smem:$0x3FAF]  }
0x31: {  	[smem:$0x3FB8] =	sst s10  }
0x32: {  	s10 =	sld [smem:$0x3FB6];
	_ =	sdelay $0x3  }
0x33: {  	p0 =	seq.s32 s10, $0x1;
	s10 =	sld [smem:$0x3FB8];
	_ =	sdelay $0x3  }
0x34: {  	[smem:$0x3FB8] =	sst s10  }
0x35: {  	s10 =	sld [smem:$0x3FB7];
	_ =	sdelay $0x3  }
0x36: {  	p1 =	seq.s32 s10, $0x1;
	s10 =	sld [smem:$0x3FB8];
	_ =	sdelay $0x3  }
0x37: {  	[smem:$0x3FB8] =	sst s10  }
0x38: {  	s10 =	sld [smem:$0x3FB9]  }
0x39: {  	_ = 	snop;
	(pc) =	sbr.ind lr, $3  }
0x3a: {  	_ = 	snop  }
0x3b: {  	_ = 	snop  }
0x3c: {  	p2 =	seq.s32 s10, $0x1;
	s10 =	sld [smem:$0x3FB8]  }
0x3d: {  	_ =	shalt  }
0x3e: {  	_ =	shalt  }
0x3f: {  	_ =	shalt  }
0x40: {  	_ =	shalt  }
0x41: {  	_ =	shalt  }
0x42: {  	_ =	shalt  }
0x43: {  	_ =	shalt  }
0x44: {  	_ =	shalt  }
0x45: {  	_ =	shalt  }
0x46: {  	_ =	shalt  }
0x47: {  	_ =	shalt  }
0x48: {  	_ =	shalt  }
0x49: {  	_ =	shalt  }
0x4a: {  	_ =	shalt  }
0x4b: {  	_ =	shalt  }
0x4c: {  	_ =	shalt  }
0x4d: {  	_ =	shalt  }
0x4e: {  	_ =	shalt  }
0x4f: {  	_ =	shalt  }
0x50: {  	_ =	shalt  }
0x51: {  	_ =	shalt  }
0x52: {  	_ =	shalt  }
0x53: {  	_ =	shalt  }
0x54: {  	_ =	shalt  }
0x55: {  	_ =	shalt  }
0x56: {  	_ =	shalt  }
0x57: {  	_ =	shalt  }
0x58: {  	_ =	shalt  }
0x59: {  	_ =	shalt  }
0x5a: {  	_ =	shalt  }
0x5b: {  	_ =	shalt  }
0x5c: {  	_ =	shalt  }
0x5d: {  	_ =	shalt  }
0x5e: {  	_ =	shalt  }
0x5f: {  	_ =	shalt  }
0x60: {  	_ =	shalt  }
0x61: {  	_ =	shalt  }
0x62: {  	_ =	shalt  }
0x63: {  	_ =	shalt  }
0x64: {  	_ =	shalt  }
0x65: {  	_ =	shalt  }
0x66: {  	_ =	shalt  }
0x67: {  	_ =	shalt  }
0x68: {  	_ =	shalt  }
0x69: {  	_ =	shalt  }
0x6a: {  	_ =	shalt  }
0x6b: {  	_ =	shalt  }
0x6c: {  	_ =	shalt  }
0x6d: {  	_ =	shalt  }
0x6e: {  	_ =	shalt  }
0x6f: {  	_ =	shalt  }
0x70: {  	_ =	shalt  }
0x71: {  	_ =	shalt  }
0x72: {  	_ =	shalt  }
0x73: {  	_ =	shalt  }
0x74: {  	_ =	shalt  }
0x75: {  	_ =	shalt  }
0x76: {  	_ =	shalt  }
0x77: {  	_ =	shalt  }
0x78: {  	_ =	shalt  }
0x79: {  	_ =	shalt  }
0x7a: {  	_ =	shalt  }
0x7b: {  	_ =	shalt  }
0x7c: {  	_ =	shalt  }
0x7d: {  	_ =	shalt  }
0x7e: {  	_ =	shalt  }
0x7f: {  	_ =	shalt  }
0x80: {  	_ =	shalt  }
0x81: {  	_ =	shalt  }
0x82: {  	_ =	shalt  }
0x83: {  	_ =	shalt  }
0x84: {  	_ =	shalt  }
0x85: {  	_ =	shalt  }
0x86: {  	_ =	shalt  }
0x87: {  	_ =	shalt  }
.Lfunc_end0:
.L_simem_size_0:
called_computation_lowered:
.L_overlay_start_0:
0x88: {  	s2 =	sld [smem:$0x3FD9]  }
0x89: {  	s3 =	sld [smem:$0x3FFE];
	_ =	sdelay $0x1  }
0x8a: {  	s1 =	srdreg.scid  }
0x8b: {  	s0 =	sand.u32 $0x1, s1  }
0x8c: {  	s17 =	sshll.u32 s0, $0xA;
	s2 =	sadd.s32 s3, s2  }
0x8d: {  	s2 =	sadd.s32 s2, s17  }
0x8e: {  	[smem:$0x3FC4] =	sst s2  }
0x8f: {  	_ = 	snop  }
0x90: {  	s2 =	sld [smem:$0x3FC8]  }
0x91: {  	s18 =	sld [smem:$0x3FC7]  }
0x92: {  	s4 =	sld [smem:$0x3FC6]  }
0x93: {  	s5 =	sld [smem:$0x3FD0];
	(tm) =	ssettm $0x1  }
0x94: {  	s6 =	sld [smem:$0x3FFB];
	_ =	sdelay $0x3  }
0x95: {  	_ =	strace s6  }
0x96: {  	s6 =	sld [smem:$0x3FFC];
	_ =	sdelay $0x3  }
0x97: {  	_ =	strace s6  }
0x98: {  	s6 =	sld [smem:$0x3FFD];
	_ =	sdelay $0x3  }
0x99: {  	_ =	strace s6  }
0x9a: {  	_ =	strace $0x8FFFFFFF  }
0x9b: {  	s19 =	sld [smem:$0x3FDB];
	_ =	sdelay $0x1  }
0x9c: {  	s7 =	simm.s32 $_scs_section_size  }
0x9d: {  	s8 =	simm.s32 $_size__tile_overlayer_lowered;
	s9 =	simm.s32 $_tile_overlayer_lowered  }
0x9e: {  	s22 =	simm.s32 $0x1BFF;
	s21 =	sshll.u32 s9, $0x1;
	s6 =	sadd.s32 s7, s19  }
0x9f: {  	s10 =	simm.s32 $0x0;
	s20 =	sshll.u32 s8, $0x1;
	s8 =	sadd.s32 s21, s6  }
0xa0: {  	[timem:s10], [sflag:s22] =	dma.local [hbm:s8], s20  }
0xa1: {  	_ =	swait.ge [sflag:s22], s20  }
0xa2: {  	s7 =	ssub.s32 $0x0, s20;
	[sflag:s22] =	ssyncset.done $0x0  }
0xa3: {  	[sflag:s22] =	ssyncadd.s32 s7;
	_ =	sdelay $0x1  }
0xa4: {  	s23 =	simm.s32 $0x1B8B  }
0xa5: {  	_ =	swait.ge [sflag:s23], $0x1  }
0xa6: {  	[sflag:s23] =	ssyncset.done $0x0  }
0xa7: {  	s25 =	simm.s32 $0x1B8E;
	s24 =	sld [smem:$0x3FFE];
	[sflag:s23] =	ssyncadd.s32 $0xFFFFFFFF  }
0xa8: {  	s26 =	simm.s32 $execute0_lowered;
	[smem:$0x3FD2] =	sst s25  }
0xa9: {  	s8 =	sshll.u32 s26, $0x1;
	_ =	strace $0x80000046;
	[dreg:$0x1] =	wrdreg $0xFFFFFFFF  }
0xaa: {  	s28 =	simm.s32 $_size_execute0_lowered;
	s6 =	sadd.s32 s6, s8;
	[dreg:$0x0] =	wrdreg $0x0  }
0xab: {  	s8 =	sshll.u32 s28, $0x1;
	[dreg:$0x2] =	wrdreg s6  }
0xac: {  	[dreg:$0x3] =	wrdreg s8  }
0xad: {  	[dreg:$0x4] =	wrdreg $0xC0  }
0xae: {  	_ =	task [dreg:s10], $0x5FFFF  }
0xaf: {  	[dreg:$0x1] =	wrdreg $0xFFFFFFFF  }
0xb0: {  	[dreg:$0x0] =	wrdreg $0x60  }
0xb1: {  	[dreg:$0x2] =	wrdreg s24  }
0xb2: {  	[dreg:$0x3] =	wrdreg s2  }
0xb3: {  	[dreg:$0x4] =	wrdreg s18  }
0xb4: {  	[dreg:$0x5] =	wrdreg s4  }
0xb5: {  	[dreg:$0x6] =	wrdreg s5  }
0xb6: {  	[dreg:$0x7] =	wrdreg $0x9  }
0xb7: {  	_ =	task.clear_ibuf [dreg:s10], $0x8FFFF;
	_ =	strace $0x90000046  }
0xb8: {  	s29 =	simm.s32 $0x9;
	_ =	strace $0x80000048  }
0xb9: {  	_ =	swait.ge [sflag:s29], $0x1  }
0xba: {  	[sflag:s29] =	ssyncadd.s32 $0xFFFFFFFF  }
0xbb: {  	_ =	strace $0x90000048  }
0xbc: {  	_ =	sfence  }
0xbd: {  	s30 =	sld [smem:$0x0];
	_ =	sdelay $0x2  }
0xbe: {  	s31 =	sshll.u32 s1, $0xD;
	s1 =	sshrl.u32 s1, $0x2  }
0xbf: {  	s3 =	sand.u32 $0x4000, s31;
	s1 =	sadd.s32 s1, s30  }
0xc0: {  	s0 =	sor.u32 s3, s0;
	s1 =	sshll.u32 s1, $0x11  }
0xc1: {  	s0 =	sor.u32 s1, s0  }
0xc2: {  	s0 =	sadd.s32 $0x8F2B, s0  }
0xc3: {  	[sflag:s0] =	ssyncadd.remote.s32 $0x1  }
0xc4: {  	_ =	sfence.sel $0xFFFF  }
0xc5: {  	[dreg:$0x0] =	wrdreg $0xFFFFFFFF;
	(pc) =	sbr.abs _section_cstart, $3  }
0xc6: {  	[dreg:$0x1] =	wrdreg $0xFFFFFFFF  }
0xc7: {  	_ =	task.clear_ibuf [dreg:s10], $0x2FFFF;
	_ =	strace $0x9FFFFFFF  }
0xc8: {  	(tm) =	ssettm $0x7FFFFFFF  }
0xc9: {  	_ =	shalt  }
tec
execute0_lowered:
.L_overlay_start_1:
0x0: {  	(tag) =	ssettag $0x1  }
0x1: {  	s0 =	rddreg [dreg:$0x0]  }
0x2: {  	s2 =	rddreg [dreg:$0x1]  }
0x3: {  	s1 =	rddreg [dreg:$0x2]  }
0x4: {  	s8 =	rddreg [dreg:$0x3]  }
0x5: {  	s3 =	srdreg.scid;
	s4 =	stileid.u32  }
0x6: {  	s5 =	simm.s32 $0x0;
	s28 =	simm.s32 $0x2;
	s30 =	simm.s32 $0x5  }
0x7: {  	s31 =	simm.s32 $0x6;
	s3 =	sand.u32 $0x1, s3;
	s6 =	sshll.u32 s4, $0x1  }
0x8: {  	[smem:$0x7FF] =	sst s5;
	s9 =	sadd.s32 $0x100, s1;
	s10 =	sadd.s32 $0x200, s1  }
0x9: {  	s11 =	sadd.s32 $0x300, s1;
	s12 =	sadd.s32 $0x400, s1;
	s6 =	sor.u32 s3, s6  }
0xa: {  	s13 =	sadd.s32 $0x500, s1;
	s18 =	sshll.u32 s6, $0x6;
	s19 =	sshll.u32 s6, $0x5  }
0xb: {  	_ =	strace $0x80000047;
	s20 =	sadd.s32 s2, s19;
	[dreg:$0x6] =	wrdreg s18  }
0xc: {  	s3 =	ssub.s32 $0x2, s3;
	s22 =	sor.u32 $0x800, s18;
	[dreg:$0x8] =	wrdreg s20  }
0xd: {  	s7 =	sshll.u32 s6, $0x9;
	s23 =	sor.u32 $0x1000, s18;
	[dreg:$0xb] =	wrdreg s22  }
0xe: {  	s17 =	sshrl.u32 s3, $0x1;
	s24 =	sor.u32 $0x1800, s18;
	[dreg:$0xc] =	wrdreg s23  }
0xf: {  	s0 =	sadd.s32 s7, s0;
	s25 =	sor.u32 $0x10, s18;
	[dreg:$0xd] =	wrdreg s24  }
0x10: {  	s3 =	ssub.s32 s3, s17;
	s26 =	sor.u32 $0x18, s18;
	[dreg:$0xe] =	wrdreg s25  }
.Ltmp0:
0x11: {  	s0 =	sadd.s32 $0x400, s0;
	[dreg:$0xf] =	wrdreg s26;
	(pc) =	sbr.rel .LBB2_1-.Ltmp0, $4  }
0x12: {  	s21 =	sshll.u32 s6, $0xE;
	s29 =	smax.u32 s3, $0x1;
	[dreg:$0x7] =	wrdreg s0  }
0x13: {  	v0 =	vlaneseq.u32;
	s15 =	sadd.s32 $0x600, s1;
	s0 =	sadd.s32 s8, s21;
	[dreg:$0x10] =	wrdreg s29  }
0x14: {  	vm0 =	vmmov $0xffff;
	v2 =	vimm.s32 $0x0;
	s16 =	sadd.s32 $0x700, s1;
	v1 =	vshrl.u32 v0, $0x3;
	[dreg:$0x9] =	wrdreg s0;
	s0 =	sadd.s32 $0x800, s0  }
0x15: {  	v3 =	vimm.f32 $1.000000000e+00;
	v0 =	vand.u32 $0x7, v0;
	v1 =	vmul.u32 $0x8, v1;
	s2 =	simm.s32 $0x0;
	s21 =	simm.s32 $0x1;
	[dreg:$0xa] =	wrdreg s0  }
.LBB2_20:
0x16: {  	_ =	swait.ge [sflag:s30], $0x4000  }
0x17: {  	[sflag:s30] =	ssyncset.done $0x0  }
0x18: {  	[sflag:s30] =	ssyncadd.s32 $0xFFFFC000  }
0x19: {  	_ =	swait.ge [sflag:s31], $0x4000  }
0x1a: {  	s2 =	rddreg [dreg:$0x11]  }
0x1b: {  	s0 =	rddreg [dreg:$0x10];
	s2 =	sadd.s32 $0x1, s2  }
0x1c: {  	p0 =	sne.s32 s2, s0  }
.Ltmp1:
0x1d: {  	_ = 	snop;
	(pc) =	sbr.rel @!p0 .LBB2_21-.Ltmp1, $3  }
0x1e: {  	_ =	sdelay $0x1  }
0x1f: {  	[sflag:s31] =	ssyncset.done $0x0  }
0x20: {  	[sflag:s31] =	ssyncadd.s32 $0xFFFFC000  }
.LBB2_1:
0x21: {  	[dreg:$0x11] =	wrdreg s2  }
0x22: {  	s0 =	rddreg [dreg:$0x7];
	s20 =	simm.s32 $0x8  }
0x23: {  	[tilespmem:s5], [sflag:$0x8] =	stream.linear.gather [hbm4b:s0+s5], $0x1000, $0x38;
	[tilespmem:$0x19180] =	vst v63  }
0x24: {  	_ =	swait.ge [sflag:s20], $0x1000  }
0x25: {  	[sflag:s20] =	ssyncset.done $0x0  }
0x26: {  	s23 =	simm.s32 $0x1000;
	s22 =	rddreg [dreg:$0x8];
	[sflag:s20] =	ssyncadd.s32 $0xFFFFF000  }
0x27: {  	[tilespmem:s23], [sflag:$0x7] =	stream.linear.gather [hbm4b:s22+s5], $0x100, $0x38;
	[tilespmem:$0x19180] =	vst v63  }
0x28: {  	v4 =	vld.msk [tilespmem:$0x0], $0xff;
	_ =	sdelay $0x4  }
0x29: {  	v5 =	vshll.u32 v4, $0x4  }
0x2a: {  	v4 =	vand.u32 $0x7, v4;
	v5 =	vand.u32 $0xFFFFFF80, v5  }
0x2b: {  	v4 =	vor.u32 v4, v5  }
0x2c: {  	v4 =	vperm.xlane v4, v0;
	_ =	sdelay $0x1  }
0x2d: {  	v4 =	vadd.s32 v1, v4;
	_ =	sdelay $0x3  }
0x2e: {  	s24 =	simm.s32 $0x1180  }
0x2f: {  	[tilespmem:s24], [sflag:$0x1] =	stream.indirect_vreg.gather [hbm4b:s1+s5], $0x80, v4, vm0, $0xb8;
	[tilespmem:$0x19180] =	vst v63  }
0x30: {  	s25 =	simm.s32 $0x1980  }
0x31: {  	[tilespmem:s25], [sflag:$0x1] =	stream.indirect_vreg.gather [hbm4b:s9+s5], $0x80, v4, vm0, $0xb8;
	[tilespmem:$0x19180] =	vst v63  }
0x32: {  	s26 =	simm.s32 $0x2180  }
0x33: {  	[tilespmem:s26], [sflag:$0x1] =	stream.indirect_vreg.gather [hbm4b:s10+s5], $0x80, v4, vm0, $0xb8;
	[tilespmem:$0x19180] =	vst v63  }
0x34: {  	s29 =	simm.s32 $0x2980  }
0x35: {  	[tilespmem:s29], [sflag:$0x1] =	stream.indirect_vreg.gather [hbm4b:s11+s5], $0x80, v4, vm0, $0xb8;
	[tilespmem:$0x19180] =	vst v63  }
0x36: {  	s2 =	simm.s32 $0x3180  }
0x37: {  	[tilespmem:s2], [sflag:$0x1] =	stream.indirect_vreg.gather [hbm4b:s12+s5], $0x80, v4, vm0, $0xb8;
	[tilespmem:$0x19180] =	vst v63  }
0x38: {  	s3 =	simm.s32 $0x3980  }
0x39: {  	[tilespmem:s3], [sflag:$0x1] =	stream.indirect_vreg.gather [hbm4b:s13+s5], $0x80, v4, vm0, $0xb8;
	[tilespmem:$0x19180] =	vst v63  }
0x3a: {  	s4 =	simm.s32 $0x4180  }
0x3b: {  	[tilespmem:s4], [sflag:$0x1] =	stream.indirect_vreg.gather [hbm4b:s15+s5], $0x80, v4, vm0, $0xb8;
	[tilespmem:$0x19180] =	vst v63  }
0x3c: {  	s6 =	simm.s32 $0x4980  }
0x3d: {  	[tilespmem:s6], [sflag:$0x1] =	stream.indirect_vreg.gather [hbm4b:s16+s5], $0x80, v4, vm0, $0xb8;
	[tilespmem:$0x19180] =	vst v63  }
0x3e: {  	v4 =	vld.msk [tilespmem:$0x80], $0xff;
	_ =	sdelay $0x4  }
0x3f: {  	v5 =	vshll.u32 v4, $0x4  }
0x40: {  	v4 =	vand.u32 $0x7, v4;
	v5 =	vand.u32 $0xFFFFFF80, v5  }
0x41: {  	v4 =	vor.u32 v4, v5  }
0x42: {  	v4 =	vperm.xlane v4, v0;
	_ =	sdelay $0x1  }
0x43: {  	v4 =	vadd.s32 v1, v4;
	_ =	sdelay $0x3  }
0x44: {  	s7 =	simm.s32 $0x5180  }
0x45: {  	[tilespmem:s7], [sflag:$0x2] =	stream.indirect_vreg.gather [hbm4b:s1+s5], $0x80, v4, vm0, $0xb8;
	[tilespmem:$0x19180] =	vst v63  }
0x46: {  	s8 =	simm.s32 $0x5980  }
0x47: {  	[tilespmem:s8], [sflag:$0x2] =	stream.indirect_vreg.gather [hbm4b:s9+s5], $0x80, v4, vm0, $0xb8;
	[tilespmem:$0x19180] =	vst v63  }
0x48: {  	s14 =	simm.s32 $0x6180  }
0x49: {  	[tilespmem:s14], [sflag:$0x2] =	stream.indirect_vreg.gather [hbm4b:s10+s5], $0x80, v4, vm0, $0xb8;
	[tilespmem:$0x19180] =	vst v63  }
0x4a: {  	s17 =	simm.s32 $0x6980  }
0x4b: {  	[tilespmem:s17], [sflag:$0x2] =	stream.indirect_vreg.gather [hbm4b:s11+s5], $0x80, v4, vm0, $0xb8;
	[tilespmem:$0x19180] =	vst v63  }
0x4c: {  	s18 =	simm.s32 $0x7180  }
0x4d: {  	[tilespmem:s18], [sflag:$0x2] =	stream.indirect_vreg.gather [hbm4b:s12+s5], $0x80, v4, vm0, $0xb8;
	[tilespmem:$0x19180] =	vst v63  }
0x4e: {  	s19 =	simm.s32 $0x7980  }
0x4f: {  	[tilespmem:s19], [sflag:$0x2] =	stream.indirect_vreg.gather [hbm4b:s13+s5], $0x80, v4, vm0, $0xb8;
	[tilespmem:$0x19180] =	vst v63  }
0x50: {  	s20 =	simm.s32 $0x8180  }
0x51: {  	[tilespmem:s20], [sflag:$0x2] =	stream.indirect_vreg.gather [hbm4b:s15+s5], $0x80, v4, vm0, $0xb8;
	[tilespmem:$0x19180] =	vst v63  }
0x52: {  	s22 =	simm.s32 $0x8980  }
0x53: {  	[tilespmem:s22], [sflag:$0x2] =	stream.indirect_vreg.gather [hbm4b:s16+s5], $0x80, v4, vm0, $0xb8;
	[tilespmem:$0x19180] =	vst v63  }
0x54: {  	s23 =	rddreg [dreg:$0x9];
	s24 =	simm.s32 $0x9180  }
0x55: {  	[tilespmem:s24], [sflag:$0x3] =	stream.linear.gather [hbm4b:s23+s5], $0x4000, $0x38;
	[tilespmem:$0x19180] =	vst v63  }
0x56: {  	s25 =	rddreg [dreg:$0xa];
	s26 =	simm.s32 $0xD180;
	s29 =	simm.s32 $0x7  }
0x57: {  	[tilespmem:s26], [sflag:$0x4] =	stream.linear.gather [hbm4b:s25+s5], $0x4000, $0x38;
	[tilespmem:$0x19180] =	vst v63  }
0x58: {  	_ =	swait.ge [sflag:s29], $0x100  }
0x59: {  	[sflag:s29] =	ssyncset.done $0x0  }
0x5a: {  	s2 =	simm.s32 $0x0;
	[sflag:s29] =	ssyncadd.s32 $0xFFFFFF00  }
.LBB2_2:
0x5b: {  	s0 =	sshll.u32 s2, $0x6  }
0x5c: {  	s0 =	sand.u32 $0x3FFFFFC0, s0  }
0x5d: {  	s26 =	simm.s32 $0x3;
	v5 =	vld [tilespmem:s0+$0x1000]  }
0x5e: {  	v4 =	vld [tilespmem:s0+$0x1010];
	_ =	swait.ge [sflag:s26], $0x4000  }
0x5f: {  	[sflag:s26] =	ssyncset.done $0x0  }
0x60: {  	[sflag:s26] =	ssyncadd.s32 $0xFFFFC000  }
0x61: {  	_ =	swait.ge [sflag:s21], $0x4000  }
0x62: {  	p0 =	seq.s32 s2, $0x0;
	[sflag:s21] =	ssyncset.done $0x0  }
0x63: {  	s0 =	simm.s32 @!p0 $0x5;
	[sflag:s21] =	ssyncadd.s32 $0xFFFFC000  }
0x64: {  	s3 =	simm.s32 $0x0;
	_ =	swait.ge @!p0 [sflag:s0], $0x4000  }
0x65: {  	s6 =	sand.u32 $0x60, s3;
	s7 =	sand.u32 $0x3C00, s3;
	[sflag:s0] =	ssyncset.done @!p0 $0x0  }
0x66: {  	s29 =	sor.u32 s6, s7;
	[sflag:s0] =	ssyncadd.s32 @!p0 $0xFFFFC000  }
0x67: {  	v9 =	vld [tilespmem:s29+$0x1190]  }
0x68: {  	v10 =	vld [tilespmem:s29+$0x9190]  }
0x69: {  	v11 =	vld [tilespmem:s29+$0x1210]  }
0x6a: {  	v12 =	vld [tilespmem:s29+$0x9210]  }
0x6b: {  	v13 =	vld [tilespmem:s29+$0x1290]  }
0x6c: {  	v14 =	vld [tilespmem:s29+$0x9290]  }
0x6d: {  	v15 =	vld [tilespmem:s29+$0x1310]  }
0x6e: {  	v16 =	vld [tilespmem:s29+$0x9310]  }
0x6f: {  	v18 =	vld [tilespmem:s29+$0x1390]  }
0x70: {  	v20 =	vld [tilespmem:s29+$0x9390]  }
0x71: {  	v21 =	vld [tilespmem:s29+$0x1410]  }
0x72: {  	s4 =	simm.s32 $0x100;
	s14 =	simm.s32 $0x20;
	v22 =	vld [tilespmem:s29+$0x9180]  }
0x73: {  	s14 =	sand.u32 $0x60, s14;
	s7 =	sand.u32 $0x3C00, s4;
	v24 =	vld [tilespmem:s29+$0x1400]  }
0x74: {  	s7 =	sor.u32 s14, s7;
	v25 =	vld [tilespmem:s29+$0x9400]  }
0x75: {  	v26 =	vld [tilespmem:s7+$0x1190]  }
0x76: {  	v27 =	vld [tilespmem:s7+$0x9190]  }
0x77: {  	v28 =	vld [tilespmem:s7+$0x1210]  }
0x78: {  	v29 =	vld [tilespmem:s7+$0x9210]  }
0x79: {  	v31 =	vld [tilespmem:s7+$0x1290]  }
0x7a: {  	v32 =	vld [tilespmem:s7+$0x9290]  }
0x7b: {  	vm1 =	veq.s32 v5, $0x0;
	v33 =	vld [tilespmem:s7+$0x1310]  }
0x7c: {  	v5 =	vsel vm1, $0x1, v2;
	v59 =	vld [tilespmem:s7+$0x9310]  }
0x7d: {  	v6 =	vbroadcast v5, $0x0;
	v34 =	vld [tilespmem:s7+$0x1390]  }
0x7e: {  	v7 =	vbroadcast v5, $0x1;
	v8 =	vbroadcast v5, $0x2;
	v35 =	vld [tilespmem:s7+$0x9390]  }
0x7f: {  	v17 =	vbroadcast v5, $0x3;
	v19 =	vbroadcast v5, $0x4;
	v6 =	vand.u32 $0x1, v6;
	v36 =	vld [tilespmem:s7+$0x1410]  }
0x80: {  	v7 =	vand.u32 $0x1, v7;
	v8 =	vand.u32 $0x1, v8;
	v60 =	vld [tilespmem:s7+$0x9410];
	vm1 =	veq.s32 v6, $0x1  }
0x81: {  	v63 =	vld [tilespmem:s7+$0x1180];
	vm2 =	veq.s32 v8, $0x1;
	v6 =	vsel vm1, $0x0, v3;
	vm1 =	veq.s32 v7, $0x1  }
0x82: {  	v17 =	vand.u32 $0x1, v17;
	v40 =	vld [tilespmem:s7+$0x9180];
	v8 =	vsel vm2, $0x0, v3;
	v7 =	vsel vm1, $0x0, v3  }
0x83: {  	vm1 =	veq.s32 v17, $0x1;
	v17 =	vand.u32 $0x1, v19;
	v19 =	vld [tilespmem:s29+$0x9410];
	v10 =	vadd.f32 v10, v9  }
0x84: {  	v42 =	vld [tilespmem:s7+$0x1200];
	v9 =	vsel vm1, $0x0, v3;
	vm1 =	veq.s32 v17, $0x1;
	v11 =	vadd.f32 v12, v11  }
0x85: {  	v44 =	vld [tilespmem:s7+$0x9200];
	v12 =	vbroadcast v5, $0x5;
	v13 =	vadd.f32 v14, v13;
	v23 =	vmul.f32 v10, v6  }
0x86: {  	v17 =	vld [tilespmem:s29+$0x1180];
	v15 =	vadd.f32 v16, v15;
	v18 =	vadd.f32 v20, v18;
	v11 =	vmul.f32 v11, v7  }
0x87: {  	v14 =	vld [tilespmem:s29+$0x1200];
	v10 =	vsel vm1, $0x0, v3;
	v12 =	vand.u32 $0x1, v12;
	v13 =	vmul.f32 v13, v8;
	[tilespmem:s29+$0x11190] =	vst v23  }
0x88: {  	s3 =	sand.u32 $0x3, s3;
	v16 =	vld [tilespmem:s29+$0x9200];
	vm1 =	veq.s32 v12, $0x1;
	v12 =	vmul.f32 v15, v9;
	v15 =	vadd.f32 v19, v21;
	[tilespmem:s29+$0x11210] =	vst v11  }
0x89: {  	s3 =	sshll.u32 s3, $0x5;
	v20 =	vld [tilespmem:s29+$0x1280];
	v11 =	vsel vm1, $0x0, v3;
	[tilespmem:s29+$0x11290] =	vst v13;
	v13 =	vmul.f32 v18, v10  }
0x8a: {  	s6 =	sadd.s32 $0x0, s3;
	v19 =	vld [tilespmem:s29+$0x9280];
	[tilespmem:s29+$0x11310] =	vst v12;
	v12 =	vmul.f32 v15, v11  }
0x8b: {  	s3 =	sadd.s32 $0x10, s6;
	v18 =	vld [tilespmem:s29+$0x1300];
	[tilespmem:s29+$0x11390] =	vst v13  }
0x8c: {  	s8 =	sor.u32 $0x300, s3;
	v15 =	vld [tilespmem:s29+$0x9300];
	[tilespmem:s29+$0x11410] =	vst v12  }
0x8d: {  	v12 =	vld [tilespmem:s8+$0x1180]  }
0x8e: {  	v21 =	vld [tilespmem:s8+$0x9180]  }
0x8f: {  	v23 =	vld [tilespmem:s29+$0x9380];
	v17 =	vadd.f32 v22, v17  }
0x90: {  	v30 =	vbroadcast v5, $0x6;
	v14 =	vadd.f32 v16, v14;
	v13 =	vld [tilespmem:s29+$0x1380]  }
0x91: {  	v45 =	vld [tilespmem:s7+$0x9400];
	v17 =	vmul.f32 v17, v6;
	v19 =	vadd.f32 v19, v20  }
0x92: {  	v30 =	vand.u32 $0x1, v30;
	v22 =	vld [tilespmem:s7+$0x1280];
	v14 =	vmul.f32 v14, v7;
	v15 =	vadd.f32 v15, v18  }
0x93: {  	vm1 =	veq.s32 v30, $0x1;
	v16 =	vld [tilespmem:s7+$0x9280];
	[tilespmem:s29+$0x11180] =	vst v17;
	v17 =	vmul.f32 v19, v8;
	v21 =	vadd.f32 v21, v12  }
0x94: {  	v20 =	vld [tilespmem:s7+$0x1300];
	[tilespmem:s29+$0x11200] =	vst v14;
	v14 =	vmul.f32 v15, v9;
	v12 =	vsel vm1, $0x0, v3  }
0x95: {  	v13 =	vadd.f32 v23, v13;
	v23 =	vld [tilespmem:s7+$0x1400];
	v15 =	vadd.f32 v25, v24;
	[tilespmem:s29+$0x11280] =	vst v17;
	v21 =	vmul.f32 v21, v12  }
0x96: {  	s19 =	simm.s32 $0x1;
	s26 =	simm.s32 $0x200;
	v17 =	vld [tilespmem:s7+$0x1380];
	[tilespmem:s29+$0x11300] =	vst v14  }
0x97: {  	v14 =	vmul.f32 v15, v11;
	v15 =	vld [tilespmem:s7+$0x9380];
	[tilespmem:s8+$0x11180] =	vst v21;
	s8 =	sor.u32 $0x380, s3;
	s3 =	sand.u32 $0x3, s19;
	s19 =	simm.s32 $0x40  }
0x98: {  	s0 =	sand.u32 $0x3C00, s26;
	v28 =	vadd.f32 v29, v28;
	v61 =	vld [tilespmem:s8+$0x1180];
	s19 =	sand.u32 $0x60, s19  }
0x99: {  	v21 =	vadd.f32 v27, v26;
	v62 =	vld [tilespmem:s8+$0x9180];
	s0 =	sor.u32 s19, s0  }
0x9a: {  	v28 =	vmul.f32 v28, v7;
	v30 =	vadd.f32 v59, v33;
	[tilespmem:s29+$0x11400] =	vst v14;
	v14 =	vld [tilespmem:s0+$0x1190]  }
0x9b: {  	v31 =	vadd.f32 v32, v31;
	v21 =	vmul.f32 v21, v6;
	v46 =	vld [tilespmem:s0+$0x9190]  }
0x9c: {  	[tilespmem:s7+$0x11210] =	vst v28;
	v43 =	vmul.f32 v30, v9;
	v26 =	vadd.f32 v60, v36;
	v47 =	vld [tilespmem:s0+$0x1210]  }
0x9d: {  	v41 =	vadd.f32 v35, v34;
	v48 =	vld [tilespmem:s0+$0x9210];
	[tilespmem:s7+$0x11190] =	vst v21;
	v21 =	vmul.f32 v31, v8  }
0x9e: {  	[tilespmem:s7+$0x11310] =	vst v43;
	s3 =	sshll.u32 s3, $0x5;
	v26 =	vmul.f32 v26, v11;
	v49 =	vld [tilespmem:s0+$0x1290]  }
0x9f: {  	s20 =	sadd.s32 $0x100, s3;
	v37 =	vld [tilespmem:s0+$0x9290];
	[tilespmem:s7+$0x11290] =	vst v21;
	v21 =	vmul.f32 v41, v10  }
0xa0: {  	s17 =	sadd.s32 $0x10, s20;
	v38 =	vld [tilespmem:s0+$0x1310];
	[tilespmem:s7+$0x11410] =	vst v26  }
0xa1: {  	v50 =	vld [tilespmem:s0+$0x9310];
	s18 =	sor.u32 $0x300, s17;
	[tilespmem:s7+$0x11390] =	vst v21  }
0xa2: {  	v18 =	vld [tilespmem:s18+$0x1180]  }
0xa3: {  	v19 =	vld [tilespmem:s18+$0x9180]  }
0xa4: {  	v51 =	vld [tilespmem:s0+$0x1390]  }
0xa5: {  	v52 =	vld [tilespmem:s0+$0x9390]  }
0xa6: {  	v32 =	vadd.f32 v40, v63;
	v16 =	vadd.f32 v16, v22;
	v13 =	vmul.f32 v13, v10;
	v22 =	vld [tilespmem:s0+$0x1410]  }
0xa7: {  	v54 =	vld [tilespmem:s0+$0x9410]  }
0xa8: {  	v32 =	vmul.f32 v32, v6;
	[tilespmem:s29+$0x11380] =	vst v13;
	v56 =	vld [tilespmem:s0+$0x1180];
	v13 =	vadd.f32 v19, v18  }
0xa9: {  	v30 =	vadd.f32 v44, v42;
	v16 =	vmul.f32 v16, v8;
	v15 =	vadd.f32 v15, v17;
	v21 =	vld [tilespmem:s7+$0x9300]  }
0xaa: {  	[tilespmem:s7+$0x11180] =	vst v32;
	v58 =	vld [tilespmem:s0+$0x9180];
	v13 =	vmul.f32 v13, v12  }
0xab: {  	v53 =	vmul.f32 v30, v7;
	[tilespmem:s7+$0x11280] =	vst v16;
	v59 =	vld [tilespmem:s0+$0x1200];
	v15 =	vmul.f32 v15, v10;
	v14 =	vadd.f32 v46, v14  }
0xac: {  	v60 =	vld [tilespmem:s0+$0x9200];
	v27 =	vadd.f32 v62, v61;
	v16 =	vadd.f32 v50, v38;
	[tilespmem:s18+$0x11180] =	vst v13;
	v13 =	vbroadcast v5, $0x7  }
0xad: {  	[tilespmem:s7+$0x11200] =	vst v53;
	v61 =	vld [tilespmem:s0+$0x1280];
	v55 =	vadd.f32 v48, v47;
	v22 =	vadd.f32 v54, v22;
	v14 =	vmul.f32 v14, v6  }
0xae: {  	s22 =	sor.u32 $0x300, s6;
	[tilespmem:s7+$0x11380] =	vst v15;
	v16 =	vmul.f32 v16, v9;
	v20 =	vadd.f32 v21, v20;
	v21 =	vld [tilespmem:s0+$0x9280];
	v13 =	vand.u32 $0x1, v13  }
0xaf: {  	v30 =	vmul.f32 v55, v7;
	[tilespmem:s0+$0x11190] =	vst v14;
	v18 =	vld [tilespmem:s22+$0x1180];
	vm1 =	veq.s32 v13, $0x1  }
0xb0: {  	s17 =	sor.u32 $0x380, s17;
	v14 =	vadd.f32 v52, v51;
	[tilespmem:s0+$0x11310] =	vst v16;
	v16 =	vmul.f32 v22, v11;
	v19 =	vld [tilespmem:s22+$0x9180];
	s18 =	simm.s32 $0x2;
	v13 =	vsel vm1, $0x0, v3  }
0xb1: {  	v57 =	vadd.f32 v37, v49;
	[tilespmem:s0+$0x11210] =	vst v30;
	v26 =	vld [tilespmem:s17+$0x1180];
	s29 =	sand.u32 $0x3, s18;
	v27 =	vmul.f32 v27, v13  }
0xb2: {  	v14 =	vmul.f32 v14, v10;
	[tilespmem:s0+$0x11410] =	vst v16;
	v28 =	vld [tilespmem:s17+$0x9180];
	s14 =	sshll.u32 s29, $0x5  }
0xb3: {  	v63 =	vld [tilespmem:s0+$0x1300];
	v16 =	vadd.f32 v45, v23;
	s14 =	sadd.s32 $0x200, s14;
	[tilespmem:s8+$0x11180] =	vst v27;
	v27 =	vmul.f32 v57, v8  }
0xb4: {  	v22 =	vadd.f32 v60, v59;
	v17 =	vmul.f32 v20, v9;
	v20 =	vld [tilespmem:s0+$0x9300];
	[tilespmem:s0+$0x11390] =	vst v14;
	s23 =	sadd.s32 $0x10, s14  }
0xb5: {  	v15 =	vld [tilespmem:s0+$0x9380];
	v16 =	vmul.f32 v16, v11;
	v21 =	vadd.f32 v21, v61;
	s24 =	sor.u32 $0x300, s23;
	[tilespmem:s0+$0x11290] =	vst v27  }
0xb6: {  	[tilespmem:s7+$0x11300] =	vst v17;
	v17 =	vadd.f32 v19, v18;
	v18 =	vmul.f32 v22, v7;
	v23 =	vld [tilespmem:s24+$0x1180]  }
0xb7: {  	[tilespmem:s7+$0x11400] =	vst v16;
	v21 =	vmul.f32 v21, v8;
	v22 =	vadd.f32 v28, v26;
	v19 =	vld [tilespmem:s24+$0x9180]  }
0xb8: {  	v62 =	vadd.f32 v58, v56;
	v14 =	vld [tilespmem:s0+$0x1380];
	v17 =	vmul.f32 v17, v12;
	[tilespmem:s0+$0x11200] =	vst v18  }
0xb9: {  	v16 =	vld [tilespmem:s0+$0x1400];
	v20 =	vadd.f32 v20, v63;
	[tilespmem:s0+$0x11280] =	vst v21;
	v22 =	vmul.f32 v22, v13  }
0xba: {  	s25 =	sshll.u32 s2, $0x1;
	s6 =	sor.u32 $0x380, s6;
	s7 =	sor.u32 $0x300, s20;
	v18 =	vld [tilespmem:s0+$0x9400];
	[tilespmem:s22+$0x11180] =	vst v17;
	v27 =	vmul.f32 v62, v6  }
0xbb: {  	s19 =	sor.u32 $0x380, s20;
	s20 =	simm.s32 $0x60;
	v21 =	vmul.f32 v20, v9;
	s22 =	sor.u32 $0x300, s14;
	v17 =	vld [tilespmem:s7+$0x1180];
	[tilespmem:s17+$0x11180] =	vst v22  }
0xbc: {  	s14 =	sor.u32 $0x380, s14;
	s8 =	simm.s32 $0x4;
	s17 =	simm.s32 $0x300;
	[tilespmem:s0+$0x11180] =	vst v27;
	v20 =	vadd.f32 v19, v23;
	v19 =	vld [tilespmem:s7+$0x9180]  }
.LBB2_3:
0xbd: {  	s3 =	sand.u32 $0x60, s20;
	s26 =	sand.u32 $0x3C00, s17;
	[tilespmem:s0+$0x11300] =	vst v21;
	v14 =	vadd.f32 v15, v14;
	v15 =	vld [tilespmem:s6+$0x1180]  }
0xbe: {  	s3 =	sor.u32 s3, s26;
	v20 =	vmul.f32 v20, v12;
	v21 =	vld [tilespmem:s6+$0x9180]  }
0xbf: {  	v22 =	vld [tilespmem:s3+$0x1190];
	v14 =	vmul.f32 v14, v10;
	v16 =	vadd.f32 v18, v16  }
0xc0: {  	s23 =	sor.u32 $0x380, s23;
	v18 =	vld [tilespmem:s3+$0x9190];
	[tilespmem:s24+$0x11180] =	vst v20  }
0xc1: {  	[tilespmem:s0+$0x11380] =	vst v14;
	v14 =	vmul.f32 v16, v11;
	v16 =	vld [tilespmem:s23+$0x1180];
	v17 =	vadd.f32 v19, v17  }
0xc2: {  	v19 =	vld [tilespmem:s23+$0x9180]  }
0xc3: {  	v20 =	vld [tilespmem:s3+$0x1210];
	[tilespmem:s0+$0x11400] =	vst v14;
	v14 =	vmul.f32 v17, v12;
	v15 =	vadd.f32 v21, v15;
	s0 =	smov.u32 s3  }
0xc4: {  	v17 =	vld [tilespmem:s0+$0x9210]  }
0xc5: {  	v21 =	vld [tilespmem:s0+$0x1290];
	[tilespmem:s7+$0x11180] =	vst v14;
	v14 =	vmul.f32 v15, v13;
	s7 =	smov.u32 s22  }
0xc6: {  	v15 =	vld [tilespmem:s0+$0x9290]  }
0xc7: {  	v23 =	vld [tilespmem:s0+$0x1310];
	v16 =	vadd.f32 v19, v16;
	[tilespmem:s6+$0x11180] =	vst v14;
	s6 =	smov.u32 s19;
	s19 =	smov.u32 s14  }
0xc8: {  	v14 =	vld [tilespmem:s0+$0x9310]  }
0xc9: {  	v19 =	vld [tilespmem:s0+$0x1390];
	v16 =	vmul.f32 v16, v13  }
0xca: {  	v24 =	vld [tilespmem:s0+$0x9390]  }
0xcb: {  	v25 =	vld [tilespmem:s0+$0x1410];
	[tilespmem:s23+$0x11180] =	vst v16  }
0xcc: {  	s8 =	sadd.s32 $0x2, s8;
	v16 =	vadd.f32 v18, v22;
	v18 =	vld [tilespmem:s0+$0x9410]  }
0xcd: {  	p1 =	slt.u32 s8, $0x7E;
	v17 =	vadd.f32 v17, v20;
	v22 =	vld [tilespmem:s0+$0x1180]  }
0xce: {  	v15 =	vadd.f32 v15, v21;
	v16 =	vmul.f32 v16, v6;
	v20 =	vld [tilespmem:s0+$0x9180]  }
0xcf: {  	v17 =	vmul.f32 v17, v7;
	v14 =	vadd.f32 v14, v23;
	v21 =	vld [tilespmem:s0+$0x1200]  }
0xd0: {  	s18 =	sadd.s32 $0x1, s18;
	v15 =	vmul.f32 v15, v8;
	v23 =	vld [tilespmem:s0+$0x9200];
	[tilespmem:s0+$0x11190] =	vst v16;
	v16 =	vadd.f32 v24, v19  }
0xd1: {  	s3 =	sand.u32 $0x3, s18;
	v14 =	vmul.f32 v14, v9;
	v19 =	vld [tilespmem:s0+$0x1280];
	[tilespmem:s0+$0x11210] =	vst v17;
	v17 =	vadd.f32 v18, v25  }
0xd2: {  	s3 =	sshll.u32 s3, $0x5;
	v18 =	vld [tilespmem:s0+$0x9280];
	[tilespmem:s0+$0x11290] =	vst v15;
	v15 =	vmul.f32 v16, v10  }
0xd3: {  	s3 =	sadd.s32 s3, s17;
	v16 =	vadd.f32 v20, v22;
	v20 =	vld [tilespmem:s0+$0x1300];
	[tilespmem:s0+$0x11310] =	vst v14;
	v17 =	vmul.f32 v17, v11  }
0xd4: {  	s22 =	sor.u32 $0x300, s3;
	s14 =	sor.u32 $0x380, s3;
	s23 =	sadd.s32 $0x10, s3;
	v22 =	vld [tilespmem:s0+$0x9300];
	[tilespmem:s0+$0x11390] =	vst v15  }
0xd5: {  	s24 =	sor.u32 $0x300, s23;
	v15 =	vmul.f32 v16, v6;
	v16 =	vadd.f32 v23, v21;
	v14 =	vld [tilespmem:s0+$0x1380];
	[tilespmem:s0+$0x11410] =	vst v17  }
0xd6: {  	v23 =	vld [tilespmem:s24+$0x1180]  }
0xd7: {  	[tilespmem:s0+$0x11180] =	vst v15;
	v16 =	vmul.f32 v16, v7;
	v17 =	vadd.f32 v18, v19;
	v19 =	vld [tilespmem:s24+$0x9180]  }
.Ltmp2:
0xd8: {  	v15 =	vld [tilespmem:s0+$0x9380];
	(pc) =	sbr.rel @p1 .LBB2_3-.Ltmp2, $4  }
0xd9: {  	[tilespmem:s0+$0x11200] =	vst v16;
	v17 =	vmul.f32 v17, v8;
	v20 =	vadd.f32 v22, v20;
	v16 =	vld [tilespmem:s0+$0x1400]  }
0xda: {  	v18 =	vld [tilespmem:s0+$0x9400]  }
0xdb: {  	[tilespmem:s0+$0x11280] =	vst v17;
	v21 =	vmul.f32 v20, v9;
	v17 =	vld [tilespmem:s7+$0x1180]  }
0xdc: {  	s20 =	sadd.s32 $0x20, s20;
	s17 =	sadd.s32 $0x100, s17;
	v20 =	vadd.f32 v19, v23;
	v19 =	vld [tilespmem:s7+$0x9180]  }
0xdd: {  	_ = 	snop  }
0xde: {  	v6 =	vadd.f32 v15, v14  }
0xdf: {  	v7 =	vadd.f32 v18, v16  }
0xe0: {  	v6 =	vmul.f32 v6, v10  }
0xe1: {  	[tilespmem:s0+$0x11300] =	vst v21;
	v7 =	vmul.f32 v7, v11  }
0xe2: {  	[tilespmem:s0+$0x11380] =	vst v6  }
0xe3: {  	[tilespmem:s0+$0x11400] =	vst v7  }
0xe4: {  	v6 =	vld [tilespmem:s22+$0x1180]  }
0xe5: {  	v7 =	vld [tilespmem:s22+$0x9180];
	_ =	sdelay $0x2  }
0xe6: {  	v8 =	vmul.f32 v20, v12;
	v9 =	vadd.f32 v19, v17  }
0xe7: {  	v10 =	vld [tilespmem:s6+$0x1180]  }
0xe8: {  	s3 =	sor.u32 $0x380, s23;
	[tilespmem:s24+$0x11180] =	vst v8;
	v11 =	vld [tilespmem:s6+$0x9180];
	v8 =	vmul.f32 v9, v12;
	v6 =	vadd.f32 v7, v6  }
0xe9: {  	v9 =	vld [tilespmem:s3+$0x9180]  }
0xea: {  	[tilespmem:s7+$0x11180] =	vst v8;
	v7 =	vld [tilespmem:s3+$0x1180];
	v6 =	vmul.f32 v6, v12  }
0xeb: {  	v8 =	vld [tilespmem:s19+$0x1180]  }
0xec: {  	v12 =	vld [tilespmem:s19+$0x9180];
	[tilespmem:s22+$0x11180] =	vst v6  }
0xed: {  	v6 =	vld [tilespmem:s14+$0x1180]  }
0xee: {  	v10 =	vadd.f32 v11, v10;
	v14 =	vld [tilespmem:s14+$0x9180]  }
0xef: {  	v7 =	vadd.f32 v9, v7  }
0xf0: {  	v9 =	vmul.f32 v10, v13  }
0xf1: {  	v7 =	vmul.f32 v7, v13  }
0xf2: {  	v8 =	vadd.f32 v12, v8;
	[tilespmem:s6+$0x11180] =	vst v9  }
0xf3: {  	[tilespmem:s3+$0x11180] =	vst v7;
	v6 =	vadd.f32 v14, v6  }
0xf4: {  	s0 =	sshll.u32 s2, $0x4;
	v8 =	vmul.f32 v8, v13;
	s3 =	rddreg [dreg:$0x6]  }
0xf5: {  	s3 =	sadd.s32 s3, s0;
	v6 =	vmul.f32 v6, v13  }
0xf6: {  	s4 =	rddreg [dreg:$0x4];
	s24 =	sshll.u32 s2, $0xA;
	[tilespmem:s19+$0x11180] =	vst v8;
	s3 =	sshll.u32 s3, $0x8  }
0xf7: {  	s23 =	simm.s32 $0x11180;
	s6 =	sand.u32 $0x3FFFFC00, s24;
	s3 =	sadd.s32 s4, s3;
	[tilespmem:s14+$0x11180] =	vst v6  }
0xf8: {  	[hbm4b:s3+s5] =	stream.linear.scatter [tilespmem:s23], [sflag:$0x5], $0x4000, $0x38;
	[tilespmem:$0x19180] =	vst v63  }
0xf9: {  	s3 =	sor.u32 $0x100, s6  }
0xfa: {  	v6 =	vld.msk [tilespmem:s3+$0x0], $0xff;
	_ =	sdelay $0x4  }
0xfb: {  	v7 =	vshll.u32 v6, $0x4  }
0xfc: {  	v6 =	vand.u32 $0x7, v6;
	v7 =	vand.u32 $0xFFFFFF80, v7  }
0xfd: {  	v6 =	vor.u32 v6, v7  }
0xfe: {  	v6 =	vperm.xlane v6, v0;
	_ =	sdelay $0x1  }
0xff: {  	v6 =	vadd.s32 v1, v6;
	_ =	sdelay $0x3  }
0x100: {  	s26 =	simm.s32 $0x1180  }
0x101: {  	[tilespmem:s26], [sflag:$0x1] =	stream.indirect_vreg.gather [hbm4b:s1+s5], $0x80, v6, vm0, $0xb8;
	[tilespmem:$0x19180] =	vst v63  }
0x102: {  	s29 =	simm.s32 $0x1980  }
0x103: {  	[tilespmem:s29], [sflag:$0x1] =	stream.indirect_vreg.gather [hbm4b:s9+s5], $0x80, v6, vm0, $0xb8;
	[tilespmem:$0x19180] =	vst v63  }
0x104: {  	s4 =	simm.s32 $0x2180  }
0x105: {  	[tilespmem:s4], [sflag:$0x1] =	stream.indirect_vreg.gather [hbm4b:s10+s5], $0x80, v6, vm0, $0xb8;
	[tilespmem:$0x19180] =	vst v63  }
0x106: {  	s7 =	simm.s32 $0x2980  }
0x107: {  	[tilespmem:s7], [sflag:$0x1] =	stream.indirect_vreg.gather [hbm4b:s11+s5], $0x80, v6, vm0, $0xb8;
	[tilespmem:$0x19180] =	vst v63  }
0x108: {  	s8 =	simm.s32 $0x3180  }
0x109: {  	[tilespmem:s8], [sflag:$0x1] =	stream.indirect_vreg.gather [hbm4b:s12+s5], $0x80, v6, vm0, $0xb8;
	[tilespmem:$0x19180] =	vst v63  }
0x10a: {  	s14 =	simm.s32 $0x3980  }
0x10b: {  	[tilespmem:s14], [sflag:$0x1] =	stream.indirect_vreg.gather [hbm4b:s13+s5], $0x80, v6, vm0, $0xb8;
	[tilespmem:$0x19180] =	vst v63  }
0x10c: {  	s17 =	simm.s32 $0x4180  }
0x10d: {  	[tilespmem:s17], [sflag:$0x1] =	stream.indirect_vreg.gather [hbm4b:s15+s5], $0x80, v6, vm0, $0xb8;
	[tilespmem:$0x19180] =	vst v63  }
0x10e: {  	s18 =	simm.s32 $0x4980  }
0x10f: {  	[tilespmem:s18], [sflag:$0x1] =	stream.indirect_vreg.gather [hbm4b:s16+s5], $0x80, v6, vm0, $0xb8;
	[tilespmem:$0x19180] =	vst v63  }
0x110: {  	_ =	swait.ge [sflag:s28], $0x4000  }
0x111: {  	[sflag:s28] =	ssyncset.done $0x0  }
0x112: {  	s3 =	simm.s32 @!p0 $0x6;
	[sflag:s28] =	ssyncadd.s32 $0xFFFFC000  }
0x113: {  	s19 =	simm.s32 $0x0;
	_ =	swait.ge @!p0 [sflag:s3], $0x4000  }
0x114: {  	s20 =	sand.u32 $0x3C00, s19;
	s8 =	sand.u32 $0x60, s19;
	[sflag:s3] =	ssyncset.done @!p0 $0x0  }
0x115: {  	s8 =	sor.u32 s8, s20;
	[sflag:s3] =	ssyncadd.s32 @!p0 $0xFFFFC000  }
0x116: {  	v9 =	vld [tilespmem:s8+$0x5190]  }
0x117: {  	v10 =	vld [tilespmem:s8+$0x9190]  }
0x118: {  	v11 =	vld [tilespmem:s8+$0x5210]  }
0x119: {  	v12 =	vld [tilespmem:s8+$0x9210]  }
0x11a: {  	v13 =	vld [tilespmem:s8+$0x5290]  }
0x11b: {  	v14 =	vld [tilespmem:s8+$0x9290]  }
0x11c: {  	v6 =	vbroadcast v5, $0x8;
	v15 =	vld [tilespmem:s8+$0x5310]  }
0x11d: {  	v7 =	vbroadcast v5, $0x9;
	v16 =	vld [tilespmem:s8+$0x9310]  }
0x11e: {  	v17 =	vbroadcast v5, $0xB;
	v6 =	vand.u32 $0x1, v6;
	v18 =	vld [tilespmem:s8+$0x5390]  }
0x11f: {  	v19 =	vbroadcast v5, $0xC;
	v7 =	vand.u32 $0x1, v7;
	vm1 =	veq.s32 v6, $0x1;
	v20 =	vld [tilespmem:s8+$0x9390]  }
0x120: {  	v17 =	vand.u32 $0x1, v17;
	v6 =	vsel vm1, $0x0, v3;
	vm1 =	veq.s32 v7, $0x1;
	v21 =	vld [tilespmem:s8+$0x5410]  }
0x121: {  	v7 =	vsel vm1, $0x0, v3;
	vm1 =	veq.s32 v17, $0x1;
	v17 =	vand.u32 $0x1, v19;
	v19 =	vld [tilespmem:s8+$0x9410]  }
0x122: {  	s24 =	simm.s32 $0x100;
	s17 =	simm.s32 $0x20;
	v22 =	vld [tilespmem:s8+$0x9180]  }
0x123: {  	s7 =	sand.u32 $0x3C00, s24;
	s17 =	sand.u32 $0x60, s17;
	v24 =	vld [tilespmem:s8+$0x5400]  }
0x124: {  	s7 =	sor.u32 s17, s7;
	v25 =	vld [tilespmem:s8+$0x9400]  }
0x125: {  	v26 =	vld [tilespmem:s7+$0x5190]  }
0x126: {  	v27 =	vld [tilespmem:s7+$0x9190]  }
0x127: {  	v28 =	vld [tilespmem:s7+$0x5210]  }
0x128: {  	v29 =	vld [tilespmem:s7+$0x9210]  }
0x129: {  	v31 =	vld [tilespmem:s7+$0x5290]  }
0x12a: {  	v32 =	vld [tilespmem:s7+$0x9290]  }
0x12b: {  	v33 =	vld [tilespmem:s7+$0x5310]  }
0x12c: {  	v8 =	vbroadcast v5, $0xA;
	v58 =	vld [tilespmem:s7+$0x9310]  }
0x12d: {  	v34 =	vld [tilespmem:s7+$0x5390]  }
0x12e: {  	v8 =	vand.u32 $0x1, v8;
	v35 =	vld [tilespmem:s7+$0x9390]  }
0x12f: {  	vm2 =	veq.s32 v8, $0x1;
	v36 =	vld [tilespmem:s7+$0x5410]  }
0x130: {  	v8 =	vsel vm2, $0x0, v3;
	v59 =	vld [tilespmem:s7+$0x9410];
	v10 =	vadd.f32 v10, v9  }
0x131: {  	v62 =	vld [tilespmem:s7+$0x5180];
	v9 =	vsel vm1, $0x0, v3;
	vm1 =	veq.s32 v17, $0x1;
	v11 =	vadd.f32 v12, v11  }
0x132: {  	v63 =	vld [tilespmem:s7+$0x9180];
	v12 =	vbroadcast v5, $0xD;
	v13 =	vadd.f32 v14, v13;
	v23 =	vmul.f32 v10, v6  }
0x133: {  	v17 =	vld [tilespmem:s8+$0x5180];
	v15 =	vadd.f32 v16, v15;
	v18 =	vadd.f32 v20, v18;
	v11 =	vmul.f32 v11, v7  }
0x134: {  	v14 =	vld [tilespmem:s8+$0x5200];
	v10 =	vsel vm1, $0x0, v3;
	v12 =	vand.u32 $0x1, v12;
	v13 =	vmul.f32 v13, v8;
	[tilespmem:s8+$0x15190] =	vst v23  }
0x135: {  	s22 =	sand.u32 $0x3, s19;
	v16 =	vld [tilespmem:s8+$0x9200];
	vm1 =	veq.s32 v12, $0x1;
	v12 =	vmul.f32 v15, v9;
	v15 =	vadd.f32 v19, v21;
	[tilespmem:s8+$0x15210] =	vst v11  }
0x136: {  	s3 =	sshll.u32 s22, $0x5;
	v20 =	vld [tilespmem:s8+$0x5280];
	v11 =	vsel vm1, $0x0, v3;
	[tilespmem:s8+$0x15290] =	vst v13;
	v13 =	vmul.f32 v18, v10  }
0x137: {  	s19 =	sadd.s32 $0x0, s3;
	v19 =	vld [tilespmem:s8+$0x9280];
	[tilespmem:s8+$0x15310] =	vst v12;
	v12 =	vmul.f32 v15, v11  }
0x138: {  	s3 =	sadd.s32 $0x10, s19;
	v18 =	vld [tilespmem:s8+$0x5300];
	[tilespmem:s8+$0x15390] =	vst v13  }
0x139: {  	s23 =	sor.u32 $0x300, s3;
	v15 =	vld [tilespmem:s8+$0x9300];
	[tilespmem:s8+$0x15410] =	vst v12  }
0x13a: {  	v12 =	vld [tilespmem:s23+$0x5180]  }
0x13b: {  	v21 =	vld [tilespmem:s23+$0x9180]  }
0x13c: {  	v41 =	vld [tilespmem:s7+$0x5200];
	v17 =	vadd.f32 v22, v17  }
0x13d: {  	v30 =	vbroadcast v5, $0xE;
	v23 =	vld [tilespmem:s8+$0x9380];
	v14 =	vadd.f32 v16, v14  }
0x13e: {  	v13 =	vld [tilespmem:s8+$0x5380];
	v17 =	vmul.f32 v17, v6;
	v19 =	vadd.f32 v19, v20  }
0x13f: {  	v30 =	vand.u32 $0x1, v30;
	v43 =	vld [tilespmem:s7+$0x9200];
	v14 =	vmul.f32 v14, v7;
	v15 =	vadd.f32 v15, v18  }
0x140: {  	vm1 =	veq.s32 v30, $0x1;
	v22 =	vld [tilespmem:s7+$0x5280];
	[tilespmem:s8+$0x15180] =	vst v17;
	v17 =	vmul.f32 v19, v8;
	v21 =	vadd.f32 v21, v12  }
0x141: {  	v28 =	vadd.f32 v29, v28;
	v16 =	vld [tilespmem:s7+$0x9280];
	[tilespmem:s8+$0x15200] =	vst v14;
	v14 =	vmul.f32 v15, v9;
	v12 =	vsel vm1, $0x0, v3  }
0x142: {  	v20 =	vld [tilespmem:s7+$0x5300];
	v15 =	vadd.f32 v25, v24;
	[tilespmem:s8+$0x15280] =	vst v17;
	v21 =	vmul.f32 v21, v12  }
0x143: {  	v28 =	vmul.f32 v28, v7;
	v13 =	vadd.f32 v23, v13;
	v23 =	vld [tilespmem:s7+$0x5400];
	[tilespmem:s8+$0x15300] =	vst v14  }
0x144: {  	v17 =	vld [tilespmem:s7+$0x5380];
	v14 =	vmul.f32 v15, v11;
	[tilespmem:s23+$0x15180] =	vst v21;
	v21 =	vadd.f32 v27, v26  }
0x145: {  	v30 =	vadd.f32 v58, v33;
	[tilespmem:s7+$0x15210] =	vst v28;
	v13 =	vmul.f32 v13, v10;
	v15 =	vld [tilespmem:s7+$0x9380]  }
0x146: {  	s18 =	simm.s32 $0x40;
	s26 =	sor.u32 $0x380, s3;
	v31 =	vadd.f32 v32, v31;
	[tilespmem:s8+$0x15400] =	vst v14;
	v14 =	vld [tilespmem:s7+$0x9400];
	s23 =	simm.s32 $0x200;
	v21 =	vmul.f32 v21, v6  }
0x147: {  	s29 =	simm.s32 $0x1;
	s18 =	sand.u32 $0x60, s18;
	v42 =	vmul.f32 v30, v9;
	[tilespmem:s8+$0x15380] =	vst v13;
	v26 =	vadd.f32 v59, v36;
	v60 =	vld [tilespmem:s26+$0x5180];
	s8 =	sand.u32 $0x3C00, s23  }
0x148: {  	s3 =	sand.u32 $0x3, s29;
	v40 =	vadd.f32 v35, v34;
	v61 =	vld [tilespmem:s26+$0x9180];
	s18 =	sor.u32 s18, s8;
	[tilespmem:s7+$0x15190] =	vst v21;
	v21 =	vmul.f32 v31, v8  }
0x149: {  	s3 =	sshll.u32 s3, $0x5;
	[tilespmem:s7+$0x15310] =	vst v42;
	v26 =	vmul.f32 v26, v11;
	v44 =	vld [tilespmem:s18+$0x5190]  }
0x14a: {  	s17 =	sadd.s32 $0x100, s3;
	v45 =	vld [tilespmem:s18+$0x9190];
	[tilespmem:s7+$0x15290] =	vst v21;
	v21 =	vmul.f32 v40, v10  }
0x14b: {  	s20 =	sadd.s32 $0x10, s17;
	v46 =	vld [tilespmem:s18+$0x9210];
	[tilespmem:s7+$0x15410] =	vst v26  }
0x14c: {  	s3 =	sor.u32 $0x300, s20;
	v47 =	vld [tilespmem:s18+$0x5290];
	[tilespmem:s7+$0x15390] =	vst v21  }
0x14d: {  	v18 =	vld [tilespmem:s3+$0x5180]  }
0x14e: {  	v19 =	vld [tilespmem:s3+$0x9180]  }
0x14f: {  	v48 =	vld [tilespmem:s18+$0x9290]  }
0x150: {  	v37 =	vld [tilespmem:s18+$0x5310]  }
0x151: {  	v49 =	vld [tilespmem:s18+$0x9310]  }
0x152: {  	v50 =	vld [tilespmem:s18+$0x5390]  }
0x153: {  	v51 =	vld [tilespmem:s18+$0x9390];
	v13 =	vadd.f32 v19, v18  }
0x154: {  	v16 =	vadd.f32 v16, v22;
	v22 =	vld [tilespmem:s18+$0x5410]  }
0x155: {  	v53 =	vld [tilespmem:s18+$0x9410];
	v13 =	vmul.f32 v13, v12  }
0x156: {  	v32 =	vadd.f32 v63, v62;
	v54 =	vld [tilespmem:s18+$0x5180]  }
0x157: {  	v5 =	vbroadcast v5, $0xF;
	v30 =	vadd.f32 v43, v41;
	[tilespmem:s3+$0x15180] =	vst v13;
	v13 =	vld [tilespmem:s18+$0x5210]  }
0x158: {  	v32 =	vmul.f32 v32, v6;
	v21 =	vld [tilespmem:s7+$0x9300]  }
0x159: {  	v5 =	vand.u32 $0x1, v5;
	v52 =	vmul.f32 v30, v7;
	v15 =	vadd.f32 v15, v17;
	v56 =	vld [tilespmem:s18+$0x9180]  }
0x15a: {  	[tilespmem:s7+$0x15180] =	vst v32;
	v16 =	vmul.f32 v16, v8;
	vm1 =	veq.s32 v5, $0x1;
	v57 =	vld [tilespmem:s18+$0x5200];
	v27 =	vadd.f32 v61, v60  }
0x15b: {  	[tilespmem:s7+$0x15200] =	vst v52;
	v5 =	vsel vm1, $0x0, v3;
	v59 =	vld [tilespmem:s18+$0x9200];
	v15 =	vmul.f32 v15, v10;
	v24 =	vadd.f32 v45, v44  }
0x15c: {  	[tilespmem:s7+$0x15280] =	vst v16;
	v17 =	vld [tilespmem:s18+$0x9300];
	v27 =	vmul.f32 v27, v5;
	v13 =	vadd.f32 v46, v13  }
0x15d: {  	s4 =	sor.u32 $0x300, s19;
	[tilespmem:s7+$0x15380] =	vst v15;
	v55 =	vadd.f32 v48, v47;
	v24 =	vmul.f32 v24, v6;
	v20 =	vadd.f32 v21, v20;
	v21 =	vld [tilespmem:s18+$0x9280]  }
0x15e: {  	v16 =	vadd.f32 v49, v37;
	[tilespmem:s26+$0x15180] =	vst v27;
	v18 =	vld [tilespmem:s4+$0x5180];
	v13 =	vmul.f32 v13, v7  }
0x15f: {  	s24 =	sor.u32 $0x380, s20;
	s20 =	simm.s32 $0x2;
	v58 =	vadd.f32 v51, v50;
	v27 =	vmul.f32 v55, v8;
	[tilespmem:s18+$0x15190] =	vst v24;
	v19 =	vld [tilespmem:s4+$0x9180]  }
0x160: {  	s26 =	sand.u32 $0x3, s20;
	v16 =	vmul.f32 v16, v9;
	v26 =	vld [tilespmem:s24+$0x5180];
	[tilespmem:s18+$0x15210] =	vst v13;
	v13 =	vadd.f32 v53, v22  }
0x161: {  	s8 =	sshll.u32 s26, $0x5;
	[tilespmem:s18+$0x15290] =	vst v27;
	v24 =	vmul.f32 v58, v10;
	v28 =	vld [tilespmem:s24+$0x9180]  }
0x162: {  	v14 =	vadd.f32 v14, v23;
	s29 =	sadd.s32 $0x200, s8;
	[tilespmem:s18+$0x15310] =	vst v16;
	v22 =	vld [tilespmem:s18+$0x5280];
	v13 =	vmul.f32 v13, v11  }
0x163: {  	v61 =	vld [tilespmem:s18+$0x5300];
	v60 =	vadd.f32 v56, v54;
	s22 =	sadd.s32 $0x10, s29;
	[tilespmem:s18+$0x15390] =	vst v24;
	v16 =	vmul.f32 v20, v9  }
0x164: {  	v15 =	vmul.f32 v14, v11;
	v14 =	vld [tilespmem:s18+$0x9380];
	s26 =	sor.u32 $0x300, s22;
	v20 =	vadd.f32 v59, v57;
	[tilespmem:s18+$0x15410] =	vst v13  }
0x165: {  	v62 =	vmul.f32 v60, v6;
	[tilespmem:s7+$0x15300] =	vst v16;
	v16 =	vadd.f32 v19, v18;
	v23 =	vld [tilespmem:s26+$0x5180]  }
0x166: {  	[tilespmem:s7+$0x15400] =	vst v15;
	v18 =	vmul.f32 v20, v7;
	v20 =	vadd.f32 v28, v26;
	v19 =	vld [tilespmem:s26+$0x9180]  }
0x167: {  	[tilespmem:s18+$0x15180] =	vst v62;
	v63 =	vmul.f32 v16, v12;
	v13 =	vld [tilespmem:s18+$0x5380];
	v21 =	vadd.f32 v21, v22  }
0x168: {  	[tilespmem:s18+$0x15200] =	vst v18;
	v16 =	vld [tilespmem:s18+$0x5400];
	v15 =	vmul.f32 v20, v5;
	v20 =	vadd.f32 v17, v61  }
0x169: {  	s14 =	simm.s32 $0x60;
	s8 =	sor.u32 $0x300, s17;
	[tilespmem:s4+$0x15180] =	vst v63;
	v17 =	vld [tilespmem:s18+$0x9400];
	v18 =	vmul.f32 v21, v8  }
0x16a: {  	s19 =	sor.u32 $0x380, s19;
	s23 =	simm.s32 $0x300;
	s7 =	sor.u32 $0x380, s17;
	[tilespmem:s24+$0x15180] =	vst v15;
	v15 =	vld [tilespmem:s8+$0x5180];
	v20 =	vmul.f32 v20, v9  }
0x16b: {  	s17 =	simm.s32 $0x4;
	s3 =	sor.u32 $0x300, s29;
	s24 =	sor.u32 $0x380, s29;
	[tilespmem:s18+$0x15280] =	vst v18;
	v18 =	vld [tilespmem:s8+$0x9180];
	v19 =	vadd.f32 v19, v23  }
.LBB2_5:
0x16c: {  	s29 =	sand.u32 $0x60, s14;
	s4 =	sand.u32 $0x3C00, s23;
	[tilespmem:s18+$0x15300] =	vst v20;
	v13 =	vadd.f32 v14, v13;
	v14 =	vld [tilespmem:s19+$0x5180]  }
0x16d: {  	s4 =	sor.u32 s29, s4;
	v19 =	vmul.f32 v19, v12;
	v20 =	vld [tilespmem:s19+$0x9180]  }
0x16e: {  	v21 =	vld [tilespmem:s4+$0x5190];
	v13 =	vmul.f32 v13, v10;
	v16 =	vadd.f32 v17, v16  }
0x16f: {  	s22 =	sor.u32 $0x380, s22;
	v17 =	vld [tilespmem:s4+$0x9190];
	[tilespmem:s26+$0x15180] =	vst v19  }
0x170: {  	[tilespmem:s18+$0x15380] =	vst v13;
	v13 =	vmul.f32 v16, v11;
	v16 =	vld [tilespmem:s22+$0x5180];
	v15 =	vadd.f32 v18, v15  }
0x171: {  	v18 =	vld [tilespmem:s22+$0x9180]  }
0x172: {  	v19 =	vld [tilespmem:s4+$0x5210];
	[tilespmem:s18+$0x15400] =	vst v13;
	v13 =	vmul.f32 v15, v12;
	v14 =	vadd.f32 v20, v14;
	s18 =	smov.u32 s4  }
0x173: {  	v15 =	vld [tilespmem:s18+$0x9210]  }
0x174: {  	v20 =	vld [tilespmem:s18+$0x5290];
	[tilespmem:s8+$0x15180] =	vst v13;
	v13 =	vmul.f32 v14, v5;
	s8 =	smov.u32 s3  }
0x175: {  	v14 =	vld [tilespmem:s18+$0x9290]  }
0x176: {  	v22 =	vld [tilespmem:s18+$0x5310];
	v16 =	vadd.f32 v18, v16;
	[tilespmem:s19+$0x15180] =	vst v13;
	s19 =	smov.u32 s7;
	s7 =	smov.u32 s24  }
0x177: {  	v13 =	vld [tilespmem:s18+$0x9310]  }
0x178: {  	v18 =	vld [tilespmem:s18+$0x5390];
	v16 =	vmul.f32 v16, v5  }
0x179: {  	v23 =	vld [tilespmem:s18+$0x9390]  }
0x17a: {  	v24 =	vld [tilespmem:s18+$0x5410];
	[tilespmem:s22+$0x15180] =	vst v16  }
0x17b: {  	s17 =	sadd.s32 $0x2, s17;
	v16 =	vadd.f32 v17, v21;
	v17 =	vld [tilespmem:s18+$0x9410]  }
0x17c: {  	p0 =	slt.u32 s17, $0x7E;
	v15 =	vadd.f32 v15, v19;
	v21 =	vld [tilespmem:s18+$0x5180]  }
0x17d: {  	v14 =	vadd.f32 v14, v20;
	v16 =	vmul.f32 v16, v6;
	v19 =	vld [tilespmem:s18+$0x9180]  }
0x17e: {  	v15 =	vmul.f32 v15, v7;
	v13 =	vadd.f32 v13, v22;
	v20 =	vld [tilespmem:s18+$0x5200]  }
0x17f: {  	s20 =	sadd.s32 $0x1, s20;
	v14 =	vmul.f32 v14, v8;
	v22 =	vld [tilespmem:s18+$0x9200];
	[tilespmem:s18+$0x15190] =	vst v16;
	v16 =	vadd.f32 v23, v18  }
0x180: {  	s3 =	sand.u32 $0x3, s20;
	v13 =	vmul.f32 v13, v9;
	v18 =	vld [tilespmem:s18+$0x5280];
	[tilespmem:s18+$0x15210] =	vst v15;
	v15 =	vadd.f32 v17, v24  }
0x181: {  	s3 =	sshll.u32 s3, $0x5;
	v17 =	vld [tilespmem:s18+$0x9280];
	[tilespmem:s18+$0x15290] =	vst v14;
	v14 =	vmul.f32 v16, v10  }
0x182: {  	s4 =	sadd.s32 s3, s23;
	v16 =	vadd.f32 v19, v21;
	v19 =	vld [tilespmem:s18+$0x5300];
	[tilespmem:s18+$0x15310] =	vst v13;
	v15 =	vmul.f32 v15, v11  }
0x183: {  	s3 =	sor.u32 $0x300, s4;
	s24 =	sor.u32 $0x380, s4;
	s22 =	sadd.s32 $0x10, s4;
	v21 =	vld [tilespmem:s18+$0x9300];
	[tilespmem:s18+$0x15390] =	vst v14  }
0x184: {  	s26 =	sor.u32 $0x300, s22;
	v14 =	vmul.f32 v16, v6;
	v16 =	vadd.f32 v22, v20;
	v13 =	vld [tilespmem:s18+$0x5380];
	[tilespmem:s18+$0x15410] =	vst v15  }
0x185: {  	v22 =	vld [tilespmem:s26+$0x5180]  }
0x186: {  	[tilespmem:s18+$0x15180] =	vst v14;
	v15 =	vmul.f32 v16, v7;
	v16 =	vadd.f32 v17, v18;
	v18 =	vld [tilespmem:s26+$0x9180]  }
.Ltmp3:
0x187: {  	v14 =	vld [tilespmem:s18+$0x9380];
	(pc) =	sbr.rel @p0 .LBB2_5-.Ltmp3, $4  }
0x188: {  	[tilespmem:s18+$0x15200] =	vst v15;
	v15 =	vmul.f32 v16, v8;
	v19 =	vadd.f32 v21, v19;
	v16 =	vld [tilespmem:s18+$0x5400]  }
0x189: {  	v17 =	vld [tilespmem:s18+$0x9400]  }
0x18a: {  	[tilespmem:s18+$0x15280] =	vst v15;
	v20 =	vmul.f32 v19, v9;
	v15 =	vld [tilespmem:s8+$0x5180]  }
0x18b: {  	s14 =	sadd.s32 $0x20, s14;
	s23 =	sadd.s32 $0x100, s23;
	v19 =	vadd.f32 v18, v22;
	v18 =	vld [tilespmem:s8+$0x9180]  }
0x18c: {  	_ = 	snop  }
0x18d: {  	v6 =	vadd.f32 v14, v13  }
0x18e: {  	v7 =	vadd.f32 v17, v16  }
0x18f: {  	v6 =	vmul.f32 v6, v10  }
0x190: {  	[tilespmem:s18+$0x15300] =	vst v20;
	v7 =	vmul.f32 v7, v11  }
0x191: {  	[tilespmem:s18+$0x15380] =	vst v6  }
0x192: {  	[tilespmem:s18+$0x15400] =	vst v7  }
0x193: {  	v6 =	vld [tilespmem:s3+$0x5180]  }
0x194: {  	v7 =	vld [tilespmem:s3+$0x9180];
	_ =	sdelay $0x2  }
0x195: {  	v8 =	vmul.f32 v19, v12;
	v9 =	vadd.f32 v18, v15  }
0x196: {  	v10 =	vld [tilespmem:s19+$0x5180]  }
0x197: {  	s4 =	sor.u32 $0x380, s22;
	[tilespmem:s26+$0x15180] =	vst v8;
	v11 =	vld [tilespmem:s19+$0x9180];
	v8 =	vmul.f32 v9, v12;
	v6 =	vadd.f32 v7, v6  }
0x198: {  	v9 =	vld [tilespmem:s4+$0x9180]  }
0x199: {  	[tilespmem:s8+$0x15180] =	vst v8;
	v7 =	vld [tilespmem:s4+$0x5180];
	v6 =	vmul.f32 v6, v12  }
0x19a: {  	v8 =	vld [tilespmem:s7+$0x5180]  }
0x19b: {  	v12 =	vld [tilespmem:s7+$0x9180];
	[tilespmem:s3+$0x15180] =	vst v6  }
0x19c: {  	v6 =	vld [tilespmem:s24+$0x5180]  }
0x19d: {  	v10 =	vadd.f32 v11, v10;
	v13 =	vld [tilespmem:s24+$0x9180]  }
0x19e: {  	v7 =	vadd.f32 v9, v7  }
0x19f: {  	v9 =	vmul.f32 v10, v5  }
0x1a0: {  	v7 =	vmul.f32 v7, v5  }
0x1a1: {  	v8 =	vadd.f32 v12, v8;
	[tilespmem:s19+$0x15180] =	vst v9  }
0x1a2: {  	[tilespmem:s4+$0x15180] =	vst v7;
	v6 =	vadd.f32 v13, v6  }
0x1a3: {  	v8 =	vmul.f32 v8, v5;
	s3 =	rddreg [dreg:$0xb]  }
0x1a4: {  	s3 =	sadd.s32 s3, s0;
	v5 =	vmul.f32 v6, v5  }
0x1a5: {  	s18 =	rddreg [dreg:$0x4];
	[tilespmem:s7+$0x15180] =	vst v8;
	s3 =	sshll.u32 s3, $0x8  }
0x1a6: {  	s19 =	simm.s32 $0x15180;
	s4 =	sadd.s32 s18, s3;
	s3 =	simm.s32 $0x0;
	[tilespmem:s24+$0x15180] =	vst v5  }
0x1a7: {  	[hbm4b:s4+s3] =	stream.linear.scatter [tilespmem:s19], [sflag:$0x6], $0x4000, $0x38;
	[tilespmem:$0x19180] =	vst v63  }
0x1a8: {  	v5 =	vld.msk [tilespmem:s6+$0x180], $0xff;
	_ =	sdelay $0x4  }
0x1a9: {  	v6 =	vshll.u32 v5, $0x4  }
0x1aa: {  	v5 =	vand.u32 $0x7, v5;
	v6 =	vand.u32 $0xFFFFFF80, v6  }
0x1ab: {  	v5 =	vor.u32 v5, v6  }
0x1ac: {  	v5 =	vperm.xlane v5, v0;
	_ =	sdelay $0x1  }
0x1ad: {  	v5 =	vadd.s32 v1, v5;
	_ =	sdelay $0x3  }
0x1ae: {  	s20 =	simm.s32 $0x5180  }
0x1af: {  	[tilespmem:s20], [sflag:$0x2] =	stream.indirect_vreg.gather [hbm4b:s1+s3], $0x80, v5, vm0, $0xb8;
	[tilespmem:$0x19180] =	vst v63  }
0x1b0: {  	s22 =	simm.s32 $0x5980  }
0x1b1: {  	[tilespmem:s22], [sflag:$0x2] =	stream.indirect_vreg.gather [hbm4b:s9+s3], $0x80, v5, vm0, $0xb8;
	[tilespmem:$0x19180] =	vst v63  }
0x1b2: {  	s23 =	simm.s32 $0x6180  }
0x1b3: {  	[tilespmem:s23], [sflag:$0x2] =	stream.indirect_vreg.gather [hbm4b:s10+s3], $0x80, v5, vm0, $0xb8;
	[tilespmem:$0x19180] =	vst v63  }
0x1b4: {  	s24 =	simm.s32 $0x6980  }
0x1b5: {  	[tilespmem:s24], [sflag:$0x2] =	stream.indirect_vreg.gather [hbm4b:s11+s3], $0x80, v5, vm0, $0xb8;
	[tilespmem:$0x19180] =	vst v63  }
0x1b6: {  	s26 =	simm.s32 $0x7180  }
0x1b7: {  	[tilespmem:s26], [sflag:$0x2] =	stream.indirect_vreg.gather [hbm4b:s12+s3], $0x80, v5, vm0, $0xb8;
	[tilespmem:$0x19180] =	vst v63  }
0x1b8: {  	s29 =	simm.s32 $0x7980  }
0x1b9: {  	[tilespmem:s29], [sflag:$0x2] =	stream.indirect_vreg.gather [hbm4b:s13+s3], $0x80, v5, vm0, $0xb8;
	[tilespmem:$0x19180] =	vst v63  }
0x1ba: {  	s7 =	simm.s32 $0x8180  }
0x1bb: {  	[tilespmem:s7], [sflag:$0x2] =	stream.indirect_vreg.gather [hbm4b:s15+s3], $0x80, v5, vm0, $0xb8;
	[tilespmem:$0x19180] =	vst v63  }
0x1bc: {  	s8 =	simm.s32 $0x8980  }
0x1bd: {  	[tilespmem:s8], [sflag:$0x2] =	stream.indirect_vreg.gather [hbm4b:s16+s3], $0x80, v5, vm0, $0xb8;
	[tilespmem:$0x19180] =	vst v63  }
0x1be: {  	_ =	swait.ge [sflag:s21], $0x4000  }
0x1bf: {  	[sflag:s21] =	ssyncset.done $0x0  }
0x1c0: {  	[sflag:s21] =	ssyncadd.s32 $0xFFFFC000  }
0x1c1: {  	_ =	swait.ge [sflag:s30], $0x4000  }
0x1c2: {  	s14 =	sand.u32 $0x60, s3;
	s17 =	sand.u32 $0x3C00, s3;
	[sflag:s30] =	ssyncset.done $0x0  }
0x1c3: {  	s18 =	sor.u32 s14, s17;
	[sflag:s30] =	ssyncadd.s32 $0xFFFFC000  }
0x1c4: {  	v8 =	vld [tilespmem:s18+$0x1190]  }
0x1c5: {  	v9 =	vld [tilespmem:s18+$0x9190]  }
0x1c6: {  	v10 =	vld [tilespmem:s18+$0x1210]  }
0x1c7: {  	v11 =	vld [tilespmem:s18+$0x9210]  }
0x1c8: {  	vm1 =	veq.s32 v4, $0x0;
	v12 =	vld [tilespmem:s18+$0x1290]  }
0x1c9: {  	v4 =	vsel vm1, $0x1, v2;
	v13 =	vld [tilespmem:s18+$0x9290]  }
0x1ca: {  	v5 =	vbroadcast v4, $0x0;
	v14 =	vld [tilespmem:s18+$0x1310]  }
0x1cb: {  	v6 =	vbroadcast v4, $0x1;
	v15 =	vld [tilespmem:s18+$0x9310]  }
0x1cc: {  	v16 =	vbroadcast v4, $0x3;
	v5 =	vand.u32 $0x1, v5;
	v17 =	vld [tilespmem:s18+$0x1390]  }
0x1cd: {  	v18 =	vbroadcast v4, $0x4;
	v6 =	vand.u32 $0x1, v6;
	vm1 =	veq.s32 v5, $0x1;
	v19 =	vld [tilespmem:s18+$0x9390]  }
0x1ce: {  	v16 =	vand.u32 $0x1, v16;
	v5 =	vsel vm1, $0x0, v3;
	vm1 =	veq.s32 v6, $0x1;
	v20 =	vld [tilespmem:s18+$0x1410]  }
0x1cf: {  	v6 =	vsel vm1, $0x0, v3;
	vm1 =	veq.s32 v16, $0x1;
	v16 =	vand.u32 $0x1, v18;
	v18 =	vld [tilespmem:s18+$0x9410]  }
0x1d0: {  	s14 =	simm.s32 $0x20;
	s26 =	simm.s32 $0x100;
	v21 =	vld [tilespmem:s18+$0x9180]  }
0x1d1: {  	s14 =	sand.u32 $0x60, s14;
	s7 =	sand.u32 $0x3C00, s26;
	v23 =	vld [tilespmem:s18+$0x1400]  }
0x1d2: {  	s7 =	sor.u32 s14, s7;
	v24 =	vld [tilespmem:s18+$0x9400]  }
0x1d3: {  	v25 =	vld [tilespmem:s7+$0x1190]  }
0x1d4: {  	v26 =	vld [tilespmem:s7+$0x9190]  }
0x1d5: {  	v27 =	vld [tilespmem:s7+$0x1210]  }
0x1d6: {  	v28 =	vld [tilespmem:s7+$0x9210]  }
0x1d7: {  	v30 =	vld [tilespmem:s7+$0x1290]  }
0x1d8: {  	v31 =	vld [tilespmem:s7+$0x9290]  }
0x1d9: {  	v32 =	vld [tilespmem:s7+$0x1310]  }
0x1da: {  	v61 =	vld [tilespmem:s7+$0x9310]  }
0x1db: {  	v33 =	vld [tilespmem:s7+$0x1390]  }
0x1dc: {  	v7 =	vbroadcast v4, $0x2;
	v34 =	vld [tilespmem:s7+$0x9390]  }
0x1dd: {  	v35 =	vld [tilespmem:s7+$0x1410]  }
0x1de: {  	v7 =	vand.u32 $0x1, v7;
	v62 =	vld [tilespmem:s7+$0x9410]  }
0x1df: {  	vm2 =	veq.s32 v7, $0x1;
	v41 =	vld [tilespmem:s7+$0x1180]  }
0x1e0: {  	v7 =	vsel vm2, $0x0, v3;
	v42 =	vld [tilespmem:s7+$0x9180];
	v9 =	vadd.f32 v9, v8  }
0x1e1: {  	v8 =	vsel vm1, $0x0, v3;
	vm1 =	veq.s32 v16, $0x1;
	v16 =	vld [tilespmem:s18+$0x1180];
	v10 =	vadd.f32 v11, v10  }
0x1e2: {  	v11 =	vbroadcast v4, $0x5;
	v12 =	vadd.f32 v13, v12;
	v13 =	vld [tilespmem:s18+$0x1200];
	v22 =	vmul.f32 v9, v5  }
0x1e3: {  	v14 =	vadd.f32 v15, v14;
	v15 =	vld [tilespmem:s18+$0x9200];
	v17 =	vadd.f32 v19, v17;
	v10 =	vmul.f32 v10, v6  }
0x1e4: {  	v19 =	vld [tilespmem:s18+$0x1280];
	v9 =	vsel vm1, $0x0, v3;
	v11 =	vand.u32 $0x1, v11;
	v12 =	vmul.f32 v12, v7;
	[tilespmem:s18+$0x11190] =	vst v22  }
0x1e5: {  	s3 =	sand.u32 $0x3, s3;
	vm1 =	veq.s32 v11, $0x1;
	v11 =	vmul.f32 v14, v8;
	v14 =	vadd.f32 v18, v20;
	v18 =	vld [tilespmem:s18+$0x9280];
	[tilespmem:s18+$0x11210] =	vst v10  }
0x1e6: {  	s3 =	sshll.u32 s3, $0x5;
	v10 =	vsel vm1, $0x0, v3;
	[tilespmem:s18+$0x11290] =	vst v12;
	v12 =	vmul.f32 v17, v9;
	v17 =	vld [tilespmem:s18+$0x1300]  }
0x1e7: {  	s19 =	sadd.s32 $0x0, s3;
	v22 =	vld [tilespmem:s18+$0x9380];
	[tilespmem:s18+$0x11310] =	vst v11;
	v11 =	vmul.f32 v14, v10  }
0x1e8: {  	s3 =	sadd.s32 $0x10, s19;
	v14 =	vld [tilespmem:s18+$0x9300];
	[tilespmem:s18+$0x11390] =	vst v12  }
0x1e9: {  	s24 =	sor.u32 $0x300, s3;
	v12 =	vld [tilespmem:s18+$0x1380];
	[tilespmem:s18+$0x11410] =	vst v11  }
0x1ea: {  	v11 =	vld [tilespmem:s24+$0x1180]  }
0x1eb: {  	v16 =	vadd.f32 v21, v16;
	v20 =	vld [tilespmem:s24+$0x9180]  }
0x1ec: {  	v44 =	vld [tilespmem:s7+$0x1200];
	v13 =	vadd.f32 v15, v13  }
0x1ed: {  	v29 =	vbroadcast v4, $0x6;
	v46 =	vld [tilespmem:s7+$0x9200];
	v16 =	vmul.f32 v16, v5;
	v18 =	vadd.f32 v18, v19  }
0x1ee: {  	v21 =	vld [tilespmem:s7+$0x1280];
	v13 =	vmul.f32 v13, v6;
	v14 =	vadd.f32 v14, v17  }
0x1ef: {  	v29 =	vand.u32 $0x1, v29;
	v15 =	vld [tilespmem:s7+$0x9280];
	[tilespmem:s18+$0x11180] =	vst v16;
	v16 =	vmul.f32 v18, v7;
	v12 =	vadd.f32 v22, v12  }
0x1f0: {  	vm1 =	veq.s32 v29, $0x1;
	v19 =	vld [tilespmem:s7+$0x1300];
	[tilespmem:s18+$0x11200] =	vst v13;
	v13 =	vmul.f32 v14, v8;
	v20 =	vadd.f32 v20, v11  }
0x1f1: {  	v22 =	vld [tilespmem:s7+$0x1400];
	v14 =	vadd.f32 v24, v23;
	[tilespmem:s18+$0x11280] =	vst v16;
	v11 =	vsel vm1, $0x0, v3;
	v12 =	vmul.f32 v12, v9  }
0x1f2: {  	v16 =	vld [tilespmem:s7+$0x1380];
	[tilespmem:s18+$0x11300] =	vst v13;
	v20 =	vmul.f32 v20, v11  }
0x1f3: {  	v27 =	vadd.f32 v28, v27;
	v23 =	vld [tilespmem:s7+$0x9400];
	v13 =	vmul.f32 v14, v10;
	[tilespmem:s18+$0x11380] =	vst v12  }
0x1f4: {  	s26 =	simm.s32 $0x40;
	s29 =	sor.u32 $0x380, s3;
	v14 =	vld [tilespmem:s7+$0x9380];
	[tilespmem:s24+$0x11180] =	vst v20;
	v20 =	vadd.f32 v26, v25;
	s24 =	simm.s32 $0x200  }
0x1f5: {  	v27 =	vmul.f32 v27, v6;
	v29 =	vadd.f32 v61, v32;
	[tilespmem:s18+$0x11400] =	vst v13;
	s18 =	sand.u32 $0x60, s26;
	v63 =	vld [tilespmem:s29+$0x1180];
	s8 =	sand.u32 $0x3C00, s24  }
0x1f6: {  	v30 =	vadd.f32 v31, v30;
	v40 =	vld [tilespmem:s29+$0x9180];
	v20 =	vmul.f32 v20, v5;
	s18 =	sor.u32 s18, s8  }
0x1f7: {  	s22 =	simm.s32 $0x1;
	[tilespmem:s7+$0x11210] =	vst v27;
	v45 =	vmul.f32 v29, v8;
	v25 =	vadd.f32 v62, v35;
	v13 =	vld [tilespmem:s18+$0x1190]  }
0x1f8: {  	s3 =	sand.u32 $0x3, s22;
	v43 =	vadd.f32 v34, v33;
	v47 =	vld [tilespmem:s18+$0x9190];
	[tilespmem:s7+$0x11190] =	vst v20;
	v20 =	vmul.f32 v30, v7  }
0x1f9: {  	s3 =	sshll.u32 s3, $0x5;
	[tilespmem:s7+$0x11310] =	vst v45;
	v25 =	vmul.f32 v25, v10;
	v48 =	vld [tilespmem:s18+$0x1210]  }
0x1fa: {  	s17 =	sadd.s32 $0x100, s3;
	v49 =	vld [tilespmem:s18+$0x9210];
	[tilespmem:s7+$0x11290] =	vst v20;
	v20 =	vmul.f32 v43, v9  }
0x1fb: {  	s23 =	sadd.s32 $0x10, s17;
	v50 =	vld [tilespmem:s18+$0x1290];
	[tilespmem:s7+$0x11410] =	vst v25  }
0x1fc: {  	s20 =	sor.u32 $0x300, s23;
	v36 =	vld [tilespmem:s18+$0x9290];
	[tilespmem:s7+$0x11390] =	vst v20  }
0x1fd: {  	v17 =	vld [tilespmem:s20+$0x1180]  }
0x1fe: {  	v18 =	vld [tilespmem:s20+$0x9180]  }
0x1ff: {  	v37 =	vld [tilespmem:s18+$0x1310]  }
0x200: {  	v51 =	vld [tilespmem:s18+$0x9310]  }
0x201: {  	v52 =	vld [tilespmem:s18+$0x1390]  }
0x202: {  	v53 =	vld [tilespmem:s18+$0x9390]  }
0x203: {  	v15 =	vadd.f32 v15, v21;
	v21 =	vld [tilespmem:s18+$0x1410];
	v12 =	vadd.f32 v18, v17  }
0x204: {  	v31 =	vadd.f32 v42, v41;
	v29 =	vadd.f32 v46, v44;
	v55 =	vld [tilespmem:s18+$0x9410]  }
0x205: {  	v57 =	vld [tilespmem:s18+$0x1180];
	v12 =	vmul.f32 v12, v11  }
0x206: {  	v31 =	vmul.f32 v31, v5;
	v54 =	vmul.f32 v29, v6;
	v14 =	vadd.f32 v14, v16;
	v20 =	vld [tilespmem:s7+$0x9300]  }
0x207: {  	v15 =	vmul.f32 v15, v7;
	v59 =	vld [tilespmem:s18+$0x9180];
	v13 =	vadd.f32 v47, v13;
	[tilespmem:s20+$0x11180] =	vst v12;
	v12 =	vbroadcast v4, $0x7  }
0x208: {  	[tilespmem:s7+$0x11180] =	vst v31;
	v60 =	vld [tilespmem:s18+$0x1200];
	v14 =	vmul.f32 v14, v9;
	v26 =	vadd.f32 v40, v63;
	v56 =	vadd.f32 v49, v48  }
0x209: {  	[tilespmem:s7+$0x11280] =	vst v15;
	v61 =	vld [tilespmem:s18+$0x9200];
	v15 =	vadd.f32 v51, v37;
	v13 =	vmul.f32 v13, v5;
	v12 =	vand.u32 $0x1, v12  }
0x20a: {  	v62 =	vld [tilespmem:s18+$0x1280];
	[tilespmem:s7+$0x11380] =	vst v14;
	v21 =	vadd.f32 v55, v21;
	v29 =	vmul.f32 v56, v6;
	vm1 =	veq.s32 v12, $0x1  }
0x20b: {  	s3 =	sor.u32 $0x300, s19;
	v15 =	vmul.f32 v15, v8;
	[tilespmem:s18+$0x11190] =	vst v13;
	v19 =	vadd.f32 v20, v19;
	v20 =	vld [tilespmem:s18+$0x9280];
	v12 =	vsel vm1, $0x0, v3  }
0x20c: {  	v13 =	vadd.f32 v53, v52;
	[tilespmem:s18+$0x11210] =	vst v29;
	v17 =	vld [tilespmem:s3+$0x1180];
	v26 =	vmul.f32 v26, v12  }
0x20d: {  	s23 =	sor.u32 $0x380, s23;
	v21 =	vmul.f32 v21, v10;
	[tilespmem:s18+$0x11310] =	vst v15;
	v18 =	vld [tilespmem:s3+$0x9180];
	s20 =	simm.s32 $0x2  }
0x20e: {  	v58 =	vadd.f32 v36, v50;
	v13 =	vmul.f32 v13, v9;
	v25 =	vld [tilespmem:s23+$0x1180];
	[tilespmem:s29+$0x11180] =	vst v26;
	s29 =	sand.u32 $0x3, s20  }
0x20f: {  	[tilespmem:s18+$0x11410] =	vst v21;
	v16 =	vmul.f32 v19, v8;
	v27 =	vld [tilespmem:s23+$0x9180];
	s4 =	sshll.u32 s29, $0x5  }
0x210: {  	v28 =	vadd.f32 v61, v60;
	v15 =	vld [tilespmem:s18+$0x1300];
	[tilespmem:s18+$0x11390] =	vst v13;
	v26 =	vmul.f32 v58, v7;
	s4 =	sadd.s32 $0x200, s4  }
0x211: {  	v19 =	vld [tilespmem:s18+$0x9300];
	[tilespmem:s7+$0x11300] =	vst v16;
	v16 =	vadd.f32 v23, v22;
	s22 =	sadd.s32 $0x10, s4  }
0x212: {  	v14 =	vld [tilespmem:s18+$0x9380];
	v20 =	vadd.f32 v20, v62;
	v17 =	vadd.f32 v18, v17;
	v18 =	vmul.f32 v28, v6;
	[tilespmem:s18+$0x11290] =	vst v26;
	s26 =	sor.u32 $0x300, s22  }
0x213: {  	[tilespmem:s7+$0x11200] =	vst v54;
	v16 =	vmul.f32 v16, v10;
	v21 =	vld [tilespmem:s26+$0x1180]  }
0x214: {  	v20 =	vmul.f32 v20, v7;
	[tilespmem:s18+$0x11200] =	vst v18;
	v23 =	vadd.f32 v27, v25;
	v22 =	vld [tilespmem:s26+$0x9180]  }
0x215: {  	v63 =	vadd.f32 v59, v57;
	v13 =	vld [tilespmem:s18+$0x1380];
	v17 =	vmul.f32 v17, v11;
	[tilespmem:s7+$0x11400] =	vst v16  }
0x216: {  	v19 =	vadd.f32 v19, v15;
	v16 =	vld [tilespmem:s18+$0x1400];
	[tilespmem:s18+$0x11280] =	vst v20;
	v18 =	vmul.f32 v23, v12  }
0x217: {  	s14 =	simm.s32 $0x60;
	s8 =	sor.u32 $0x300, s17;
	[tilespmem:s3+$0x11180] =	vst v17;
	v17 =	vld [tilespmem:s18+$0x9400];
	v26 =	vmul.f32 v63, v5  }
0x218: {  	s19 =	sor.u32 $0x380, s19;
	s7 =	sor.u32 $0x380, s17;
	s17 =	simm.s32 $0x4;
	v15 =	vld [tilespmem:s8+$0x1180];
	v20 =	vmul.f32 v19, v8;
	[tilespmem:s23+$0x11180] =	vst v18  }
0x219: {  	s3 =	sor.u32 $0x300, s4;
	s24 =	sor.u32 $0x380, s4;
	s23 =	simm.s32 $0x300;
	v18 =	vld [tilespmem:s8+$0x9180];
	[tilespmem:s18+$0x11180] =	vst v26;
	v19 =	vadd.f32 v22, v21  }
.LBB2_7:
0x21a: {  	s4 =	sand.u32 $0x60, s14;
	s29 =	sand.u32 $0x3C00, s23;
	[tilespmem:s18+$0x11300] =	vst v20;
	v13 =	vadd.f32 v14, v13;
	v14 =	vld [tilespmem:s19+$0x1180]  }
0x21b: {  	s4 =	sor.u32 s4, s29;
	v19 =	vmul.f32 v19, v11;
	v20 =	vld [tilespmem:s19+$0x9180]  }
0x21c: {  	v21 =	vld [tilespmem:s4+$0x1190];
	v13 =	vmul.f32 v13, v9;
	v16 =	vadd.f32 v17, v16  }
0x21d: {  	s22 =	sor.u32 $0x380, s22;
	v17 =	vld [tilespmem:s4+$0x9190];
	[tilespmem:s26+$0x11180] =	vst v19  }
0x21e: {  	[tilespmem:s18+$0x11380] =	vst v13;
	v13 =	vmul.f32 v16, v10;
	v16 =	vld [tilespmem:s22+$0x1180];
	v15 =	vadd.f32 v18, v15  }
0x21f: {  	v18 =	vld [tilespmem:s22+$0x9180]  }
0x220: {  	v19 =	vld [tilespmem:s4+$0x1210];
	[tilespmem:s18+$0x11400] =	vst v13;
	v13 =	vmul.f32 v15, v11;
	v14 =	vadd.f32 v20, v14;
	s18 =	smov.u32 s4  }
0x221: {  	v15 =	vld [tilespmem:s18+$0x9210]  }
0x222: {  	v20 =	vld [tilespmem:s18+$0x1290];
	[tilespmem:s8+$0x11180] =	vst v13;
	v13 =	vmul.f32 v14, v12;
	s8 =	smov.u32 s3  }
0x223: {  	v14 =	vld [tilespmem:s18+$0x9290]  }
0x224: {  	v22 =	vld [tilespmem:s18+$0x1310];
	v16 =	vadd.f32 v18, v16;
	[tilespmem:s19+$0x11180] =	vst v13;
	s19 =	smov.u32 s7;
	s7 =	smov.u32 s24  }
0x225: {  	v13 =	vld [tilespmem:s18+$0x9310]  }
0x226: {  	v18 =	vld [tilespmem:s18+$0x1390];
	v16 =	vmul.f32 v16, v12  }
0x227: {  	v23 =	vld [tilespmem:s18+$0x9390]  }
0x228: {  	v24 =	vld [tilespmem:s18+$0x1410];
	[tilespmem:s22+$0x11180] =	vst v16  }
0x229: {  	s17 =	sadd.s32 $0x2, s17;
	v16 =	vadd.f32 v17, v21;
	v17 =	vld [tilespmem:s18+$0x9410]  }
0x22a: {  	p0 =	slt.u32 s17, $0x7E;
	v15 =	vadd.f32 v15, v19;
	v21 =	vld [tilespmem:s18+$0x1180]  }
0x22b: {  	v14 =	vadd.f32 v14, v20;
	v16 =	vmul.f32 v16, v5;
	v19 =	vld [tilespmem:s18+$0x9180]  }
0x22c: {  	v15 =	vmul.f32 v15, v6;
	v13 =	vadd.f32 v13, v22;
	v20 =	vld [tilespmem:s18+$0x1200]  }
0x22d: {  	s20 =	sadd.s32 $0x1, s20;
	v14 =	vmul.f32 v14, v7;
	v22 =	vld [tilespmem:s18+$0x9200];
	[tilespmem:s18+$0x11190] =	vst v16;
	v16 =	vadd.f32 v23, v18  }
0x22e: {  	s3 =	sand.u32 $0x3, s20;
	v13 =	vmul.f32 v13, v8;
	v18 =	vld [tilespmem:s18+$0x1280];
	[tilespmem:s18+$0x11210] =	vst v15;
	v15 =	vadd.f32 v17, v24  }
0x22f: {  	s3 =	sshll.u32 s3, $0x5;
	v17 =	vld [tilespmem:s18+$0x9280];
	[tilespmem:s18+$0x11290] =	vst v14;
	v14 =	vmul.f32 v16, v9  }
0x230: {  	s4 =	sadd.s32 s3, s23;
	v16 =	vadd.f32 v19, v21;
	v19 =	vld [tilespmem:s18+$0x1300];
	[tilespmem:s18+$0x11310] =	vst v13;
	v15 =	vmul.f32 v15, v10  }
0x231: {  	s3 =	sor.u32 $0x300, s4;
	s24 =	sor.u32 $0x380, s4;
	s22 =	sadd.s32 $0x10, s4;
	v21 =	vld [tilespmem:s18+$0x9300];
	[tilespmem:s18+$0x11390] =	vst v14  }
0x232: {  	s26 =	sor.u32 $0x300, s22;
	v14 =	vmul.f32 v16, v5;
	v16 =	vadd.f32 v22, v20;
	v13 =	vld [tilespmem:s18+$0x1380];
	[tilespmem:s18+$0x11410] =	vst v15  }
0x233: {  	v22 =	vld [tilespmem:s26+$0x1180]  }
0x234: {  	[tilespmem:s18+$0x11180] =	vst v14;
	v15 =	vmul.f32 v16, v6;
	v16 =	vadd.f32 v17, v18;
	v18 =	vld [tilespmem:s26+$0x9180]  }
.Ltmp4:
0x235: {  	v14 =	vld [tilespmem:s18+$0x9380];
	(pc) =	sbr.rel @p0 .LBB2_7-.Ltmp4, $4  }
0x236: {  	[tilespmem:s18+$0x11200] =	vst v15;
	v15 =	vmul.f32 v16, v7;
	v19 =	vadd.f32 v21, v19;
	v16 =	vld [tilespmem:s18+$0x1400]  }
0x237: {  	v17 =	vld [tilespmem:s18+$0x9400]  }
0x238: {  	[tilespmem:s18+$0x11280] =	vst v15;
	v20 =	vmul.f32 v19, v8;
	v15 =	vld [tilespmem:s8+$0x1180]  }
0x239: {  	s14 =	sadd.s32 $0x20, s14;
	s23 =	sadd.s32 $0x100, s23;
	v19 =	vadd.f32 v18, v22;
	v18 =	vld [tilespmem:s8+$0x9180]  }
0x23a: {  	_ = 	snop  }
0x23b: {  	v5 =	vadd.f32 v14, v13  }
0x23c: {  	v6 =	vadd.f32 v17, v16  }
0x23d: {  	v5 =	vmul.f32 v5, v9  }
0x23e: {  	[tilespmem:s18+$0x11300] =	vst v20;
	v6 =	vmul.f32 v6, v10  }
0x23f: {  	[tilespmem:s18+$0x11380] =	vst v5  }
0x240: {  	[tilespmem:s18+$0x11400] =	vst v6  }
0x241: {  	v5 =	vld [tilespmem:s3+$0x1180]  }
0x242: {  	v6 =	vld [tilespmem:s3+$0x9180];
	_ =	sdelay $0x2  }
0x243: {  	v7 =	vmul.f32 v19, v11;
	v8 =	vadd.f32 v18, v15  }
0x244: {  	v9 =	vld [tilespmem:s19+$0x1180]  }
0x245: {  	s4 =	sor.u32 $0x380, s22;
	[tilespmem:s26+$0x11180] =	vst v7;
	v10 =	vld [tilespmem:s19+$0x9180];
	v7 =	vmul.f32 v8, v11;
	v5 =	vadd.f32 v6, v5  }
0x246: {  	v8 =	vld [tilespmem:s4+$0x9180]  }
0x247: {  	[tilespmem:s8+$0x11180] =	vst v7;
	v6 =	vld [tilespmem:s4+$0x1180];
	v5 =	vmul.f32 v5, v11  }
0x248: {  	v7 =	vld [tilespmem:s7+$0x1180]  }
0x249: {  	v11 =	vld [tilespmem:s7+$0x9180];
	[tilespmem:s3+$0x11180] =	vst v5  }
0x24a: {  	v5 =	vld [tilespmem:s24+$0x1180]  }
0x24b: {  	v9 =	vadd.f32 v10, v9;
	v13 =	vld [tilespmem:s24+$0x9180]  }
0x24c: {  	v6 =	vadd.f32 v8, v6  }
0x24d: {  	v8 =	vmul.f32 v9, v12  }
0x24e: {  	v6 =	vmul.f32 v6, v12  }
0x24f: {  	v7 =	vadd.f32 v11, v7;
	[tilespmem:s19+$0x11180] =	vst v8  }
0x250: {  	[tilespmem:s4+$0x11180] =	vst v6;
	v5 =	vadd.f32 v13, v5  }
0x251: {  	v7 =	vmul.f32 v7, v12;
	s3 =	rddreg [dreg:$0xc]  }
0x252: {  	s3 =	sadd.s32 s3, s0;
	v5 =	vmul.f32 v5, v12  }
0x253: {  	s18 =	rddreg [dreg:$0x4];
	[tilespmem:s7+$0x11180] =	vst v7;
	s3 =	sshll.u32 s3, $0x8  }
0x254: {  	s19 =	simm.s32 $0x11180;
	s4 =	sadd.s32 s18, s3;
	s3 =	simm.s32 $0x0;
	[tilespmem:s24+$0x11180] =	vst v5  }
0x255: {  	[hbm4b:s4+s3] =	stream.linear.scatter [tilespmem:s19], [sflag:$0x5], $0x4000, $0x38;
	[tilespmem:$0x19180] =	vst v63  }
0x256: {  	v5 =	vld.msk [tilespmem:s6+$0x200], $0xff;
	_ =	sdelay $0x4  }
0x257: {  	v6 =	vshll.u32 v5, $0x4  }
0x258: {  	v5 =	vand.u32 $0x7, v5;
	v6 =	vand.u32 $0xFFFFFF80, v6  }
0x259: {  	v5 =	vor.u32 v5, v6  }
0x25a: {  	v5 =	vperm.xlane v5, v0;
	_ =	sdelay $0x1  }
0x25b: {  	v5 =	vadd.s32 v1, v5;
	_ =	sdelay $0x3  }
0x25c: {  	s20 =	simm.s32 $0x1180  }
0x25d: {  	[tilespmem:s20], [sflag:$0x1] =	stream.indirect_vreg.gather [hbm4b:s1+s3], $0x80, v5, vm0, $0xb8;
	[tilespmem:$0x19180] =	vst v63  }
0x25e: {  	s22 =	simm.s32 $0x1980  }
0x25f: {  	[tilespmem:s22], [sflag:$0x1] =	stream.indirect_vreg.gather [hbm4b:s9+s3], $0x80, v5, vm0, $0xb8;
	[tilespmem:$0x19180] =	vst v63  }
0x260: {  	s23 =	simm.s32 $0x2180  }
0x261: {  	[tilespmem:s23], [sflag:$0x1] =	stream.indirect_vreg.gather [hbm4b:s10+s3], $0x80, v5, vm0, $0xb8;
	[tilespmem:$0x19180] =	vst v63  }
0x262: {  	s24 =	simm.s32 $0x2980  }
0x263: {  	[tilespmem:s24], [sflag:$0x1] =	stream.indirect_vreg.gather [hbm4b:s11+s3], $0x80, v5, vm0, $0xb8;
	[tilespmem:$0x19180] =	vst v63  }
0x264: {  	s26 =	simm.s32 $0x3180  }
0x265: {  	[tilespmem:s26], [sflag:$0x1] =	stream.indirect_vreg.gather [hbm4b:s12+s3], $0x80, v5, vm0, $0xb8;
	[tilespmem:$0x19180] =	vst v63  }
0x266: {  	s29 =	simm.s32 $0x3980  }
0x267: {  	[tilespmem:s29], [sflag:$0x1] =	stream.indirect_vreg.gather [hbm4b:s13+s3], $0x80, v5, vm0, $0xb8;
	[tilespmem:$0x19180] =	vst v63  }
0x268: {  	s7 =	simm.s32 $0x4180  }
0x269: {  	[tilespmem:s7], [sflag:$0x1] =	stream.indirect_vreg.gather [hbm4b:s15+s3], $0x80, v5, vm0, $0xb8;
	[tilespmem:$0x19180] =	vst v63  }
0x26a: {  	s8 =	simm.s32 $0x4980  }
0x26b: {  	[tilespmem:s8], [sflag:$0x1] =	stream.indirect_vreg.gather [hbm4b:s16+s3], $0x80, v5, vm0, $0xb8;
	[tilespmem:$0x19180] =	vst v63  }
0x26c: {  	_ =	swait.ge [sflag:s28], $0x4000  }
0x26d: {  	[sflag:s28] =	ssyncset.done $0x0  }
0x26e: {  	[sflag:s28] =	ssyncadd.s32 $0xFFFFC000  }
0x26f: {  	_ =	swait.ge [sflag:s31], $0x4000  }
0x270: {  	s14 =	sand.u32 $0x60, s3;
	s17 =	sand.u32 $0x3C00, s3;
	[sflag:s31] =	ssyncset.done $0x0  }
0x271: {  	s18 =	sor.u32 s14, s17;
	[sflag:s31] =	ssyncadd.s32 $0xFFFFC000  }
0x272: {  	v8 =	vld [tilespmem:s18+$0x5190]  }
0x273: {  	v9 =	vld [tilespmem:s18+$0x9190]  }
0x274: {  	v10 =	vld [tilespmem:s18+$0x5210]  }
0x275: {  	v11 =	vld [tilespmem:s18+$0x9210]  }
0x276: {  	v12 =	vld [tilespmem:s18+$0x5290]  }
0x277: {  	v13 =	vld [tilespmem:s18+$0x9290]  }
0x278: {  	v5 =	vbroadcast v4, $0x8;
	v14 =	vld [tilespmem:s18+$0x5310]  }
0x279: {  	v6 =	vbroadcast v4, $0x9;
	v15 =	vld [tilespmem:s18+$0x9310]  }
0x27a: {  	v16 =	vbroadcast v4, $0xB;
	v5 =	vand.u32 $0x1, v5;
	v17 =	vld [tilespmem:s18+$0x5390]  }
0x27b: {  	v18 =	vbroadcast v4, $0xC;
	v6 =	vand.u32 $0x1, v6;
	vm1 =	veq.s32 v5, $0x1;
	v19 =	vld [tilespmem:s18+$0x9390]  }
0x27c: {  	v16 =	vand.u32 $0x1, v16;
	v5 =	vsel vm1, $0x0, v3;
	vm1 =	veq.s32 v6, $0x1;
	v20 =	vld [tilespmem:s18+$0x5410]  }
0x27d: {  	v6 =	vsel vm1, $0x0, v3;
	vm1 =	veq.s32 v16, $0x1;
	v16 =	vand.u32 $0x1, v18;
	v18 =	vld [tilespmem:s18+$0x9410]  }
0x27e: {  	v21 =	vld [tilespmem:s18+$0x9180]  }
0x27f: {  	s14 =	simm.s32 $0x20;
	s26 =	simm.s32 $0x100;
	v52 =	vld [tilespmem:s18+$0x9380]  }
0x280: {  	s14 =	sand.u32 $0x60, s14;
	s7 =	sand.u32 $0x3C00, s26;
	v23 =	vld [tilespmem:s18+$0x5400]  }
0x281: {  	s7 =	sor.u32 s14, s7;
	v24 =	vld [tilespmem:s18+$0x9400]  }
0x282: {  	v25 =	vld [tilespmem:s7+$0x5190]  }
0x283: {  	v26 =	vld [tilespmem:s7+$0x9190]  }
0x284: {  	v27 =	vld [tilespmem:s7+$0x5210]  }
0x285: {  	v28 =	vld [tilespmem:s7+$0x9210]  }
0x286: {  	v30 =	vld [tilespmem:s7+$0x5290]  }
0x287: {  	v31 =	vld [tilespmem:s7+$0x9290]  }
0x288: {  	v7 =	vbroadcast v4, $0xA;
	v32 =	vld [tilespmem:s7+$0x5310]  }
0x289: {  	v53 =	vld [tilespmem:s7+$0x9310]  }
0x28a: {  	v7 =	vand.u32 $0x1, v7;
	v33 =	vld [tilespmem:s7+$0x5390]  }
0x28b: {  	vm2 =	veq.s32 v7, $0x1;
	v34 =	vld [tilespmem:s7+$0x9390]  }
0x28c: {  	v7 =	vsel vm2, $0x0, v3;
	v35 =	vld [tilespmem:s7+$0x5410];
	v9 =	vadd.f32 v9, v8  }
0x28d: {  	v54 =	vld [tilespmem:s7+$0x9410];
	v8 =	vsel vm1, $0x0, v3;
	vm1 =	veq.s32 v16, $0x1;
	v10 =	vadd.f32 v11, v10  }
0x28e: {  	v57 =	vld [tilespmem:s7+$0x5180];
	v11 =	vbroadcast v4, $0xD;
	v12 =	vadd.f32 v13, v12;
	v22 =	vmul.f32 v9, v5  }
0x28f: {  	v16 =	vld [tilespmem:s18+$0x5180];
	v14 =	vadd.f32 v15, v14;
	v17 =	vadd.f32 v19, v17;
	v10 =	vmul.f32 v10, v6  }
0x290: {  	v13 =	vld [tilespmem:s18+$0x5200];
	v9 =	vsel vm1, $0x0, v3;
	v11 =	vand.u32 $0x1, v11;
	v12 =	vmul.f32 v12, v7;
	[tilespmem:s18+$0x15190] =	vst v22  }
0x291: {  	s3 =	sand.u32 $0x3, s3;
	v15 =	vld [tilespmem:s18+$0x9200];
	vm1 =	veq.s32 v11, $0x1;
	v11 =	vmul.f32 v14, v8;
	v14 =	vadd.f32 v18, v20;
	[tilespmem:s18+$0x15210] =	vst v10  }
0x292: {  	s3 =	sshll.u32 s3, $0x5;
	v19 =	vld [tilespmem:s18+$0x5280];
	v10 =	vsel vm1, $0x0, v3;
	[tilespmem:s18+$0x15290] =	vst v12;
	v12 =	vmul.f32 v17, v9  }
0x293: {  	s19 =	sadd.s32 $0x0, s3;
	v18 =	vld [tilespmem:s18+$0x9280];
	[tilespmem:s18+$0x15310] =	vst v11;
	v11 =	vmul.f32 v14, v10  }
0x294: {  	s3 =	sadd.s32 $0x10, s19;
	v17 =	vld [tilespmem:s18+$0x5300];
	[tilespmem:s18+$0x15390] =	vst v12  }
0x295: {  	s24 =	sor.u32 $0x300, s3;
	v14 =	vld [tilespmem:s18+$0x9300];
	[tilespmem:s18+$0x15410] =	vst v11  }
0x296: {  	v11 =	vld [tilespmem:s24+$0x5180]  }
0x297: {  	v20 =	vld [tilespmem:s24+$0x9180]  }
0x298: {  	v58 =	vld [tilespmem:s7+$0x9180];
	v16 =	vadd.f32 v21, v16  }
0x299: {  	v29 =	vbroadcast v4, $0xE;
	v60 =	vld [tilespmem:s7+$0x5200];
	v13 =	vadd.f32 v15, v13  }
0x29a: {  	v12 =	vld [tilespmem:s18+$0x5380];
	v16 =	vmul.f32 v16, v5;
	v18 =	vadd.f32 v18, v19  }
0x29b: {  	v29 =	vand.u32 $0x1, v29;
	v62 =	vld [tilespmem:s7+$0x9200];
	v13 =	vmul.f32 v13, v6;
	v14 =	vadd.f32 v14, v17  }
0x29c: {  	v63 =	vld [tilespmem:s7+$0x5280];
	vm1 =	veq.s32 v29, $0x1;
	[tilespmem:s18+$0x15180] =	vst v16;
	v16 =	vmul.f32 v18, v7;
	v20 =	vadd.f32 v20, v11  }
0x29d: {  	v40 =	vld [tilespmem:s7+$0x5400];
	v27 =	vadd.f32 v28, v27;
	[tilespmem:s18+$0x15200] =	vst v13;
	v13 =	vmul.f32 v14, v8;
	v11 =	vsel vm1, $0x0, v3  }
0x29e: {  	v15 =	vld [tilespmem:s7+$0x9280];
	v14 =	vadd.f32 v24, v23;
	[tilespmem:s18+$0x15280] =	vst v16;
	v20 =	vmul.f32 v20, v11  }
0x29f: {  	v27 =	vmul.f32 v27, v6;
	v19 =	vld [tilespmem:s7+$0x5300];
	v12 =	vadd.f32 v52, v12;
	[tilespmem:s18+$0x15300] =	vst v13  }
0x2a0: {  	v16 =	vld [tilespmem:s7+$0x5380];
	v13 =	vmul.f32 v14, v10;
	[tilespmem:s24+$0x15180] =	vst v20;
	v20 =	vadd.f32 v26, v25  }
0x2a1: {  	v29 =	vadd.f32 v53, v32;
	[tilespmem:s7+$0x15210] =	vst v27;
	v12 =	vmul.f32 v12, v9;
	v14 =	vld [tilespmem:s7+$0x9380]  }
0x2a2: {  	s26 =	simm.s32 $0x40;
	s29 =	sor.u32 $0x380, s3;
	v30 =	vadd.f32 v31, v30;
	[tilespmem:s18+$0x15400] =	vst v13;
	v13 =	vld [tilespmem:s7+$0x9400];
	s24 =	simm.s32 $0x200;
	v20 =	vmul.f32 v20, v5  }
0x2a3: {  	s22 =	simm.s32 $0x1;
	v61 =	vmul.f32 v29, v8;
	[tilespmem:s18+$0x15380] =	vst v12;
	s18 =	sand.u32 $0x60, s26;
	v25 =	vadd.f32 v54, v35;
	v55 =	vld [tilespmem:s29+$0x5180];
	s8 =	sand.u32 $0x3C00, s24  }
0x2a4: {  	s3 =	sand.u32 $0x3, s22;
	v59 =	vadd.f32 v34, v33;
	v56 =	vld [tilespmem:s29+$0x9180];
	s18 =	sor.u32 s18, s8;
	[tilespmem:s7+$0x15190] =	vst v20;
	v20 =	vmul.f32 v30, v7  }
0x2a5: {  	s3 =	sshll.u32 s3, $0x5;
	[tilespmem:s7+$0x15310] =	vst v61;
	v25 =	vmul.f32 v25, v10;
	v41 =	vld [tilespmem:s18+$0x5190]  }
0x2a6: {  	s17 =	sadd.s32 $0x100, s3;
	v42 =	vld [tilespmem:s18+$0x9190];
	[tilespmem:s7+$0x15290] =	vst v20;
	v20 =	vmul.f32 v59, v9  }
0x2a7: {  	s23 =	sadd.s32 $0x10, s17;
	v43 =	vld [tilespmem:s18+$0x9210];
	[tilespmem:s7+$0x15410] =	vst v25  }
0x2a8: {  	s20 =	sor.u32 $0x300, s23;
	v44 =	vld [tilespmem:s18+$0x5290];
	[tilespmem:s7+$0x15390] =	vst v20  }
0x2a9: {  	v17 =	vld [tilespmem:s20+$0x5180]  }
0x2aa: {  	v18 =	vld [tilespmem:s20+$0x9180]  }
0x2ab: {  	v45 =	vld [tilespmem:s18+$0x9290]  }
0x2ac: {  	v36 =	vld [tilespmem:s18+$0x5310]  }
0x2ad: {  	v46 =	vld [tilespmem:s18+$0x9310]  }
0x2ae: {  	v47 =	vld [tilespmem:s18+$0x5390]  }
0x2af: {  	v48 =	vld [tilespmem:s18+$0x9390];
	v12 =	vadd.f32 v18, v17  }
0x2b0: {  	v49 =	vld [tilespmem:s18+$0x5410]  }
0x2b1: {  	v51 =	vld [tilespmem:s18+$0x9410];
	v12 =	vmul.f32 v12, v11  }
0x2b2: {  	v31 =	vadd.f32 v58, v57;
	v52 =	vld [tilespmem:s18+$0x5180]  }
0x2b3: {  	v4 =	vbroadcast v4, $0xF;
	v29 =	vadd.f32 v62, v60;
	[tilespmem:s20+$0x15180] =	vst v12;
	v12 =	vld [tilespmem:s18+$0x5210]  }
0x2b4: {  	v31 =	vmul.f32 v31, v5;
	v15 =	vadd.f32 v15, v63;
	v20 =	vld [tilespmem:s7+$0x9300]  }
0x2b5: {  	v4 =	vand.u32 $0x1, v4;
	v50 =	vmul.f32 v29, v6;
	v14 =	vadd.f32 v14, v16;
	v54 =	vld [tilespmem:s18+$0x9180]  }
0x2b6: {  	[tilespmem:s7+$0x15180] =	vst v31;
	v15 =	vmul.f32 v15, v7;
	vm1 =	veq.s32 v4, $0x1;
	v57 =	vld [tilespmem:s18+$0x9200];
	v26 =	vadd.f32 v56, v55  }
0x2b7: {  	[tilespmem:s7+$0x15200] =	vst v50;
	v4 =	vsel vm1, $0x0, v3;
	v58 =	vld [tilespmem:s18+$0x5280];
	v14 =	vmul.f32 v14, v9;
	v23 =	vadd.f32 v42, v41  }
0x2b8: {  	[tilespmem:s7+$0x15280] =	vst v15;
	v55 =	vld [tilespmem:s18+$0x5200];
	v26 =	vmul.f32 v26, v4;
	v12 =	vadd.f32 v43, v12  }
0x2b9: {  	s3 =	sor.u32 $0x300, s19;
	[tilespmem:s7+$0x15380] =	vst v14;
	v53 =	vadd.f32 v45, v44;
	v23 =	vmul.f32 v23, v5;
	v19 =	vadd.f32 v20, v19;
	v20 =	vld [tilespmem:s18+$0x9280]  }
0x2ba: {  	v15 =	vadd.f32 v46, v36;
	[tilespmem:s29+$0x15180] =	vst v26;
	v17 =	vld [tilespmem:s3+$0x5180];
	v12 =	vmul.f32 v12, v6  }
0x2bb: {  	s23 =	sor.u32 $0x380, s23;
	v56 =	vadd.f32 v48, v47;
	v26 =	vmul.f32 v53, v7;
	[tilespmem:s18+$0x15190] =	vst v23;
	v18 =	vld [tilespmem:s3+$0x9180];
	s20 =	simm.s32 $0x2  }
0x2bc: {  	v15 =	vmul.f32 v15, v8;
	v25 =	vld [tilespmem:s23+$0x5180];
	s29 =	sand.u32 $0x3, s20;
	[tilespmem:s18+$0x15210] =	vst v12;
	v12 =	vadd.f32 v51, v49  }
0x2bd: {  	[tilespmem:s18+$0x15290] =	vst v26;
	v23 =	vmul.f32 v56, v9;
	v27 =	vld [tilespmem:s23+$0x9180];
	s4 =	sshll.u32 s29, $0x5  }
0x2be: {  	v60 =	vld [tilespmem:s18+$0x5300];
	v13 =	vadd.f32 v13, v40;
	[tilespmem:s18+$0x15310] =	vst v15;
	s4 =	sadd.s32 $0x200, s4;
	v12 =	vmul.f32 v12, v10  }
0x2bf: {  	v16 =	vld [tilespmem:s18+$0x9300];
	v59 =	vadd.f32 v54, v52;
	[tilespmem:s18+$0x15390] =	vst v23;
	v15 =	vmul.f32 v19, v8;
	s22 =	sadd.s32 $0x10, s4  }
0x2c0: {  	v14 =	vmul.f32 v13, v10;
	v13 =	vld [tilespmem:s18+$0x9380];
	v19 =	vadd.f32 v57, v55;
	s26 =	sor.u32 $0x300, s22;
	[tilespmem:s18+$0x15410] =	vst v12  }
0x2c1: {  	v61 =	vmul.f32 v59, v5;
	[tilespmem:s7+$0x15300] =	vst v15;
	v15 =	vadd.f32 v18, v17;
	v62 =	vld [tilespmem:s26+$0x5180]  }
0x2c2: {  	[tilespmem:s7+$0x15400] =	vst v14;
	v20 =	vadd.f32 v20, v58;
	v17 =	vmul.f32 v19, v6;
	v19 =	vadd.f32 v27, v25;
	v18 =	vld [tilespmem:s26+$0x9180]  }
0x2c3: {  	[tilespmem:s18+$0x15180] =	vst v61;
	v63 =	vmul.f32 v15, v11;
	v12 =	vld [tilespmem:s18+$0x5380]  }
0x2c4: {  	[tilespmem:s18+$0x15200] =	vst v17;
	v15 =	vld [tilespmem:s18+$0x5400];
	v17 =	vmul.f32 v20, v7;
	v14 =	vmul.f32 v19, v4;
	v19 =	vadd.f32 v16, v60  }
0x2c5: {  	s14 =	simm.s32 $0x60;
	s8 =	sor.u32 $0x300, s17;
	[tilespmem:s3+$0x15180] =	vst v63;
	v16 =	vld [tilespmem:s18+$0x9400]  }
0x2c6: {  	s19 =	sor.u32 $0x380, s19;
	s7 =	sor.u32 $0x380, s17;
	s17 =	simm.s32 $0x4;
	[tilespmem:s18+$0x15280] =	vst v17;
	v17 =	vld [tilespmem:s8+$0x9180];
	v19 =	vmul.f32 v19, v8  }
0x2c7: {  	s24 =	sor.u32 $0x380, s4;
	s3 =	sor.u32 $0x300, s4;
	[tilespmem:s23+$0x15180] =	vst v14;
	v14 =	vld [tilespmem:s8+$0x5180];
	s23 =	simm.s32 $0x300;
	v18 =	vadd.f32 v18, v62  }
.LBB2_9:
0x2c8: {  	s4 =	sand.u32 $0x60, s14;
	s29 =	sand.u32 $0x3C00, s23;
	[tilespmem:s18+$0x15300] =	vst v19;
	v12 =	vadd.f32 v13, v12;
	v13 =	vld [tilespmem:s19+$0x5180]  }
0x2c9: {  	s4 =	sor.u32 s4, s29;
	v18 =	vmul.f32 v18, v11;
	v19 =	vld [tilespmem:s19+$0x9180]  }
0x2ca: {  	v20 =	vld [tilespmem:s4+$0x5190];
	v12 =	vmul.f32 v12, v9;
	v15 =	vadd.f32 v16, v15  }
0x2cb: {  	s22 =	sor.u32 $0x380, s22;
	v16 =	vld [tilespmem:s4+$0x9190];
	[tilespmem:s26+$0x15180] =	vst v18  }
0x2cc: {  	[tilespmem:s18+$0x15380] =	vst v12;
	v12 =	vmul.f32 v15, v10;
	v15 =	vld [tilespmem:s22+$0x5180];
	v14 =	vadd.f32 v17, v14  }
0x2cd: {  	v17 =	vld [tilespmem:s22+$0x9180]  }
0x2ce: {  	v18 =	vld [tilespmem:s4+$0x5210];
	[tilespmem:s18+$0x15400] =	vst v12;
	v12 =	vmul.f32 v14, v11;
	v13 =	vadd.f32 v19, v13;
	s18 =	smov.u32 s4  }
0x2cf: {  	v14 =	vld [tilespmem:s18+$0x9210]  }
0x2d0: {  	v19 =	vld [tilespmem:s18+$0x5290];
	[tilespmem:s8+$0x15180] =	vst v12;
	v12 =	vmul.f32 v13, v4;
	s8 =	smov.u32 s3  }
0x2d1: {  	v13 =	vld [tilespmem:s18+$0x9290]  }
0x2d2: {  	v21 =	vld [tilespmem:s18+$0x5310];
	v15 =	vadd.f32 v17, v15;
	[tilespmem:s19+$0x15180] =	vst v12;
	s19 =	smov.u32 s7;
	s7 =	smov.u32 s24  }
0x2d3: {  	v12 =	vld [tilespmem:s18+$0x9310]  }
0x2d4: {  	v17 =	vld [tilespmem:s18+$0x5390];
	v15 =	vmul.f32 v15, v4  }
0x2d5: {  	v22 =	vld [tilespmem:s18+$0x9390]  }
0x2d6: {  	v23 =	vld [tilespmem:s18+$0x5410];
	[tilespmem:s22+$0x15180] =	vst v15  }
0x2d7: {  	s17 =	sadd.s32 $0x2, s17;
	v15 =	vadd.f32 v16, v20;
	v16 =	vld [tilespmem:s18+$0x9410]  }
0x2d8: {  	p0 =	slt.u32 s17, $0x7E;
	v14 =	vadd.f32 v14, v18;
	v20 =	vld [tilespmem:s18+$0x5180]  }
0x2d9: {  	v13 =	vadd.f32 v13, v19;
	v15 =	vmul.f32 v15, v5;
	v18 =	vld [tilespmem:s18+$0x9180]  }
0x2da: {  	v14 =	vmul.f32 v14, v6;
	v12 =	vadd.f32 v12, v21;
	v19 =	vld [tilespmem:s18+$0x5200]  }
0x2db: {  	s20 =	sadd.s32 $0x1, s20;
	v13 =	vmul.f32 v13, v7;
	v21 =	vld [tilespmem:s18+$0x9200];
	[tilespmem:s18+$0x15190] =	vst v15;
	v15 =	vadd.f32 v22, v17  }
0x2dc: {  	s3 =	sand.u32 $0x3, s20;
	v12 =	vmul.f32 v12, v8;
	v17 =	vld [tilespmem:s18+$0x5280];
	[tilespmem:s18+$0x15210] =	vst v14;
	v14 =	vadd.f32 v16, v23  }
0x2dd: {  	s3 =	sshll.u32 s3, $0x5;
	v16 =	vld [tilespmem:s18+$0x9280];
	[tilespmem:s18+$0x15290] =	vst v13;
	v13 =	vmul.f32 v15, v9  }
0x2de: {  	s4 =	sadd.s32 s3, s23;
	v15 =	vadd.f32 v18, v20;
	v18 =	vld [tilespmem:s18+$0x5300];
	[tilespmem:s18+$0x15310] =	vst v12;
	v14 =	vmul.f32 v14, v10  }
0x2df: {  	s3 =	sor.u32 $0x300, s4;
	s24 =	sor.u32 $0x380, s4;
	s22 =	sadd.s32 $0x10, s4;
	v20 =	vld [tilespmem:s18+$0x9300];
	[tilespmem:s18+$0x15390] =	vst v13  }
0x2e0: {  	s26 =	sor.u32 $0x300, s22;
	v13 =	vmul.f32 v15, v5;
	v15 =	vadd.f32 v21, v19;
	v12 =	vld [tilespmem:s18+$0x5380];
	[tilespmem:s18+$0x15410] =	vst v14  }
0x2e1: {  	v21 =	vld [tilespmem:s26+$0x5180]  }
0x2e2: {  	[tilespmem:s18+$0x15180] =	vst v13;
	v14 =	vmul.f32 v15, v6;
	v15 =	vadd.f32 v16, v17;
	v17 =	vld [tilespmem:s26+$0x9180]  }
.Ltmp5:
0x2e3: {  	v13 =	vld [tilespmem:s18+$0x9380];
	(pc) =	sbr.rel @p0 .LBB2_9-.Ltmp5, $4  }
0x2e4: {  	[tilespmem:s18+$0x15200] =	vst v14;
	v14 =	vmul.f32 v15, v7;
	v18 =	vadd.f32 v20, v18;
	v15 =	vld [tilespmem:s18+$0x5400]  }
0x2e5: {  	v16 =	vld [tilespmem:s18+$0x9400]  }
0x2e6: {  	[tilespmem:s18+$0x15280] =	vst v14;
	v19 =	vmul.f32 v18, v8;
	v14 =	vld [tilespmem:s8+$0x5180]  }
0x2e7: {  	s14 =	sadd.s32 $0x20, s14;
	s23 =	sadd.s32 $0x100, s23;
	v18 =	vadd.f32 v17, v21;
	v17 =	vld [tilespmem:s8+$0x9180]  }
0x2e8: {  	_ = 	snop  }
0x2e9: {  	v5 =	vadd.f32 v13, v12  }
0x2ea: {  	v6 =	vadd.f32 v16, v15  }
0x2eb: {  	v5 =	vmul.f32 v5, v9  }
0x2ec: {  	[tilespmem:s18+$0x15300] =	vst v19;
	v6 =	vmul.f32 v6, v10  }
0x2ed: {  	[tilespmem:s18+$0x15380] =	vst v5  }
0x2ee: {  	[tilespmem:s18+$0x15400] =	vst v6  }
0x2ef: {  	v5 =	vld [tilespmem:s3+$0x5180]  }
0x2f0: {  	v6 =	vld [tilespmem:s3+$0x9180];
	_ =	sdelay $0x2  }
0x2f1: {  	v7 =	vmul.f32 v18, v11;
	v8 =	vadd.f32 v17, v14  }
0x2f2: {  	v9 =	vld [tilespmem:s19+$0x5180]  }
0x2f3: {  	s4 =	sor.u32 $0x380, s22;
	[tilespmem:s26+$0x15180] =	vst v7;
	v10 =	vld [tilespmem:s19+$0x9180];
	v7 =	vmul.f32 v8, v11;
	v5 =	vadd.f32 v6, v5  }
0x2f4: {  	v8 =	vld [tilespmem:s4+$0x9180]  }
0x2f5: {  	[tilespmem:s8+$0x15180] =	vst v7;
	v6 =	vld [tilespmem:s4+$0x5180];
	v5 =	vmul.f32 v5, v11  }
0x2f6: {  	v7 =	vld [tilespmem:s7+$0x5180]  }
0x2f7: {  	v11 =	vld [tilespmem:s7+$0x9180];
	[tilespmem:s3+$0x15180] =	vst v5  }
0x2f8: {  	v5 =	vld [tilespmem:s24+$0x5180]  }
0x2f9: {  	v9 =	vadd.f32 v10, v9;
	v12 =	vld [tilespmem:s24+$0x9180]  }
0x2fa: {  	v6 =	vadd.f32 v8, v6  }
0x2fb: {  	v8 =	vmul.f32 v9, v4  }
0x2fc: {  	v6 =	vmul.f32 v6, v4  }
0x2fd: {  	v7 =	vadd.f32 v11, v7;
	[tilespmem:s19+$0x15180] =	vst v8  }
0x2fe: {  	[tilespmem:s4+$0x15180] =	vst v6;
	v5 =	vadd.f32 v12, v5  }
0x2ff: {  	v7 =	vmul.f32 v7, v4;
	s3 =	rddreg [dreg:$0xd]  }
0x300: {  	s3 =	sadd.s32 s3, s0;
	v4 =	vmul.f32 v5, v4  }
0x301: {  	s14 =	rddreg [dreg:$0x4];
	[tilespmem:s7+$0x15180] =	vst v7;
	s3 =	sshll.u32 s3, $0x8  }
0x302: {  	s17 =	simm.s32 $0x15180;
	s3 =	sadd.s32 s14, s3;
	[tilespmem:s24+$0x15180] =	vst v4  }
0x303: {  	[hbm4b:s3+s5] =	stream.linear.scatter [tilespmem:s17], [sflag:$0x6], $0x4000, $0x38;
	[tilespmem:$0x19180] =	vst v63  }
0x304: {  	v4 =	vld.msk [tilespmem:s6+$0x280], $0xff;
	_ =	sdelay $0x4  }
0x305: {  	v5 =	vshll.u32 v4, $0x4  }
0x306: {  	v4 =	vand.u32 $0x7, v4;
	v5 =	vand.u32 $0xFFFFFF80, v5  }
0x307: {  	v4 =	vor.u32 v4, v5  }
0x308: {  	v4 =	vperm.xlane v4, v0;
	_ =	sdelay $0x1  }
0x309: {  	v4 =	vadd.s32 v1, v4;
	_ =	sdelay $0x3  }
0x30a: {  	s18 =	simm.s32 $0x5180  }
0x30b: {  	[tilespmem:s18], [sflag:$0x2] =	stream.indirect_vreg.gather [hbm4b:s1+s5], $0x80, v4, vm0, $0xb8;
	[tilespmem:$0x19180] =	vst v63  }
0x30c: {  	s19 =	simm.s32 $0x5980  }
0x30d: {  	[tilespmem:s19], [sflag:$0x2] =	stream.indirect_vreg.gather [hbm4b:s9+s5], $0x80, v4, vm0, $0xb8;
	[tilespmem:$0x19180] =	vst v63  }
0x30e: {  	s20 =	simm.s32 $0x6180  }
0x30f: {  	[tilespmem:s20], [sflag:$0x2] =	stream.indirect_vreg.gather [hbm4b:s10+s5], $0x80, v4, vm0, $0xb8;
	[tilespmem:$0x19180] =	vst v63  }
0x310: {  	s22 =	simm.s32 $0x6980  }
0x311: {  	[tilespmem:s22], [sflag:$0x2] =	stream.indirect_vreg.gather [hbm4b:s11+s5], $0x80, v4, vm0, $0xb8;
	[tilespmem:$0x19180] =	vst v63  }
0x312: {  	s23 =	simm.s32 $0x7180  }
0x313: {  	[tilespmem:s23], [sflag:$0x2] =	stream.indirect_vreg.gather [hbm4b:s12+s5], $0x80, v4, vm0, $0xb8;
	[tilespmem:$0x19180] =	vst v63  }
0x314: {  	p0 =	seq.s32 s2, $0x3;
	s24 =	simm.s32 $0x7980;
	s3 =	rddreg [dreg:$0xe]  }
0x315: {  	[tilespmem:s24], [sflag:$0x2] =	stream.indirect_vreg.gather [hbm4b:s13+s5], $0x80, v4, vm0, $0xb8;
	[tilespmem:$0x19180] =	vst v63  }
0x316: {  	s26 =	simm.s32 $0x8180;
	s3 =	sadd.s32 @!p0 s0, s3  }
0x317: {  	[tilespmem:s26], [sflag:$0x2] =	stream.indirect_vreg.gather [hbm4b:s15+s5], $0x80, v4, vm0, $0xb8;
	[tilespmem:$0x19180] =	vst v63  }
0x318: {  	s29 =	simm.s32 $0x8980;
	s4 =	rddreg [dreg:$0x3];
	s3 =	sshll.u32 @!p0 s3, $0x8  }
0x319: {  	[tilespmem:s29], [sflag:$0x2] =	stream.indirect_vreg.gather [hbm4b:s16+s5], $0x80, v4, vm0, $0xb8;
	[tilespmem:$0x19180] =	vst v63  }
0x31a: {  	s6 =	simm.s32 @!p0 $0x9180;
	s3 =	sadd.s32 @!p0 s4, s3;
	s4 =	simm.s32 @!p0 $0x0  }
0x31b: {  	[tilespmem:s6], [sflag:$0x3] =	stream.linear.gather @!p0 [hbm4b:s3+s4], $0x4000, $0x38;
	[tilespmem:$0x19180] =	vst v63  }
0x31c: {  	s6 =	sor.u32 $0x1, s25  }
0x31d: {  	s4 =	sshll.u32 s6, $0x5  }
0x31e: {  	s3 =	sand.u32 $0x3FFFFFE0, s4  }
0x31f: {  	s7 =	simm.s32 $0x4;
	v5 =	vld [tilespmem:s3+$0x1000]  }
0x320: {  	v4 =	vld [tilespmem:s3+$0x1010];
	_ =	swait.ge [sflag:s7], $0x4000  }
0x321: {  	[sflag:s7] =	ssyncset.done $0x0  }
0x322: {  	[sflag:s7] =	ssyncadd.s32 $0xFFFFC000  }
0x323: {  	_ =	swait.ge [sflag:s21], $0x4000  }
0x324: {  	[sflag:s21] =	ssyncset.done $0x0  }
0x325: {  	[sflag:s21] =	ssyncadd.s32 $0xFFFFC000  }
0x326: {  	s8 =	simm.s32 $0x0;
	_ =	swait.ge [sflag:s30], $0x4000  }
0x327: {  	s14 =	sand.u32 $0x60, s8;
	s17 =	sand.u32 $0x3C00, s8;
	[sflag:s30] =	ssyncset.done $0x0  }
0x328: {  	s18 =	sor.u32 s14, s17;
	[sflag:s30] =	ssyncadd.s32 $0xFFFFC000  }
0x329: {  	v9 =	vld [tilespmem:s18+$0x1190]  }
0x32a: {  	v10 =	vld [tilespmem:s18+$0xD190]  }
0x32b: {  	v11 =	vld [tilespmem:s18+$0x1210]  }
0x32c: {  	v12 =	vld [tilespmem:s18+$0xD210]  }
0x32d: {  	v13 =	vld [tilespmem:s18+$0x1290]  }
0x32e: {  	v14 =	vld [tilespmem:s18+$0xD290]  }
0x32f: {  	v15 =	vld [tilespmem:s18+$0x1310]  }
0x330: {  	v16 =	vld [tilespmem:s18+$0xD310]  }
0x331: {  	v18 =	vld [tilespmem:s18+$0x1390]  }
0x332: {  	v20 =	vld [tilespmem:s18+$0xD390]  }
0x333: {  	v21 =	vld [tilespmem:s18+$0x1410]  }
0x334: {  	s14 =	simm.s32 $0x20;
	s26 =	simm.s32 $0x100;
	v22 =	vld [tilespmem:s18+$0xD180]  }
0x335: {  	s14 =	sand.u32 $0x60, s14;
	s7 =	sand.u32 $0x3C00, s26;
	v24 =	vld [tilespmem:s18+$0x1400]  }
0x336: {  	s7 =	sor.u32 s14, s7;
	v25 =	vld [tilespmem:s18+$0xD400]  }
0x337: {  	v26 =	vld [tilespmem:s7+$0x1190]  }
0x338: {  	v27 =	vld [tilespmem:s7+$0xD190]  }
0x339: {  	v28 =	vld [tilespmem:s7+$0x1210]  }
0x33a: {  	v29 =	vld [tilespmem:s7+$0xD210]  }
0x33b: {  	v31 =	vld [tilespmem:s7+$0x1290]  }
0x33c: {  	v32 =	vld [tilespmem:s7+$0xD290]  }
0x33d: {  	vm1 =	veq.s32 v5, $0x0;
	v33 =	vld [tilespmem:s7+$0x1310]  }
0x33e: {  	v5 =	vsel vm1, $0x1, v2;
	v59 =	vld [tilespmem:s7+$0xD310]  }
0x33f: {  	v6 =	vbroadcast v5, $0x0;
	v34 =	vld [tilespmem:s7+$0x1390]  }
0x340: {  	v7 =	vbroadcast v5, $0x1;
	v8 =	vbroadcast v5, $0x2;
	v35 =	vld [tilespmem:s7+$0xD390]  }
0x341: {  	v17 =	vbroadcast v5, $0x3;
	v19 =	vbroadcast v5, $0x4;
	v6 =	vand.u32 $0x1, v6;
	v36 =	vld [tilespmem:s7+$0x1410]  }
0x342: {  	v7 =	vand.u32 $0x1, v7;
	v8 =	vand.u32 $0x1, v8;
	v60 =	vld [tilespmem:s7+$0xD410];
	vm1 =	veq.s32 v6, $0x1  }
0x343: {  	v63 =	vld [tilespmem:s7+$0x1180];
	vm2 =	veq.s32 v8, $0x1;
	v6 =	vsel vm1, $0x0, v3;
	vm1 =	veq.s32 v7, $0x1  }
0x344: {  	v17 =	vand.u32 $0x1, v17;
	v40 =	vld [tilespmem:s7+$0xD180];
	v8 =	vsel vm2, $0x0, v3;
	v7 =	vsel vm1, $0x0, v3  }
0x345: {  	vm1 =	veq.s32 v17, $0x1;
	v17 =	vand.u32 $0x1, v19;
	v19 =	vld [tilespmem:s18+$0xD410];
	v10 =	vadd.f32 v10, v9  }
0x346: {  	v9 =	vsel vm1, $0x0, v3;
	vm1 =	veq.s32 v17, $0x1;
	v17 =	vld [tilespmem:s18+$0x1180];
	v11 =	vadd.f32 v12, v11  }
0x347: {  	v12 =	vbroadcast v5, $0x5;
	v13 =	vadd.f32 v14, v13;
	v14 =	vld [tilespmem:s18+$0x1200];
	v23 =	vmul.f32 v10, v6  }
0x348: {  	v15 =	vadd.f32 v16, v15;
	v16 =	vld [tilespmem:s18+$0xD200];
	v18 =	vadd.f32 v20, v18;
	v11 =	vmul.f32 v11, v7  }
0x349: {  	v20 =	vld [tilespmem:s18+$0x1280];
	v10 =	vsel vm1, $0x0, v3;
	v12 =	vand.u32 $0x1, v12;
	v13 =	vmul.f32 v13, v8;
	[tilespmem:s18+$0x11190] =	vst v23  }
0x34a: {  	s3 =	sand.u32 $0x3, s8;
	vm1 =	veq.s32 v12, $0x1;
	v12 =	vmul.f32 v15, v9;
	v15 =	vadd.f32 v19, v21;
	v19 =	vld [tilespmem:s18+$0xD280];
	[tilespmem:s18+$0x11210] =	vst v11  }
0x34b: {  	s3 =	sshll.u32 s3, $0x5;
	v11 =	vsel vm1, $0x0, v3;
	[tilespmem:s18+$0x11290] =	vst v13;
	v13 =	vmul.f32 v18, v10;
	v18 =	vld [tilespmem:s18+$0x1300]  }
0x34c: {  	s19 =	sadd.s32 $0x0, s3;
	v23 =	vld [tilespmem:s18+$0xD380];
	[tilespmem:s18+$0x11310] =	vst v12;
	v12 =	vmul.f32 v15, v11  }
0x34d: {  	s3 =	sadd.s32 $0x10, s19;
	v15 =	vld [tilespmem:s18+$0xD300];
	[tilespmem:s18+$0x11390] =	vst v13  }
0x34e: {  	s25 =	sor.u32 $0x300, s3;
	v13 =	vld [tilespmem:s18+$0x1380];
	[tilespmem:s18+$0x11410] =	vst v12  }
0x34f: {  	v12 =	vld [tilespmem:s25+$0x1180]  }
0x350: {  	v17 =	vadd.f32 v22, v17;
	v21 =	vld [tilespmem:s25+$0xD180]  }
0x351: {  	v42 =	vld [tilespmem:s7+$0x1200];
	v14 =	vadd.f32 v16, v14  }
0x352: {  	v30 =	vbroadcast v5, $0x6;
	v44 =	vld [tilespmem:s7+$0xD200];
	v17 =	vmul.f32 v17, v6;
	v19 =	vadd.f32 v19, v20  }
0x353: {  	v45 =	vld [tilespmem:s7+$0xD400];
	v14 =	vmul.f32 v14, v7;
	v15 =	vadd.f32 v15, v18  }
0x354: {  	v30 =	vand.u32 $0x1, v30;
	v22 =	vld [tilespmem:s7+$0x1280];
	[tilespmem:s18+$0x11180] =	vst v17;
	v17 =	vmul.f32 v19, v8;
	v13 =	vadd.f32 v23, v13  }
0x355: {  	vm1 =	veq.s32 v30, $0x1;
	v16 =	vld [tilespmem:s7+$0xD280];
	[tilespmem:s18+$0x11200] =	vst v14;
	v14 =	vmul.f32 v15, v9;
	v21 =	vadd.f32 v21, v12  }
0x356: {  	v20 =	vld [tilespmem:s7+$0x1300];
	v15 =	vadd.f32 v25, v24;
	[tilespmem:s18+$0x11280] =	vst v17;
	v12 =	vsel vm1, $0x0, v3;
	v13 =	vmul.f32 v13, v10  }
0x357: {  	v23 =	vld [tilespmem:s7+$0x1400];
	[tilespmem:s18+$0x11300] =	vst v14;
	v21 =	vmul.f32 v21, v12  }
0x358: {  	v28 =	vadd.f32 v29, v28;
	v17 =	vld [tilespmem:s7+$0x1380];
	v14 =	vmul.f32 v15, v11;
	[tilespmem:s18+$0x11380] =	vst v13  }
0x359: {  	s26 =	simm.s32 $0x40;
	s29 =	sor.u32 $0x380, s3;
	v15 =	vld [tilespmem:s7+$0xD380];
	[tilespmem:s25+$0x11180] =	vst v21;
	v21 =	vadd.f32 v27, v26;
	s25 =	simm.s32 $0x200  }
0x35a: {  	v28 =	vmul.f32 v28, v7;
	v30 =	vadd.f32 v59, v33;
	[tilespmem:s18+$0x11400] =	vst v14;
	s18 =	sand.u32 $0x60, s26;
	v61 =	vld [tilespmem:s29+$0x1180];
	s8 =	sand.u32 $0x3C00, s25  }
0x35b: {  	v31 =	vadd.f32 v32, v31;
	v62 =	vld [tilespmem:s29+$0xD180];
	v21 =	vmul.f32 v21, v6;
	s18 =	sor.u32 s18, s8  }
0x35c: {  	s22 =	simm.s32 $0x1;
	[tilespmem:s7+$0x11210] =	vst v28;
	v43 =	vmul.f32 v30, v9;
	v26 =	vadd.f32 v60, v36;
	v14 =	vld [tilespmem:s18+$0x1190]  }
0x35d: {  	s3 =	sand.u32 $0x3, s22;
	v41 =	vadd.f32 v35, v34;
	v46 =	vld [tilespmem:s18+$0xD190];
	[tilespmem:s7+$0x11190] =	vst v21;
	v21 =	vmul.f32 v31, v8  }
0x35e: {  	s3 =	sshll.u32 s3, $0x5;
	[tilespmem:s7+$0x11310] =	vst v43;
	v26 =	vmul.f32 v26, v11;
	v47 =	vld [tilespmem:s18+$0x1210]  }
0x35f: {  	s17 =	sadd.s32 $0x100, s3;
	v48 =	vld [tilespmem:s18+$0xD210];
	[tilespmem:s7+$0x11290] =	vst v21;
	v21 =	vmul.f32 v41, v10  }
0x360: {  	s23 =	sadd.s32 $0x10, s17;
	v49 =	vld [tilespmem:s18+$0x1290];
	[tilespmem:s7+$0x11410] =	vst v26  }
0x361: {  	s20 =	sor.u32 $0x300, s23;
	v37 =	vld [tilespmem:s18+$0xD290];
	[tilespmem:s7+$0x11390] =	vst v21  }
0x362: {  	v18 =	vld [tilespmem:s20+$0x1180]  }
0x363: {  	v19 =	vld [tilespmem:s20+$0xD180]  }
0x364: {  	v38 =	vld [tilespmem:s18+$0x1310]  }
0x365: {  	v50 =	vld [tilespmem:s18+$0xD310]  }
0x366: {  	v51 =	vld [tilespmem:s18+$0x1390]  }
0x367: {  	v52 =	vld [tilespmem:s18+$0xD390]  }
0x368: {  	v16 =	vadd.f32 v16, v22;
	v22 =	vld [tilespmem:s18+$0x1410];
	v13 =	vadd.f32 v19, v18  }
0x369: {  	v32 =	vadd.f32 v40, v63;
	v30 =	vadd.f32 v44, v42;
	v54 =	vld [tilespmem:s18+$0xD410]  }
0x36a: {  	v56 =	vld [tilespmem:s18+$0x1180];
	v13 =	vmul.f32 v13, v12  }
0x36b: {  	v32 =	vmul.f32 v32, v6;
	v53 =	vmul.f32 v30, v7;
	v15 =	vadd.f32 v15, v17;
	v21 =	vld [tilespmem:s7+$0xD300]  }
0x36c: {  	v16 =	vmul.f32 v16, v8;
	v58 =	vld [tilespmem:s18+$0xD180];
	v14 =	vadd.f32 v46, v14;
	[tilespmem:s20+$0x11180] =	vst v13;
	v13 =	vbroadcast v5, $0x7  }
0x36d: {  	[tilespmem:s7+$0x11180] =	vst v32;
	v59 =	vld [tilespmem:s18+$0x1200];
	v15 =	vmul.f32 v15, v10;
	v27 =	vadd.f32 v62, v61;
	v55 =	vadd.f32 v48, v47  }
0x36e: {  	[tilespmem:s7+$0x11280] =	vst v16;
	v60 =	vld [tilespmem:s18+$0xD200];
	v16 =	vadd.f32 v50, v38;
	v14 =	vmul.f32 v14, v6;
	v13 =	vand.u32 $0x1, v13  }
0x36f: {  	v61 =	vld [tilespmem:s18+$0x1280];
	[tilespmem:s7+$0x11380] =	vst v15;
	v22 =	vadd.f32 v54, v22;
	v30 =	vmul.f32 v55, v7;
	vm1 =	veq.s32 v13, $0x1  }
0x370: {  	s24 =	sor.u32 $0x300, s19;
	v16 =	vmul.f32 v16, v9;
	[tilespmem:s18+$0x11190] =	vst v14;
	v20 =	vadd.f32 v21, v20;
	v21 =	vld [tilespmem:s18+$0xD280];
	v13 =	vsel vm1, $0x0, v3  }
0x371: {  	v14 =	vadd.f32 v52, v51;
	[tilespmem:s18+$0x11210] =	vst v30;
	v18 =	vld [tilespmem:s24+$0x1180];
	v27 =	vmul.f32 v27, v13  }
0x372: {  	s23 =	sor.u32 $0x380, s23;
	v22 =	vmul.f32 v22, v11;
	[tilespmem:s18+$0x11310] =	vst v16;
	v19 =	vld [tilespmem:s24+$0xD180];
	s20 =	simm.s32 $0x2  }
0x373: {  	v57 =	vadd.f32 v37, v49;
	v14 =	vmul.f32 v14, v10;
	v26 =	vld [tilespmem:s23+$0x1180];
	[tilespmem:s29+$0x11180] =	vst v27;
	s29 =	sand.u32 $0x3, s20  }
0x374: {  	[tilespmem:s18+$0x11410] =	vst v22;
	v17 =	vmul.f32 v20, v9;
	v28 =	vld [tilespmem:s23+$0xD180];
	s4 =	sshll.u32 s29, $0x5  }
0x375: {  	v29 =	vadd.f32 v60, v59;
	v16 =	vld [tilespmem:s18+$0x1300];
	[tilespmem:s18+$0x11390] =	vst v14;
	v27 =	vmul.f32 v57, v8;
	s4 =	sadd.s32 $0x200, s4  }
0x376: {  	v20 =	vld [tilespmem:s18+$0xD300];
	[tilespmem:s7+$0x11300] =	vst v17;
	v17 =	vadd.f32 v45, v23;
	s22 =	sadd.s32 $0x10, s4  }
0x377: {  	v15 =	vld [tilespmem:s18+$0xD380];
	v21 =	vadd.f32 v21, v61;
	v18 =	vadd.f32 v19, v18;
	v19 =	vmul.f32 v29, v7;
	[tilespmem:s18+$0x11290] =	vst v27;
	s25 =	sor.u32 $0x300, s22  }
0x378: {  	[tilespmem:s7+$0x11200] =	vst v53;
	v17 =	vmul.f32 v17, v11;
	v22 =	vld [tilespmem:s25+$0x1180]  }
0x379: {  	v21 =	vmul.f32 v21, v8;
	[tilespmem:s18+$0x11200] =	vst v19;
	v63 =	vadd.f32 v28, v26;
	v23 =	vld [tilespmem:s25+$0xD180]  }
0x37a: {  	v62 =	vadd.f32 v58, v56;
	v14 =	vld [tilespmem:s18+$0x1380];
	v18 =	vmul.f32 v18, v12;
	[tilespmem:s7+$0x11400] =	vst v17  }
0x37b: {  	v20 =	vadd.f32 v20, v16;
	v17 =	vld [tilespmem:s18+$0x1400];
	[tilespmem:s18+$0x11280] =	vst v21;
	v19 =	vmul.f32 v63, v13  }
0x37c: {  	s19 =	sor.u32 $0x380, s19;
	s8 =	sor.u32 $0x300, s17;
	[tilespmem:s24+$0x11180] =	vst v18;
	v18 =	vld [tilespmem:s18+$0xD400];
	v27 =	vmul.f32 v62, v6  }
0x37d: {  	s14 =	simm.s32 $0x60;
	s7 =	sor.u32 $0x380, s17;
	s17 =	simm.s32 $0x4;
	v16 =	vld [tilespmem:s8+$0x1180];
	v21 =	vmul.f32 v20, v9;
	[tilespmem:s23+$0x11180] =	vst v19  }
0x37e: {  	s3 =	sor.u32 $0x300, s4;
	s24 =	sor.u32 $0x380, s4;
	s23 =	simm.s32 $0x300;
	v19 =	vld [tilespmem:s8+$0xD180];
	[tilespmem:s18+$0x11180] =	vst v27;
	v20 =	vadd.f32 v23, v22  }
.LBB2_11:
0x37f: {  	s4 =	sand.u32 $0x60, s14;
	s26 =	sand.u32 $0x3C00, s23;
	[tilespmem:s18+$0x11300] =	vst v21;
	v14 =	vadd.f32 v15, v14;
	v15 =	vld [tilespmem:s19+$0x1180]  }
0x380: {  	s4 =	sor.u32 s4, s26;
	v20 =	vmul.f32 v20, v12;
	v21 =	vld [tilespmem:s19+$0xD180]  }
0x381: {  	v22 =	vld [tilespmem:s4+$0x1190];
	v14 =	vmul.f32 v14, v10;
	v17 =	vadd.f32 v18, v17  }
0x382: {  	s22 =	sor.u32 $0x380, s22;
	v18 =	vld [tilespmem:s4+$0xD190];
	[tilespmem:s25+$0x11180] =	vst v20  }
0x383: {  	[tilespmem:s18+$0x11380] =	vst v14;
	v14 =	vmul.f32 v17, v11;
	v17 =	vld [tilespmem:s22+$0x1180];
	v16 =	vadd.f32 v19, v16  }
0x384: {  	v19 =	vld [tilespmem:s22+$0xD180]  }
0x385: {  	v20 =	vld [tilespmem:s4+$0x1210];
	[tilespmem:s18+$0x11400] =	vst v14;
	v14 =	vmul.f32 v16, v12;
	v15 =	vadd.f32 v21, v15;
	s18 =	smov.u32 s4  }
0x386: {  	v16 =	vld [tilespmem:s18+$0xD210]  }
0x387: {  	v21 =	vld [tilespmem:s18+$0x1290];
	[tilespmem:s8+$0x11180] =	vst v14;
	v14 =	vmul.f32 v15, v13;
	s8 =	smov.u32 s3  }
0x388: {  	v15 =	vld [tilespmem:s18+$0xD290]  }
0x389: {  	v23 =	vld [tilespmem:s18+$0x1310];
	v17 =	vadd.f32 v19, v17;
	[tilespmem:s19+$0x11180] =	vst v14;
	s19 =	smov.u32 s7;
	s7 =	smov.u32 s24  }
0x38a: {  	v14 =	vld [tilespmem:s18+$0xD310]  }
0x38b: {  	v19 =	vld [tilespmem:s18+$0x1390];
	v17 =	vmul.f32 v17, v13  }
0x38c: {  	v24 =	vld [tilespmem:s18+$0xD390]  }
0x38d: {  	v25 =	vld [tilespmem:s18+$0x1410];
	[tilespmem:s22+$0x11180] =	vst v17  }
0x38e: {  	s17 =	sadd.s32 $0x2, s17;
	v17 =	vadd.f32 v18, v22;
	v18 =	vld [tilespmem:s18+$0xD410]  }
0x38f: {  	p1 =	slt.u32 s17, $0x7E;
	v16 =	vadd.f32 v16, v20;
	v22 =	vld [tilespmem:s18+$0x1180]  }
0x390: {  	v15 =	vadd.f32 v15, v21;
	v17 =	vmul.f32 v17, v6;
	v20 =	vld [tilespmem:s18+$0xD180]  }
0x391: {  	v16 =	vmul.f32 v16, v7;
	v14 =	vadd.f32 v14, v23;
	v21 =	vld [tilespmem:s18+$0x1200]  }
0x392: {  	s20 =	sadd.s32 $0x1, s20;
	v15 =	vmul.f32 v15, v8;
	v23 =	vld [tilespmem:s18+$0xD200];
	[tilespmem:s18+$0x11190] =	vst v17;
	v17 =	vadd.f32 v24, v19  }
0x393: {  	s3 =	sand.u32 $0x3, s20;
	v14 =	vmul.f32 v14, v9;
	v19 =	vld [tilespmem:s18+$0x1280];
	[tilespmem:s18+$0x11210] =	vst v16;
	v16 =	vadd.f32 v18, v25  }
0x394: {  	s3 =	sshll.u32 s3, $0x5;
	v18 =	vld [tilespmem:s18+$0xD280];
	[tilespmem:s18+$0x11290] =	vst v15;
	v15 =	vmul.f32 v17, v10  }
0x395: {  	s4 =	sadd.s32 s3, s23;
	v17 =	vadd.f32 v20, v22;
	v20 =	vld [tilespmem:s18+$0x1300];
	[tilespmem:s18+$0x11310] =	vst v14;
	v16 =	vmul.f32 v16, v11  }
0x396: {  	s3 =	sor.u32 $0x300, s4;
	s24 =	sor.u32 $0x380, s4;
	s22 =	sadd.s32 $0x10, s4;
	v22 =	vld [tilespmem:s18+$0xD300];
	[tilespmem:s18+$0x11390] =	vst v15  }
0x397: {  	s25 =	sor.u32 $0x300, s22;
	v15 =	vmul.f32 v17, v6;
	v17 =	vadd.f32 v23, v21;
	v14 =	vld [tilespmem:s18+$0x1380];
	[tilespmem:s18+$0x11410] =	vst v16  }
0x398: {  	v23 =	vld [tilespmem:s25+$0x1180]  }
0x399: {  	[tilespmem:s18+$0x11180] =	vst v15;
	v16 =	vmul.f32 v17, v7;
	v17 =	vadd.f32 v18, v19;
	v19 =	vld [tilespmem:s25+$0xD180]  }
.Ltmp6:
0x39a: {  	v15 =	vld [tilespmem:s18+$0xD380];
	(pc) =	sbr.rel @p1 .LBB2_11-.Ltmp6, $4  }
0x39b: {  	[tilespmem:s18+$0x11200] =	vst v16;
	v16 =	vmul.f32 v17, v8;
	v20 =	vadd.f32 v22, v20;
	v17 =	vld [tilespmem:s18+$0x1400]  }
0x39c: {  	v18 =	vld [tilespmem:s18+$0xD400]  }
0x39d: {  	[tilespmem:s18+$0x11280] =	vst v16;
	v21 =	vmul.f32 v20, v9;
	v16 =	vld [tilespmem:s8+$0x1180]  }
0x39e: {  	s14 =	sadd.s32 $0x20, s14;
	s23 =	sadd.s32 $0x100, s23;
	v20 =	vadd.f32 v19, v23;
	v19 =	vld [tilespmem:s8+$0xD180]  }
0x39f: {  	_ = 	snop  }
0x3a0: {  	v6 =	vadd.f32 v15, v14  }
0x3a1: {  	v7 =	vadd.f32 v18, v17  }
0x3a2: {  	v6 =	vmul.f32 v6, v10  }
0x3a3: {  	[tilespmem:s18+$0x11300] =	vst v21;
	v7 =	vmul.f32 v7, v11  }
0x3a4: {  	[tilespmem:s18+$0x11380] =	vst v6  }
0x3a5: {  	[tilespmem:s18+$0x11400] =	vst v7  }
0x3a6: {  	v6 =	vld [tilespmem:s3+$0x1180]  }
0x3a7: {  	v7 =	vld [tilespmem:s3+$0xD180];
	_ =	sdelay $0x2  }
0x3a8: {  	v8 =	vmul.f32 v20, v12;
	v9 =	vadd.f32 v19, v16  }
0x3a9: {  	v10 =	vld [tilespmem:s19+$0x1180]  }
0x3aa: {  	s4 =	sor.u32 $0x380, s22;
	[tilespmem:s25+$0x11180] =	vst v8;
	v11 =	vld [tilespmem:s19+$0xD180];
	v8 =	vmul.f32 v9, v12;
	v6 =	vadd.f32 v7, v6  }
0x3ab: {  	v9 =	vld [tilespmem:s4+$0xD180]  }
0x3ac: {  	[tilespmem:s8+$0x11180] =	vst v8;
	v7 =	vld [tilespmem:s4+$0x1180];
	v6 =	vmul.f32 v6, v12  }
0x3ad: {  	v8 =	vld [tilespmem:s7+$0x1180]  }
0x3ae: {  	v12 =	vld [tilespmem:s7+$0xD180];
	[tilespmem:s3+$0x11180] =	vst v6  }
0x3af: {  	v6 =	vld [tilespmem:s24+$0x1180]  }
0x3b0: {  	v10 =	vadd.f32 v11, v10;
	v14 =	vld [tilespmem:s24+$0xD180]  }
0x3b1: {  	v7 =	vadd.f32 v9, v7  }
0x3b2: {  	v9 =	vmul.f32 v10, v13  }
0x3b3: {  	v7 =	vmul.f32 v7, v13  }
0x3b4: {  	v8 =	vadd.f32 v12, v8;
	[tilespmem:s19+$0x11180] =	vst v9  }
0x3b5: {  	[tilespmem:s4+$0x11180] =	vst v7;
	v6 =	vadd.f32 v14, v6  }
0x3b6: {  	s25 =	sshll.u32 s6, $0x3;
	v8 =	vmul.f32 v8, v13;
	s3 =	rddreg [dreg:$0x6]  }
0x3b7: {  	s17 =	rddreg [dreg:$0x4];
	s3 =	sadd.s32 s3, s25;
	v6 =	vmul.f32 v6, v13  }
0x3b8: {  	s18 =	simm.s32 $0x11180;
	s19 =	sshll.u32 s6, $0x9;
	[tilespmem:s7+$0x11180] =	vst v8;
	s3 =	sshll.u32 s3, $0x8  }
0x3b9: {  	s6 =	sand.u32 $0x3FFFFE00, s19;
	s4 =	sadd.s32 s17, s3;
	s3 =	simm.s32 $0x0;
	[tilespmem:s24+$0x11180] =	vst v6  }
0x3ba: {  	[hbm4b:s4+s3] =	stream.linear.scatter [tilespmem:s18], [sflag:$0x5], $0x4000, $0x38;
	[tilespmem:$0x19180] =	vst v63  }
0x3bb: {  	s4 =	sor.u32 $0x100, s6  }
0x3bc: {  	v6 =	vld.msk [tilespmem:s4+$0x0], $0xff;
	_ =	sdelay $0x4  }
0x3bd: {  	v7 =	vshll.u32 v6, $0x4  }
0x3be: {  	v6 =	vand.u32 $0x7, v6;
	v7 =	vand.u32 $0xFFFFFF80, v7  }
0x3bf: {  	v6 =	vor.u32 v6, v7  }
0x3c0: {  	v6 =	vperm.xlane v6, v0;
	_ =	sdelay $0x1  }
0x3c1: {  	v6 =	vadd.s32 v1, v6;
	_ =	sdelay $0x3  }
0x3c2: {  	s20 =	simm.s32 $0x1180  }
0x3c3: {  	[tilespmem:s20], [sflag:$0x1] =	stream.indirect_vreg.gather [hbm4b:s1+s3], $0x80, v6, vm0, $0xb8;
	[tilespmem:$0x19180] =	vst v63  }
0x3c4: {  	s22 =	simm.s32 $0x1980  }
0x3c5: {  	[tilespmem:s22], [sflag:$0x1] =	stream.indirect_vreg.gather [hbm4b:s9+s3], $0x80, v6, vm0, $0xb8;
	[tilespmem:$0x19180] =	vst v63  }
0x3c6: {  	s23 =	simm.s32 $0x2180  }
0x3c7: {  	[tilespmem:s23], [sflag:$0x1] =	stream.indirect_vreg.gather [hbm4b:s10+s3], $0x80, v6, vm0, $0xb8;
	[tilespmem:$0x19180] =	vst v63  }
0x3c8: {  	s24 =	simm.s32 $0x2980  }
0x3c9: {  	[tilespmem:s24], [sflag:$0x1] =	stream.indirect_vreg.gather [hbm4b:s11+s3], $0x80, v6, vm0, $0xb8;
	[tilespmem:$0x19180] =	vst v63  }
0x3ca: {  	s26 =	simm.s32 $0x3180  }
0x3cb: {  	[tilespmem:s26], [sflag:$0x1] =	stream.indirect_vreg.gather [hbm4b:s12+s3], $0x80, v6, vm0, $0xb8;
	[tilespmem:$0x19180] =	vst v63  }
0x3cc: {  	s29 =	simm.s32 $0x3980  }
0x3cd: {  	[tilespmem:s29], [sflag:$0x1] =	stream.indirect_vreg.gather [hbm4b:s13+s3], $0x80, v6, vm0, $0xb8;
	[tilespmem:$0x19180] =	vst v63  }
0x3ce: {  	s7 =	simm.s32 $0x4180  }
0x3cf: {  	[tilespmem:s7], [sflag:$0x1] =	stream.indirect_vreg.gather [hbm4b:s15+s3], $0x80, v6, vm0, $0xb8;
	[tilespmem:$0x19180] =	vst v63  }
0x3d0: {  	s8 =	simm.s32 $0x4980  }
0x3d1: {  	[tilespmem:s8], [sflag:$0x1] =	stream.indirect_vreg.gather [hbm4b:s16+s3], $0x80, v6, vm0, $0xb8;
	[tilespmem:$0x19180] =	vst v63  }
0x3d2: {  	_ =	swait.ge [sflag:s28], $0x4000  }
0x3d3: {  	[sflag:s28] =	ssyncset.done $0x0  }
0x3d4: {  	[sflag:s28] =	ssyncadd.s32 $0xFFFFC000  }
0x3d5: {  	_ =	swait.ge [sflag:s31], $0x4000  }
0x3d6: {  	s14 =	sand.u32 $0x60, s3;
	s17 =	sand.u32 $0x3C00, s3;
	[sflag:s31] =	ssyncset.done $0x0  }
0x3d7: {  	s18 =	sor.u32 s14, s17;
	[sflag:s31] =	ssyncadd.s32 $0xFFFFC000  }
0x3d8: {  	v9 =	vld [tilespmem:s18+$0x5190]  }
0x3d9: {  	v10 =	vld [tilespmem:s18+$0xD190]  }
0x3da: {  	v11 =	vld [tilespmem:s18+$0x5210]  }
0x3db: {  	v12 =	vld [tilespmem:s18+$0xD210]  }
0x3dc: {  	v13 =	vld [tilespmem:s18+$0x5290]  }
0x3dd: {  	v14 =	vld [tilespmem:s18+$0xD290]  }
0x3de: {  	v6 =	vbroadcast v5, $0x8;
	v15 =	vld [tilespmem:s18+$0x5310]  }
0x3df: {  	v7 =	vbroadcast v5, $0x9;
	v16 =	vld [tilespmem:s18+$0xD310]  }
0x3e0: {  	v17 =	vbroadcast v5, $0xB;
	v6 =	vand.u32 $0x1, v6;
	v18 =	vld [tilespmem:s18+$0x5390]  }
0x3e1: {  	v19 =	vbroadcast v5, $0xC;
	v7 =	vand.u32 $0x1, v7;
	vm1 =	veq.s32 v6, $0x1;
	v20 =	vld [tilespmem:s18+$0xD390]  }
0x3e2: {  	v17 =	vand.u32 $0x1, v17;
	v6 =	vsel vm1, $0x0, v3;
	vm1 =	veq.s32 v7, $0x1;
	v21 =	vld [tilespmem:s18+$0x5410]  }
0x3e3: {  	v7 =	vsel vm1, $0x0, v3;
	vm1 =	veq.s32 v17, $0x1;
	v17 =	vand.u32 $0x1, v19;
	v19 =	vld [tilespmem:s18+$0xD410]  }
0x3e4: {  	s14 =	simm.s32 $0x20;
	s26 =	simm.s32 $0x100;
	v22 =	vld [tilespmem:s18+$0xD180]  }
0x3e5: {  	s14 =	sand.u32 $0x60, s14;
	s7 =	sand.u32 $0x3C00, s26;
	v24 =	vld [tilespmem:s18+$0x5400]  }
0x3e6: {  	s7 =	sor.u32 s14, s7;
	v25 =	vld [tilespmem:s18+$0xD400]  }
0x3e7: {  	v26 =	vld [tilespmem:s7+$0x5190]  }
0x3e8: {  	v27 =	vld [tilespmem:s7+$0xD190]  }
0x3e9: {  	v28 =	vld [tilespmem:s7+$0x5210]  }
0x3ea: {  	v29 =	vld [tilespmem:s7+$0xD210]  }
0x3eb: {  	v31 =	vld [tilespmem:s7+$0x5290]  }
0x3ec: {  	v32 =	vld [tilespmem:s7+$0xD290]  }
0x3ed: {  	v33 =	vld [tilespmem:s7+$0x5310]  }
0x3ee: {  	v8 =	vbroadcast v5, $0xA;
	v58 =	vld [tilespmem:s7+$0xD310]  }
0x3ef: {  	v34 =	vld [tilespmem:s7+$0x5390]  }
0x3f0: {  	v8 =	vand.u32 $0x1, v8;
	v35 =	vld [tilespmem:s7+$0xD390]  }
0x3f1: {  	vm2 =	veq.s32 v8, $0x1;
	v36 =	vld [tilespmem:s7+$0x5410]  }
0x3f2: {  	v8 =	vsel vm2, $0x0, v3;
	v59 =	vld [tilespmem:s7+$0xD410];
	v10 =	vadd.f32 v10, v9  }
0x3f3: {  	v62 =	vld [tilespmem:s7+$0x5180];
	v9 =	vsel vm1, $0x0, v3;
	vm1 =	veq.s32 v17, $0x1;
	v11 =	vadd.f32 v12, v11  }
0x3f4: {  	v63 =	vld [tilespmem:s7+$0xD180];
	v12 =	vbroadcast v5, $0xD;
	v13 =	vadd.f32 v14, v13;
	v23 =	vmul.f32 v10, v6  }
0x3f5: {  	v17 =	vld [tilespmem:s18+$0x5180];
	v15 =	vadd.f32 v16, v15;
	v18 =	vadd.f32 v20, v18;
	v11 =	vmul.f32 v11, v7  }
0x3f6: {  	v14 =	vld [tilespmem:s18+$0x5200];
	v10 =	vsel vm1, $0x0, v3;
	v12 =	vand.u32 $0x1, v12;
	v13 =	vmul.f32 v13, v8;
	[tilespmem:s18+$0x15190] =	vst v23  }
0x3f7: {  	s3 =	sand.u32 $0x3, s3;
	v16 =	vld [tilespmem:s18+$0xD200];
	vm1 =	veq.s32 v12, $0x1;
	v12 =	vmul.f32 v15, v9;
	v15 =	vadd.f32 v19, v21;
	[tilespmem:s18+$0x15210] =	vst v11  }
0x3f8: {  	s3 =	sshll.u32 s3, $0x5;
	v20 =	vld [tilespmem:s18+$0x5280];
	v11 =	vsel vm1, $0x0, v3;
	[tilespmem:s18+$0x15290] =	vst v13;
	v13 =	vmul.f32 v18, v10  }
0x3f9: {  	s19 =	sadd.s32 $0x0, s3;
	v19 =	vld [tilespmem:s18+$0xD280];
	[tilespmem:s18+$0x15310] =	vst v12;
	v12 =	vmul.f32 v15, v11  }
0x3fa: {  	s3 =	sadd.s32 $0x10, s19;
	v18 =	vld [tilespmem:s18+$0x5300];
	[tilespmem:s18+$0x15390] =	vst v13  }
0x3fb: {  	s24 =	sor.u32 $0x300, s3;
	v15 =	vld [tilespmem:s18+$0xD300];
	[tilespmem:s18+$0x15410] =	vst v12  }
0x3fc: {  	v12 =	vld [tilespmem:s24+$0x5180]  }
0x3fd: {  	v21 =	vld [tilespmem:s24+$0xD180]  }
0x3fe: {  	v41 =	vld [tilespmem:s7+$0x5200];
	v17 =	vadd.f32 v22, v17  }
0x3ff: {  	v30 =	vbroadcast v5, $0xE;
	v23 =	vld [tilespmem:s18+$0xD380];
	v14 =	vadd.f32 v16, v14  }
0x400: {  	v13 =	vld [tilespmem:s18+$0x5380];
	v17 =	vmul.f32 v17, v6;
	v19 =	vadd.f32 v19, v20  }
0x401: {  	v30 =	vand.u32 $0x1, v30;
	v43 =	vld [tilespmem:s7+$0xD200];
	v14 =	vmul.f32 v14, v7;
	v15 =	vadd.f32 v15, v18  }
0x402: {  	vm1 =	veq.s32 v30, $0x1;
	v22 =	vld [tilespmem:s7+$0x5280];
	[tilespmem:s18+$0x15180] =	vst v17;
	v17 =	vmul.f32 v19, v8;
	v21 =	vadd.f32 v21, v12  }
0x403: {  	v28 =	vadd.f32 v29, v28;
	v16 =	vld [tilespmem:s7+$0xD280];
	[tilespmem:s18+$0x15200] =	vst v14;
	v14 =	vmul.f32 v15, v9;
	v12 =	vsel vm1, $0x0, v3  }
0x404: {  	v20 =	vld [tilespmem:s7+$0x5300];
	v15 =	vadd.f32 v25, v24;
	[tilespmem:s18+$0x15280] =	vst v17;
	v21 =	vmul.f32 v21, v12  }
0x405: {  	v28 =	vmul.f32 v28, v7;
	v13 =	vadd.f32 v23, v13;
	v23 =	vld [tilespmem:s7+$0x5400];
	[tilespmem:s18+$0x15300] =	vst v14  }
0x406: {  	v17 =	vld [tilespmem:s7+$0x5380];
	v14 =	vmul.f32 v15, v11;
	[tilespmem:s24+$0x15180] =	vst v21;
	v21 =	vadd.f32 v27, v26  }
0x407: {  	v30 =	vadd.f32 v58, v33;
	[tilespmem:s7+$0x15210] =	vst v28;
	v13 =	vmul.f32 v13, v10;
	v15 =	vld [tilespmem:s7+$0xD380]  }
0x408: {  	s26 =	simm.s32 $0x40;
	s29 =	sor.u32 $0x380, s3;
	v31 =	vadd.f32 v32, v31;
	[tilespmem:s18+$0x15400] =	vst v14;
	v14 =	vld [tilespmem:s7+$0xD400];
	s24 =	simm.s32 $0x200;
	v21 =	vmul.f32 v21, v6  }
0x409: {  	s22 =	simm.s32 $0x1;
	v42 =	vmul.f32 v30, v9;
	[tilespmem:s18+$0x15380] =	vst v13;
	s18 =	sand.u32 $0x60, s26;
	v26 =	vadd.f32 v59, v36;
	v60 =	vld [tilespmem:s29+$0x5180];
	s8 =	sand.u32 $0x3C00, s24  }
0x40a: {  	s3 =	sand.u32 $0x3, s22;
	v40 =	vadd.f32 v35, v34;
	v61 =	vld [tilespmem:s29+$0xD180];
	s18 =	sor.u32 s18, s8;
	[tilespmem:s7+$0x15190] =	vst v21;
	v21 =	vmul.f32 v31, v8  }
0x40b: {  	s3 =	sshll.u32 s3, $0x5;
	[tilespmem:s7+$0x15310] =	vst v42;
	v26 =	vmul.f32 v26, v11;
	v44 =	vld [tilespmem:s18+$0x5190]  }
0x40c: {  	s17 =	sadd.s32 $0x100, s3;
	v45 =	vld [tilespmem:s18+$0xD190];
	[tilespmem:s7+$0x15290] =	vst v21;
	v21 =	vmul.f32 v40, v10  }
0x40d: {  	s23 =	sadd.s32 $0x10, s17;
	v46 =	vld [tilespmem:s18+$0xD210];
	[tilespmem:s7+$0x15410] =	vst v26  }
0x40e: {  	s20 =	sor.u32 $0x300, s23;
	v47 =	vld [tilespmem:s18+$0x5290];
	[tilespmem:s7+$0x15390] =	vst v21  }
0x40f: {  	v18 =	vld [tilespmem:s20+$0x5180]  }
0x410: {  	v19 =	vld [tilespmem:s20+$0xD180]  }
0x411: {  	v48 =	vld [tilespmem:s18+$0xD290]  }
0x412: {  	v37 =	vld [tilespmem:s18+$0x5310]  }
0x413: {  	v49 =	vld [tilespmem:s18+$0xD310]  }
0x414: {  	v50 =	vld [tilespmem:s18+$0x5390]  }
0x415: {  	v51 =	vld [tilespmem:s18+$0xD390];
	v13 =	vadd.f32 v19, v18  }
0x416: {  	v16 =	vadd.f32 v16, v22;
	v22 =	vld [tilespmem:s18+$0x5410]  }
0x417: {  	v53 =	vld [tilespmem:s18+$0xD410];
	v13 =	vmul.f32 v13, v12  }
0x418: {  	v32 =	vadd.f32 v63, v62;
	v54 =	vld [tilespmem:s18+$0x5180]  }
0x419: {  	v5 =	vbroadcast v5, $0xF;
	v30 =	vadd.f32 v43, v41;
	[tilespmem:s20+$0x15180] =	vst v13;
	v13 =	vld [tilespmem:s18+$0x5210]  }
0x41a: {  	v32 =	vmul.f32 v32, v6;
	v21 =	vld [tilespmem:s7+$0xD300]  }
0x41b: {  	v5 =	vand.u32 $0x1, v5;
	v52 =	vmul.f32 v30, v7;
	v15 =	vadd.f32 v15, v17;
	v56 =	vld [tilespmem:s18+$0xD180]  }
0x41c: {  	[tilespmem:s7+$0x15180] =	vst v32;
	v16 =	vmul.f32 v16, v8;
	vm1 =	veq.s32 v5, $0x1;
	v57 =	vld [tilespmem:s18+$0x5200];
	v27 =	vadd.f32 v61, v60  }
0x41d: {  	[tilespmem:s7+$0x15200] =	vst v52;
	v5 =	vsel vm1, $0x0, v3;
	v59 =	vld [tilespmem:s18+$0xD200];
	v15 =	vmul.f32 v15, v10;
	v24 =	vadd.f32 v45, v44  }
0x41e: {  	[tilespmem:s7+$0x15280] =	vst v16;
	v17 =	vld [tilespmem:s18+$0xD300];
	v27 =	vmul.f32 v27, v5;
	v13 =	vadd.f32 v46, v13  }
0x41f: {  	s3 =	sor.u32 $0x300, s19;
	[tilespmem:s7+$0x15380] =	vst v15;
	v55 =	vadd.f32 v48, v47;
	v24 =	vmul.f32 v24, v6;
	v20 =	vadd.f32 v21, v20;
	v21 =	vld [tilespmem:s18+$0xD280]  }
0x420: {  	v16 =	vadd.f32 v49, v37;
	[tilespmem:s29+$0x15180] =	vst v27;
	v18 =	vld [tilespmem:s3+$0x5180];
	v13 =	vmul.f32 v13, v7  }
0x421: {  	s23 =	sor.u32 $0x380, s23;
	v58 =	vadd.f32 v51, v50;
	v27 =	vmul.f32 v55, v8;
	[tilespmem:s18+$0x15190] =	vst v24;
	v19 =	vld [tilespmem:s3+$0xD180];
	s20 =	simm.s32 $0x2  }
0x422: {  	v16 =	vmul.f32 v16, v9;
	v26 =	vld [tilespmem:s23+$0x5180];
	s29 =	sand.u32 $0x3, s20;
	[tilespmem:s18+$0x15210] =	vst v13;
	v13 =	vadd.f32 v53, v22  }
0x423: {  	[tilespmem:s18+$0x15290] =	vst v27;
	v24 =	vmul.f32 v58, v10;
	v28 =	vld [tilespmem:s23+$0xD180];
	s4 =	sshll.u32 s29, $0x5  }
0x424: {  	v14 =	vadd.f32 v14, v23;
	[tilespmem:s18+$0x15310] =	vst v16;
	s4 =	sadd.s32 $0x200, s4;
	v22 =	vld [tilespmem:s18+$0x5280];
	v13 =	vmul.f32 v13, v11  }
0x425: {  	v61 =	vld [tilespmem:s18+$0x5300];
	v60 =	vadd.f32 v56, v54;
	[tilespmem:s18+$0x15390] =	vst v24;
	v16 =	vmul.f32 v20, v9;
	s22 =	sadd.s32 $0x10, s4  }
0x426: {  	v15 =	vmul.f32 v14, v11;
	v14 =	vld [tilespmem:s18+$0xD380];
	v20 =	vadd.f32 v59, v57;
	s26 =	sor.u32 $0x300, s22;
	[tilespmem:s18+$0x15410] =	vst v13  }
0x427: {  	v62 =	vmul.f32 v60, v6;
	[tilespmem:s7+$0x15300] =	vst v16;
	v16 =	vadd.f32 v19, v18;
	v23 =	vld [tilespmem:s26+$0x5180]  }
0x428: {  	[tilespmem:s7+$0x15400] =	vst v15;
	v18 =	vmul.f32 v20, v7;
	v20 =	vadd.f32 v28, v26;
	v19 =	vld [tilespmem:s26+$0xD180]  }
0x429: {  	[tilespmem:s18+$0x15180] =	vst v62;
	v63 =	vmul.f32 v16, v12;
	v13 =	vld [tilespmem:s18+$0x5380];
	v21 =	vadd.f32 v21, v22  }
0x42a: {  	[tilespmem:s18+$0x15200] =	vst v18;
	v16 =	vld [tilespmem:s18+$0x5400];
	v15 =	vmul.f32 v20, v5;
	v20 =	vadd.f32 v17, v61  }
0x42b: {  	s14 =	simm.s32 $0x60;
	s8 =	sor.u32 $0x300, s17;
	[tilespmem:s3+$0x15180] =	vst v63;
	v17 =	vld [tilespmem:s18+$0xD400];
	v18 =	vmul.f32 v21, v8  }
0x42c: {  	s7 =	sor.u32 $0x380, s19;
	s19 =	sor.u32 $0x380, s17;
	s17 =	simm.s32 $0x4;
	[tilespmem:s23+$0x15180] =	vst v15;
	v15 =	vld [tilespmem:s8+$0x5180];
	v20 =	vmul.f32 v20, v9  }
0x42d: {  	s24 =	sor.u32 $0x380, s4;
	s3 =	sor.u32 $0x300, s4;
	s23 =	simm.s32 $0x300;
	[tilespmem:s18+$0x15280] =	vst v18;
	v18 =	vld [tilespmem:s8+$0xD180];
	v19 =	vadd.f32 v19, v23  }
.LBB2_13:
0x42e: {  	s4 =	sand.u32 $0x60, s14;
	s29 =	sand.u32 $0x3C00, s23;
	[tilespmem:s18+$0x15300] =	vst v20;
	v13 =	vadd.f32 v14, v13;
	v14 =	vld [tilespmem:s7+$0x5180]  }
0x42f: {  	s4 =	sor.u32 s4, s29;
	v19 =	vmul.f32 v19, v12;
	v20 =	vld [tilespmem:s7+$0xD180]  }
0x430: {  	v21 =	vld [tilespmem:s4+$0x5190];
	v13 =	vmul.f32 v13, v10;
	v16 =	vadd.f32 v17, v16  }
0x431: {  	s22 =	sor.u32 $0x380, s22;
	v17 =	vld [tilespmem:s4+$0xD190];
	[tilespmem:s26+$0x15180] =	vst v19  }
0x432: {  	[tilespmem:s18+$0x15380] =	vst v13;
	v13 =	vmul.f32 v16, v11;
	v16 =	vld [tilespmem:s22+$0x5180];
	v15 =	vadd.f32 v18, v15  }
0x433: {  	v18 =	vld [tilespmem:s22+$0xD180]  }
0x434: {  	v19 =	vld [tilespmem:s4+$0x5210];
	[tilespmem:s18+$0x15400] =	vst v13;
	v13 =	vmul.f32 v15, v12;
	v14 =	vadd.f32 v20, v14;
	s18 =	smov.u32 s4  }
0x435: {  	v15 =	vld [tilespmem:s18+$0xD210]  }
0x436: {  	v20 =	vld [tilespmem:s18+$0x5290];
	[tilespmem:s8+$0x15180] =	vst v13;
	v13 =	vmul.f32 v14, v5;
	s8 =	smov.u32 s3  }
0x437: {  	v14 =	vld [tilespmem:s18+$0xD290]  }
0x438: {  	v22 =	vld [tilespmem:s18+$0x5310];
	v16 =	vadd.f32 v18, v16;
	[tilespmem:s7+$0x15180] =	vst v13;
	s7 =	smov.u32 s19;
	s19 =	smov.u32 s24  }
0x439: {  	v13 =	vld [tilespmem:s18+$0xD310]  }
0x43a: {  	v18 =	vld [tilespmem:s18+$0x5390];
	v16 =	vmul.f32 v16, v5  }
0x43b: {  	v23 =	vld [tilespmem:s18+$0xD390]  }
0x43c: {  	v24 =	vld [tilespmem:s18+$0x5410];
	[tilespmem:s22+$0x15180] =	vst v16  }
0x43d: {  	s17 =	sadd.s32 $0x2, s17;
	v16 =	vadd.f32 v17, v21;
	v17 =	vld [tilespmem:s18+$0xD410]  }
0x43e: {  	p1 =	slt.u32 s17, $0x7E;
	v15 =	vadd.f32 v15, v19;
	v21 =	vld [tilespmem:s18+$0x5180]  }
0x43f: {  	v14 =	vadd.f32 v14, v20;
	v16 =	vmul.f32 v16, v6;
	v19 =	vld [tilespmem:s18+$0xD180]  }
0x440: {  	v15 =	vmul.f32 v15, v7;
	v13 =	vadd.f32 v13, v22;
	v20 =	vld [tilespmem:s18+$0x5200]  }
0x441: {  	s20 =	sadd.s32 $0x1, s20;
	v14 =	vmul.f32 v14, v8;
	v22 =	vld [tilespmem:s18+$0xD200];
	[tilespmem:s18+$0x15190] =	vst v16;
	v16 =	vadd.f32 v23, v18  }
0x442: {  	s3 =	sand.u32 $0x3, s20;
	v13 =	vmul.f32 v13, v9;
	v18 =	vld [tilespmem:s18+$0x5280];
	[tilespmem:s18+$0x15210] =	vst v15;
	v15 =	vadd.f32 v17, v24  }
0x443: {  	s3 =	sshll.u32 s3, $0x5;
	v17 =	vld [tilespmem:s18+$0xD280];
	[tilespmem:s18+$0x15290] =	vst v14;
	v14 =	vmul.f32 v16, v10  }
0x444: {  	s4 =	sadd.s32 s3, s23;
	v16 =	vadd.f32 v19, v21;
	v19 =	vld [tilespmem:s18+$0x5300];
	[tilespmem:s18+$0x15310] =	vst v13;
	v15 =	vmul.f32 v15, v11  }
0x445: {  	s3 =	sor.u32 $0x300, s4;
	s24 =	sor.u32 $0x380, s4;
	s22 =	sadd.s32 $0x10, s4;
	v21 =	vld [tilespmem:s18+$0xD300];
	[tilespmem:s18+$0x15390] =	vst v14  }
0x446: {  	s26 =	sor.u32 $0x300, s22;
	v14 =	vmul.f32 v16, v6;
	v16 =	vadd.f32 v22, v20;
	v13 =	vld [tilespmem:s18+$0x5380];
	[tilespmem:s18+$0x15410] =	vst v15  }
0x447: {  	v22 =	vld [tilespmem:s26+$0x5180]  }
0x448: {  	[tilespmem:s18+$0x15180] =	vst v14;
	v15 =	vmul.f32 v16, v7;
	v16 =	vadd.f32 v17, v18;
	v18 =	vld [tilespmem:s26+$0xD180]  }
.Ltmp7:
0x449: {  	v14 =	vld [tilespmem:s18+$0xD380];
	(pc) =	sbr.rel @p1 .LBB2_13-.Ltmp7, $4  }
0x44a: {  	[tilespmem:s18+$0x15200] =	vst v15;
	v15 =	vmul.f32 v16, v8;
	v19 =	vadd.f32 v21, v19;
	v16 =	vld [tilespmem:s18+$0x5400]  }
0x44b: {  	v17 =	vld [tilespmem:s18+$0xD400]  }
0x44c: {  	[tilespmem:s18+$0x15280] =	vst v15;
	v20 =	vmul.f32 v19, v9;
	v15 =	vld [tilespmem:s8+$0x5180]  }
0x44d: {  	s14 =	sadd.s32 $0x20, s14;
	s23 =	sadd.s32 $0x100, s23;
	v19 =	vadd.f32 v18, v22;
	v18 =	vld [tilespmem:s8+$0xD180]  }
0x44e: {  	_ = 	snop  }
0x44f: {  	v6 =	vadd.f32 v14, v13  }
0x450: {  	v7 =	vadd.f32 v17, v16  }
0x451: {  	v6 =	vmul.f32 v6, v10  }
0x452: {  	[tilespmem:s18+$0x15300] =	vst v20;
	v7 =	vmul.f32 v7, v11  }
0x453: {  	[tilespmem:s18+$0x15380] =	vst v6  }
0x454: {  	[tilespmem:s18+$0x15400] =	vst v7  }
0x455: {  	v6 =	vld [tilespmem:s3+$0x5180]  }
0x456: {  	v7 =	vld [tilespmem:s3+$0xD180];
	_ =	sdelay $0x2  }
0x457: {  	v8 =	vmul.f32 v19, v12;
	v9 =	vadd.f32 v18, v15  }
0x458: {  	v10 =	vld [tilespmem:s7+$0x5180]  }
0x459: {  	s4 =	sor.u32 $0x380, s22;
	[tilespmem:s26+$0x15180] =	vst v8;
	v11 =	vld [tilespmem:s7+$0xD180];
	v8 =	vmul.f32 v9, v12;
	v6 =	vadd.f32 v7, v6  }
0x45a: {  	v9 =	vld [tilespmem:s4+$0xD180]  }
0x45b: {  	[tilespmem:s8+$0x15180] =	vst v8;
	v7 =	vld [tilespmem:s4+$0x5180];
	v6 =	vmul.f32 v6, v12  }
0x45c: {  	v8 =	vld [tilespmem:s19+$0x5180]  }
0x45d: {  	v12 =	vld [tilespmem:s19+$0xD180];
	[tilespmem:s3+$0x15180] =	vst v6  }
0x45e: {  	v6 =	vld [tilespmem:s24+$0x5180]  }
0x45f: {  	v10 =	vadd.f32 v11, v10;
	v13 =	vld [tilespmem:s24+$0xD180]  }
0x460: {  	v7 =	vadd.f32 v9, v7  }
0x461: {  	v9 =	vmul.f32 v10, v5  }
0x462: {  	v7 =	vmul.f32 v7, v5  }
0x463: {  	v8 =	vadd.f32 v12, v8;
	[tilespmem:s7+$0x15180] =	vst v9  }
0x464: {  	[tilespmem:s4+$0x15180] =	vst v7;
	v6 =	vadd.f32 v13, v6  }
0x465: {  	v8 =	vmul.f32 v8, v5;
	s3 =	rddreg [dreg:$0xb]  }
0x466: {  	s3 =	sadd.s32 s3, s25;
	v5 =	vmul.f32 v6, v5  }
0x467: {  	s18 =	rddreg [dreg:$0x4];
	[tilespmem:s19+$0x15180] =	vst v8;
	s3 =	sshll.u32 s3, $0x8  }
0x468: {  	s19 =	simm.s32 $0x15180;
	s4 =	sadd.s32 s18, s3;
	s3 =	simm.s32 $0x0;
	[tilespmem:s24+$0x15180] =	vst v5  }
0x469: {  	[hbm4b:s4+s3] =	stream.linear.scatter [tilespmem:s19], [sflag:$0x6], $0x4000, $0x38;
	[tilespmem:$0x19180] =	vst v63  }
0x46a: {  	v5 =	vld.msk [tilespmem:s6+$0x180], $0xff;
	_ =	sdelay $0x4  }
0x46b: {  	v6 =	vshll.u32 v5, $0x4  }
0x46c: {  	v5 =	vand.u32 $0x7, v5;
	v6 =	vand.u32 $0xFFFFFF80, v6  }
0x46d: {  	v5 =	vor.u32 v5, v6  }
0x46e: {  	v5 =	vperm.xlane v5, v0;
	_ =	sdelay $0x1  }
0x46f: {  	v5 =	vadd.s32 v1, v5;
	_ =	sdelay $0x3  }
0x470: {  	s20 =	simm.s32 $0x5180  }
0x471: {  	[tilespmem:s20], [sflag:$0x2] =	stream.indirect_vreg.gather [hbm4b:s1+s3], $0x80, v5, vm0, $0xb8;
	[tilespmem:$0x19180] =	vst v63  }
0x472: {  	s22 =	simm.s32 $0x5980  }
0x473: {  	[tilespmem:s22], [sflag:$0x2] =	stream.indirect_vreg.gather [hbm4b:s9+s3], $0x80, v5, vm0, $0xb8;
	[tilespmem:$0x19180] =	vst v63  }
0x474: {  	s23 =	simm.s32 $0x6180  }
0x475: {  	[tilespmem:s23], [sflag:$0x2] =	stream.indirect_vreg.gather [hbm4b:s10+s3], $0x80, v5, vm0, $0xb8;
	[tilespmem:$0x19180] =	vst v63  }
0x476: {  	s24 =	simm.s32 $0x6980  }
0x477: {  	[tilespmem:s24], [sflag:$0x2] =	stream.indirect_vreg.gather [hbm4b:s11+s3], $0x80, v5, vm0, $0xb8;
	[tilespmem:$0x19180] =	vst v63  }
0x478: {  	s26 =	simm.s32 $0x7180  }
0x479: {  	[tilespmem:s26], [sflag:$0x2] =	stream.indirect_vreg.gather [hbm4b:s12+s3], $0x80, v5, vm0, $0xb8;
	[tilespmem:$0x19180] =	vst v63  }
0x47a: {  	s29 =	simm.s32 $0x7980  }
0x47b: {  	[tilespmem:s29], [sflag:$0x2] =	stream.indirect_vreg.gather [hbm4b:s13+s3], $0x80, v5, vm0, $0xb8;
	[tilespmem:$0x19180] =	vst v63  }
0x47c: {  	s7 =	simm.s32 $0x8180  }
0x47d: {  	[tilespmem:s7], [sflag:$0x2] =	stream.indirect_vreg.gather [hbm4b:s15+s3], $0x80, v5, vm0, $0xb8;
	[tilespmem:$0x19180] =	vst v63  }
0x47e: {  	s8 =	simm.s32 $0x8980  }
0x47f: {  	[tilespmem:s8], [sflag:$0x2] =	stream.indirect_vreg.gather [hbm4b:s16+s3], $0x80, v5, vm0, $0xb8;
	[tilespmem:$0x19180] =	vst v63  }
0x480: {  	_ =	swait.ge [sflag:s21], $0x4000  }
0x481: {  	[sflag:s21] =	ssyncset.done $0x0  }
0x482: {  	[sflag:s21] =	ssyncadd.s32 $0xFFFFC000  }
0x483: {  	_ =	swait.ge [sflag:s30], $0x4000  }
0x484: {  	s14 =	sand.u32 $0x60, s3;
	s17 =	sand.u32 $0x3C00, s3;
	[sflag:s30] =	ssyncset.done $0x0  }
0x485: {  	s18 =	sor.u32 s14, s17;
	[sflag:s30] =	ssyncadd.s32 $0xFFFFC000  }
0x486: {  	v8 =	vld [tilespmem:s18+$0x1190]  }
0x487: {  	v9 =	vld [tilespmem:s18+$0xD190]  }
0x488: {  	v10 =	vld [tilespmem:s18+$0x1210]  }
0x489: {  	v11 =	vld [tilespmem:s18+$0xD210]  }
0x48a: {  	vm1 =	veq.s32 v4, $0x0;
	v12 =	vld [tilespmem:s18+$0x1290]  }
0x48b: {  	v4 =	vsel vm1, $0x1, v2;
	v13 =	vld [tilespmem:s18+$0xD290]  }
0x48c: {  	v5 =	vbroadcast v4, $0x0;
	v14 =	vld [tilespmem:s18+$0x1310]  }
0x48d: {  	v6 =	vbroadcast v4, $0x1;
	v15 =	vld [tilespmem:s18+$0xD310]  }
0x48e: {  	v16 =	vbroadcast v4, $0x3;
	v5 =	vand.u32 $0x1, v5;
	v17 =	vld [tilespmem:s18+$0x1390]  }
0x48f: {  	v18 =	vbroadcast v4, $0x4;
	v6 =	vand.u32 $0x1, v6;
	vm1 =	veq.s32 v5, $0x1;
	v19 =	vld [tilespmem:s18+$0xD390]  }
0x490: {  	v16 =	vand.u32 $0x1, v16;
	v5 =	vsel vm1, $0x0, v3;
	vm1 =	veq.s32 v6, $0x1;
	v20 =	vld [tilespmem:s18+$0x1410]  }
0x491: {  	v6 =	vsel vm1, $0x0, v3;
	vm1 =	veq.s32 v16, $0x1;
	v16 =	vand.u32 $0x1, v18;
	v18 =	vld [tilespmem:s18+$0xD410]  }
0x492: {  	s14 =	simm.s32 $0x20;
	s26 =	simm.s32 $0x100;
	v21 =	vld [tilespmem:s18+$0xD180]  }
0x493: {  	s14 =	sand.u32 $0x60, s14;
	s7 =	sand.u32 $0x3C00, s26;
	v23 =	vld [tilespmem:s18+$0x1400]  }
0x494: {  	s7 =	sor.u32 s14, s7;
	v24 =	vld [tilespmem:s18+$0xD400]  }
0x495: {  	v25 =	vld [tilespmem:s7+$0x1190]  }
0x496: {  	v26 =	vld [tilespmem:s7+$0xD190]  }
0x497: {  	v27 =	vld [tilespmem:s7+$0x1210]  }
0x498: {  	v28 =	vld [tilespmem:s7+$0xD210]  }
0x499: {  	v30 =	vld [tilespmem:s7+$0x1290]  }
0x49a: {  	v31 =	vld [tilespmem:s7+$0xD290]  }
0x49b: {  	v32 =	vld [tilespmem:s7+$0x1310]  }
0x49c: {  	v61 =	vld [tilespmem:s7+$0xD310]  }
0x49d: {  	v33 =	vld [tilespmem:s7+$0x1390]  }
0x49e: {  	v7 =	vbroadcast v4, $0x2;
	v34 =	vld [tilespmem:s7+$0xD390]  }
0x49f: {  	v35 =	vld [tilespmem:s7+$0x1410]  }
0x4a0: {  	v7 =	vand.u32 $0x1, v7;
	v62 =	vld [tilespmem:s7+$0xD410]  }
0x4a1: {  	vm2 =	veq.s32 v7, $0x1;
	v41 =	vld [tilespmem:s7+$0x1180]  }
0x4a2: {  	v7 =	vsel vm2, $0x0, v3;
	v42 =	vld [tilespmem:s7+$0xD180];
	v9 =	vadd.f32 v9, v8  }
0x4a3: {  	v8 =	vsel vm1, $0x0, v3;
	vm1 =	veq.s32 v16, $0x1;
	v16 =	vld [tilespmem:s18+$0x1180];
	v10 =	vadd.f32 v11, v10  }
0x4a4: {  	v11 =	vbroadcast v4, $0x5;
	v12 =	vadd.f32 v13, v12;
	v13 =	vld [tilespmem:s18+$0x1200];
	v22 =	vmul.f32 v9, v5  }
0x4a5: {  	v14 =	vadd.f32 v15, v14;
	v15 =	vld [tilespmem:s18+$0xD200];
	v17 =	vadd.f32 v19, v17;
	v10 =	vmul.f32 v10, v6  }
0x4a6: {  	v19 =	vld [tilespmem:s18+$0x1280];
	v9 =	vsel vm1, $0x0, v3;
	v11 =	vand.u32 $0x1, v11;
	v12 =	vmul.f32 v12, v7;
	[tilespmem:s18+$0x11190] =	vst v22  }
0x4a7: {  	s3 =	sand.u32 $0x3, s3;
	vm1 =	veq.s32 v11, $0x1;
	v11 =	vmul.f32 v14, v8;
	v14 =	vadd.f32 v18, v20;
	v18 =	vld [tilespmem:s18+$0xD280];
	[tilespmem:s18+$0x11210] =	vst v10  }
0x4a8: {  	s3 =	sshll.u32 s3, $0x5;
	v10 =	vsel vm1, $0x0, v3;
	[tilespmem:s18+$0x11290] =	vst v12;
	v12 =	vmul.f32 v17, v9;
	v17 =	vld [tilespmem:s18+$0x1300]  }
0x4a9: {  	s19 =	sadd.s32 $0x0, s3;
	v22 =	vld [tilespmem:s18+$0xD380];
	[tilespmem:s18+$0x11310] =	vst v11;
	v11 =	vmul.f32 v14, v10  }
0x4aa: {  	s3 =	sadd.s32 $0x10, s19;
	v14 =	vld [tilespmem:s18+$0xD300];
	[tilespmem:s18+$0x11390] =	vst v12  }
0x4ab: {  	s24 =	sor.u32 $0x300, s3;
	v12 =	vld [tilespmem:s18+$0x1380];
	[tilespmem:s18+$0x11410] =	vst v11  }
0x4ac: {  	v11 =	vld [tilespmem:s24+$0x1180]  }
0x4ad: {  	v16 =	vadd.f32 v21, v16;
	v20 =	vld [tilespmem:s24+$0xD180]  }
0x4ae: {  	v44 =	vld [tilespmem:s7+$0x1200];
	v13 =	vadd.f32 v15, v13  }
0x4af: {  	v29 =	vbroadcast v4, $0x6;
	v46 =	vld [tilespmem:s7+$0xD200];
	v16 =	vmul.f32 v16, v5;
	v18 =	vadd.f32 v18, v19  }
0x4b0: {  	v21 =	vld [tilespmem:s7+$0x1280];
	v13 =	vmul.f32 v13, v6;
	v14 =	vadd.f32 v14, v17  }
0x4b1: {  	v29 =	vand.u32 $0x1, v29;
	v15 =	vld [tilespmem:s7+$0xD280];
	[tilespmem:s18+$0x11180] =	vst v16;
	v16 =	vmul.f32 v18, v7;
	v12 =	vadd.f32 v22, v12  }
0x4b2: {  	vm1 =	veq.s32 v29, $0x1;
	v19 =	vld [tilespmem:s7+$0x1300];
	[tilespmem:s18+$0x11200] =	vst v13;
	v13 =	vmul.f32 v14, v8;
	v20 =	vadd.f32 v20, v11  }
0x4b3: {  	v22 =	vld [tilespmem:s7+$0x1400];
	v14 =	vadd.f32 v24, v23;
	[tilespmem:s18+$0x11280] =	vst v16;
	v11 =	vsel vm1, $0x0, v3;
	v12 =	vmul.f32 v12, v9  }
0x4b4: {  	v16 =	vld [tilespmem:s7+$0x1380];
	[tilespmem:s18+$0x11300] =	vst v13;
	v20 =	vmul.f32 v20, v11  }
0x4b5: {  	v27 =	vadd.f32 v28, v27;
	v23 =	vld [tilespmem:s7+$0xD400];
	v13 =	vmul.f32 v14, v10;
	[tilespmem:s18+$0x11380] =	vst v12  }
0x4b6: {  	s26 =	simm.s32 $0x40;
	s29 =	sor.u32 $0x380, s3;
	v14 =	vld [tilespmem:s7+$0xD380];
	[tilespmem:s24+$0x11180] =	vst v20;
	v20 =	vadd.f32 v26, v25;
	s24 =	simm.s32 $0x200  }
0x4b7: {  	v27 =	vmul.f32 v27, v6;
	v29 =	vadd.f32 v61, v32;
	[tilespmem:s18+$0x11400] =	vst v13;
	s18 =	sand.u32 $0x60, s26;
	v63 =	vld [tilespmem:s29+$0x1180];
	s8 =	sand.u32 $0x3C00, s24  }
0x4b8: {  	v30 =	vadd.f32 v31, v30;
	v40 =	vld [tilespmem:s29+$0xD180];
	v20 =	vmul.f32 v20, v5;
	s18 =	sor.u32 s18, s8  }
0x4b9: {  	s22 =	simm.s32 $0x1;
	[tilespmem:s7+$0x11210] =	vst v27;
	v45 =	vmul.f32 v29, v8;
	v25 =	vadd.f32 v62, v35;
	v13 =	vld [tilespmem:s18+$0x1190]  }
0x4ba: {  	s3 =	sand.u32 $0x3, s22;
	v43 =	vadd.f32 v34, v33;
	v47 =	vld [tilespmem:s18+$0xD190];
	[tilespmem:s7+$0x11190] =	vst v20;
	v20 =	vmul.f32 v30, v7  }
0x4bb: {  	s3 =	sshll.u32 s3, $0x5;
	[tilespmem:s7+$0x11310] =	vst v45;
	v25 =	vmul.f32 v25, v10;
	v48 =	vld [tilespmem:s18+$0x1210]  }
0x4bc: {  	s17 =	sadd.s32 $0x100, s3;
	v49 =	vld [tilespmem:s18+$0xD210];
	[tilespmem:s7+$0x11290] =	vst v20;
	v20 =	vmul.f32 v43, v9  }
0x4bd: {  	s23 =	sadd.s32 $0x10, s17;
	v50 =	vld [tilespmem:s18+$0x1290];
	[tilespmem:s7+$0x11410] =	vst v25  }
0x4be: {  	s20 =	sor.u32 $0x300, s23;
	v36 =	vld [tilespmem:s18+$0xD290];
	[tilespmem:s7+$0x11390] =	vst v20  }
0x4bf: {  	v17 =	vld [tilespmem:s20+$0x1180]  }
0x4c0: {  	v18 =	vld [tilespmem:s20+$0xD180]  }
0x4c1: {  	v37 =	vld [tilespmem:s18+$0x1310]  }
0x4c2: {  	v51 =	vld [tilespmem:s18+$0xD310]  }
0x4c3: {  	v52 =	vld [tilespmem:s18+$0x1390]  }
0x4c4: {  	v53 =	vld [tilespmem:s18+$0xD390]  }
0x4c5: {  	v15 =	vadd.f32 v15, v21;
	v21 =	vld [tilespmem:s18+$0x1410];
	v12 =	vadd.f32 v18, v17  }
0x4c6: {  	v31 =	vadd.f32 v42, v41;
	v29 =	vadd.f32 v46, v44;
	v55 =	vld [tilespmem:s18+$0xD410]  }
0x4c7: {  	v57 =	vld [tilespmem:s18+$0x1180];
	v12 =	vmul.f32 v12, v11  }
0x4c8: {  	v31 =	vmul.f32 v31, v5;
	v54 =	vmul.f32 v29, v6;
	v14 =	vadd.f32 v14, v16;
	v20 =	vld [tilespmem:s7+$0xD300]  }
0x4c9: {  	v15 =	vmul.f32 v15, v7;
	v59 =	vld [tilespmem:s18+$0xD180];
	v13 =	vadd.f32 v47, v13;
	[tilespmem:s20+$0x11180] =	vst v12;
	v12 =	vbroadcast v4, $0x7  }
0x4ca: {  	[tilespmem:s7+$0x11180] =	vst v31;
	v60 =	vld [tilespmem:s18+$0x1200];
	v14 =	vmul.f32 v14, v9;
	v26 =	vadd.f32 v40, v63;
	v56 =	vadd.f32 v49, v48  }
0x4cb: {  	[tilespmem:s7+$0x11280] =	vst v15;
	v61 =	vld [tilespmem:s18+$0xD200];
	v15 =	vadd.f32 v51, v37;
	v13 =	vmul.f32 v13, v5;
	v12 =	vand.u32 $0x1, v12  }
0x4cc: {  	v62 =	vld [tilespmem:s18+$0x1280];
	[tilespmem:s7+$0x11380] =	vst v14;
	v21 =	vadd.f32 v55, v21;
	v29 =	vmul.f32 v56, v6;
	vm1 =	veq.s32 v12, $0x1  }
0x4cd: {  	s3 =	sor.u32 $0x300, s19;
	v15 =	vmul.f32 v15, v8;
	[tilespmem:s18+$0x11190] =	vst v13;
	v19 =	vadd.f32 v20, v19;
	v20 =	vld [tilespmem:s18+$0xD280];
	v12 =	vsel vm1, $0x0, v3  }
0x4ce: {  	v13 =	vadd.f32 v53, v52;
	[tilespmem:s18+$0x11210] =	vst v29;
	v17 =	vld [tilespmem:s3+$0x1180];
	v26 =	vmul.f32 v26, v12  }
0x4cf: {  	s23 =	sor.u32 $0x380, s23;
	v21 =	vmul.f32 v21, v10;
	[tilespmem:s18+$0x11310] =	vst v15;
	v18 =	vld [tilespmem:s3+$0xD180];
	s20 =	simm.s32 $0x2  }
0x4d0: {  	v58 =	vadd.f32 v36, v50;
	v13 =	vmul.f32 v13, v9;
	v25 =	vld [tilespmem:s23+$0x1180];
	[tilespmem:s29+$0x11180] =	vst v26;
	s29 =	sand.u32 $0x3, s20  }
0x4d1: {  	[tilespmem:s18+$0x11410] =	vst v21;
	v16 =	vmul.f32 v19, v8;
	v27 =	vld [tilespmem:s23+$0xD180];
	s4 =	sshll.u32 s29, $0x5  }
0x4d2: {  	v28 =	vadd.f32 v61, v60;
	v15 =	vld [tilespmem:s18+$0x1300];
	[tilespmem:s18+$0x11390] =	vst v13;
	v26 =	vmul.f32 v58, v7;
	s4 =	sadd.s32 $0x200, s4  }
0x4d3: {  	v19 =	vld [tilespmem:s18+$0xD300];
	[tilespmem:s7+$0x11300] =	vst v16;
	v16 =	vadd.f32 v23, v22;
	s22 =	sadd.s32 $0x10, s4  }
0x4d4: {  	v14 =	vld [tilespmem:s18+$0xD380];
	v20 =	vadd.f32 v20, v62;
	v17 =	vadd.f32 v18, v17;
	v18 =	vmul.f32 v28, v6;
	[tilespmem:s18+$0x11290] =	vst v26;
	s26 =	sor.u32 $0x300, s22  }
0x4d5: {  	[tilespmem:s7+$0x11200] =	vst v54;
	v16 =	vmul.f32 v16, v10;
	v21 =	vld [tilespmem:s26+$0x1180]  }
0x4d6: {  	v20 =	vmul.f32 v20, v7;
	[tilespmem:s18+$0x11200] =	vst v18;
	v23 =	vadd.f32 v27, v25;
	v22 =	vld [tilespmem:s26+$0xD180]  }
0x4d7: {  	v63 =	vadd.f32 v59, v57;
	v13 =	vld [tilespmem:s18+$0x1380];
	v17 =	vmul.f32 v17, v11;
	[tilespmem:s7+$0x11400] =	vst v16  }
0x4d8: {  	v19 =	vadd.f32 v19, v15;
	v16 =	vld [tilespmem:s18+$0x1400];
	[tilespmem:s18+$0x11280] =	vst v20;
	v18 =	vmul.f32 v23, v12  }
0x4d9: {  	s14 =	simm.s32 $0x60;
	s8 =	sor.u32 $0x300, s17;
	[tilespmem:s3+$0x11180] =	vst v17;
	v17 =	vld [tilespmem:s18+$0xD400];
	v26 =	vmul.f32 v63, v5  }
0x4da: {  	s7 =	sor.u32 $0x380, s19;
	s19 =	sor.u32 $0x380, s17;
	s17 =	simm.s32 $0x4;
	v15 =	vld [tilespmem:s8+$0x1180];
	v20 =	vmul.f32 v19, v8;
	[tilespmem:s23+$0x11180] =	vst v18  }
0x4db: {  	s3 =	sor.u32 $0x300, s4;
	s24 =	sor.u32 $0x380, s4;
	s23 =	simm.s32 $0x300;
	v18 =	vld [tilespmem:s8+$0xD180];
	[tilespmem:s18+$0x11180] =	vst v26;
	v19 =	vadd.f32 v22, v21  }
.LBB2_15:
0x4dc: {  	s4 =	sand.u32 $0x60, s14;
	s29 =	sand.u32 $0x3C00, s23;
	[tilespmem:s18+$0x11300] =	vst v20;
	v13 =	vadd.f32 v14, v13;
	v14 =	vld [tilespmem:s7+$0x1180]  }
0x4dd: {  	s4 =	sor.u32 s4, s29;
	v19 =	vmul.f32 v19, v11;
	v20 =	vld [tilespmem:s7+$0xD180]  }
0x4de: {  	v21 =	vld [tilespmem:s4+$0x1190];
	v13 =	vmul.f32 v13, v9;
	v16 =	vadd.f32 v17, v16  }
0x4df: {  	s22 =	sor.u32 $0x380, s22;
	v17 =	vld [tilespmem:s4+$0xD190];
	[tilespmem:s26+$0x11180] =	vst v19  }
0x4e0: {  	[tilespmem:s18+$0x11380] =	vst v13;
	v13 =	vmul.f32 v16, v10;
	v16 =	vld [tilespmem:s22+$0x1180];
	v15 =	vadd.f32 v18, v15  }
0x4e1: {  	v18 =	vld [tilespmem:s22+$0xD180]  }
0x4e2: {  	v19 =	vld [tilespmem:s4+$0x1210];
	[tilespmem:s18+$0x11400] =	vst v13;
	v13 =	vmul.f32 v15, v11;
	v14 =	vadd.f32 v20, v14;
	s18 =	smov.u32 s4  }
0x4e3: {  	v15 =	vld [tilespmem:s18+$0xD210]  }
0x4e4: {  	v20 =	vld [tilespmem:s18+$0x1290];
	[tilespmem:s8+$0x11180] =	vst v13;
	v13 =	vmul.f32 v14, v12;
	s8 =	smov.u32 s3  }
0x4e5: {  	v14 =	vld [tilespmem:s18+$0xD290]  }
0x4e6: {  	v22 =	vld [tilespmem:s18+$0x1310];
	v16 =	vadd.f32 v18, v16;
	[tilespmem:s7+$0x11180] =	vst v13;
	s7 =	smov.u32 s19;
	s19 =	smov.u32 s24  }
0x4e7: {  	v13 =	vld [tilespmem:s18+$0xD310]  }
0x4e8: {  	v18 =	vld [tilespmem:s18+$0x1390];
	v16 =	vmul.f32 v16, v12  }
0x4e9: {  	v23 =	vld [tilespmem:s18+$0xD390]  }
0x4ea: {  	v24 =	vld [tilespmem:s18+$0x1410];
	[tilespmem:s22+$0x11180] =	vst v16  }
0x4eb: {  	s17 =	sadd.s32 $0x2, s17;
	v16 =	vadd.f32 v17, v21;
	v17 =	vld [tilespmem:s18+$0xD410]  }
0x4ec: {  	p1 =	slt.u32 s17, $0x7E;
	v15 =	vadd.f32 v15, v19;
	v21 =	vld [tilespmem:s18+$0x1180]  }
0x4ed: {  	v14 =	vadd.f32 v14, v20;
	v16 =	vmul.f32 v16, v5;
	v19 =	vld [tilespmem:s18+$0xD180]  }
0x4ee: {  	v15 =	vmul.f32 v15, v6;
	v13 =	vadd.f32 v13, v22;
	v20 =	vld [tilespmem:s18+$0x1200]  }
0x4ef: {  	s20 =	sadd.s32 $0x1, s20;
	v14 =	vmul.f32 v14, v7;
	v22 =	vld [tilespmem:s18+$0xD200];
	[tilespmem:s18+$0x11190] =	vst v16;
	v16 =	vadd.f32 v23, v18  }
0x4f0: {  	s3 =	sand.u32 $0x3, s20;
	v13 =	vmul.f32 v13, v8;
	v18 =	vld [tilespmem:s18+$0x1280];
	[tilespmem:s18+$0x11210] =	vst v15;
	v15 =	vadd.f32 v17, v24  }
0x4f1: {  	s3 =	sshll.u32 s3, $0x5;
	v17 =	vld [tilespmem:s18+$0xD280];
	[tilespmem:s18+$0x11290] =	vst v14;
	v14 =	vmul.f32 v16, v9  }
0x4f2: {  	s4 =	sadd.s32 s3, s23;
	v16 =	vadd.f32 v19, v21;
	v19 =	vld [tilespmem:s18+$0x1300];
	[tilespmem:s18+$0x11310] =	vst v13;
	v15 =	vmul.f32 v15, v10  }
0x4f3: {  	s3 =	sor.u32 $0x300, s4;
	s24 =	sor.u32 $0x380, s4;
	s22 =	sadd.s32 $0x10, s4;
	v21 =	vld [tilespmem:s18+$0xD300];
	[tilespmem:s18+$0x11390] =	vst v14  }
0x4f4: {  	s26 =	sor.u32 $0x300, s22;
	v14 =	vmul.f32 v16, v5;
	v16 =	vadd.f32 v22, v20;
	v13 =	vld [tilespmem:s18+$0x1380];
	[tilespmem:s18+$0x11410] =	vst v15  }
0x4f5: {  	v22 =	vld [tilespmem:s26+$0x1180]  }
0x4f6: {  	[tilespmem:s18+$0x11180] =	vst v14;
	v15 =	vmul.f32 v16, v6;
	v16 =	vadd.f32 v17, v18;
	v18 =	vld [tilespmem:s26+$0xD180]  }
.Ltmp8:
0x4f7: {  	v14 =	vld [tilespmem:s18+$0xD380];
	(pc) =	sbr.rel @p1 .LBB2_15-.Ltmp8, $4  }
0x4f8: {  	[tilespmem:s18+$0x11200] =	vst v15;
	v15 =	vmul.f32 v16, v7;
	v19 =	vadd.f32 v21, v19;
	v16 =	vld [tilespmem:s18+$0x1400]  }
0x4f9: {  	v17 =	vld [tilespmem:s18+$0xD400]  }
0x4fa: {  	[tilespmem:s18+$0x11280] =	vst v15;
	v20 =	vmul.f32 v19, v8;
	v15 =	vld [tilespmem:s8+$0x1180]  }
0x4fb: {  	s14 =	sadd.s32 $0x20, s14;
	s23 =	sadd.s32 $0x100, s23;
	v19 =	vadd.f32 v18, v22;
	v18 =	vld [tilespmem:s8+$0xD180]  }
0x4fc: {  	_ = 	snop  }
0x4fd: {  	v5 =	vadd.f32 v14, v13  }
0x4fe: {  	v6 =	vadd.f32 v17, v16  }
0x4ff: {  	v5 =	vmul.f32 v5, v9  }
0x500: {  	[tilespmem:s18+$0x11300] =	vst v20;
	v6 =	vmul.f32 v6, v10  }
0x501: {  	[tilespmem:s18+$0x11380] =	vst v5  }
0x502: {  	[tilespmem:s18+$0x11400] =	vst v6  }
0x503: {  	v5 =	vld [tilespmem:s3+$0x1180]  }
0x504: {  	v6 =	vld [tilespmem:s3+$0xD180];
	_ =	sdelay $0x2  }
0x505: {  	v7 =	vmul.f32 v19, v11;
	v8 =	vadd.f32 v18, v15  }
0x506: {  	v9 =	vld [tilespmem:s7+$0x1180]  }
0x507: {  	s4 =	sor.u32 $0x380, s22;
	[tilespmem:s26+$0x11180] =	vst v7;
	v10 =	vld [tilespmem:s7+$0xD180];
	v7 =	vmul.f32 v8, v11;
	v5 =	vadd.f32 v6, v5  }
0x508: {  	v8 =	vld [tilespmem:s4+$0xD180]  }
0x509: {  	[tilespmem:s8+$0x11180] =	vst v7;
	v6 =	vld [tilespmem:s4+$0x1180];
	v5 =	vmul.f32 v5, v11  }
0x50a: {  	v7 =	vld [tilespmem:s19+$0x1180]  }
0x50b: {  	v11 =	vld [tilespmem:s19+$0xD180];
	[tilespmem:s3+$0x11180] =	vst v5  }
0x50c: {  	v5 =	vld [tilespmem:s24+$0x1180]  }
0x50d: {  	v9 =	vadd.f32 v10, v9;
	v13 =	vld [tilespmem:s24+$0xD180]  }
0x50e: {  	v6 =	vadd.f32 v8, v6  }
0x50f: {  	v8 =	vmul.f32 v9, v12  }
0x510: {  	v6 =	vmul.f32 v6, v12  }
0x511: {  	v7 =	vadd.f32 v11, v7;
	[tilespmem:s7+$0x11180] =	vst v8  }
0x512: {  	[tilespmem:s4+$0x11180] =	vst v6;
	v5 =	vadd.f32 v13, v5  }
0x513: {  	v7 =	vmul.f32 v7, v12;
	s3 =	rddreg [dreg:$0xc]  }
0x514: {  	s3 =	sadd.s32 s3, s25;
	v5 =	vmul.f32 v5, v12  }
0x515: {  	s29 =	rddreg [dreg:$0x4];
	[tilespmem:s19+$0x11180] =	vst v7;
	s3 =	sshll.u32 s3, $0x8  }
0x516: {  	s7 =	simm.s32 $0x11180;
	s3 =	sadd.s32 s29, s3;
	[tilespmem:s24+$0x11180] =	vst v5  }
0x517: {  	[hbm4b:s3+s5] =	stream.linear.scatter [tilespmem:s7], [sflag:$0x5], $0x4000, $0x38;
	[tilespmem:$0x19180] =	vst v63  }
0x518: {  	v5 =	vld.msk @!p0 [tilespmem:s6+$0x200], $0xff;
	_ =	sdelay $0x4  }
0x519: {  	v6 =	vshll.u32 @!p0 v5, $0x4  }
0x51a: {  	v7 =	vlaneseq.u32 @!p0;
	v5 =	vand.u32 @!p0 $0x7, v5;
	v6 =	vand.u32 @!p0 $0xFFFFFF80, v6  }
0x51b: {  	v5 =	vor.u32 @!p0 v5, v6;
	v6 =	vand.u32 @!p0 $0x7, v7;
	v7 =	vshrl.u32 @!p0 v7, $0x3  }
0x51c: {  	v5 =	vperm.xlane @!p0 v5, v6;
	v6 =	vmul.u32 @!p0 $0x8, v7;
	_ =	sdelay $0x1  }
0x51d: {  	v5 =	vadd.s32 @!p0 v6, v5;
	_ =	sdelay $0x3  }
0x51e: {  	vm1 =	vmmov @!p0 $0xffff;
	s4 =	simm.s32 @!p0 $0x1180;
	s3 =	simm.s32 @!p0 $0x0  }
0x51f: {  	[tilespmem:s4], [sflag:$0x1] =	stream.indirect_vreg.gather @!p0 [hbm4b:s1+s3], $0x80, v5, vm1, $0xb8;
	[tilespmem:$0x19180] =	vst v63  }
0x520: {  	s4 =	simm.s32 @!p0 $0x1980  }
0x521: {  	[tilespmem:s4], [sflag:$0x1] =	stream.indirect_vreg.gather @!p0 [hbm4b:s9+s3], $0x80, v5, vm1, $0xb8;
	[tilespmem:$0x19180] =	vst v63  }
0x522: {  	s4 =	simm.s32 @!p0 $0x2180  }
0x523: {  	[tilespmem:s4], [sflag:$0x1] =	stream.indirect_vreg.gather @!p0 [hbm4b:s10+s3], $0x80, v5, vm1, $0xb8;
	[tilespmem:$0x19180] =	vst v63  }
0x524: {  	s4 =	simm.s32 @!p0 $0x2980  }
0x525: {  	[tilespmem:s4], [sflag:$0x1] =	stream.indirect_vreg.gather @!p0 [hbm4b:s11+s3], $0x80, v5, vm1, $0xb8;
	[tilespmem:$0x19180] =	vst v63  }
0x526: {  	s4 =	simm.s32 @!p0 $0x3180  }
0x527: {  	[tilespmem:s4], [sflag:$0x1] =	stream.indirect_vreg.gather @!p0 [hbm4b:s12+s3], $0x80, v5, vm1, $0xb8;
	[tilespmem:$0x19180] =	vst v63  }
0x528: {  	s4 =	simm.s32 @!p0 $0x3980  }
0x529: {  	[tilespmem:s4], [sflag:$0x1] =	stream.indirect_vreg.gather @!p0 [hbm4b:s13+s3], $0x80, v5, vm1, $0xb8;
	[tilespmem:$0x19180] =	vst v63  }
0x52a: {  	s4 =	simm.s32 @!p0 $0x4180  }
0x52b: {  	[tilespmem:s4], [sflag:$0x1] =	stream.indirect_vreg.gather @!p0 [hbm4b:s15+s3], $0x80, v5, vm1, $0xb8;
	[tilespmem:$0x19180] =	vst v63  }
0x52c: {  	s4 =	simm.s32 @!p0 $0x4980  }
0x52d: {  	[tilespmem:s4], [sflag:$0x1] =	stream.indirect_vreg.gather @!p0 [hbm4b:s16+s3], $0x80, v5, vm1, $0xb8;
	[tilespmem:$0x19180] =	vst v63  }
0x52e: {  	_ =	swait.ge [sflag:s28], $0x4000  }
0x52f: {  	[sflag:s28] =	ssyncset.done $0x0  }
0x530: {  	[sflag:s28] =	ssyncadd.s32 $0xFFFFC000  }
0x531: {  	s8 =	simm.s32 $0x0;
	_ =	swait.ge [sflag:s31], $0x4000  }
0x532: {  	s14 =	sand.u32 $0x60, s8;
	s17 =	sand.u32 $0x3C00, s8;
	[sflag:s31] =	ssyncset.done $0x0  }
0x533: {  	s18 =	sor.u32 s14, s17;
	[sflag:s31] =	ssyncadd.s32 $0xFFFFC000  }
0x534: {  	v8 =	vld [tilespmem:s18+$0x5190]  }
0x535: {  	v9 =	vld [tilespmem:s18+$0xD190]  }
0x536: {  	v10 =	vld [tilespmem:s18+$0x5210]  }
0x537: {  	v11 =	vld [tilespmem:s18+$0xD210]  }
0x538: {  	v12 =	vld [tilespmem:s18+$0x5290]  }
0x539: {  	v13 =	vld [tilespmem:s18+$0xD290]  }
0x53a: {  	v5 =	vbroadcast v4, $0x8;
	v14 =	vld [tilespmem:s18+$0x5310]  }
0x53b: {  	v6 =	vbroadcast v4, $0x9;
	v15 =	vld [tilespmem:s18+$0xD310]  }
0x53c: {  	v16 =	vbroadcast v4, $0xB;
	v5 =	vand.u32 $0x1, v5;
	v17 =	vld [tilespmem:s18+$0x5390]  }
0x53d: {  	v18 =	vbroadcast v4, $0xC;
	v6 =	vand.u32 $0x1, v6;
	vm1 =	veq.s32 v5, $0x1;
	v19 =	vld [tilespmem:s18+$0xD390]  }
0x53e: {  	v16 =	vand.u32 $0x1, v16;
	v5 =	vsel vm1, $0x0, v3;
	vm1 =	veq.s32 v6, $0x1;
	v20 =	vld [tilespmem:s18+$0x5410]  }
0x53f: {  	v6 =	vsel vm1, $0x0, v3;
	vm1 =	veq.s32 v16, $0x1;
	v16 =	vand.u32 $0x1, v18;
	v18 =	vld [tilespmem:s18+$0xD410]  }
0x540: {  	v21 =	vld [tilespmem:s18+$0xD180]  }
0x541: {  	s26 =	simm.s32 $0x100;
	s14 =	simm.s32 $0x20;
	v52 =	vld [tilespmem:s18+$0xD380]  }
0x542: {  	s14 =	sand.u32 $0x60, s14;
	s7 =	sand.u32 $0x3C00, s26;
	v23 =	vld [tilespmem:s18+$0x5400]  }
0x543: {  	s7 =	sor.u32 s14, s7;
	v24 =	vld [tilespmem:s18+$0xD400]  }
0x544: {  	v25 =	vld [tilespmem:s7+$0x5190]  }
0x545: {  	v26 =	vld [tilespmem:s7+$0xD190]  }
0x546: {  	v27 =	vld [tilespmem:s7+$0x5210]  }
0x547: {  	v28 =	vld [tilespmem:s7+$0xD210]  }
0x548: {  	v30 =	vld [tilespmem:s7+$0x5290]  }
0x549: {  	v31 =	vld [tilespmem:s7+$0xD290]  }
0x54a: {  	v7 =	vbroadcast v4, $0xA;
	v32 =	vld [tilespmem:s7+$0x5310]  }
0x54b: {  	v53 =	vld [tilespmem:s7+$0xD310]  }
0x54c: {  	v7 =	vand.u32 $0x1, v7;
	v33 =	vld [tilespmem:s7+$0x5390]  }
0x54d: {  	vm2 =	veq.s32 v7, $0x1;
	v34 =	vld [tilespmem:s7+$0xD390]  }
0x54e: {  	v7 =	vsel vm2, $0x0, v3;
	v35 =	vld [tilespmem:s7+$0x5410];
	v9 =	vadd.f32 v9, v8  }
0x54f: {  	v54 =	vld [tilespmem:s7+$0xD410];
	v8 =	vsel vm1, $0x0, v3;
	vm1 =	veq.s32 v16, $0x1;
	v10 =	vadd.f32 v11, v10  }
0x550: {  	v57 =	vld [tilespmem:s7+$0x5180];
	v11 =	vbroadcast v4, $0xD;
	v12 =	vadd.f32 v13, v12;
	v22 =	vmul.f32 v9, v5  }
0x551: {  	v16 =	vld [tilespmem:s18+$0x5180];
	v14 =	vadd.f32 v15, v14;
	v17 =	vadd.f32 v19, v17;
	v10 =	vmul.f32 v10, v6  }
0x552: {  	v13 =	vld [tilespmem:s18+$0x5200];
	v9 =	vsel vm1, $0x0, v3;
	v11 =	vand.u32 $0x1, v11;
	v12 =	vmul.f32 v12, v7;
	[tilespmem:s18+$0x15190] =	vst v22  }
0x553: {  	s3 =	sand.u32 $0x3, s8;
	v15 =	vld [tilespmem:s18+$0xD200];
	vm1 =	veq.s32 v11, $0x1;
	v11 =	vmul.f32 v14, v8;
	v14 =	vadd.f32 v18, v20;
	[tilespmem:s18+$0x15210] =	vst v10  }
0x554: {  	s3 =	sshll.u32 s3, $0x5;
	v19 =	vld [tilespmem:s18+$0x5280];
	v10 =	vsel vm1, $0x0, v3;
	[tilespmem:s18+$0x15290] =	vst v12;
	v12 =	vmul.f32 v17, v9  }
0x555: {  	s19 =	sadd.s32 $0x0, s3;
	v18 =	vld [tilespmem:s18+$0xD280];
	[tilespmem:s18+$0x15310] =	vst v11;
	v11 =	vmul.f32 v14, v10  }
0x556: {  	s3 =	sadd.s32 $0x10, s19;
	v17 =	vld [tilespmem:s18+$0x5300];
	[tilespmem:s18+$0x15390] =	vst v12  }
0x557: {  	s24 =	sor.u32 $0x300, s3;
	v14 =	vld [tilespmem:s18+$0xD300];
	[tilespmem:s18+$0x15410] =	vst v11  }
0x558: {  	v11 =	vld [tilespmem:s24+$0x5180]  }
0x559: {  	v20 =	vld [tilespmem:s24+$0xD180]  }
0x55a: {  	v58 =	vld [tilespmem:s7+$0xD180];
	v16 =	vadd.f32 v21, v16  }
0x55b: {  	v29 =	vbroadcast v4, $0xE;
	v60 =	vld [tilespmem:s7+$0x5200];
	v13 =	vadd.f32 v15, v13  }
0x55c: {  	v12 =	vld [tilespmem:s18+$0x5380];
	v16 =	vmul.f32 v16, v5;
	v18 =	vadd.f32 v18, v19  }
0x55d: {  	v29 =	vand.u32 $0x1, v29;
	v62 =	vld [tilespmem:s7+$0xD200];
	v13 =	vmul.f32 v13, v6;
	v14 =	vadd.f32 v14, v17  }
0x55e: {  	v63 =	vld [tilespmem:s7+$0x5280];
	vm1 =	veq.s32 v29, $0x1;
	[tilespmem:s18+$0x15180] =	vst v16;
	v16 =	vmul.f32 v18, v7;
	v20 =	vadd.f32 v20, v11  }
0x55f: {  	v40 =	vld [tilespmem:s7+$0x5400];
	v27 =	vadd.f32 v28, v27;
	[tilespmem:s18+$0x15200] =	vst v13;
	v13 =	vmul.f32 v14, v8;
	v11 =	vsel vm1, $0x0, v3  }
0x560: {  	v15 =	vld [tilespmem:s7+$0xD280];
	v14 =	vadd.f32 v24, v23;
	[tilespmem:s18+$0x15280] =	vst v16;
	v20 =	vmul.f32 v20, v11  }
0x561: {  	v27 =	vmul.f32 v27, v6;
	v19 =	vld [tilespmem:s7+$0x5300];
	v12 =	vadd.f32 v52, v12;
	[tilespmem:s18+$0x15300] =	vst v13  }
0x562: {  	v16 =	vld [tilespmem:s7+$0x5380];
	v13 =	vmul.f32 v14, v10;
	[tilespmem:s24+$0x15180] =	vst v20;
	v20 =	vadd.f32 v26, v25  }
0x563: {  	v29 =	vadd.f32 v53, v32;
	[tilespmem:s7+$0x15210] =	vst v27;
	v12 =	vmul.f32 v12, v9;
	v14 =	vld [tilespmem:s7+$0xD380]  }
0x564: {  	s26 =	simm.s32 $0x40;
	s29 =	sor.u32 $0x380, s3;
	v30 =	vadd.f32 v31, v30;
	[tilespmem:s18+$0x15400] =	vst v13;
	v13 =	vld [tilespmem:s7+$0xD400];
	s24 =	simm.s32 $0x200;
	v20 =	vmul.f32 v20, v5  }
0x565: {  	s22 =	simm.s32 $0x1;
	v61 =	vmul.f32 v29, v8;
	[tilespmem:s18+$0x15380] =	vst v12;
	s18 =	sand.u32 $0x60, s26;
	v25 =	vadd.f32 v54, v35;
	v55 =	vld [tilespmem:s29+$0x5180];
	s8 =	sand.u32 $0x3C00, s24  }
0x566: {  	s3 =	sand.u32 $0x3, s22;
	v59 =	vadd.f32 v34, v33;
	v56 =	vld [tilespmem:s29+$0xD180];
	s18 =	sor.u32 s18, s8;
	[tilespmem:s7+$0x15190] =	vst v20;
	v20 =	vmul.f32 v30, v7  }
0x567: {  	s3 =	sshll.u32 s3, $0x5;
	[tilespmem:s7+$0x15310] =	vst v61;
	v25 =	vmul.f32 v25, v10;
	v41 =	vld [tilespmem:s18+$0x5190]  }
0x568: {  	s17 =	sadd.s32 $0x100, s3;
	v42 =	vld [tilespmem:s18+$0xD190];
	[tilespmem:s7+$0x15290] =	vst v20;
	v20 =	vmul.f32 v59, v9  }
0x569: {  	s23 =	sadd.s32 $0x10, s17;
	v43 =	vld [tilespmem:s18+$0xD210];
	[tilespmem:s7+$0x15410] =	vst v25  }
0x56a: {  	s20 =	sor.u32 $0x300, s23;
	v44 =	vld [tilespmem:s18+$0x5290];
	[tilespmem:s7+$0x15390] =	vst v20  }
0x56b: {  	v17 =	vld [tilespmem:s20+$0x5180]  }
0x56c: {  	v18 =	vld [tilespmem:s20+$0xD180]  }
0x56d: {  	v45 =	vld [tilespmem:s18+$0xD290]  }
0x56e: {  	v36 =	vld [tilespmem:s18+$0x5310]  }
0x56f: {  	v46 =	vld [tilespmem:s18+$0xD310]  }
0x570: {  	v47 =	vld [tilespmem:s18+$0x5390]  }
0x571: {  	v48 =	vld [tilespmem:s18+$0xD390];
	v12 =	vadd.f32 v18, v17  }
0x572: {  	v49 =	vld [tilespmem:s18+$0x5410]  }
0x573: {  	v51 =	vld [tilespmem:s18+$0xD410];
	v12 =	vmul.f32 v12, v11  }
0x574: {  	v31 =	vadd.f32 v58, v57;
	v52 =	vld [tilespmem:s18+$0x5180]  }
0x575: {  	v4 =	vbroadcast v4, $0xF;
	v29 =	vadd.f32 v62, v60;
	[tilespmem:s20+$0x15180] =	vst v12;
	v12 =	vld [tilespmem:s18+$0x5210]  }
0x576: {  	v31 =	vmul.f32 v31, v5;
	v15 =	vadd.f32 v15, v63;
	v20 =	vld [tilespmem:s7+$0xD300]  }
0x577: {  	v4 =	vand.u32 $0x1, v4;
	v50 =	vmul.f32 v29, v6;
	v14 =	vadd.f32 v14, v16;
	v54 =	vld [tilespmem:s18+$0xD180]  }
0x578: {  	[tilespmem:s7+$0x15180] =	vst v31;
	v15 =	vmul.f32 v15, v7;
	vm1 =	veq.s32 v4, $0x1;
	v57 =	vld [tilespmem:s18+$0xD200];
	v26 =	vadd.f32 v56, v55  }
0x579: {  	[tilespmem:s7+$0x15200] =	vst v50;
	v4 =	vsel vm1, $0x0, v3;
	v58 =	vld [tilespmem:s18+$0x5280];
	v14 =	vmul.f32 v14, v9;
	v23 =	vadd.f32 v42, v41  }
0x57a: {  	[tilespmem:s7+$0x15280] =	vst v15;
	v55 =	vld [tilespmem:s18+$0x5200];
	v26 =	vmul.f32 v26, v4;
	v12 =	vadd.f32 v43, v12  }
0x57b: {  	s3 =	sor.u32 $0x300, s19;
	[tilespmem:s7+$0x15380] =	vst v14;
	v53 =	vadd.f32 v45, v44;
	v23 =	vmul.f32 v23, v5;
	v19 =	vadd.f32 v20, v19;
	v20 =	vld [tilespmem:s18+$0xD280]  }
0x57c: {  	v15 =	vadd.f32 v46, v36;
	[tilespmem:s29+$0x15180] =	vst v26;
	v17 =	vld [tilespmem:s3+$0x5180];
	v12 =	vmul.f32 v12, v6  }
0x57d: {  	s23 =	sor.u32 $0x380, s23;
	v56 =	vadd.f32 v48, v47;
	v26 =	vmul.f32 v53, v7;
	[tilespmem:s18+$0x15190] =	vst v23;
	v18 =	vld [tilespmem:s3+$0xD180];
	s20 =	simm.s32 $0x2  }
0x57e: {  	v15 =	vmul.f32 v15, v8;
	v25 =	vld [tilespmem:s23+$0x5180];
	s29 =	sand.u32 $0x3, s20;
	[tilespmem:s18+$0x15210] =	vst v12;
	v12 =	vadd.f32 v51, v49  }
0x57f: {  	[tilespmem:s18+$0x15290] =	vst v26;
	v23 =	vmul.f32 v56, v9;
	v27 =	vld [tilespmem:s23+$0xD180];
	s4 =	sshll.u32 s29, $0x5  }
0x580: {  	v60 =	vld [tilespmem:s18+$0x5300];
	v13 =	vadd.f32 v13, v40;
	[tilespmem:s18+$0x15310] =	vst v15;
	s4 =	sadd.s32 $0x200, s4;
	v12 =	vmul.f32 v12, v10  }
0x581: {  	v16 =	vld [tilespmem:s18+$0xD300];
	v59 =	vadd.f32 v54, v52;
	[tilespmem:s18+$0x15390] =	vst v23;
	v15 =	vmul.f32 v19, v8;
	s22 =	sadd.s32 $0x10, s4  }
0x582: {  	v14 =	vmul.f32 v13, v10;
	v13 =	vld [tilespmem:s18+$0xD380];
	v19 =	vadd.f32 v57, v55;
	s26 =	sor.u32 $0x300, s22;
	[tilespmem:s18+$0x15410] =	vst v12  }
0x583: {  	v61 =	vmul.f32 v59, v5;
	[tilespmem:s7+$0x15300] =	vst v15;
	v15 =	vadd.f32 v18, v17;
	v62 =	vld [tilespmem:s26+$0x5180]  }
0x584: {  	[tilespmem:s7+$0x15400] =	vst v14;
	v20 =	vadd.f32 v20, v58;
	v17 =	vmul.f32 v19, v6;
	v19 =	vadd.f32 v27, v25;
	v18 =	vld [tilespmem:s26+$0xD180]  }
0x585: {  	[tilespmem:s18+$0x15180] =	vst v61;
	v63 =	vmul.f32 v15, v11;
	v12 =	vld [tilespmem:s18+$0x5380]  }
0x586: {  	[tilespmem:s18+$0x15200] =	vst v17;
	v15 =	vld [tilespmem:s18+$0x5400];
	v17 =	vmul.f32 v20, v7;
	v14 =	vmul.f32 v19, v4;
	v19 =	vadd.f32 v16, v60  }
0x587: {  	s14 =	simm.s32 $0x60;
	s8 =	sor.u32 $0x300, s17;
	[tilespmem:s3+$0x15180] =	vst v63;
	v16 =	vld [tilespmem:s18+$0xD400]  }
0x588: {  	s7 =	sor.u32 $0x380, s19;
	s19 =	sor.u32 $0x380, s17;
	s17 =	simm.s32 $0x4;
	[tilespmem:s18+$0x15280] =	vst v17;
	v17 =	vld [tilespmem:s8+$0xD180];
	v19 =	vmul.f32 v19, v8  }
0x589: {  	s24 =	sor.u32 $0x380, s4;
	s3 =	sor.u32 $0x300, s4;
	[tilespmem:s23+$0x15180] =	vst v14;
	v14 =	vld [tilespmem:s8+$0x5180];
	s23 =	simm.s32 $0x300;
	v18 =	vadd.f32 v18, v62  }
.LBB2_17:
0x58a: {  	s4 =	sand.u32 $0x60, s14;
	s29 =	sand.u32 $0x3C00, s23;
	[tilespmem:s18+$0x15300] =	vst v19;
	v12 =	vadd.f32 v13, v12;
	v13 =	vld [tilespmem:s7+$0x5180]  }
0x58b: {  	s4 =	sor.u32 s4, s29;
	v18 =	vmul.f32 v18, v11;
	v19 =	vld [tilespmem:s7+$0xD180]  }
0x58c: {  	v20 =	vld [tilespmem:s4+$0x5190];
	v12 =	vmul.f32 v12, v9;
	v15 =	vadd.f32 v16, v15  }
0x58d: {  	s22 =	sor.u32 $0x380, s22;
	v16 =	vld [tilespmem:s4+$0xD190];
	[tilespmem:s26+$0x15180] =	vst v18  }
0x58e: {  	[tilespmem:s18+$0x15380] =	vst v12;
	v12 =	vmul.f32 v15, v10;
	v15 =	vld [tilespmem:s22+$0x5180];
	v14 =	vadd.f32 v17, v14  }
0x58f: {  	v17 =	vld [tilespmem:s22+$0xD180]  }
0x590: {  	v18 =	vld [tilespmem:s4+$0x5210];
	[tilespmem:s18+$0x15400] =	vst v12;
	v12 =	vmul.f32 v14, v11;
	v13 =	vadd.f32 v19, v13;
	s18 =	smov.u32 s4  }
0x591: {  	v14 =	vld [tilespmem:s18+$0xD210]  }
0x592: {  	v19 =	vld [tilespmem:s18+$0x5290];
	[tilespmem:s8+$0x15180] =	vst v12;
	v12 =	vmul.f32 v13, v4;
	s8 =	smov.u32 s3  }
0x593: {  	v13 =	vld [tilespmem:s18+$0xD290]  }
0x594: {  	v21 =	vld [tilespmem:s18+$0x5310];
	v15 =	vadd.f32 v17, v15;
	[tilespmem:s7+$0x15180] =	vst v12;
	s7 =	smov.u32 s19;
	s19 =	smov.u32 s24  }
0x595: {  	v12 =	vld [tilespmem:s18+$0xD310]  }
0x596: {  	v17 =	vld [tilespmem:s18+$0x5390];
	v15 =	vmul.f32 v15, v4  }
0x597: {  	v22 =	vld [tilespmem:s18+$0xD390]  }
0x598: {  	v23 =	vld [tilespmem:s18+$0x5410];
	[tilespmem:s22+$0x15180] =	vst v15  }
0x599: {  	s17 =	sadd.s32 $0x2, s17;
	v15 =	vadd.f32 v16, v20;
	v16 =	vld [tilespmem:s18+$0xD410]  }
0x59a: {  	p1 =	slt.u32 s17, $0x7E;
	v14 =	vadd.f32 v14, v18;
	v20 =	vld [tilespmem:s18+$0x5180]  }
0x59b: {  	v13 =	vadd.f32 v13, v19;
	v15 =	vmul.f32 v15, v5;
	v18 =	vld [tilespmem:s18+$0xD180]  }
0x59c: {  	v14 =	vmul.f32 v14, v6;
	v12 =	vadd.f32 v12, v21;
	v19 =	vld [tilespmem:s18+$0x5200]  }
0x59d: {  	s20 =	sadd.s32 $0x1, s20;
	v13 =	vmul.f32 v13, v7;
	v21 =	vld [tilespmem:s18+$0xD200];
	[tilespmem:s18+$0x15190] =	vst v15;
	v15 =	vadd.f32 v22, v17  }
0x59e: {  	s3 =	sand.u32 $0x3, s20;
	v12 =	vmul.f32 v12, v8;
	v17 =	vld [tilespmem:s18+$0x5280];
	[tilespmem:s18+$0x15210] =	vst v14;
	v14 =	vadd.f32 v16, v23  }
0x59f: {  	s3 =	sshll.u32 s3, $0x5;
	v16 =	vld [tilespmem:s18+$0xD280];
	[tilespmem:s18+$0x15290] =	vst v13;
	v13 =	vmul.f32 v15, v9  }
0x5a0: {  	s4 =	sadd.s32 s3, s23;
	v15 =	vadd.f32 v18, v20;
	v18 =	vld [tilespmem:s18+$0x5300];
	[tilespmem:s18+$0x15310] =	vst v12;
	v14 =	vmul.f32 v14, v10  }
0x5a1: {  	s3 =	sor.u32 $0x300, s4;
	s24 =	sor.u32 $0x380, s4;
	s22 =	sadd.s32 $0x10, s4;
	v20 =	vld [tilespmem:s18+$0xD300];
	[tilespmem:s18+$0x15390] =	vst v13  }
0x5a2: {  	s26 =	sor.u32 $0x300, s22;
	v13 =	vmul.f32 v15, v5;
	v15 =	vadd.f32 v21, v19;
	v12 =	vld [tilespmem:s18+$0x5380];
	[tilespmem:s18+$0x15410] =	vst v14  }
0x5a3: {  	v21 =	vld [tilespmem:s26+$0x5180]  }
0x5a4: {  	[tilespmem:s18+$0x15180] =	vst v13;
	v14 =	vmul.f32 v15, v6;
	v15 =	vadd.f32 v16, v17;
	v17 =	vld [tilespmem:s26+$0xD180]  }
.Ltmp9:
0x5a5: {  	v13 =	vld [tilespmem:s18+$0xD380];
	(pc) =	sbr.rel @p1 .LBB2_17-.Ltmp9, $4  }
0x5a6: {  	[tilespmem:s18+$0x15200] =	vst v14;
	v14 =	vmul.f32 v15, v7;
	v18 =	vadd.f32 v20, v18;
	v15 =	vld [tilespmem:s18+$0x5400]  }
0x5a7: {  	v16 =	vld [tilespmem:s18+$0xD400]  }
0x5a8: {  	[tilespmem:s18+$0x15280] =	vst v14;
	v19 =	vmul.f32 v18, v8;
	v14 =	vld [tilespmem:s8+$0x5180]  }
0x5a9: {  	s14 =	sadd.s32 $0x20, s14;
	s23 =	sadd.s32 $0x100, s23;
	v18 =	vadd.f32 v17, v21;
	v17 =	vld [tilespmem:s8+$0xD180]  }
0x5aa: {  	_ = 	snop  }
0x5ab: {  	v5 =	vadd.f32 v13, v12  }
0x5ac: {  	v6 =	vadd.f32 v16, v15  }
0x5ad: {  	v5 =	vmul.f32 v5, v9  }
0x5ae: {  	[tilespmem:s18+$0x15300] =	vst v19;
	v6 =	vmul.f32 v6, v10  }
0x5af: {  	[tilespmem:s18+$0x15380] =	vst v5  }
0x5b0: {  	[tilespmem:s18+$0x15400] =	vst v6  }
0x5b1: {  	v5 =	vld [tilespmem:s3+$0x5180]  }
0x5b2: {  	v6 =	vld [tilespmem:s3+$0xD180];
	_ =	sdelay $0x2  }
0x5b3: {  	v7 =	vmul.f32 v18, v11;
	v8 =	vadd.f32 v17, v14  }
0x5b4: {  	v56 =	vld [tilespmem:s7+$0x5180]  }
0x5b5: {  	v57 =	vld [tilespmem:s7+$0xD180];
	s4 =	sor.u32 $0x380, s22;
	[tilespmem:s26+$0x15180] =	vst v7;
	v58 =	vmul.f32 v8, v11;
	v5 =	vadd.f32 v6, v5  }
0x5b6: {  	v59 =	vld [tilespmem:s4+$0x5180]  }
0x5b7: {  	v60 =	vld [tilespmem:s4+$0xD180];
	[tilespmem:s8+$0x15180] =	vst v58;
	v5 =	vmul.f32 v5, v11  }
0x5b8: {  	v7 =	vld [tilespmem:s19+$0x5180]  }
0x5b9: {  	v61 =	vld [tilespmem:s19+$0xD180];
	[tilespmem:s3+$0x15180] =	vst v5  }
0x5ba: {  	v5 =	vld [tilespmem:s24+$0x5180]  }
0x5bb: {  	v9 =	vadd.f32 v57, v56;
	v62 =	vld [tilespmem:s24+$0xD180]  }
0x5bc: {  	v6 =	vadd.f32 v60, v59  }
0x5bd: {  	v63 =	vmul.f32 v9, v4  }
0x5be: {  	v6 =	vmul.f32 v6, v4  }
0x5bf: {  	[tilespmem:s7+$0x15180] =	vst v63;
	v7 =	vadd.f32 v61, v7  }
0x5c0: {  	[tilespmem:s4+$0x15180] =	vst v6;
	v5 =	vadd.f32 v62, v5  }
.Ltmp10:
0x5c1: {  	v7 =	vmul.f32 v7, v4;
	s3 =	rddreg [dreg:$0xd];
	(pc) =	sbr.rel @p0 .LBB2_20-.Ltmp10, $4  }
0x5c2: {  	s3 =	sadd.s32 s3, s25;
	v4 =	vmul.f32 v5, v4  }
0x5c3: {  	s26 =	rddreg [dreg:$0x4];
	[tilespmem:s19+$0x15180] =	vst v7;
	s3 =	sshll.u32 s3, $0x8  }
0x5c4: {  	s29 =	simm.s32 $0x15180;
	s3 =	sadd.s32 s26, s3;
	[tilespmem:s24+$0x15180] =	vst v4  }
0x5c5: {  	[hbm4b:s3+s5] =	stream.linear.scatter [tilespmem:s29], [sflag:$0x6], $0x4000, $0x38;
	[tilespmem:$0x19180] =	vst v63  }
0x5c6: {  	v4 =	vld.msk [tilespmem:s6+$0x280], $0xff;
	_ =	sdelay $0x4  }
0x5c7: {  	v5 =	vshll.u32 v4, $0x4  }
0x5c8: {  	v4 =	vand.u32 $0x7, v4;
	v5 =	vand.u32 $0xFFFFFF80, v5  }
0x5c9: {  	v4 =	vor.u32 v4, v5  }
0x5ca: {  	v4 =	vperm.xlane v4, v0;
	_ =	sdelay $0x1  }
0x5cb: {  	v4 =	vadd.s32 v1, v4;
	_ =	sdelay $0x3  }
0x5cc: {  	s3 =	simm.s32 $0x5180  }
0x5cd: {  	[tilespmem:s3], [sflag:$0x2] =	stream.indirect_vreg.gather [hbm4b:s1+s5], $0x80, v4, vm0, $0xb8;
	[tilespmem:$0x19180] =	vst v63  }
0x5ce: {  	s17 =	simm.s32 $0x5980  }
0x5cf: {  	[tilespmem:s17], [sflag:$0x2] =	stream.indirect_vreg.gather [hbm4b:s9+s5], $0x80, v4, vm0, $0xb8;
	[tilespmem:$0x19180] =	vst v63  }
0x5d0: {  	s18 =	simm.s32 $0x6180  }
0x5d1: {  	[tilespmem:s18], [sflag:$0x2] =	stream.indirect_vreg.gather [hbm4b:s10+s5], $0x80, v4, vm0, $0xb8;
	[tilespmem:$0x19180] =	vst v63  }
0x5d2: {  	s19 =	simm.s32 $0x6980  }
0x5d3: {  	[tilespmem:s19], [sflag:$0x2] =	stream.indirect_vreg.gather [hbm4b:s11+s5], $0x80, v4, vm0, $0xb8;
	[tilespmem:$0x19180] =	vst v63  }
0x5d4: {  	s20 =	simm.s32 $0x7180  }
0x5d5: {  	[tilespmem:s20], [sflag:$0x2] =	stream.indirect_vreg.gather [hbm4b:s12+s5], $0x80, v4, vm0, $0xb8;
	[tilespmem:$0x19180] =	vst v63  }
0x5d6: {  	s22 =	simm.s32 $0x7980  }
0x5d7: {  	[tilespmem:s22], [sflag:$0x2] =	stream.indirect_vreg.gather [hbm4b:s13+s5], $0x80, v4, vm0, $0xb8;
	[tilespmem:$0x19180] =	vst v63  }
0x5d8: {  	s23 =	simm.s32 $0x8180;
	s25 =	rddreg [dreg:$0xf]  }
0x5d9: {  	[tilespmem:s23], [sflag:$0x2] =	stream.indirect_vreg.gather [hbm4b:s15+s5], $0x80, v4, vm0, $0xb8;
	[tilespmem:$0x19180] =	vst v63  }
.Ltmp11:
0x5da: {  	s0 =	sadd.s32 s0, s25;
	(pc) =	sbr.rel .LBB2_2-.Ltmp11, $4  }
0x5db: {  	s24 =	simm.s32 $0x8980;
	s26 =	rddreg [dreg:$0x3];
	s0 =	sshll.u32 s0, $0x8  }
0x5dc: {  	[tilespmem:s24], [sflag:$0x2] =	stream.indirect_vreg.gather [hbm4b:s16+s5], $0x80, v4, vm0, $0xb8;
	[tilespmem:$0x19180] =	vst v63  }
0x5dd: {  	s29 =	simm.s32 $0xD180;
	s2 =	sadd.s32 $0x1, s2;
	s0 =	sadd.s32 s26, s0  }
0x5de: {  	[tilespmem:s29], [sflag:$0x4] =	stream.linear.gather [hbm4b:s0+s5], $0x4000, $0x38;
	[tilespmem:$0x19180] =	vst v63  }
.LBB2_21:
0x5df: {  	_ =	sfence.sel $0x180000  }
0x5e0: {  	[bflag:$0x0] =	sbarrier.arrive $0xFFFF  }
0x5e1: {  	_ =	strace $0x90000047  }
0x5e2: {  	s0 =	stileid.u32;
	[bflag:$0x2] =	sbarrier.arrive $0xFFFF  }
0x5e3: {  	p0 =	sne.s32 s0, $0x0;
	s0 =	rddreg [dreg:$0x5]  }
0x5e4: {  	s0 =	sadd.s32 @!p0 $0x100000, s0  }
0x5e5: {  	[sflag:s0] =	ssyncadd.tile.s32 @!p0 $0x1;
	_ =	shalt  }
.Lfunc_end2:
_tile_overlayer_lowered:
.L_overlay_start_2:
0x5e6: {  	(tag) =	ssettag $0x2  }
0x5e7: {  	s0 =	rddreg [dreg:$0x0];
	s2 =	stileid.u32  }
0x5e8: {  	s1 =	rddreg [dreg:$0x1];
	p0 =	sne.s32 s2, $0x0  }
0x5e9: {  	s3 =	rddreg [dreg:$0x2];
	[bflag:$0x3] =	sbarrier.arrive $0xFFFF;
	s2 =	simm.s32 @!p0 $0x1C08  }
0x5ea: {  	[timem:s3], [sflag:s2] =	dma.local @!p0 [hbm:s0], s1  }
0x5eb: {  	s0 =	simm.s32 @!p0 $0x8  }
0x5ec: {  	_ =	swait.ge @!p0 [sflag:s0], s1  }
0x5ed: {  	s1 =	ssub.s32 @!p0 $0x0, s1;
	[sflag:s0] =	ssyncset.done @!p0 $0x0  }
0x5ee: {  	[sflag:s0] =	ssyncadd.s32 @!p0 s1  }
0x5ef: {  	[bflag:$0x3] =	sbarrier.arrive $0xFFFF  }
0x5f0: {  	_ =	shalt  }

</sc_bundles>
